<compile_context>
chip_gen: v7x
topology: tpu7x:2x2x1
jax: 0.10.2.dev20260603
libtpu: 0.0.44.dev20260713+nightly
codegen_flags: <defaults>
</compile_context>

<pallas_src>
import functools

import jax
import jax.numpy as jnp
from jax import lax
from jax.experimental import pallas as pl
from jax.experimental.pallas import tpu as pltpu
from jax.experimental.pallas import tpu_sc as plsc

N_NODES = 10000
D = 128

NC = 2
NS = 16
NWK = NC * NS

CHUNK = 48
NBUF = 6
PACK = 14
N_PAD = 10112
BS2 = 2000


def _make_sc_scatter(e_pad: int, with_deg: bool):
    npw = e_pad // NWK
    nch = npw // CHUNK
    assert npw % CHUNK == 0 and nch % NBUF == 0
    rpt = N_PAD // NS

    mesh = plsc.VectorSubcoreMesh(
        core_axis_name="c", subcore_axis_name="s", num_cores=NC, num_subcores=NS)

    out_type = [jax.ShapeDtypeStruct((NC, N_PAD, D), jnp.float32)]
    scratch = [
        pltpu.VMEM((npw,), jnp.int32),
        pltpu.VMEM((NBUF, CHUNK), jnp.int32),
        pltpu.VMEM((NBUF, CHUNK), jnp.int32),
        pltpu.VMEM((NBUF, CHUNK, D), jnp.float32),
        pltpu.VMEM_SHARED((N_PAD, D), jnp.float32),
        [pltpu.SemaphoreType.DMA] * NBUF,
        [pltpu.SemaphoreType.DMA] * NBUF,
    ]
    if with_deg:
        out_type.append(jax.ShapeDtypeStruct((NC, N_PAD), jnp.float32))
        scratch += [
            pltpu.VMEM_SHARED((N_PAD,), jnp.float32),
            pltpu.VMEM((CHUNK,), jnp.float32),
        ]

    @functools.partial(
        pl.kernel,
        out_type=out_type,
        mesh=mesh,
        scratch_types=scratch,
        compiler_params=pltpu.CompilerParams(use_tc_tiling_on_sc=False),
    )
    def sc_kernel(tab, pkh, zer, zer1, *refs):
        if with_deg:
            (out, outd, pidx, colb, rowb, rowsv, acc,
             gsem, ssem, accd, ones) = refs
        else:
            out, pidx, colb, rowb, rowsv, acc, gsem, ssem = refs
        core = lax.axis_index("c")
        sub = lax.axis_index("s")
        wid = core * NS + sub
        r0 = sub * rpt

        pltpu.sync_copy(zer.at[pl.ds(r0, rpt)], acc.at[pl.ds(r0, rpt)])
        pltpu.sync_copy(pkh.at[pl.ds(wid * npw, npw)], pidx)
        if with_deg:
            @pl.when(sub == 0)
            def _zero_deg():
                pltpu.sync_copy(zer1, accd)
            for k in range(CHUNK // 16):
                ones[pl.ds(16 * k, 16)] = jnp.ones((16,), jnp.float32)
        plsc.subcore_barrier()

        def unpack(j, b):
            base = j * CHUNK
            for k in range(CHUNK // 16):
                pk = pidx[pl.ds(base + 16 * k, 16)]
                rowb[b, pl.ds(16 * k, 16)] = lax.shift_right_logical(pk, PACK)
                colb[b, pl.ds(16 * k, 16)] = lax.bitwise_and(
                    pk, (1 << PACK) - 1)

        def start_gather(b):
            pltpu.async_copy(tab.at[colb.at[b]], rowsv.at[b], gsem[b])

        def wait_gather(b):
            pltpu.make_async_copy(tab.at[colb.at[b]], rowsv.at[b],
                                  gsem[b]).wait()

        def start_scatter(b):
            pltpu.async_copy(rowsv.at[b], acc.at[rowb.at[b]], ssem[b],
                             add=True)
            if with_deg:
                pltpu.async_copy(ones, accd.at[rowb.at[b]], ssem[b], add=True)

        def wait_scatter(b):
            pltpu.make_async_copy(rowsv.at[b], acc.at[rowb.at[b]],
                                  ssem[b]).wait()
            if with_deg:
                pltpu.make_async_copy(ones, accd.at[rowb.at[b]],
                                      ssem[b]).wait()

        for j in range(NBUF - 1):
            unpack(j, j)
            start_gather(j)

        def body(i, _):
            g = NBUF * i
            for t in range(NBUF):
                j = g + t
                wait_gather(t)
                start_scatter(t)
                bp = (t - 1) % NBUF

                @pl.when(j + NBUF - 1 < nch)
                def _prefetch(j=j, t=t, bp=bp):
                    @pl.when(j > 0)
                    def _drain():
                        wait_scatter(bp)

                    unpack(j + NBUF - 1, bp)
                    start_gather(bp)
            return ()

        lax.fori_loop(0, nch // NBUF, body, ())
        for t in range(NBUF):
            wait_scatter(t)

        plsc.subcore_barrier()
        pltpu.sync_copy(acc.at[pl.ds(r0, rpt)], out.at[core].at[pl.ds(r0, rpt)])
        if with_deg:
            @pl.when(sub == 0)
            def _pub_deg():
                pltpu.sync_copy(accd, outd.at[core])

    return sc_kernel


def _pack_tc(ei2d, e_pad):
    mr = ei2d.shape[1]
    pr = e_pad // 128 - mr

    def body(e_ref, o_ref):
        packed = lax.shift_left(e_ref[0], PACK) | e_ref[1]
        gi = (lax.broadcasted_iota(jnp.int32, (pr, 128), 0) * 128
              + lax.broadcasted_iota(jnp.int32, (pr, 128), 1))
        rowd = N_NODES + lax.rem(gi, N_PAD - N_NODES)
        cold = lax.rem(gi, N_NODES)
        o_ref[...] = jnp.concatenate(
            [packed, lax.shift_left(rowd, PACK) | cold], axis=0)

    return pl.pallas_call(
        body,
        out_shape=jax.ShapeDtypeStruct((mr + pr, 128), jnp.int32),
    )(ei2d)


def _rdeg_tc(cnt2d):
    nr = N_PAD // D

    def body(c_ref, rd_ref):
        rd_ref[...] = 1.0 / jnp.maximum(c_ref[0] + c_ref[1], 1.0)

    return pl.pallas_call(
        body,
        out_shape=jax.ShapeDtypeStruct((nr, D), jnp.float32),
    )(cnt2d)


def _mlp_tc(p, rdcol, wt, b):
    grid = N_NODES // BS2

    def body(p_ref, rd_ref, w_ref, b_ref, o_ref):
        s = (p_ref[0] + p_ref[1]) * rd_ref[...]
        o = jnp.dot(s, w_ref[...], preferred_element_type=jnp.float32)
        o_ref[...] = jnp.maximum(o + b_ref[...], 0.0)

    return pl.pallas_call(
        body,
        grid=(grid,),
        in_specs=[
            pl.BlockSpec((NC, BS2, D), lambda i: (0, i, 0)),
            pl.BlockSpec((BS2, 1), lambda i: (i, 0)),
            pl.BlockSpec((D, D), lambda i: (0, 0)),
            pl.BlockSpec((1, D), lambda i: (0, 0)),
        ],
        out_specs=pl.BlockSpec((BS2, D), lambda i: (i, 0)),
        out_shape=jax.ShapeDtypeStruct((N_NODES, D), jnp.float32),
    )(p, rdcol, wt, b)


@jax.jit
def kernel(x, edge_index, W1, b1, W2, b2):
    n = x.shape[0]
    e = edge_index.shape[1]

    e_pad = -(-e // (NWK * NBUF * CHUNK)) * (NWK * NBUF * CHUNK)
    ei32 = edge_index.astype(jnp.int32)
    packed_p = _pack_tc(ei32.reshape(2, e // 128, 128), e_pad).reshape(e_pad)

    z_d = jnp.zeros((N_PAD, D), dtype=jnp.float32)
    z_1 = jnp.zeros((N_PAD,), dtype=jnp.float32)

    sc1 = _make_sc_scatter(e_pad, with_deg=True)
    sc2 = _make_sc_scatter(e_pad, with_deg=False)

    p1, cnt = sc1(x, packed_p, z_d, z_1)
    rd2 = _rdeg_tc(cnt.reshape(NC, N_PAD // D, D))
    rdcol = rd2.reshape(N_PAD, 1)
    h = _mlp_tc(p1, rdcol, W1.T, b1.reshape(1, D))

    (p2,) = sc2(h, packed_p, z_d, z_1)
    out = _mlp_tc(p2, rdcol, W2.T, b2.reshape(1, D))

    return out[:n]

# --- scband reference (transcript-rebuilt; emitter-appended) ---
"""Pipeline reference for scband-secondary-structure-encoder-24601572671727 (READ-ONLY COPY).

The authoritative reference and input builder live on the scoring server;
editing this copy changes nothing except your own understanding.
"""

import jax, jax.numpy as jnp
import numpy as np

N_NODES = 10000
N_EDGES = 320000
D = 128

def setup_inputs(seed: int = 0) -> dict:
    key = jax.random.key(seed)
    k1, k2, k3, k4, k5, k6 = jax.random.split(key, 6)
    x = jax.random.normal(k1, (N_NODES, D), dtype=jnp.float32)
    edge_index = jax.random.randint(k2, (2, N_EDGES), 0, N_NODES, dtype=jnp.int64)
    bound1 = 1.0 / np.sqrt(D)
    W1 = jax.random.uniform(k3, (D, D), minval=-bound1, maxval=bound1, dtype=jnp.float32)
    b1 = jax.random.uniform(k4, (D,), minval=-bound1, maxval=bound1, dtype=jnp.float32)
    bound2 = 1.0 / np.sqrt(D)
    W2 = jax.random.uniform(k5, (D, D), minval=-bound2, maxval=bound2, dtype=jnp.float32)
    b2 = jax.random.uniform(k6, (D,), minval=-bound2, maxval=bound2, dtype=jnp.float32)
    return {"x": x, "edge_index": edge_index, "W1": W1, "b1": b1, "W2": W2, "b2": b2}

def reference(x, edge_index, W1, b1, W2, b2):
    row = edge_index[0]
    col = edge_index[1]
    n = x.shape[0]
    deg = jnp.clip(jnp.bincount(row, length=n), 1, None).astype(x.dtype)[:, None]
    agg = jnp.zeros_like(x).at[row].add(x[col])
    h = jax.nn.relu((agg / deg) @ W1.T + b1)
    agg2 = jnp.zeros_like(h).at[row].add(h[col])
    out = jax.nn.relu((agg2 / deg) @ W2.T + b2)
    return out

if __name__ == "__main__":
    import jax
    _d = setup_inputs()
    print(jax.jit(kernel)(*tuple(_d.values())))

</pallas_src>

<mosaic_0001>
#map = affine_map<(d0, d1) -> (0, 0)>
#map1 = affine_map<(d0, d1) -> (0)>
#map2 = affine_map<(d0, d1) -> (0, 0, 0)>
module attributes {stable_mosaic.version = 14 : i64} {
  func.func @sc_kernel(%arg0: i32, %arg1: i32, %arg2: memref<10000x128xf32, #tpu.memory_space<hbm>>, %arg3: memref<322560xi32, #tpu.memory_space<hbm>>, %arg4: memref<10112x128xf32, #tpu.memory_space<hbm>>, %arg5: memref<10112xf32, #tpu.memory_space<hbm>>, %arg6: memref<2x10112x128xf32, #tpu.memory_space<hbm>>, %arg7: memref<10080xi32, #tpu.memory_space<vmem>>, %arg8: memref<6x48xi32, #tpu.memory_space<vmem>>, %arg9: memref<6x48xi32, #tpu.memory_space<vmem>>, %arg10: memref<6x48x128xf32, #tpu.memory_space<vmem>>, %arg11: memref<10112x128xf32, #tpu.memory_space<vmem_shared>>, %arg12: memref<!tpu.dma_semaphore, #tpu.memory_space<semaphore_mem>>, %arg13: memref<!tpu.dma_semaphore, #tpu.memory_space<semaphore_mem>>, %arg14: memref<!tpu.dma_semaphore, #tpu.memory_space<semaphore_mem>>, %arg15: memref<!tpu.dma_semaphore, #tpu.memory_space<semaphore_mem>>, %arg16: memref<!tpu.dma_semaphore, #tpu.memory_space<semaphore_mem>>, %arg17: memref<!tpu.dma_semaphore, #tpu.memory_space<semaphore_mem>>, %arg18: memref<!tpu.dma_semaphore, #tpu.memory_space<semaphore_mem>>, %arg19: memref<!tpu.dma_semaphore, #tpu.memory_space<semaphore_mem>>, %arg20: memref<!tpu.dma_semaphore, #tpu.memory_space<semaphore_mem>>, %arg21: memref<!tpu.dma_semaphore, #tpu.memory_space<semaphore_mem>>, %arg22: memref<!tpu.dma_semaphore, #tpu.memory_space<semaphore_mem>>, %arg23: memref<!tpu.dma_semaphore, #tpu.memory_space<semaphore_mem>>) attributes {dimension_semantics = [#tpu.dimension_semantics<core_parallel>, #tpu.dimension_semantics<subcore_parallel>], iteration_bounds = array<i64: 2, 16>, scalar_prefetch = 0 : i64, scratch_operands = 17 : i64, tpu.core_type = #tpu.core_type<sc_vector_subcore>, window_params = [{transform_indices = #map}, {transform_indices = #map1}, {transform_indices = #map}, {transform_indices = #map1}, {transform_indices = #map2}]} {
    %mul3A = arith.constant 16 : i32
    %mul3A_0 = arith.muli %arg0, %mul3A : i32
    %add3A = arith.addi %mul3A_0, %arg1 : i32
    %mul3A_1 = arith.constant 632 : i32
    %mul3A_2 = arith.muli %arg1, %mul3A_1 : i32
    "tpu.region"() ({
      %run_scoped3A = tpu.sem_alloc : memref<!tpu.dma_semaphore, #tpu.memory_space<semaphore_mem>>
      %dma_start3A_451 = arith.constant 0 : i32
      %dma_start3A_452 = tpu.memref_slice %arg11[%mul3A_2, %dma_start3A_451] : memref<10112x128xf32, #tpu.memory_space<vmem_shared>> -> memref<632x128xf32, #tpu.memory_space<vmem_shared>>
      %dma_start3A_453 = arith.constant 0 : i32
      %dma_start3A_454 = tpu.memref_slice %arg4[%mul3A_2, %dma_start3A_453] : memref<10112x128xf32, #tpu.memory_space<hbm>> -> memref<632x128xf32, #tpu.memory_space<hbm>>
      tpu.enqueue_dma source(%dma_start3A_454 : memref<632x128xf32, #tpu.memory_space<hbm>>) target(%dma_start3A_452 : memref<632x128xf32, #tpu.memory_space<vmem_shared>>) target_semaphore(%run_scoped3A : memref<!tpu.dma_semaphore, #tpu.memory_space<semaphore_mem>>)
      %dma_wait3A_455 = arith.constant 0 : i32
      %dma_wait3A_456 = tpu.memref_slice %arg11[%mul3A_2, %dma_wait3A_455] : memref<10112x128xf32, #tpu.memory_space<vmem_shared>> -> memref<632x128xf32, #tpu.memory_space<vmem_shared>>
      %dma_wait3A_457 = arith.constant 0 : i32
      %dma_wait3A_458 = tpu.memref_slice %arg4[%mul3A_2, %dma_wait3A_457] : memref<10112x128xf32, #tpu.memory_space<hbm>> -> memref<632x128xf32, #tpu.memory_space<hbm>>
      tpu.wait_dma2 semaphore(%run_scoped3A : memref<!tpu.dma_semaphore, #tpu.memory_space<semaphore_mem>>) src(%dma_wait3A_458 : memref<632x128xf32, #tpu.memory_space<hbm>>) dst(%dma_wait3A_456 : memref<632x128xf32, #tpu.memory_space<vmem_shared>>)
      tpu.yield
    }) : () -> ()
    %mul3A_3 = arith.constant 10080 : i32
    %mul3A_4 = arith.muli %add3A, %mul3A_3 : i32
    "tpu.region"() ({
      %run_scoped3A = tpu.sem_alloc : memref<!tpu.dma_semaphore, #tpu.memory_space<semaphore_mem>>
      %dma_start3A_451 = tpu.memref_slice %arg3[%mul3A_4] : memref<322560xi32, #tpu.memory_space<hbm>> -> memref<10080xi32, #tpu.memory_space<hbm>>
      %dma_start3A_452 = tpu.memref_slice %arg3[%mul3A_4] : memref<322560xi32, #tpu.memory_space<hbm>> -> memref<10080xi32, #tpu.memory_space<hbm>>
      tpu.enqueue_dma source(%dma_start3A_452 : memref<10080xi32, #tpu.memory_space<hbm>>) target(%arg7 : memref<10080xi32, #tpu.memory_space<vmem>>) target_semaphore(%run_scoped3A : memref<!tpu.dma_semaphore, #tpu.memory_space<semaphore_mem>>)
      %dma_wait3A_453 = tpu.memref_slice %arg3[%mul3A_4] : memref<322560xi32, #tpu.memory_space<hbm>> -> memref<10080xi32, #tpu.memory_space<hbm>>
      %dma_wait3A_454 = tpu.memref_slice %arg3[%mul3A_4] : memref<322560xi32, #tpu.memory_space<hbm>> -> memref<10080xi32, #tpu.memory_space<hbm>>
      tpu.wait_dma2 semaphore(%run_scoped3A : memref<!tpu.dma_semaphore, #tpu.memory_space<semaphore_mem>>) src(%dma_wait3A_454 : memref<10080xi32, #tpu.memory_space<hbm>>) dst(%arg7 : memref<10080xi32, #tpu.memory_space<vmem>>)
      tpu.yield
    }) : () -> ()
    %barrier3A = arith.constant 0 : index
    tpu.barrier barrier_id(%barrier3A)
    %get3A = arith.constant 0 : index
    %get3A_5 = tpu.vector_load %arg7[%get3A] {strides = array<i32>} : memref<10080xi32, #tpu.memory_space<vmem>>, vector<16xi32>,
    %get3A_6 = vector.shape_cast %get3A_5 : vector<16xi32> to vector<16xi32>
    %shift_right_logical3A = arith.constant 14 : i32
    %shift_right_logical3A_7 = vector.broadcast %shift_right_logical3A : i32 to vector<16xi32>
    %shift_right_logical3A_8 = arith.shrui %get3A_6, %shift_right_logical3A_7 : vector<16xi32>
    %swap3A = arith.constant 0 : i32
    %swap3A_9 = arith.index_cast %swap3A : i32 to index
    %swap3A_10 = arith.constant 0 : index
    %swap3A_11 = tpu.vector_load %arg9[%swap3A_9, %swap3A_10] {strides = array<i32>} : memref<6x48xi32, #tpu.memory_space<vmem>>, vector<1x16xi32>,
    %swap3A_12 = vector.shape_cast %swap3A_11 : vector<1x16xi32> to vector<16xi32>
    %swap3A_13 = vector.shape_cast %shift_right_logical3A_8 : vector<16xi32> to vector<1x16xi32>
    tpu.vector_store %arg9[%swap3A_9, %swap3A_10], %swap3A_13 {strides = array<i32>} : memref<6x48xi32, #tpu.memory_space<vmem>>, vector<1x16xi32>,
    %and3A = arith.constant 16383 : i32
    %and3A_14 = vector.broadcast %and3A : i32 to vector<16xi32>
    %and3A_15 = arith.andi %get3A_6, %and3A_14 : vector<16xi32>
    %swap3A_16 = arith.constant 0 : i32
    %swap3A_17 = arith.index_cast %swap3A_16 : i32 to index
    %swap3A_18 = arith.constant 0 : index
    %swap3A_19 = tpu.vector_load %arg8[%swap3A_17, %swap3A_18] {strides = array<i32>} : memref<6x48xi32, #tpu.memory_space<vmem>>, vector<1x16xi32>,
    %swap3A_20 = vector.shape_cast %swap3A_19 : vector<1x16xi32> to vector<16xi32>
    %swap3A_21 = vector.shape_cast %and3A_15 : vector<16xi32> to vector<1x16xi32>
    tpu.vector_store %arg8[%swap3A_17, %swap3A_18], %swap3A_21 {strides = array<i32>} : memref<6x48xi32, #tpu.memory_space<vmem>>, vector<1x16xi32>,
    %get3A_22 = arith.constant 16 : index
    %get3A_23 = tpu.vector_load %arg7[%get3A_22] {strides = array<i32>} : memref<10080xi32, #tpu.memory_space<vmem>>, vector<16xi32>,
    %get3A_24 = vector.shape_cast %get3A_23 : vector<16xi32> to vector<16xi32>
    %shift_right_logical3A_25 = arith.constant 14 : i32
    %shift_right_logical3A_26 = vector.broadcast %shift_right_logical3A_25 : i32 to vector<16xi32>
    %shift_right_logical3A_27 = arith.shrui %get3A_24, %shift_right_logical3A_26 : vector<16xi32>
    %swap3A_28 = arith.constant 0 : i32
    %swap3A_29 = arith.index_cast %swap3A_28 : i32 to index
    %swap3A_30 = arith.constant 16 : index
    %swap3A_31 = tpu.vector_load %arg9[%swap3A_29, %swap3A_30] {strides = array<i32>} : memref<6x48xi32, #tpu.memory_space<vmem>>, vector<1x16xi32>,
    %swap3A_32 = vector.shape_cast %swap3A_31 : vector<1x16xi32> to vector<16xi32>
    %swap3A_33 = vector.shape_cast %shift_right_logical3A_27 : vector<16xi32> to vector<1x16xi32>
    tpu.vector_store %arg9[%swap3A_29, %swap3A_30], %swap3A_33 {strides = array<i32>} : memref<6x48xi32, #tpu.memory_space<vmem>>, vector<1x16xi32>,
    %and3A_34 = arith.constant 16383 : i32
    %and3A_35 = vector.broadcast %and3A_34 : i32 to vector<16xi32>
    %and3A_36 = arith.andi %get3A_24, %and3A_35 : vector<16xi32>
    %swap3A_37 = arith.constant 0 : i32
    %swap3A_38 = arith.index_cast %swap3A_37 : i32 to index
    %swap3A_39 = arith.constant 16 : index
    %swap3A_40 = tpu.vector_load %arg8[%swap3A_38, %swap3A_39] {strides = array<i32>} : memref<6x48xi32, #tpu.memory_space<vmem>>, vector<1x16xi32>,
    %swap3A_41 = vector.shape_cast %swap3A_40 : vector<1x16xi32> to vector<16xi32>
    %swap3A_42 = vector.shape_cast %and3A_36 : vector<16xi32> to vector<1x16xi32>
    tpu.vector_store %arg8[%swap3A_38, %swap3A_39], %swap3A_42 {strides = array<i32>} : memref<6x48xi32, #tpu.memory_space<vmem>>, vector<1x16xi32>,
    %get3A_43 = arith.constant 32 : index
    %get3A_44 = tpu.vector_load %arg7[%get3A_43] {strides = array<i32>} : memref<10080xi32, #tpu.memory_space<vmem>>, vector<16xi32>,
    %get3A_45 = vector.shape_cast %get3A_44 : vector<16xi32> to vector<16xi32>
    %shift_right_logical3A_46 = arith.constant 14 : i32
    %shift_right_logical3A_47 = vector.broadcast %shift_right_logical3A_46 : i32 to vector<16xi32>
    %shift_right_logical3A_48 = arith.shrui %get3A_45, %shift_right_logical3A_47 : vector<16xi32>
    %swap3A_49 = arith.constant 0 : i32
    %swap3A_50 = arith.index_cast %swap3A_49 : i32 to index
    %swap3A_51 = arith.constant 32 : index
    %swap3A_52 = tpu.vector_load %arg9[%swap3A_50, %swap3A_51] {strides = array<i32>} : memref<6x48xi32, #tpu.memory_space<vmem>>, vector<1x16xi32>,
    %swap3A_53 = vector.shape_cast %swap3A_52 : vector<1x16xi32> to vector<16xi32>
    %swap3A_54 = vector.shape_cast %shift_right_logical3A_48 : vector<16xi32> to vector<1x16xi32>
    tpu.vector_store %arg9[%swap3A_50, %swap3A_51], %swap3A_54 {strides = array<i32>} : memref<6x48xi32, #tpu.memory_space<vmem>>, vector<1x16xi32>,
    %and3A_55 = arith.constant 16383 : i32
    %and3A_56 = vector.broadcast %and3A_55 : i32 to vector<16xi32>
    %and3A_57 = arith.andi %get3A_45, %and3A_56 : vector<16xi32>
    %swap3A_58 = arith.constant 0 : i32
    %swap3A_59 = arith.index_cast %swap3A_58 : i32 to index
    %swap3A_60 = arith.constant 32 : index
    %swap3A_61 = tpu.vector_load %arg8[%swap3A_59, %swap3A_60] {strides = array<i32>} : memref<6x48xi32, #tpu.memory_space<vmem>>, vector<1x16xi32>,
    %swap3A_62 = vector.shape_cast %swap3A_61 : vector<1x16xi32> to vector<16xi32>
    %swap3A_63 = vector.shape_cast %and3A_57 : vector<16xi32> to vector<1x16xi32>
    tpu.vector_store %arg8[%swap3A_59, %swap3A_60], %swap3A_63 {strides = array<i32>} : memref<6x48xi32, #tpu.memory_space<vmem>>, vector<1x16xi32>,
    %dma_start3A = arith.constant 0 : i32
    %dma_start3A_64 = arith.constant 0 : i32
    %dma_start3A_65 = arith.constant 0 : i32
    %dma_start3A_66 = arith.constant 0 : i32
    %dma_start3A_67 = tpu.memref_slice %arg10[%dma_start3A_64, %dma_start3A_65, %dma_start3A_66] : memref<6x48x128xf32, #tpu.memory_space<vmem>> -> memref<1x48x128xf32, #tpu.memory_space<vmem>>
    %dma_start3A_68 = tpu.memref_squeeze %dma_start3A_67 : memref<1x48x128xf32, #tpu.memory_space<vmem>> -> memref<48x128xf32, #tpu.memory_space<vmem>>
    %dma_start3A_69 = arith.constant 0 : i32
    %dma_start3A_70 = tpu.memref_slice %arg8[%dma_start3A, %dma_start3A_69] : memref<6x48xi32, #tpu.memory_space<vmem>> -> memref<1x48xi32, #tpu.memory_space<vmem>>
    %dma_start3A_71 = tpu.memref_squeeze %dma_start3A_70 : memref<1x48xi32, #tpu.memory_space<vmem>> -> memref<48xi32, #tpu.memory_space<vmem>>
    %dma_start3A_72 = arith.constant 0 : i32
    %dma_start3A_73 = arith.constant 0 : i32
    %dma_start3A_74 = tpu.memref_slice %arg2[%dma_start3A_72, %dma_start3A_73] : memref<10000x128xf32, #tpu.memory_space<hbm>> -> memref<10000x128xf32, #tpu.memory_space<hbm>>
    tpu.enqueue_indirect_dma source(%dma_start3A_74 : memref<10000x128xf32, #tpu.memory_space<hbm>>) target(%dma_start3A_68 : memref<48x128xf32, #tpu.memory_space<vmem>>) offsets(%dma_start3A_71 : memref<48xi32, #tpu.memory_space<vmem>>) semaphore(%arg12 : memref<!tpu.dma_semaphore, #tpu.memory_space<semaphore_mem>>)
    %get3A_75 = arith.constant 48 : index
    %get3A_76 = tpu.vector_load %arg7[%get3A_75] {strides = array<i32>} : memref<10080xi32, #tpu.memory_space<vmem>>, vector<16xi32>,
    %get3A_77 = vector.shape_cast %get3A_76 : vector<16xi32> to vector<16xi32>
    %shift_right_logical3A_78 = arith.constant 14 : i32
    %shift_right_logical3A_79 = vector.broadcast %shift_right_logical3A_78 : i32 to vector<16xi32>
    %shift_right_logical3A_80 = arith.shrui %get3A_77, %shift_right_logical3A_79 : vector<16xi32>
    %swap3A_81 = arith.constant 1 : i32
    %swap3A_82 = arith.index_cast %swap3A_81 : i32 to index
    %swap3A_83 = arith.constant 0 : index
    %swap3A_84 = tpu.vector_load %arg9[%swap3A_82, %swap3A_83] {strides = array<i32>} : memref<6x48xi32, #tpu.memory_space<vmem>>, vector<1x16xi32>,
    %swap3A_85 = vector.shape_cast %swap3A_84 : vector<1x16xi32> to vector<16xi32>
    %swap3A_86 = vector.shape_cast %shift_right_logical3A_80 : vector<16xi32> to vector<1x16xi32>
    tpu.vector_store %arg9[%swap3A_82, %swap3A_83], %swap3A_86 {strides = array<i32>} : memref<6x48xi32, #tpu.memory_space<vmem>>, vector<1x16xi32>,
    %and3A_87 = arith.constant 16383 : i32
    %and3A_88 = vector.broadcast %and3A_87 : i32 to vector<16xi32>
    %and3A_89 = arith.andi %get3A_77, %and3A_88 : vector<16xi32>
    %swap3A_90 = arith.constant 1 : i32
    %swap3A_91 = arith.index_cast %swap3A_90 : i32 to index
    %swap3A_92 = arith.constant 0 : index
    %swap3A_93 = tpu.vector_load %arg8[%swap3A_91, %swap3A_92] {strides = array<i32>} : memref<6x48xi32, #tpu.memory_space<vmem>>, vector<1x16xi32>,
    %swap3A_94 = vector.shape_cast %swap3A_93 : vector<1x16xi32> to vector<16xi32>
    %swap3A_95 = vector.shape_cast %and3A_89 : vector<16xi32> to vector<1x16xi32>
    tpu.vector_store %arg8[%swap3A_91, %swap3A_92], %swap3A_95 {strides = array<i32>} : memref<6x48xi32, #tpu.memory_space<vmem>>, vector<1x16xi32>,
    %get3A_96 = arith.constant 64 : index
    %get3A_97 = tpu.vector_load %arg7[%get3A_96] {strides = array<i32>} : memref<10080xi32, #tpu.memory_space<vmem>>, vector<16xi32>,
    %get3A_98 = vector.shape_cast %get3A_97 : vector<16xi32> to vector<16xi32>
    %shift_right_logical3A_99 = arith.constant 14 : i32
    %shift_right_logical3A_100 = vector.broadcast %shift_right_logical3A_99 : i32 to vector<16xi32>
    %shift_right_logical3A_101 = arith.shrui %get3A_98, %shift_right_logical3A_100 : vector<16xi32>
    %swap3A_102 = arith.constant 1 : i32
    %swap3A_103 = arith.index_cast %swap3A_102 : i32 to index
    %swap3A_104 = arith.constant 16 : index
    %swap3A_105 = tpu.vector_load %arg9[%swap3A_103, %swap3A_104] {strides = array<i32>} : memref<6x48xi32, #tpu.memory_space<vmem>>, vector<1x16xi32>,
    %swap3A_106 = vector.shape_cast %swap3A_105 : vector<1x16xi32> to vector<16xi32>
    %swap3A_107 = vector.shape_cast %shift_right_logical3A_101 : vector<16xi32> to vector<1x16xi32>
    tpu.vector_store %arg9[%swap3A_103, %swap3A_104], %swap3A_107 {strides = array<i32>} : memref<6x48xi32, #tpu.memory_space<vmem>>, vector<1x16xi32>,
    %and3A_108 = arith.constant 16383 : i32
    %and3A_109 = vector.broadcast %and3A_108 : i32 to vector<16xi32>
    %and3A_110 = arith.andi %get3A_98, %and3A_109 : vector<16xi32>
    %swap3A_111 = arith.constant 1 : i32
    %swap3A_112 = arith.index_cast %swap3A_111 : i32 to index
    %swap3A_113 = arith.constant 16 : index
    %swap3A_114 = tpu.vector_load %arg8[%swap3A_112, %swap3A_113] {strides = array<i32>} : memref<6x48xi32, #tpu.memory_space<vmem>>, vector<1x16xi32>,
    %swap3A_115 = vector.shape_cast %swap3A_114 : vector<1x16xi32> to vector<16xi32>
    %swap3A_116 = vector.shape_cast %and3A_110 : vector<16xi32> to vector<1x16xi32>
    tpu.vector_store %arg8[%swap3A_112, %swap3A_113], %swap3A_116 {strides = array<i32>} : memref<6x48xi32, #tpu.memory_space<vmem>>, vector<1x16xi32>,
    %get3A_117 = arith.constant 80 : index
    %get3A_118 = tpu.vector_load %arg7[%get3A_117] {strides = array<i32>} : memref<10080xi32, #tpu.memory_space<vmem>>, vector<16xi32>,
    %get3A_119 = vector.shape_cast %get3A_118 : vector<16xi32> to vector<16xi32>
    %shift_right_logical3A_120 = arith.constant 14 : i32
    %shift_right_logical3A_121 = vector.broadcast %shift_right_logical3A_120 : i32 to vector<16xi32>
    %shift_right_logical3A_122 = arith.shrui %get3A_119, %shift_right_logical3A_121 : vector<16xi32>
    %swap3A_123 = arith.constant 1 : i32
    %swap3A_124 = arith.index_cast %swap3A_123 : i32 to index
    %swap3A_125 = arith.constant 32 : index
    %swap3A_126 = tpu.vector_load %arg9[%swap3A_124, %swap3A_125] {strides = array<i32>} : memref<6x48xi32, #tpu.memory_space<vmem>>, vector<1x16xi32>,
    %swap3A_127 = vector.shape_cast %swap3A_126 : vector<1x16xi32> to vector<16xi32>
    %swap3A_128 = vector.shape_cast %shift_right_logical3A_122 : vector<16xi32> to vector<1x16xi32>
    tpu.vector_store %arg9[%swap3A_124, %swap3A_125], %swap3A_128 {strides = array<i32>} : memref<6x48xi32, #tpu.memory_space<vmem>>, vector<1x16xi32>,
    %and3A_129 = arith.constant 16383 : i32
    %and3A_130 = vector.broadcast %and3A_129 : i32 to vector<16xi32>
    %and3A_131 = arith.andi %get3A_119, %and3A_130 : vector<16xi32>
    %swap3A_132 = arith.constant 1 : i32
    %swap3A_133 = arith.index_cast %swap3A_132 : i32 to index
    %swap3A_134 = arith.constant 32 : index
    %swap3A_135 = tpu.vector_load %arg8[%swap3A_133, %swap3A_134] {strides = array<i32>} : memref<6x48xi32, #tpu.memory_space<vmem>>, vector<1x16xi32>,
    %swap3A_136 = vector.shape_cast %swap3A_135 : vector<1x16xi32> to vector<16xi32>
    %swap3A_137 = vector.shape_cast %and3A_131 : vector<16xi32> to vector<1x16xi32>
    tpu.vector_store %arg8[%swap3A_133, %swap3A_134], %swap3A_137 {strides = array<i32>} : memref<6x48xi32, #tpu.memory_space<vmem>>, vector<1x16xi32>,
    %dma_start3A_138 = arith.constant 1 : i32
    %dma_start3A_139 = arith.constant 1 : i32
    %dma_start3A_140 = arith.constant 0 : i32
    %dma_start3A_141 = arith.constant 0 : i32
    %dma_start3A_142 = tpu.memref_slice %arg10[%dma_start3A_139, %dma_start3A_140, %dma_start3A_141] : memref<6x48x128xf32, #tpu.memory_space<vmem>> -> memref<1x48x128xf32, #tpu.memory_space<vmem>>
    %dma_start3A_143 = tpu.memref_squeeze %dma_start3A_142 : memref<1x48x128xf32, #tpu.memory_space<vmem>> -> memref<48x128xf32, #tpu.memory_space<vmem>>
    %dma_start3A_144 = arith.constant 0 : i32
    %dma_start3A_145 = tpu.memref_slice %arg8[%dma_start3A_138, %dma_start3A_144] : memref<6x48xi32, #tpu.memory_space<vmem>> -> memref<1x48xi32, #tpu.memory_space<vmem>>
    %dma_start3A_146 = tpu.memref_squeeze %dma_start3A_145 : memref<1x48xi32, #tpu.memory_space<vmem>> -> memref<48xi32, #tpu.memory_space<vmem>>
    %dma_start3A_147 = arith.constant 0 : i32
    %dma_start3A_148 = arith.constant 0 : i32
    %dma_start3A_149 = tpu.memref_slice %arg2[%dma_start3A_147, %dma_start3A_148] : memref<10000x128xf32, #tpu.memory_space<hbm>> -> memref<10000x128xf32, #tpu.memory_space<hbm>>
    tpu.enqueue_indirect_dma source(%dma_start3A_149 : memref<10000x128xf32, #tpu.memory_space<hbm>>) target(%dma_start3A_143 : memref<48x128xf32, #tpu.memory_space<vmem>>) offsets(%dma_start3A_146 : memref<48xi32, #tpu.memory_space<vmem>>) semaphore(%arg13 : memref<!tpu.dma_semaphore, #tpu.memory_space<semaphore_mem>>)
    %get3A_150 = arith.constant 96 : index
    %get3A_151 = tpu.vector_load %arg7[%get3A_150] {strides = array<i32>} : memref<10080xi32, #tpu.memory_space<vmem>>, vector<16xi32>,
    %get3A_152 = vector.shape_cast %get3A_151 : vector<16xi32> to vector<16xi32>
    %shift_right_logical3A_153 = arith.constant 14 : i32
    %shift_right_logical3A_154 = vector.broadcast %shift_right_logical3A_153 : i32 to vector<16xi32>
    %shift_right_logical3A_155 = arith.shrui %get3A_152, %shift_right_logical3A_154 : vector<16xi32>
    %swap3A_156 = arith.constant 2 : i32
    %swap3A_157 = arith.index_cast %swap3A_156 : i32 to index
    %swap3A_158 = arith.constant 0 : index
    %swap3A_159 = tpu.vector_load %arg9[%swap3A_157, %swap3A_158] {strides = array<i32>} : memref<6x48xi32, #tpu.memory_space<vmem>>, vector<1x16xi32>,
    %swap3A_160 = vector.shape_cast %swap3A_159 : vector<1x16xi32> to vector<16xi32>
    %swap3A_161 = vector.shape_cast %shift_right_logical3A_155 : vector<16xi32> to vector<1x16xi32>
    tpu.vector_store %arg9[%swap3A_157, %swap3A_158], %swap3A_161 {strides = array<i32>} : memref<6x48xi32, #tpu.memory_space<vmem>>, vector<1x16xi32>,
    %and3A_162 = arith.constant 16383 : i32
    %and3A_163 = vector.broadcast %and3A_162 : i32 to vector<16xi32>
    %and3A_164 = arith.andi %get3A_152, %and3A_163 : vector<16xi32>
    %swap3A_165 = arith.constant 2 : i32
    %swap3A_166 = arith.index_cast %swap3A_165 : i32 to index
    %swap3A_167 = arith.constant 0 : index
    %swap3A_168 = tpu.vector_load %arg8[%swap3A_166, %swap3A_167] {strides = array<i32>} : memref<6x48xi32, #tpu.memory_space<vmem>>, vector<1x16xi32>,
    %swap3A_169 = vector.shape_cast %swap3A_168 : vector<1x16xi32> to vector<16xi32>
    %swap3A_170 = vector.shape_cast %and3A_164 : vector<16xi32> to vector<1x16xi32>
    tpu.vector_store %arg8[%swap3A_166, %swap3A_167], %swap3A_170 {strides = array<i32>} : memref<6x48xi32, #tpu.memory_space<vmem>>, vector<1x16xi32>,
    %get3A_171 = arith.constant 112 : index
    %get3A_172 = tpu.vector_load %arg7[%get3A_171] {strides = array<i32>} : memref<10080xi32, #tpu.memory_space<vmem>>, vector<16xi32>,
    %get3A_173 = vector.shape_cast %get3A_172 : vector<16xi32> to vector<16xi32>
    %shift_right_logical3A_174 = arith.constant 14 : i32
    %shift_right_logical3A_175 = vector.broadcast %shift_right_logical3A_174 : i32 to vector<16xi32>
    %shift_right_logical3A_176 = arith.shrui %get3A_173, %shift_right_logical3A_175 : vector<16xi32>
    %swap3A_177 = arith.constant 2 : i32
    %swap3A_178 = arith.index_cast %swap3A_177 : i32 to index
    %swap3A_179 = arith.constant 16 : index
    %swap3A_180 = tpu.vector_load %arg9[%swap3A_178, %swap3A_179] {strides = array<i32>} : memref<6x48xi32, #tpu.memory_space<vmem>>, vector<1x16xi32>,
    %swap3A_181 = vector.shape_cast %swap3A_180 : vector<1x16xi32> to vector<16xi32>
    %swap3A_182 = vector.shape_cast %shift_right_logical3A_176 : vector<16xi32> to vector<1x16xi32>
    tpu.vector_store %arg9[%swap3A_178, %swap3A_179], %swap3A_182 {strides = array<i32>} : memref<6x48xi32, #tpu.memory_space<vmem>>, vector<1x16xi32>,
    %and3A_183 = arith.constant 16383 : i32
    %and3A_184 = vector.broadcast %and3A_183 : i32 to vector<16xi32>
    %and3A_185 = arith.andi %get3A_173, %and3A_184 : vector<16xi32>
    %swap3A_186 = arith.constant 2 : i32
    %swap3A_187 = arith.index_cast %swap3A_186 : i32 to index
    %swap3A_188 = arith.constant 16 : index
    %swap3A_189 = tpu.vector_load %arg8[%swap3A_187, %swap3A_188] {strides = array<i32>} : memref<6x48xi32, #tpu.memory_space<vmem>>, vector<1x16xi32>,
    %swap3A_190 = vector.shape_cast %swap3A_189 : vector<1x16xi32> to vector<16xi32>
    %swap3A_191 = vector.shape_cast %and3A_185 : vector<16xi32> to vector<1x16xi32>
    tpu.vector_store %arg8[%swap3A_187, %swap3A_188], %swap3A_191 {strides = array<i32>} : memref<6x48xi32, #tpu.memory_space<vmem>>, vector<1x16xi32>,
    %get3A_192 = arith.constant 128 : index
    %get3A_193 = tpu.vector_load %arg7[%get3A_192] {strides = array<i32>} : memref<10080xi32, #tpu.memory_space<vmem>>, vector<16xi32>,
    %get3A_194 = vector.shape_cast %get3A_193 : vector<16xi32> to vector<16xi32>
    %shift_right_logical3A_195 = arith.constant 14 : i32
    %shift_right_logical3A_196 = vector.broadcast %shift_right_logical3A_195 : i32 to vector<16xi32>
    %shift_right_logical3A_197 = arith.shrui %get3A_194, %shift_right_logical3A_196 : vector<16xi32>
    %swap3A_198 = arith.constant 2 : i32
    %swap3A_199 = arith.index_cast %swap3A_198 : i32 to index
    %swap3A_200 = arith.constant 32 : index
    %swap3A_201 = tpu.vector_load %arg9[%swap3A_199, %swap3A_200] {strides = array<i32>} : memref<6x48xi32, #tpu.memory_space<vmem>>, vector<1x16xi32>,
    %swap3A_202 = vector.shape_cast %swap3A_201 : vector<1x16xi32> to vector<16xi32>
    %swap3A_203 = vector.shape_cast %shift_right_logical3A_197 : vector<16xi32> to vector<1x16xi32>
    tpu.vector_store %arg9[%swap3A_199, %swap3A_200], %swap3A_203 {strides = array<i32>} : memref<6x48xi32, #tpu.memory_space<vmem>>, vector<1x16xi32>,
    %and3A_204 = arith.constant 16383 : i32
    %and3A_205 = vector.broadcast %and3A_204 : i32 to vector<16xi32>
    %and3A_206 = arith.andi %get3A_194, %and3A_205 : vector<16xi32>
    %swap3A_207 = arith.constant 2 : i32
    %swap3A_208 = arith.index_cast %swap3A_207 : i32 to index
    %swap3A_209 = arith.constant 32 : index
    %swap3A_210 = tpu.vector_load %arg8[%swap3A_208, %swap3A_209] {strides = array<i32>} : memref<6x48xi32, #tpu.memory_space<vmem>>, vector<1x16xi32>,
    %swap3A_211 = vector.shape_cast %swap3A_210 : vector<1x16xi32> to vector<16xi32>
    %swap3A_212 = vector.shape_cast %and3A_206 : vector<16xi32> to vector<1x16xi32>
    tpu.vector_store %arg8[%swap3A_208, %swap3A_209], %swap3A_212 {strides = array<i32>} : memref<6x48xi32, #tpu.memory_space<vmem>>, vector<1x16xi32>,
    %dma_start3A_213 = arith.constant 2 : i32
    %dma_start3A_214 = arith.constant 2 : i32
    %dma_start3A_215 = arith.constant 0 : i32
    %dma_start3A_216 = arith.constant 0 : i32
    %dma_start3A_217 = tpu.memref_slice %arg10[%dma_start3A_214, %dma_start3A_215, %dma_start3A_216] : memref<6x48x128xf32, #tpu.memory_space<vmem>> -> memref<1x48x128xf32, #tpu.memory_space<vmem>>
    %dma_start3A_218 = tpu.memref_squeeze %dma_start3A_217 : memref<1x48x128xf32, #tpu.memory_space<vmem>> -> memref<48x128xf32, #tpu.memory_space<vmem>>
    %dma_start3A_219 = arith.constant 0 : i32
    %dma_start3A_220 = tpu.memref_slice %arg8[%dma_start3A_213, %dma_start3A_219] : memref<6x48xi32, #tpu.memory_space<vmem>> -> memref<1x48xi32, #tpu.memory_space<vmem>>
    %dma_start3A_221 = tpu.memref_squeeze %dma_start3A_220 : memref<1x48xi32, #tpu.memory_space<vmem>> -> memref<48xi32, #tpu.memory_space<vmem>>
    %dma_start3A_222 = arith.constant 0 : i32
    %dma_start3A_223 = arith.constant 0 : i32
    %dma_start3A_224 = tpu.memref_slice %arg2[%dma_start3A_222, %dma_start3A_223] : memref<10000x128xf32, #tpu.memory_space<hbm>> -> memref<10000x128xf32, #tpu.memory_space<hbm>>
    tpu.enqueue_indirect_dma source(%dma_start3A_224 : memref<10000x128xf32, #tpu.memory_space<hbm>>) target(%dma_start3A_218 : memref<48x128xf32, #tpu.memory_space<vmem>>) offsets(%dma_start3A_221 : memref<48xi32, #tpu.memory_space<vmem>>) semaphore(%arg14 : memref<!tpu.dma_semaphore, #tpu.memory_space<semaphore_mem>>)
    %get3A_225 = arith.constant 144 : index
    %get3A_226 = tpu.vector_load %arg7[%get3A_225] {strides = array<i32>} : memref<10080xi32, #tpu.memory_space<vmem>>, vector<16xi32>,
    %get3A_227 = vector.shape_cast %get3A_226 : vector<16xi32> to vector<16xi32>
    %shift_right_logical3A_228 = arith.constant 14 : i32
    %shift_right_logical3A_229 = vector.broadcast %shift_right_logical3A_228 : i32 to vector<16xi32>
    %shift_right_logical3A_230 = arith.shrui %get3A_227, %shift_right_logical3A_229 : vector<16xi32>
    %swap3A_231 = arith.constant 3 : i32
    %swap3A_232 = arith.index_cast %swap3A_231 : i32 to index
    %swap3A_233 = arith.constant 0 : index
    %swap3A_234 = tpu.vector_load %arg9[%swap3A_232, %swap3A_233] {strides = array<i32>} : memref<6x48xi32, #tpu.memory_space<vmem>>, vector<1x16xi32>,
    %swap3A_235 = vector.shape_cast %swap3A_234 : vector<1x16xi32> to vector<16xi32>
    %swap3A_236 = vector.shape_cast %shift_right_logical3A_230 : vector<16xi32> to vector<1x16xi32>
    tpu.vector_store %arg9[%swap3A_232, %swap3A_233], %swap3A_236 {strides = array<i32>} : memref<6x48xi32, #tpu.memory_space<vmem>>, vector<1x16xi32>,
    %and3A_237 = arith.constant 16383 : i32
    %and3A_238 = vector.broadcast %and3A_237 : i32 to vector<16xi32>
    %and3A_239 = arith.andi %get3A_227, %and3A_238 : vector<16xi32>
    %swap3A_240 = arith.constant 3 : i32
    %swap3A_241 = arith.index_cast %swap3A_240 : i32 to index
    %swap3A_242 = arith.constant 0 : index
    %swap3A_243 = tpu.vector_load %arg8[%swap3A_241, %swap3A_242] {strides = array<i32>} : memref<6x48xi32, #tpu.memory_space<vmem>>, vector<1x16xi32>,
    %swap3A_244 = vector.shape_cast %swap3A_243 : vector<1x16xi32> to vector<16xi32>
    %swap3A_245 = vector.shape_cast %and3A_239 : vector<16xi32> to vector<1x16xi32>
    tpu.vector_store %arg8[%swap3A_241, %swap3A_242], %swap3A_245 {strides = array<i32>} : memref<6x48xi32, #tpu.memory_space<vmem>>, vector<1x16xi32>,
    %get3A_246 = arith.constant 160 : index
    %get3A_247 = tpu.vector_load %arg7[%get3A_246] {strides = array<i32>} : memref<10080xi32, #tpu.memory_space<vmem>>, vector<16xi32>,
    %get3A_248 = vector.shape_cast %get3A_247 : vector<16xi32> to vector<16xi32>
    %shift_right_logical3A_249 = arith.constant 14 : i32
    %shift_right_logical3A_250 = vector.broadcast %shift_right_logical3A_249 : i32 to vector<16xi32>
    %shift_right_logical3A_251 = arith.shrui %get3A_248, %shift_right_logical3A_250 : vector<16xi32>
    %swap3A_252 = arith.constant 3 : i32
    %swap3A_253 = arith.index_cast %swap3A_252 : i32 to index
    %swap3A_254 = arith.constant 16 : index
    %swap3A_255 = tpu.vector_load %arg9[%swap3A_253, %swap3A_254] {strides = array<i32>} : memref<6x48xi32, #tpu.memory_space<vmem>>, vector<1x16xi32>,
    %swap3A_256 = vector.shape_cast %swap3A_255 : vector<1x16xi32> to vector<16xi32>
    %swap3A_257 = vector.shape_cast %shift_right_logical3A_251 : vector<16xi32> to vector<1x16xi32>
    tpu.vector_store %arg9[%swap3A_253, %swap3A_254], %swap3A_257 {strides = array<i32>} : memref<6x48xi32, #tpu.memory_space<vmem>>, vector<1x16xi32>,
    %and3A_258 = arith.constant 16383 : i32
    %and3A_259 = vector.broadcast %and3A_258 : i32 to vector<16xi32>
    %and3A_260 = arith.andi %get3A_248, %and3A_259 : vector<16xi32>
    %swap3A_261 = arith.constant 3 : i32
    %swap3A_262 = arith.index_cast %swap3A_261 : i32 to index
    %swap3A_263 = arith.constant 16 : index
    %swap3A_264 = tpu.vector_load %arg8[%swap3A_262, %swap3A_263] {strides = array<i32>} : memref<6x48xi32, #tpu.memory_space<vmem>>, vector<1x16xi32>,
    %swap3A_265 = vector.shape_cast %swap3A_264 : vector<1x16xi32> to vector<16xi32>
    %swap3A_266 = vector.shape_cast %and3A_260 : vector<16xi32> to vector<1x16xi32>
    tpu.vector_store %arg8[%swap3A_262, %swap3A_263], %swap3A_266 {strides = array<i32>} : memref<6x48xi32, #tpu.memory_space<vmem>>, vector<1x16xi32>,
    %get3A_267 = arith.constant 176 : index
    %get3A_268 = tpu.vector_load %arg7[%get3A_267] {strides = array<i32>} : memref<10080xi32, #tpu.memory_space<vmem>>, vector<16xi32>,
    %get3A_269 = vector.shape_cast %get3A_268 : vector<16xi32> to vector<16xi32>
    %shift_right_logical3A_270 = arith.constant 14 : i32
    %shift_right_logical3A_271 = vector.broadcast %shift_right_logical3A_270 : i32 to vector<16xi32>
    %shift_right_logical3A_272 = arith.shrui %get3A_269, %shift_right_logical3A_271 : vector<16xi32>
    %swap3A_273 = arith.constant 3 : i32
    %swap3A_274 = arith.index_cast %swap3A_273 : i32 to index
    %swap3A_275 = arith.constant 32 : index
    %swap3A_276 = tpu.vector_load %arg9[%swap3A_274, %swap3A_275] {strides = array<i32>} : memref<6x48xi32, #tpu.memory_space<vmem>>, vector<1x16xi32>,
    %swap3A_277 = vector.shape_cast %swap3A_276 : vector<1x16xi32> to vector<16xi32>
    %swap3A_278 = vector.shape_cast %shift_right_logical3A_272 : vector<16xi32> to vector<1x16xi32>
    tpu.vector_store %arg9[%swap3A_274, %swap3A_275], %swap3A_278 {strides = array<i32>} : memref<6x48xi32, #tpu.memory_space<vmem>>, vector<1x16xi32>,
    %and3A_279 = arith.constant 16383 : i32
    %and3A_280 = vector.broadcast %and3A_279 : i32 to vector<16xi32>
    %and3A_281 = arith.andi %get3A_269, %and3A_280 : vector<16xi32>
    %swap3A_282 = arith.constant 3 : i32
    %swap3A_283 = arith.index_cast %swap3A_282 : i32 to index
    %swap3A_284 = arith.constant 32 : index
    %swap3A_285 = tpu.vector_load %arg8[%swap3A_283, %swap3A_284] {strides = array<i32>} : memref<6x48xi32, #tpu.memory_space<vmem>>, vector<1x16xi32>,
    %swap3A_286 = vector.shape_cast %swap3A_285 : vector<1x16xi32> to vector<16xi32>
    %swap3A_287 = vector.shape_cast %and3A_281 : vector<16xi32> to vector<1x16xi32>
    tpu.vector_store %arg8[%swap3A_283, %swap3A_284], %swap3A_287 {strides = array<i32>} : memref<6x48xi32, #tpu.memory_space<vmem>>, vector<1x16xi32>,
    %dma_start3A_288 = arith.constant 3 : i32
    %dma_start3A_289 = arith.constant 3 : i32
    %dma_start3A_290 = arith.constant 0 : i32
    %dma_start3A_291 = arith.constant 0 : i32
    %dma_start3A_292 = tpu.memref_slice %arg10[%dma_start3A_289, %dma_start3A_290, %dma_start3A_291] : memref<6x48x128xf32, #tpu.memory_space<vmem>> -> memref<1x48x128xf32, #tpu.memory_space<vmem>>
    %dma_start3A_293 = tpu.memref_squeeze %dma_start3A_292 : memref<1x48x128xf32, #tpu.memory_space<vmem>> -> memref<48x128xf32, #tpu.memory_space<vmem>>
    %dma_start3A_294 = arith.constant 0 : i32
    %dma_start3A_295 = tpu.memref_slice %arg8[%dma_start3A_288, %dma_start3A_294] : memref<6x48xi32, #tpu.memory_space<vmem>> -> memref<1x48xi32, #tpu.memory_space<vmem>>
    %dma_start3A_296 = tpu.memref_squeeze %dma_start3A_295 : memref<1x48xi32, #tpu.memory_space<vmem>> -> memref<48xi32, #tpu.memory_space<vmem>>
    %dma_start3A_297 = arith.constant 0 : i32
    %dma_start3A_298 = arith.constant 0 : i32
    %dma_start3A_299 = tpu.memref_slice %arg2[%dma_start3A_297, %dma_start3A_298] : memref<10000x128xf32, #tpu.memory_space<hbm>> -> memref<10000x128xf32, #tpu.memory_space<hbm>>
    tpu.enqueue_indirect_dma source(%dma_start3A_299 : memref<10000x128xf32, #tpu.memory_space<hbm>>) target(%dma_start3A_293 : memref<48x128xf32, #tpu.memory_space<vmem>>) offsets(%dma_start3A_296 : memref<48xi32, #tpu.memory_space<vmem>>) semaphore(%arg15 : memref<!tpu.dma_semaphore, #tpu.memory_space<semaphore_mem>>)
    %get3A_300 = arith.constant 192 : index
    %get3A_301 = tpu.vector_load %arg7[%get3A_300] {strides = array<i32>} : memref<10080xi32, #tpu.memory_space<vmem>>, vector<16xi32>,
    %get3A_302 = vector.shape_cast %get3A_301 : vector<16xi32> to vector<16xi32>
    %shift_right_logical3A_303 = arith.constant 14 : i32
    %shift_right_logical3A_304 = vector.broadcast %shift_right_logical3A_303 : i32 to vector<16xi32>
    %shift_right_logical3A_305 = arith.shrui %get3A_302, %shift_right_logical3A_304 : vector<16xi32>
    %swap3A_306 = arith.constant 4 : i32
    %swap3A_307 = arith.index_cast %swap3A_306 : i32 to index
    %swap3A_308 = arith.constant 0 : index
    %swap3A_309 = tpu.vector_load %arg9[%swap3A_307, %swap3A_308] {strides = array<i32>} : memref<6x48xi32, #tpu.memory_space<vmem>>, vector<1x16xi32>,
    %swap3A_310 = vector.shape_cast %swap3A_309 : vector<1x16xi32> to vector<16xi32>
    %swap3A_311 = vector.shape_cast %shift_right_logical3A_305 : vector<16xi32> to vector<1x16xi32>
    tpu.vector_store %arg9[%swap3A_307, %swap3A_308], %swap3A_311 {strides = array<i32>} : memref<6x48xi32, #tpu.memory_space<vmem>>, vector<1x16xi32>,
    %and3A_312 = arith.constant 16383 : i32
    %and3A_313 = vector.broadcast %and3A_312 : i32 to vector<16xi32>
    %and3A_314 = arith.andi %get3A_302, %and3A_313 : vector<16xi32>
    %swap3A_315 = arith.constant 4 : i32
    %swap3A_316 = arith.index_cast %swap3A_315 : i32 to index
    %swap3A_317 = arith.constant 0 : index
    %swap3A_318 = tpu.vector_load %arg8[%swap3A_316, %swap3A_317] {strides = array<i32>} : memref<6x48xi32, #tpu.memory_space<vmem>>, vector<1x16xi32>,
    %swap3A_319 = vector.shape_cast %swap3A_318 : vector<1x16xi32> to vector<16xi32>
    %swap3A_320 = vector.shape_cast %and3A_314 : vector<16xi32> to vector<1x16xi32>
    tpu.vector_store %arg8[%swap3A_316, %swap3A_317], %swap3A_320 {strides = array<i32>} : memref<6x48xi32, #tpu.memory_space<vmem>>, vector<1x16xi32>,
    %get3A_321 = arith.constant 208 : index
    %get3A_322 = tpu.vector_load %arg7[%get3A_321] {strides = array<i32>} : memref<10080xi32, #tpu.memory_space<vmem>>, vector<16xi32>,
    %get3A_323 = vector.shape_cast %get3A_322 : vector<16xi32> to vector<16xi32>
    %shift_right_logical3A_324 = arith.constant 14 : i32
    %shift_right_logical3A_325 = vector.broadcast %shift_right_logical3A_324 : i32 to vector<16xi32>
    %shift_right_logical3A_326 = arith.shrui %get3A_323, %shift_right_logical3A_325 : vector<16xi32>
    %swap3A_327 = arith.constant 4 : i32
    %swap3A_328 = arith.index_cast %swap3A_327 : i32 to index
    %swap3A_329 = arith.constant 16 : index
    %swap3A_330 = tpu.vector_load %arg9[%swap3A_328, %swap3A_329] {strides = array<i32>} : memref<6x48xi32, #tpu.memory_space<vmem>>, vector<1x16xi32>,
    %swap3A_331 = vector.shape_cast %swap3A_330 : vector<1x16xi32> to vector<16xi32>
    %swap3A_332 = vector.shape_cast %shift_right_logical3A_326 : vector<16xi32> to vector<1x16xi32>
    tpu.vector_store %arg9[%swap3A_328, %swap3A_329], %swap3A_332 {strides = array<i32>} : memref<6x48xi32, #tpu.memory_space<vmem>>, vector<1x16xi32>,
    %and3A_333 = arith.constant 16383 : i32
    %and3A_334 = vector.broadcast %and3A_333 : i32 to vector<16xi32>
    %and3A_335 = arith.andi %get3A_323, %and3A_334 : vector<16xi32>
    %swap3A_336 = arith.constant 4 : i32
    %swap3A_337 = arith.index_cast %swap3A_336 : i32 to index
    %swap3A_338 = arith.constant 16 : index
    %swap3A_339 = tpu.vector_load %arg8[%swap3A_337, %swap3A_338] {strides = array<i32>} : memref<6x48xi32, #tpu.memory_space<vmem>>, vector<1x16xi32>,
    %swap3A_340 = vector.shape_cast %swap3A_339 : vector<1x16xi32> to vector<16xi32>
    %swap3A_341 = vector.shape_cast %and3A_335 : vector<16xi32> to vector<1x16xi32>
    tpu.vector_store %arg8[%swap3A_337, %swap3A_338], %swap3A_341 {strides = array<i32>} : memref<6x48xi32, #tpu.memory_space<vmem>>, vector<1x16xi32>,
    %get3A_342 = arith.constant 224 : index
    %get3A_343 = tpu.vector_load %arg7[%get3A_342] {strides = array<i32>} : memref<10080xi32, #tpu.memory_space<vmem>>, vector<16xi32>,
    %get3A_344 = vector.shape_cast %get3A_343 : vector<16xi32> to vector<16xi32>
    %shift_right_logical3A_345 = arith.constant 14 : i32
    %shift_right_logical3A_346 = vector.broadcast %shift_right_logical3A_345 : i32 to vector<16xi32>
    %shift_right_logical3A_347 = arith.shrui %get3A_344, %shift_right_logical3A_346 : vector<16xi32>
    %swap3A_348 = arith.constant 4 : i32
    %swap3A_349 = arith.index_cast %swap3A_348 : i32 to index
    %swap3A_350 = arith.constant 32 : index
    %swap3A_351 = tpu.vector_load %arg9[%swap3A_349, %swap3A_350] {strides = array<i32>} : memref<6x48xi32, #tpu.memory_space<vmem>>, vector<1x16xi32>,
    %swap3A_352 = vector.shape_cast %swap3A_351 : vector<1x16xi32> to vector<16xi32>
    %swap3A_353 = vector.shape_cast %shift_right_logical3A_347 : vector<16xi32> to vector<1x16xi32>
    tpu.vector_store %arg9[%swap3A_349, %swap3A_350], %swap3A_353 {strides = array<i32>} : memref<6x48xi32, #tpu.memory_space<vmem>>, vector<1x16xi32>,
    %and3A_354 = arith.constant 16383 : i32
    %and3A_355 = vector.broadcast %and3A_354 : i32 to vector<16xi32>
    %and3A_356 = arith.andi %get3A_344, %and3A_355 : vector<16xi32>
    %swap3A_357 = arith.constant 4 : i32
    %swap3A_358 = arith.index_cast %swap3A_357 : i32 to index
    %swap3A_359 = arith.constant 32 : index
    %swap3A_360 = tpu.vector_load %arg8[%swap3A_358, %swap3A_359] {strides = array<i32>} : memref<6x48xi32, #tpu.memory_space<vmem>>, vector<1x16xi32>,
    %swap3A_361 = vector.shape_cast %swap3A_360 : vector<1x16xi32> to vector<16xi32>
    %swap3A_362 = vector.shape_cast %and3A_356 : vector<16xi32> to vector<1x16xi32>
    tpu.vector_store %arg8[%swap3A_358, %swap3A_359], %swap3A_362 {strides = array<i32>} : memref<6x48xi32, #tpu.memory_space<vmem>>, vector<1x16xi32>,
    %dma_start3A_363 = arith.constant 4 : i32
    %dma_start3A_364 = arith.constant 4 : i32
    %dma_start3A_365 = arith.constant 0 : i32
    %dma_start3A_366 = arith.constant 0 : i32
    %dma_start3A_367 = tpu.memref_slice %arg10[%dma_start3A_364, %dma_start3A_365, %dma_start3A_366] : memref<6x48x128xf32, #tpu.memory_space<vmem>> -> memref<1x48x128xf32, #tpu.memory_space<vmem>>
    %dma_start3A_368 = tpu.memref_squeeze %dma_start3A_367 : memref<1x48x128xf32, #tpu.memory_space<vmem>> -> memref<48x128xf32, #tpu.memory_space<vmem>>
    %dma_start3A_369 = arith.constant 0 : i32
    %dma_start3A_370 = tpu.memref_slice %arg8[%dma_start3A_363, %dma_start3A_369] : memref<6x48xi32, #tpu.memory_space<vmem>> -> memref<1x48xi32, #tpu.memory_space<vmem>>
    %dma_start3A_371 = tpu.memref_squeeze %dma_start3A_370 : memref<1x48xi32, #tpu.memory_space<vmem>> -> memref<48xi32, #tpu.memory_space<vmem>>
    %dma_start3A_372 = arith.constant 0 : i32
    %dma_start3A_373 = arith.constant 0 : i32
    %dma_start3A_374 = tpu.memref_slice %arg2[%dma_start3A_372, %dma_start3A_373] : memref<10000x128xf32, #tpu.memory_space<hbm>> -> memref<10000x128xf32, #tpu.memory_space<hbm>>
    tpu.enqueue_indirect_dma source(%dma_start3A_374 : memref<10000x128xf32, #tpu.memory_space<hbm>>) target(%dma_start3A_368 : memref<48x128xf32, #tpu.memory_space<vmem>>) offsets(%dma_start3A_371 : memref<48xi32, #tpu.memory_space<vmem>>) semaphore(%arg16 : memref<!tpu.dma_semaphore, #tpu.memory_space<semaphore_mem>>)
    %scan3A = arith.constant 0 : i32
    %scan3A_375 = arith.constant 35 : i32
    %scan3A_376 = arith.addi %scan3A, %scan3A_375 : i32
    %scan3A_377 = arith.constant 1 : i32
    scf.for %scan3A_451 = %scan3A to %scan3A_376 step %scan3A_377  : i32 {
      %mul3A_452 = arith.constant 6 : i32
      %mul3A_453 = arith.muli %mul3A_452, %scan3A_451 : i32
      %add3A_454 = arith.constant 0 : i32
      %add3A_455 = arith.addi %mul3A_453, %add3A_454 : i32
      %dma_wait3A_456 = arith.constant 0 : i32
      %dma_wait3A_457 = arith.constant 0 : i32
      %dma_wait3A_458 = arith.constant 0 : i32
      %dma_wait3A_459 = arith.constant 0 : i32
      %dma_wait3A_460 = tpu.memref_slice %arg10[%dma_wait3A_457, %dma_wait3A_458, %dma_wait3A_459] : memref<6x48x128xf32, #tpu.memory_space<vmem>> -> memref<1x48x128xf32, #tpu.memory_space<vmem>>
      %dma_wait3A_461 = tpu.memref_squeeze %dma_wait3A_460 : memref<1x48x128xf32, #tpu.memory_space<vmem>> -> memref<48x128xf32, #tpu.memory_space<vmem>>
      %dma_wait3A_462 = arith.constant 0 : i32
      %dma_wait3A_463 = tpu.memref_slice %arg8[%dma_wait3A_456, %dma_wait3A_462] : memref<6x48xi32, #tpu.memory_space<vmem>> -> memref<1x48xi32, #tpu.memory_space<vmem>>
      %dma_wait3A_464 = tpu.memref_squeeze %dma_wait3A_463 : memref<1x48xi32, #tpu.memory_space<vmem>> -> memref<48xi32, #tpu.memory_space<vmem>>
      %dma_wait3A_465 = arith.constant 0 : i32
      %dma_wait3A_466 = arith.constant 0 : i32
      %dma_wait3A_467 = tpu.memref_slice %arg2[%dma_wait3A_465, %dma_wait3A_466] : memref<10000x128xf32, #tpu.memory_space<hbm>> -> memref<10000x128xf32, #tpu.memory_space<hbm>>
      tpu.wait_indirect_dma semaphore(%arg12 : memref<!tpu.dma_semaphore, #tpu.memory_space<semaphore_mem>>) src(%dma_wait3A_467 : memref<10000x128xf32, #tpu.memory_space<hbm>>) dst(%dma_wait3A_461 : memref<48x128xf32, #tpu.memory_space<vmem>>)
      %dma_start3A_468 = arith.constant 0 : i32
      %dma_start3A_469 = arith.constant 0 : i32
      %dma_start3A_470 = arith.constant 0 : i32
      %dma_start3A_471 = arith.constant 0 : i32
      %dma_start3A_472 = tpu.memref_slice %arg10[%dma_start3A_468, %dma_start3A_470, %dma_start3A_471] : memref<6x48x128xf32, #tpu.memory_space<vmem>> -> memref<1x48x128xf32, #tpu.memory_space<vmem>>
      %dma_start3A_473 = tpu.memref_squeeze %dma_start3A_472 : memref<1x48x128xf32, #tpu.memory_space<vmem>> -> memref<48x128xf32, #tpu.memory_space<vmem>>
      %dma_start3A_474 = arith.constant 0 : i32
      %dma_start3A_475 = tpu.memref_slice %arg9[%dma_start3A_469, %dma_start3A_474] : memref<6x48xi32, #tpu.memory_space<vmem>> -> memref<1x48xi32, #tpu.memory_space<vmem>>
      %dma_start3A_476 = tpu.memref_squeeze %dma_start3A_475 : memref<1x48xi32, #tpu.memory_space<vmem>> -> memref<48xi32, #tpu.memory_space<vmem>>
      %dma_start3A_477 = arith.constant 0 : i32
      %dma_start3A_478 = arith.constant 0 : i32
      %dma_start3A_479 = tpu.memref_slice %arg11[%dma_start3A_477, %dma_start3A_478] : memref<10112x128xf32, #tpu.memory_space<vmem_shared>> -> memref<10112x128xf32, #tpu.memory_space<vmem_shared>>
      tpu.enqueue_indirect_dma source(%dma_start3A_473 : memref<48x128xf32, #tpu.memory_space<vmem>>) target(%dma_start3A_479 : memref<10112x128xf32, #tpu.memory_space<vmem_shared>>) offsets(%dma_start3A_476 : memref<48xi32, #tpu.memory_space<vmem>>) semaphore(%arg18 : memref<!tpu.dma_semaphore, #tpu.memory_space<semaphore_mem>>) {add = true}
      %add3A_480 = arith.constant 6 : i32
      %add3A_481 = arith.addi %add3A_455, %add3A_480 : i32
      %sub3A = arith.constant 1 : i32
      %sub3A_482 = arith.subi %add3A_481, %sub3A : i32
      %lt3A = arith.constant 210 : i32
      %lt3A_483 = arith.cmpi slt, %sub3A_482, %lt3A : i32
      %convert_element_type3A = arith.extui %lt3A_483 : i1 to i32
      %cond3A = arith.constant 0 : i32
      %cond3A_484 = arith.cmpi ne, %convert_element_type3A, %cond3A : i32
      scf.if %cond3A_484 {
        %gt3A = arith.constant 0 : i32
        %gt3A_660 = arith.cmpi sgt, %add3A_455, %gt3A : i32
        %convert_element_type3A_661 = arith.extui %gt3A_660 : i1 to i32
        %cond3A_662 = arith.constant 0 : i32
        %cond3A_663 = arith.cmpi ne, %convert_element_type3A_661, %cond3A_662 : i32
        scf.if %cond3A_663 {
          %dma_wait3A_751 = arith.constant 5 : i32
          %dma_wait3A_752 = arith.constant 5 : i32
          %dma_wait3A_753 = arith.constant 0 : i32
          %dma_wait3A_754 = arith.constant 0 : i32
          %dma_wait3A_755 = tpu.memref_slice %arg10[%dma_wait3A_751, %dma_wait3A_753, %dma_wait3A_754] : memref<6x48x128xf32, #tpu.memory_space<vmem>> -> memref<1x48x128xf32, #tpu.memory_space<vmem>>
          %dma_wait3A_756 = tpu.memref_squeeze %dma_wait3A_755 : memref<1x48x128xf32, #tpu.memory_space<vmem>> -> memref<48x128xf32, #tpu.memory_space<vmem>>
          %dma_wait3A_757 = arith.constant 0 : i32
          %dma_wait3A_758 = tpu.memref_slice %arg9[%dma_wait3A_752, %dma_wait3A_757] : memref<6x48xi32, #tpu.memory_space<vmem>> -> memref<1x48xi32, #tpu.memory_space<vmem>>
          %dma_wait3A_759 = tpu.memref_squeeze %dma_wait3A_758 : memref<1x48xi32, #tpu.memory_space<vmem>> -> memref<48xi32, #tpu.memory_space<vmem>>
          %dma_wait3A_760 = arith.constant 0 : i32
          %dma_wait3A_761 = arith.constant 0 : i32
          %dma_wait3A_762 = tpu.memref_slice %arg11[%dma_wait3A_760, %dma_wait3A_761] : memref<10112x128xf32, #tpu.memory_space<vmem_shared>> -> memref<10112x128xf32, #tpu.memory_space<vmem_shared>>
          tpu.wait_indirect_dma semaphore(%arg23 : memref<!tpu.dma_semaphore, #tpu.memory_space<semaphore_mem>>) src(%dma_wait3A_756 : memref<48x128xf32, #tpu.memory_space<vmem>>) dst(%dma_wait3A_762 : memref<10112x128xf32, #tpu.memory_space<vmem_shared>>)
        } else {
        }
        %add3A_664 = arith.constant 6 : i32
        %add3A_665 = arith.addi %add3A_455, %add3A_664 : i32
        %sub3A_666 = arith.constant 1 : i32
        %sub3A_667 = arith.subi %add3A_665, %sub3A_666 : i32
        %mul3A_668 = arith.constant 48 : i32
        %mul3A_669 = arith.muli %sub3A_667, %mul3A_668 : i32
        %add3A_670 = arith.constant 0 : i32
        %add3A_671 = arith.addi %mul3A_669, %add3A_670 : i32
        %get3A_672 = arith.index_cast %add3A_671 : i32 to index
        %get3A_673 = tpu.vector_load %arg7[%get3A_672] {strides = array<i32>} : memref<10080xi32, #tpu.memory_space<vmem>>, vector<16xi32>,
        %get3A_674 = vector.shape_cast %get3A_673 : vector<16xi32> to vector<16xi32>
        %shift_right_logical3A_675 = arith.constant 14 : i32
        %shift_right_logical3A_676 = vector.broadcast %shift_right_logical3A_675 : i32 to vector<16xi32>
        %shift_right_logical3A_677 = arith.shrui %get3A_674, %shift_right_logical3A_676 : vector<16xi32>
        %swap3A_678 = arith.constant 5 : i32
        %swap3A_679 = arith.index_cast %swap3A_678 : i32 to index
        %swap3A_680 = arith.constant 0 : index
        %swap3A_681 = tpu.vector_load %arg9[%swap3A_679, %swap3A_680] {strides = array<i32>} : memref<6x48xi32, #tpu.memory_space<vmem>>, vector<1x16xi32>,
        %swap3A_682 = vector.shape_cast %swap3A_681 : vector<1x16xi32> to vector<16xi32>
        %swap3A_683 = vector.shape_cast %shift_right_logical3A_677 : vector<16xi32> to vector<1x16xi32>
        tpu.vector_store %arg9[%swap3A_679, %swap3A_680], %swap3A_683 {strides = array<i32>} : memref<6x48xi32, #tpu.memory_space<vmem>>, vector<1x16xi32>,
        %and3A_684 = arith.constant 16383 : i32
        %and3A_685 = vector.broadcast %and3A_684 : i32 to vector<16xi32>
        %and3A_686 = arith.andi %get3A_674, %and3A_685 : vector<16xi32>
        %swap3A_687 = arith.constant 5 : i32
        %swap3A_688 = arith.index_cast %swap3A_687 : i32 to index
        %swap3A_689 = arith.constant 0 : index
        %swap3A_690 = tpu.vector_load %arg8[%swap3A_688, %swap3A_689] {strides = array<i32>} : memref<6x48xi32, #tpu.memory_space<vmem>>, vector<1x16xi32>,
        %swap3A_691 = vector.shape_cast %swap3A_690 : vector<1x16xi32> to vector<16xi32>
        %swap3A_692 = vector.shape_cast %and3A_686 : vector<16xi32> to vector<1x16xi32>
        tpu.vector_store %arg8[%swap3A_688, %swap3A_689], %swap3A_692 {strides = array<i32>} : memref<6x48xi32, #tpu.memory_space<vmem>>, vector<1x16xi32>,
        %add3A_693 = arith.constant 16 : i32
        %add3A_694 = arith.addi %mul3A_669, %add3A_693 : i32
        %get3A_695 = arith.index_cast %add3A_694 : i32 to index
        %get3A_696 = tpu.vector_load %arg7[%get3A_695] {strides = array<i32>} : memref<10080xi32, #tpu.memory_space<vmem>>, vector<16xi32>,
        %get3A_697 = vector.shape_cast %get3A_696 : vector<16xi32> to vector<16xi32>
        %shift_right_logical3A_698 = arith.constant 14 : i32
        %shift_right_logical3A_699 = vector.broadcast %shift_right_logical3A_698 : i32 to vector<16xi32>
        %shift_right_logical3A_700 = arith.shrui %get3A_697, %shift_right_logical3A_699 : vector<16xi32>
        %swap3A_701 = arith.constant 5 : i32
        %swap3A_702 = arith.index_cast %swap3A_701 : i32 to index
        %swap3A_703 = arith.constant 16 : index
        %swap3A_704 = tpu.vector_load %arg9[%swap3A_702, %swap3A_703] {strides = array<i32>} : memref<6x48xi32, #tpu.memory_space<vmem>>, vector<1x16xi32>,
        %swap3A_705 = vector.shape_cast %swap3A_704 : vector<1x16xi32> to vector<16xi32>
        %swap3A_706 = vector.shape_cast %shift_right_logical3A_700 : vector<16xi32> to vector<1x16xi32>
        tpu.vector_store %arg9[%swap3A_702, %swap3A_703], %swap3A_706 {strides = array<i32>} : memref<6x48xi32, #tpu.memory_space<vmem>>, vector<1x16xi32>,
        %and3A_707 = arith.constant 16383 : i32
        %and3A_708 = vector.broadcast %and3A_707 : i32 to vector<16xi32>
        %and3A_709 = arith.andi %get3A_697, %and3A_708 : vector<16xi32>
        %swap3A_710 = arith.constant 5 : i32
        %swap3A_711 = arith.index_cast %swap3A_710 : i32 to index
        %swap3A_712 = arith.constant 16 : index
        %swap3A_713 = tpu.vector_load %arg8[%swap3A_711, %swap3A_712] {strides = array<i32>} : memref<6x48xi32, #tpu.memory_space<vmem>>, vector<1x16xi32>,
        %swap3A_714 = vector.shape_cast %swap3A_713 : vector<1x16xi32> to vector<16xi32>
        %swap3A_715 = vector.shape_cast %and3A_709 : vector<16xi32> to vector<1x16xi32>
        tpu.vector_store %arg8[%swap3A_711, %swap3A_712], %swap3A_715 {strides = array<i32>} : memref<6x48xi32, #tpu.memory_space<vmem>>, vector<1x16xi32>,
        %add3A_716 = arith.constant 32 : i32
        %add3A_717 = arith.addi %mul3A_669, %add3A_716 : i32
        %get3A_718 = arith.index_cast %add3A_717 : i32 to index
        %get3A_719 = tpu.vector_load %arg7[%get3A_718] {strides = array<i32>} : memref<10080xi32, #tpu.memory_space<vmem>>, vector<16xi32>,
        %get3A_720 = vector.shape_cast %get3A_719 : vector<16xi32> to vector<16xi32>
        %shift_right_logical3A_721 = arith.constant 14 : i32
        %shift_right_logical3A_722 = vector.broadcast %shift_right_logical3A_721 : i32 to vector<16xi32>
        %shift_right_logical3A_723 = arith.shrui %get3A_720, %shift_right_logical3A_722 : vector<16xi32>
        %swap3A_724 = arith.constant 5 : i32
        %swap3A_725 = arith.index_cast %swap3A_724 : i32 to index
        %swap3A_726 = arith.constant 32 : index
        %swap3A_727 = tpu.vector_load %arg9[%swap3A_725, %swap3A_726] {strides = array<i32>} : memref<6x48xi32, #tpu.memory_space<vmem>>, vector<1x16xi32>,
        %swap3A_728 = vector.shape_cast %swap3A_727 : vector<1x16xi32> to vector<16xi32>
        %swap3A_729 = vector.shape_cast %shift_right_logical3A_723 : vector<16xi32> to vector<1x16xi32>
        tpu.vector_store %arg9[%swap3A_725, %swap3A_726], %swap3A_729 {strides = array<i32>} : memref<6x48xi32, #tpu.memory_space<vmem>>, vector<1x16xi32>,
        %and3A_730 = arith.constant 16383 : i32
        %and3A_731 = vector.broadcast %and3A_730 : i32 to vector<16xi32>
        %and3A_732 = arith.andi %get3A_720, %and3A_731 : vector<16xi32>
        %swap3A_733 = arith.constant 5 : i32
        %swap3A_734 = arith.index_cast %swap3A_733 : i32 to index
        %swap3A_735 = arith.constant 32 : index
        %swap3A_736 = tpu.vector_load %arg8[%swap3A_734, %swap3A_735] {strides = array<i32>} : memref<6x48xi32, #tpu.memory_space<vmem>>, vector<1x16xi32>,
        %swap3A_737 = vector.shape_cast %swap3A_736 : vector<1x16xi32> to vector<16xi32>
        %swap3A_738 = vector.shape_cast %and3A_732 : vector<16xi32> to vector<1x16xi32>
        tpu.vector_store %arg8[%swap3A_734, %swap3A_735], %swap3A_738 {strides = array<i32>} : memref<6x48xi32, #tpu.memory_space<vmem>>, vector<1x16xi32>,
        %dma_start3A_739 = arith.constant 5 : i32
        %dma_start3A_740 = arith.constant 5 : i32
        %dma_start3A_741 = arith.constant 0 : i32
        %dma_start3A_742 = arith.constant 0 : i32
        %dma_start3A_743 = tpu.memref_slice %arg10[%dma_start3A_740, %dma_start3A_741, %dma_start3A_742] : memref<6x48x128xf32, #tpu.memory_space<vmem>> -> memref<1x48x128xf32, #tpu.memory_space<vmem>>
        %dma_start3A_744 = tpu.memref_squeeze %dma_start3A_743 : memref<1x48x128xf32, #tpu.memory_space<vmem>> -> memref<48x128xf32, #tpu.memory_space<vmem>>
        %dma_start3A_745 = arith.constant 0 : i32
        %dma_start3A_746 = tpu.memref_slice %arg8[%dma_start3A_739, %dma_start3A_745] : memref<6x48xi32, #tpu.memory_space<vmem>> -> memref<1x48xi32, #tpu.memory_space<vmem>>
        %dma_start3A_747 = tpu.memref_squeeze %dma_start3A_746 : memref<1x48xi32, #tpu.memory_space<vmem>> -> memref<48xi32, #tpu.memory_space<vmem>>
        %dma_start3A_748 = arith.constant 0 : i32
        %dma_start3A_749 = arith.constant 0 : i32
        %dma_start3A_750 = tpu.memref_slice %arg2[%dma_start3A_748, %dma_start3A_749] : memref<10000x128xf32, #tpu.memory_space<hbm>> -> memref<10000x128xf32, #tpu.memory_space<hbm>>
        tpu.enqueue_indirect_dma source(%dma_start3A_750 : memref<10000x128xf32, #tpu.memory_space<hbm>>) target(%dma_start3A_744 : memref<48x128xf32, #tpu.memory_space<vmem>>) offsets(%dma_start3A_747 : memref<48xi32, #tpu.memory_space<vmem>>) semaphore(%arg17 : memref<!tpu.dma_semaphore, #tpu.memory_space<semaphore_mem>>)
      } else {
      }
      %add3A_485 = arith.constant 1 : i32
      %add3A_486 = arith.addi %mul3A_453, %add3A_485 : i32
      %dma_wait3A_487 = arith.constant 1 : i32
      %dma_wait3A_488 = arith.constant 1 : i32
      %dma_wait3A_489 = arith.constant 0 : i32
      %dma_wait3A_490 = arith.constant 0 : i32
      %dma_wait3A_491 = tpu.memref_slice %arg10[%dma_wait3A_488, %dma_wait3A_489, %dma_wait3A_490] : memref<6x48x128xf32, #tpu.memory_space<vmem>> -> memref<1x48x128xf32, #tpu.memory_space<vmem>>
      %dma_wait3A_492 = tpu.memref_squeeze %dma_wait3A_491 : memref<1x48x128xf32, #tpu.memory_space<vmem>> -> memref<48x128xf32, #tpu.memory_space<vmem>>
      %dma_wait3A_493 = arith.constant 0 : i32
      %dma_wait3A_494 = tpu.memref_slice %arg8[%dma_wait3A_487, %dma_wait3A_493] : memref<6x48xi32, #tpu.memory_space<vmem>> -> memref<1x48xi32, #tpu.memory_space<vmem>>
      %dma_wait3A_495 = tpu.memref_squeeze %dma_wait3A_494 : memref<1x48xi32, #tpu.memory_space<vmem>> -> memref<48xi32, #tpu.memory_space<vmem>>
      %dma_wait3A_496 = arith.constant 0 : i32
      %dma_wait3A_497 = arith.constant 0 : i32
      %dma_wait3A_498 = tpu.memref_slice %arg2[%dma_wait3A_496, %dma_wait3A_497] : memref<10000x128xf32, #tpu.memory_space<hbm>> -> memref<10000x128xf32, #tpu.memory_space<hbm>>
      tpu.wait_indirect_dma semaphore(%arg13 : memref<!tpu.dma_semaphore, #tpu.memory_space<semaphore_mem>>) src(%dma_wait3A_498 : memref<10000x128xf32, #tpu.memory_space<hbm>>) dst(%dma_wait3A_492 : memref<48x128xf32, #tpu.memory_space<vmem>>)
      %dma_start3A_499 = arith.constant 1 : i32
      %dma_start3A_500 = arith.constant 1 : i32
      %dma_start3A_501 = arith.constant 0 : i32
      %dma_start3A_502 = arith.constant 0 : i32
      %dma_start3A_503 = tpu.memref_slice %arg10[%dma_start3A_499, %dma_start3A_501, %dma_start3A_502] : memref<6x48x128xf32, #tpu.memory_space<vmem>> -> memref<1x48x128xf32, #tpu.memory_space<vmem>>
      %dma_start3A_504 = tpu.memref_squeeze %dma_start3A_503 : memref<1x48x128xf32, #tpu.memory_space<vmem>> -> memref<48x128xf32, #tpu.memory_space<vmem>>
      %dma_start3A_505 = arith.constant 0 : i32
      %dma_start3A_506 = tpu.memref_slice %arg9[%dma_start3A_500, %dma_start3A_505] : memref<6x48xi32, #tpu.memory_space<vmem>> -> memref<1x48xi32, #tpu.memory_space<vmem>>
      %dma_start3A_507 = tpu.memref_squeeze %dma_start3A_506 : memref<1x48xi32, #tpu.memory_space<vmem>> -> memref<48xi32, #tpu.memory_space<vmem>>
      %dma_start3A_508 = arith.constant 0 : i32
      %dma_start3A_509 = arith.constant 0 : i32
      %dma_start3A_510 = tpu.memref_slice %arg11[%dma_start3A_508, %dma_start3A_509] : memref<10112x128xf32, #tpu.memory_space<vmem_shared>> -> memref<10112x128xf32, #tpu.memory_space<vmem_shared>>
      tpu.enqueue_indirect_dma source(%dma_start3A_504 : memref<48x128xf32, #tpu.memory_space<vmem>>) target(%dma_start3A_510 : memref<10112x128xf32, #tpu.memory_space<vmem_shared>>) offsets(%dma_start3A_507 : memref<48xi32, #tpu.memory_space<vmem>>) semaphore(%arg19 : memref<!tpu.dma_semaphore, #tpu.memory_space<semaphore_mem>>) {add = true}
      %add3A_511 = arith.constant 6 : i32
      %add3A_512 = arith.addi %add3A_486, %add3A_511 : i32
      %sub3A_513 = arith.constant 1 : i32
      %sub3A_514 = arith.subi %add3A_512, %sub3A_513 : i32
      %lt3A_515 = arith.constant 210 : i32
      %lt3A_516 = arith.cmpi slt, %sub3A_514, %lt3A_515 : i32
      %convert_element_type3A_517 = arith.extui %lt3A_516 : i1 to i32
      %cond3A_518 = arith.constant 0 : i32
      %cond3A_519 = arith.cmpi ne, %convert_element_type3A_517, %cond3A_518 : i32
      scf.if %cond3A_519 {
        %gt3A = arith.constant 0 : i32
        %gt3A_660 = arith.cmpi sgt, %add3A_486, %gt3A : i32
        %convert_element_type3A_661 = arith.extui %gt3A_660 : i1 to i32
        %cond3A_662 = arith.constant 0 : i32
        %cond3A_663 = arith.cmpi ne, %convert_element_type3A_661, %cond3A_662 : i32
        scf.if %cond3A_663 {
          %dma_wait3A_751 = arith.constant 0 : i32
          %dma_wait3A_752 = arith.constant 0 : i32
          %dma_wait3A_753 = arith.constant 0 : i32
          %dma_wait3A_754 = arith.constant 0 : i32
          %dma_wait3A_755 = tpu.memref_slice %arg10[%dma_wait3A_751, %dma_wait3A_753, %dma_wait3A_754] : memref<6x48x128xf32, #tpu.memory_space<vmem>> -> memref<1x48x128xf32, #tpu.memory_space<vmem>>
          %dma_wait3A_756 = tpu.memref_squeeze %dma_wait3A_755 : memref<1x48x128xf32, #tpu.memory_space<vmem>> -> memref<48x128xf32, #tpu.memory_space<vmem>>
          %dma_wait3A_757 = arith.constant 0 : i32
          %dma_wait3A_758 = tpu.memref_slice %arg9[%dma_wait3A_752, %dma_wait3A_757] : memref<6x48xi32, #tpu.memory_space<vmem>> -> memref<1x48xi32, #tpu.memory_space<vmem>>
          %dma_wait3A_759 = tpu.memref_squeeze %dma_wait3A_758 : memref<1x48xi32, #tpu.memory_space<vmem>> -> memref<48xi32, #tpu.memory_space<vmem>>
          %dma_wait3A_760 = arith.constant 0 : i32
          %dma_wait3A_761 = arith.constant 0 : i32
          %dma_wait3A_762 = tpu.memref_slice %arg11[%dma_wait3A_760, %dma_wait3A_761] : memref<10112x128xf32, #tpu.memory_space<vmem_shared>> -> memref<10112x128xf32, #tpu.memory_space<vmem_shared>>
          tpu.wait_indirect_dma semaphore(%arg18 : memref<!tpu.dma_semaphore, #tpu.memory_space<semaphore_mem>>) src(%dma_wait3A_756 : memref<48x128xf32, #tpu.memory_space<vmem>>) dst(%dma_wait3A_762 : memref<10112x128xf32, #tpu.memory_space<vmem_shared>>)
        } else {
        }
        %add3A_664 = arith.constant 6 : i32
        %add3A_665 = arith.addi %add3A_486, %add3A_664 : i32
        %sub3A_666 = arith.constant 1 : i32
        %sub3A_667 = arith.subi %add3A_665, %sub3A_666 : i32
        %mul3A_668 = arith.constant 48 : i32
        %mul3A_669 = arith.muli %sub3A_667, %mul3A_668 : i32
        %add3A_670 = arith.constant 0 : i32
        %add3A_671 = arith.addi %mul3A_669, %add3A_670 : i32
        %get3A_672 = arith.index_cast %add3A_671 : i32 to index
        %get3A_673 = tpu.vector_load %arg7[%get3A_672] {strides = array<i32>} : memref<10080xi32, #tpu.memory_space<vmem>>, vector<16xi32>,
        %get3A_674 = vector.shape_cast %get3A_673 : vector<16xi32> to vector<16xi32>
        %shift_right_logical3A_675 = arith.constant 14 : i32
        %shift_right_logical3A_676 = vector.broadcast %shift_right_logical3A_675 : i32 to vector<16xi32>
        %shift_right_logical3A_677 = arith.shrui %get3A_674, %shift_right_logical3A_676 : vector<16xi32>
        %swap3A_678 = arith.constant 0 : i32
        %swap3A_679 = arith.index_cast %swap3A_678 : i32 to index
        %swap3A_680 = arith.constant 0 : index
        %swap3A_681 = tpu.vector_load %arg9[%swap3A_679, %swap3A_680] {strides = array<i32>} : memref<6x48xi32, #tpu.memory_space<vmem>>, vector<1x16xi32>,
        %swap3A_682 = vector.shape_cast %swap3A_681 : vector<1x16xi32> to vector<16xi32>
        %swap3A_683 = vector.shape_cast %shift_right_logical3A_677 : vector<16xi32> to vector<1x16xi32>
        tpu.vector_store %arg9[%swap3A_679, %swap3A_680], %swap3A_683 {strides = array<i32>} : memref<6x48xi32, #tpu.memory_space<vmem>>, vector<1x16xi32>,
        %and3A_684 = arith.constant 16383 : i32
        %and3A_685 = vector.broadcast %and3A_684 : i32 to vector<16xi32>
        %and3A_686 = arith.andi %get3A_674, %and3A_685 : vector<16xi32>
        %swap3A_687 = arith.constant 0 : i32
        %swap3A_688 = arith.index_cast %swap3A_687 : i32 to index
        %swap3A_689 = arith.constant 0 : index
        %swap3A_690 = tpu.vector_load %arg8[%swap3A_688, %swap3A_689] {strides = array<i32>} : memref<6x48xi32, #tpu.memory_space<vmem>>, vector<1x16xi32>,
        %swap3A_691 = vector.shape_cast %swap3A_690 : vector<1x16xi32> to vector<16xi32>
        %swap3A_692 = vector.shape_cast %and3A_686 : vector<16xi32> to vector<1x16xi32>
        tpu.vector_store %arg8[%swap3A_688, %swap3A_689], %swap3A_692 {strides = array<i32>} : memref<6x48xi32, #tpu.memory_space<vmem>>, vector<1x16xi32>,
        %add3A_693 = arith.constant 16 : i32
        %add3A_694 = arith.addi %mul3A_669, %add3A_693 : i32
        %get3A_695 = arith.index_cast %add3A_694 : i32 to index
        %get3A_696 = tpu.vector_load %arg7[%get3A_695] {strides = array<i32>} : memref<10080xi32, #tpu.memory_space<vmem>>, vector<16xi32>,
        %get3A_697 = vector.shape_cast %get3A_696 : vector<16xi32> to vector<16xi32>
        %shift_right_logical3A_698 = arith.constant 14 : i32
        %shift_right_logical3A_699 = vector.broadcast %shift_right_logical3A_698 : i32 to vector<16xi32>
        %shift_right_logical3A_700 = arith.shrui %get3A_697, %shift_right_logical3A_699 : vector<16xi32>
        %swap3A_701 = arith.constant 0 : i32
        %swap3A_702 = arith.index_cast %swap3A_701 : i32 to index
        %swap3A_703 = arith.constant 16 : index
        %swap3A_704 = tpu.vector_load %arg9[%swap3A_702, %swap3A_703] {strides = array<i32>} : memref<6x48xi32, #tpu.memory_space<vmem>>, vector<1x16xi32>,
        %swap3A_705 = vector.shape_cast %swap3A_704 : vector<1x16xi32> to vector<16xi32>
        %swap3A_706 = vector.shape_cast %shift_right_logical3A_700 : vector<16xi32> to vector<1x16xi32>
        tpu.vector_store %arg9[%swap3A_702, %swap3A_703], %swap3A_706 {strides = array<i32>} : memref<6x48xi32, #tpu.memory_space<vmem>>, vector<1x16xi32>,
        %and3A_707 = arith.constant 16383 : i32
        %and3A_708 = vector.broadcast %and3A_707 : i32 to vector<16xi32>
        %and3A_709 = arith.andi %get3A_697, %and3A_708 : vector<16xi32>
        %swap3A_710 = arith.constant 0 : i32
        %swap3A_711 = arith.index_cast %swap3A_710 : i32 to index
        %swap3A_712 = arith.constant 16 : index
        %swap3A_713 = tpu.vector_load %arg8[%swap3A_711, %swap3A_712] {strides = array<i32>} : memref<6x48xi32, #tpu.memory_space<vmem>>, vector<1x16xi32>,
        %swap3A_714 = vector.shape_cast %swap3A_713 : vector<1x16xi32> to vector<16xi32>
        %swap3A_715 = vector.shape_cast %and3A_709 : vector<16xi32> to vector<1x16xi32>
        tpu.vector_store %arg8[%swap3A_711, %swap3A_712], %swap3A_715 {strides = array<i32>} : memref<6x48xi32, #tpu.memory_space<vmem>>, vector<1x16xi32>,
        %add3A_716 = arith.constant 32 : i32
        %add3A_717 = arith.addi %mul3A_669, %add3A_716 : i32
        %get3A_718 = arith.index_cast %add3A_717 : i32 to index
        %get3A_719 = tpu.vector_load %arg7[%get3A_718] {strides = array<i32>} : memref<10080xi32, #tpu.memory_space<vmem>>, vector<16xi32>,
        %get3A_720 = vector.shape_cast %get3A_719 : vector<16xi32> to vector<16xi32>
        %shift_right_logical3A_721 = arith.constant 14 : i32
        %shift_right_logical3A_722 = vector.broadcast %shift_right_logical3A_721 : i32 to vector<16xi32>
        %shift_right_logical3A_723 = arith.shrui %get3A_720, %shift_right_logical3A_722 : vector<16xi32>
        %swap3A_724 = arith.constant 0 : i32
        %swap3A_725 = arith.index_cast %swap3A_724 : i32 to index
        %swap3A_726 = arith.constant 32 : index
        %swap3A_727 = tpu.vector_load %arg9[%swap3A_725, %swap3A_726] {strides = array<i32>} : memref<6x48xi32, #tpu.memory_space<vmem>>, vector<1x16xi32>,
        %swap3A_728 = vector.shape_cast %swap3A_727 : vector<1x16xi32> to vector<16xi32>
        %swap3A_729 = vector.shape_cast %shift_right_logical3A_723 : vector<16xi32> to vector<1x16xi32>
        tpu.vector_store %arg9[%swap3A_725, %swap3A_726], %swap3A_729 {strides = array<i32>} : memref<6x48xi32, #tpu.memory_space<vmem>>, vector<1x16xi32>,
        %and3A_730 = arith.constant 16383 : i32
        %and3A_731 = vector.broadcast %and3A_730 : i32 to vector<16xi32>
        %and3A_732 = arith.andi %get3A_720, %and3A_731 : vector<16xi32>
        %swap3A_733 = arith.constant 0 : i32
        %swap3A_734 = arith.index_cast %swap3A_733 : i32 to index
        %swap3A_735 = arith.constant 32 : index
        %swap3A_736 = tpu.vector_load %arg8[%swap3A_734, %swap3A_735] {strides = array<i32>} : memref<6x48xi32, #tpu.memory_space<vmem>>, vector<1x16xi32>,
        %swap3A_737 = vector.shape_cast %swap3A_736 : vector<1x16xi32> to vector<16xi32>
        %swap3A_738 = vector.shape_cast %and3A_732 : vector<16xi32> to vector<1x16xi32>
        tpu.vector_store %arg8[%swap3A_734, %swap3A_735], %swap3A_738 {strides = array<i32>} : memref<6x48xi32, #tpu.memory_space<vmem>>, vector<1x16xi32>,
        %dma_start3A_739 = arith.constant 0 : i32
        %dma_start3A_740 = arith.constant 0 : i32
        %dma_start3A_741 = arith.constant 0 : i32
        %dma_start3A_742 = arith.constant 0 : i32
        %dma_start3A_743 = tpu.memref_slice %arg10[%dma_start3A_740, %dma_start3A_741, %dma_start3A_742] : memref<6x48x128xf32, #tpu.memory_space<vmem>> -> memref<1x48x128xf32, #tpu.memory_space<vmem>>
        %dma_start3A_744 = tpu.memref_squeeze %dma_start3A_743 : memref<1x48x128xf32, #tpu.memory_space<vmem>> -> memref<48x128xf32, #tpu.memory_space<vmem>>
        %dma_start3A_745 = arith.constant 0 : i32
        %dma_start3A_746 = tpu.memref_slice %arg8[%dma_start3A_739, %dma_start3A_745] : memref<6x48xi32, #tpu.memory_space<vmem>> -> memref<1x48xi32, #tpu.memory_space<vmem>>
        %dma_start3A_747 = tpu.memref_squeeze %dma_start3A_746 : memref<1x48xi32, #tpu.memory_space<vmem>> -> memref<48xi32, #tpu.memory_space<vmem>>
        %dma_start3A_748 = arith.constant 0 : i32
        %dma_start3A_749 = arith.constant 0 : i32
        %dma_start3A_750 = tpu.memref_slice %arg2[%dma_start3A_748, %dma_start3A_749] : memref<10000x128xf32, #tpu.memory_space<hbm>> -> memref<10000x128xf32, #tpu.memory_space<hbm>>
        tpu.enqueue_indirect_dma source(%dma_start3A_750 : memref<10000x128xf32, #tpu.memory_space<hbm>>) target(%dma_start3A_744 : memref<48x128xf32, #tpu.memory_space<vmem>>) offsets(%dma_start3A_747 : memref<48xi32, #tpu.memory_space<vmem>>) semaphore(%arg12 : memref<!tpu.dma_semaphore, #tpu.memory_space<semaphore_mem>>)
      } else {
      }
      %add3A_520 = arith.constant 2 : i32
      %add3A_521 = arith.addi %mul3A_453, %add3A_520 : i32
      %dma_wait3A_522 = arith.constant 2 : i32
      %dma_wait3A_523 = arith.constant 2 : i32
      %dma_wait3A_524 = arith.constant 0 : i32
      %dma_wait3A_525 = arith.constant 0 : i32
      %dma_wait3A_526 = tpu.memref_slice %arg10[%dma_wait3A_523, %dma_wait3A_524, %dma_wait3A_525] : memref<6x48x128xf32, #tpu.memory_space<vmem>> -> memref<1x48x128xf32, #tpu.memory_space<vmem>>
      %dma_wait3A_527 = tpu.memref_squeeze %dma_wait3A_526 : memref<1x48x128xf32, #tpu.memory_space<vmem>> -> memref<48x128xf32, #tpu.memory_space<vmem>>
      %dma_wait3A_528 = arith.constant 0 : i32
      %dma_wait3A_529 = tpu.memref_slice %arg8[%dma_wait3A_522, %dma_wait3A_528] : memref<6x48xi32, #tpu.memory_space<vmem>> -> memref<1x48xi32, #tpu.memory_space<vmem>>
      %dma_wait3A_530 = tpu.memref_squeeze %dma_wait3A_529 : memref<1x48xi32, #tpu.memory_space<vmem>> -> memref<48xi32, #tpu.memory_space<vmem>>
      %dma_wait3A_531 = arith.constant 0 : i32
      %dma_wait3A_532 = arith.constant 0 : i32
      %dma_wait3A_533 = tpu.memref_slice %arg2[%dma_wait3A_531, %dma_wait3A_532] : memref<10000x128xf32, #tpu.memory_space<hbm>> -> memref<10000x128xf32, #tpu.memory_space<hbm>>
      tpu.wait_indirect_dma semaphore(%arg14 : memref<!tpu.dma_semaphore, #tpu.memory_space<semaphore_mem>>) src(%dma_wait3A_533 : memref<10000x128xf32, #tpu.memory_space<hbm>>) dst(%dma_wait3A_527 : memref<48x128xf32, #tpu.memory_space<vmem>>)
      %dma_start3A_534 = arith.constant 2 : i32
      %dma_start3A_535 = arith.constant 2 : i32
      %dma_start3A_536 = arith.constant 0 : i32
      %dma_start3A_537 = arith.constant 0 : i32
      %dma_start3A_538 = tpu.memref_slice %arg10[%dma_start3A_534, %dma_start3A_536, %dma_start3A_537] : memref<6x48x128xf32, #tpu.memory_space<vmem>> -> memref<1x48x128xf32, #tpu.memory_space<vmem>>
      %dma_start3A_539 = tpu.memref_squeeze %dma_start3A_538 : memref<1x48x128xf32, #tpu.memory_space<vmem>> -> memref<48x128xf32, #tpu.memory_space<vmem>>
      %dma_start3A_540 = arith.constant 0 : i32
      %dma_start3A_541 = tpu.memref_slice %arg9[%dma_start3A_535, %dma_start3A_540] : memref<6x48xi32, #tpu.memory_space<vmem>> -> memref<1x48xi32, #tpu.memory_space<vmem>>
      %dma_start3A_542 = tpu.memref_squeeze %dma_start3A_541 : memref<1x48xi32, #tpu.memory_space<vmem>> -> memref<48xi32, #tpu.memory_space<vmem>>
      %dma_start3A_543 = arith.constant 0 : i32
      %dma_start3A_544 = arith.constant 0 : i32
      %dma_start3A_545 = tpu.memref_slice %arg11[%dma_start3A_543, %dma_start3A_544] : memref<10112x128xf32, #tpu.memory_space<vmem_shared>> -> memref<10112x128xf32, #tpu.memory_space<vmem_shared>>
      tpu.enqueue_indirect_dma source(%dma_start3A_539 : memref<48x128xf32, #tpu.memory_space<vmem>>) target(%dma_start3A_545 : memref<10112x128xf32, #tpu.memory_space<vmem_shared>>) offsets(%dma_start3A_542 : memref<48xi32, #tpu.memory_space<vmem>>) semaphore(%arg20 : memref<!tpu.dma_semaphore, #tpu.memory_space<semaphore_mem>>) {add = true}
      %add3A_546 = arith.constant 6 : i32
      %add3A_547 = arith.addi %add3A_521, %add3A_546 : i32
      %sub3A_548 = arith.constant 1 : i32
      %sub3A_549 = arith.subi %add3A_547, %sub3A_548 : i32
      %lt3A_550 = arith.constant 210 : i32
      %lt3A_551 = arith.cmpi slt, %sub3A_549, %lt3A_550 : i32
      %convert_element_type3A_552 = arith.extui %lt3A_551 : i1 to i32
      %cond3A_553 = arith.constant 0 : i32
      %cond3A_554 = arith.cmpi ne, %convert_element_type3A_552, %cond3A_553 : i32
      scf.if %cond3A_554 {
        %gt3A = arith.constant 0 : i32
        %gt3A_660 = arith.cmpi sgt, %add3A_521, %gt3A : i32
        %convert_element_type3A_661 = arith.extui %gt3A_660 : i1 to i32
        %cond3A_662 = arith.constant 0 : i32
        %cond3A_663 = arith.cmpi ne, %convert_element_type3A_661, %cond3A_662 : i32
        scf.if %cond3A_663 {
          %dma_wait3A_751 = arith.constant 1 : i32
          %dma_wait3A_752 = arith.constant 1 : i32
          %dma_wait3A_753 = arith.constant 0 : i32
          %dma_wait3A_754 = arith.constant 0 : i32
          %dma_wait3A_755 = tpu.memref_slice %arg10[%dma_wait3A_751, %dma_wait3A_753, %dma_wait3A_754] : memref<6x48x128xf32, #tpu.memory_space<vmem>> -> memref<1x48x128xf32, #tpu.memory_space<vmem>>
          %dma_wait3A_756 = tpu.memref_squeeze %dma_wait3A_755 : memref<1x48x128xf32, #tpu.memory_space<vmem>> -> memref<48x128xf32, #tpu.memory_space<vmem>>
          %dma_wait3A_757 = arith.constant 0 : i32
          %dma_wait3A_758 = tpu.memref_slice %arg9[%dma_wait3A_752, %dma_wait3A_757] : memref<6x48xi32, #tpu.memory_space<vmem>> -> memref<1x48xi32, #tpu.memory_space<vmem>>
          %dma_wait3A_759 = tpu.memref_squeeze %dma_wait3A_758 : memref<1x48xi32, #tpu.memory_space<vmem>> -> memref<48xi32, #tpu.memory_space<vmem>>
          %dma_wait3A_760 = arith.constant 0 : i32
          %dma_wait3A_761 = arith.constant 0 : i32
          %dma_wait3A_762 = tpu.memref_slice %arg11[%dma_wait3A_760, %dma_wait3A_761] : memref<10112x128xf32, #tpu.memory_space<vmem_shared>> -> memref<10112x128xf32, #tpu.memory_space<vmem_shared>>
          tpu.wait_indirect_dma semaphore(%arg19 : memref<!tpu.dma_semaphore, #tpu.memory_space<semaphore_mem>>) src(%dma_wait3A_756 : memref<48x128xf32, #tpu.memory_space<vmem>>) dst(%dma_wait3A_762 : memref<10112x128xf32, #tpu.memory_space<vmem_shared>>)
        } else {
        }
        %add3A_664 = arith.constant 6 : i32
        %add3A_665 = arith.addi %add3A_521, %add3A_664 : i32
        %sub3A_666 = arith.constant 1 : i32
        %sub3A_667 = arith.subi %add3A_665, %sub3A_666 : i32
        %mul3A_668 = arith.constant 48 : i32
        %mul3A_669 = arith.muli %sub3A_667, %mul3A_668 : i32
        %add3A_670 = arith.constant 0 : i32
        %add3A_671 = arith.addi %mul3A_669, %add3A_670 : i32
        %get3A_672 = arith.index_cast %add3A_671 : i32 to index
        %get3A_673 = tpu.vector_load %arg7[%get3A_672] {strides = array<i32>} : memref<10080xi32, #tpu.memory_space<vmem>>, vector<16xi32>,
        %get3A_674 = vector.shape_cast %get3A_673 : vector<16xi32> to vector<16xi32>
        %shift_right_logical3A_675 = arith.constant 14 : i32
        %shift_right_logical3A_676 = vector.broadcast %shift_right_logical3A_675 : i32 to vector<16xi32>
        %shift_right_logical3A_677 = arith.shrui %get3A_674, %shift_right_logical3A_676 : vector<16xi32>
        %swap3A_678 = arith.constant 1 : i32
        %swap3A_679 = arith.index_cast %swap3A_678 : i32 to index
        %swap3A_680 = arith.constant 0 : index
        %swap3A_681 = tpu.vector_load %arg9[%swap3A_679, %swap3A_680] {strides = array<i32>} : memref<6x48xi32, #tpu.memory_space<vmem>>, vector<1x16xi32>,
        %swap3A_682 = vector.shape_cast %swap3A_681 : vector<1x16xi32> to vector<16xi32>
        %swap3A_683 = vector.shape_cast %shift_right_logical3A_677 : vector<16xi32> to vector<1x16xi32>
        tpu.vector_store %arg9[%swap3A_679, %swap3A_680], %swap3A_683 {strides = array<i32>} : memref<6x48xi32, #tpu.memory_space<vmem>>, vector<1x16xi32>,
        %and3A_684 = arith.constant 16383 : i32
        %and3A_685 = vector.broadcast %and3A_684 : i32 to vector<16xi32>
        %and3A_686 = arith.andi %get3A_674, %and3A_685 : vector<16xi32>
        %swap3A_687 = arith.constant 1 : i32
        %swap3A_688 = arith.index_cast %swap3A_687 : i32 to index
        %swap3A_689 = arith.constant 0 : index
        %swap3A_690 = tpu.vector_load %arg8[%swap3A_688, %swap3A_689] {strides = array<i32>} : memref<6x48xi32, #tpu.memory_space<vmem>>, vector<1x16xi32>,
        %swap3A_691 = vector.shape_cast %swap3A_690 : vector<1x16xi32> to vector<16xi32>
        %swap3A_692 = vector.shape_cast %and3A_686 : vector<16xi32> to vector<1x16xi32>
        tpu.vector_store %arg8[%swap3A_688, %swap3A_689], %swap3A_692 {strides = array<i32>} : memref<6x48xi32, #tpu.memory_space<vmem>>, vector<1x16xi32>,
        %add3A_693 = arith.constant 16 : i32
        %add3A_694 = arith.addi %mul3A_669, %add3A_693 : i32
        %get3A_695 = arith.index_cast %add3A_694 : i32 to index
        %get3A_696 = tpu.vector_load %arg7[%get3A_695] {strides = array<i32>} : memref<10080xi32, #tpu.memory_space<vmem>>, vector<16xi32>,
        %get3A_697 = vector.shape_cast %get3A_696 : vector<16xi32> to vector<16xi32>
        %shift_right_logical3A_698 = arith.constant 14 : i32
        %shift_right_logical3A_699 = vector.broadcast %shift_right_logical3A_698 : i32 to vector<16xi32>
        %shift_right_logical3A_700 = arith.shrui %get3A_697, %shift_right_logical3A_699 : vector<16xi32>
        %swap3A_701 = arith.constant 1 : i32
        %swap3A_702 = arith.index_cast %swap3A_701 : i32 to index
        %swap3A_703 = arith.constant 16 : index
        %swap3A_704 = tpu.vector_load %arg9[%swap3A_702, %swap3A_703] {strides = array<i32>} : memref<6x48xi32, #tpu.memory_space<vmem>>, vector<1x16xi32>,
        %swap3A_705 = vector.shape_cast %swap3A_704 : vector<1x16xi32> to vector<16xi32>
        %swap3A_706 = vector.shape_cast %shift_right_logical3A_700 : vector<16xi32> to vector<1x16xi32>
        tpu.vector_store %arg9[%swap3A_702, %swap3A_703], %swap3A_706 {strides = array<i32>} : memref<6x48xi32, #tpu.memory_space<vmem>>, vector<1x16xi32>,
        %and3A_707 = arith.constant 16383 : i32
        %and3A_708 = vector.broadcast %and3A_707 : i32 to vector<16xi32>
        %and3A_709 = arith.andi %get3A_697, %and3A_708 : vector<16xi32>
        %swap3A_710 = arith.constant 1 : i32
        %swap3A_711 = arith.index_cast %swap3A_710 : i32 to index
        %swap3A_712 = arith.constant 16 : index
        %swap3A_713 = tpu.vector_load %arg8[%swap3A_711, %swap3A_712] {strides = array<i32>} : memref<6x48xi32, #tpu.memory_space<vmem>>, vector<1x16xi32>,
        %swap3A_714 = vector.shape_cast %swap3A_713 : vector<1x16xi32> to vector<16xi32>
        %swap3A_715 = vector.shape_cast %and3A_709 : vector<16xi32> to vector<1x16xi32>
        tpu.vector_store %arg8[%swap3A_711, %swap3A_712], %swap3A_715 {strides = array<i32>} : memref<6x48xi32, #tpu.memory_space<vmem>>, vector<1x16xi32>,
        %add3A_716 = arith.constant 32 : i32
        %add3A_717 = arith.addi %mul3A_669, %add3A_716 : i32
        %get3A_718 = arith.index_cast %add3A_717 : i32 to index
        %get3A_719 = tpu.vector_load %arg7[%get3A_718] {strides = array<i32>} : memref<10080xi32, #tpu.memory_space<vmem>>, vector<16xi32>,
        %get3A_720 = vector.shape_cast %get3A_719 : vector<16xi32> to vector<16xi32>
        %shift_right_logical3A_721 = arith.constant 14 : i32
        %shift_right_logical3A_722 = vector.broadcast %shift_right_logical3A_721 : i32 to vector<16xi32>
        %shift_right_logical3A_723 = arith.shrui %get3A_720, %shift_right_logical3A_722 : vector<16xi32>
        %swap3A_724 = arith.constant 1 : i32
        %swap3A_725 = arith.index_cast %swap3A_724 : i32 to index
        %swap3A_726 = arith.constant 32 : index
        %swap3A_727 = tpu.vector_load %arg9[%swap3A_725, %swap3A_726] {strides = array<i32>} : memref<6x48xi32, #tpu.memory_space<vmem>>, vector<1x16xi32>,
        %swap3A_728 = vector.shape_cast %swap3A_727 : vector<1x16xi32> to vector<16xi32>
        %swap3A_729 = vector.shape_cast %shift_right_logical3A_723 : vector<16xi32> to vector<1x16xi32>
        tpu.vector_store %arg9[%swap3A_725, %swap3A_726], %swap3A_729 {strides = array<i32>} : memref<6x48xi32, #tpu.memory_space<vmem>>, vector<1x16xi32>,
        %and3A_730 = arith.constant 16383 : i32
        %and3A_731 = vector.broadcast %and3A_730 : i32 to vector<16xi32>
        %and3A_732 = arith.andi %get3A_720, %and3A_731 : vector<16xi32>
        %swap3A_733 = arith.constant 1 : i32
        %swap3A_734 = arith.index_cast %swap3A_733 : i32 to index
        %swap3A_735 = arith.constant 32 : index
        %swap3A_736 = tpu.vector_load %arg8[%swap3A_734, %swap3A_735] {strides = array<i32>} : memref<6x48xi32, #tpu.memory_space<vmem>>, vector<1x16xi32>,
        %swap3A_737 = vector.shape_cast %swap3A_736 : vector<1x16xi32> to vector<16xi32>
        %swap3A_738 = vector.shape_cast %and3A_732 : vector<16xi32> to vector<1x16xi32>
        tpu.vector_store %arg8[%swap3A_734, %swap3A_735], %swap3A_738 {strides = array<i32>} : memref<6x48xi32, #tpu.memory_space<vmem>>, vector<1x16xi32>,
        %dma_start3A_739 = arith.constant 1 : i32
        %dma_start3A_740 = arith.constant 1 : i32
        %dma_start3A_741 = arith.constant 0 : i32
        %dma_start3A_742 = arith.constant 0 : i32
        %dma_start3A_743 = tpu.memref_slice %arg10[%dma_start3A_740, %dma_start3A_741, %dma_start3A_742] : memref<6x48x128xf32, #tpu.memory_space<vmem>> -> memref<1x48x128xf32, #tpu.memory_space<vmem>>
        %dma_start3A_744 = tpu.memref_squeeze %dma_start3A_743 : memref<1x48x128xf32, #tpu.memory_space<vmem>> -> memref<48x128xf32, #tpu.memory_space<vmem>>
        %dma_start3A_745 = arith.constant 0 : i32
        %dma_start3A_746 = tpu.memref_slice %arg8[%dma_start3A_739, %dma_start3A_745] : memref<6x48xi32, #tpu.memory_space<vmem>> -> memref<1x48xi32, #tpu.memory_space<vmem>>
        %dma_start3A_747 = tpu.memref_squeeze %dma_start3A_746 : memref<1x48xi32, #tpu.memory_space<vmem>> -> memref<48xi32, #tpu.memory_space<vmem>>
        %dma_start3A_748 = arith.constant 0 : i32
        %dma_start3A_749 = arith.constant 0 : i32
        %dma_start3A_750 = tpu.memref_slice %arg2[%dma_start3A_748, %dma_start3A_749] : memref<10000x128xf32, #tpu.memory_space<hbm>> -> memref<10000x128xf32, #tpu.memory_space<hbm>>
        tpu.enqueue_indirect_dma source(%dma_start3A_750 : memref<10000x128xf32, #tpu.memory_space<hbm>>) target(%dma_start3A_744 : memref<48x128xf32, #tpu.memory_space<vmem>>) offsets(%dma_start3A_747 : memref<48xi32, #tpu.memory_space<vmem>>) semaphore(%arg13 : memref<!tpu.dma_semaphore, #tpu.memory_space<semaphore_mem>>)
      } else {
      }
      %add3A_555 = arith.constant 3 : i32
      %add3A_556 = arith.addi %mul3A_453, %add3A_555 : i32
      %dma_wait3A_557 = arith.constant 3 : i32
      %dma_wait3A_558 = arith.constant 3 : i32
      %dma_wait3A_559 = arith.constant 0 : i32
      %dma_wait3A_560 = arith.constant 0 : i32
      %dma_wait3A_561 = tpu.memref_slice %arg10[%dma_wait3A_558, %dma_wait3A_559, %dma_wait3A_560] : memref<6x48x128xf32, #tpu.memory_space<vmem>> -> memref<1x48x128xf32, #tpu.memory_space<vmem>>
      %dma_wait3A_562 = tpu.memref_squeeze %dma_wait3A_561 : memref<1x48x128xf32, #tpu.memory_space<vmem>> -> memref<48x128xf32, #tpu.memory_space<vmem>>
      %dma_wait3A_563 = arith.constant 0 : i32
      %dma_wait3A_564 = tpu.memref_slice %arg8[%dma_wait3A_557, %dma_wait3A_563] : memref<6x48xi32, #tpu.memory_space<vmem>> -> memref<1x48xi32, #tpu.memory_space<vmem>>
      %dma_wait3A_565 = tpu.memref_squeeze %dma_wait3A_564 : memref<1x48xi32, #tpu.memory_space<vmem>> -> memref<48xi32, #tpu.memory_space<vmem>>
      %dma_wait3A_566 = arith.constant 0 : i32
      %dma_wait3A_567 = arith.constant 0 : i32
      %dma_wait3A_568 = tpu.memref_slice %arg2[%dma_wait3A_566, %dma_wait3A_567] : memref<10000x128xf32, #tpu.memory_space<hbm>> -> memref<10000x128xf32, #tpu.memory_space<hbm>>
      tpu.wait_indirect_dma semaphore(%arg15 : memref<!tpu.dma_semaphore, #tpu.memory_space<semaphore_mem>>) src(%dma_wait3A_568 : memref<10000x128xf32, #tpu.memory_space<hbm>>) dst(%dma_wait3A_562 : memref<48x128xf32, #tpu.memory_space<vmem>>)
      %dma_start3A_569 = arith.constant 3 : i32
      %dma_start3A_570 = arith.constant 3 : i32
      %dma_start3A_571 = arith.constant 0 : i32
      %dma_start3A_572 = arith.constant 0 : i32
      %dma_start3A_573 = tpu.memref_slice %arg10[%dma_start3A_569, %dma_start3A_571, %dma_start3A_572] : memref<6x48x128xf32, #tpu.memory_space<vmem>> -> memref<1x48x128xf32, #tpu.memory_space<vmem>>
      %dma_start3A_574 = tpu.memref_squeeze %dma_start3A_573 : memref<1x48x128xf32, #tpu.memory_space<vmem>> -> memref<48x128xf32, #tpu.memory_space<vmem>>
      %dma_start3A_575 = arith.constant 0 : i32
      %dma_start3A_576 = tpu.memref_slice %arg9[%dma_start3A_570, %dma_start3A_575] : memref<6x48xi32, #tpu.memory_space<vmem>> -> memref<1x48xi32, #tpu.memory_space<vmem>>
      %dma_start3A_577 = tpu.memref_squeeze %dma_start3A_576 : memref<1x48xi32, #tpu.memory_space<vmem>> -> memref<48xi32, #tpu.memory_space<vmem>>
      %dma_start3A_578 = arith.constant 0 : i32
      %dma_start3A_579 = arith.constant 0 : i32
      %dma_start3A_580 = tpu.memref_slice %arg11[%dma_start3A_578, %dma_start3A_579] : memref<10112x128xf32, #tpu.memory_space<vmem_shared>> -> memref<10112x128xf32, #tpu.memory_space<vmem_shared>>
      tpu.enqueue_indirect_dma source(%dma_start3A_574 : memref<48x128xf32, #tpu.memory_space<vmem>>) target(%dma_start3A_580 : memref<10112x128xf32, #tpu.memory_space<vmem_shared>>) offsets(%dma_start3A_577 : memref<48xi32, #tpu.memory_space<vmem>>) semaphore(%arg21 : memref<!tpu.dma_semaphore, #tpu.memory_space<semaphore_mem>>) {add = true}
      %add3A_581 = arith.constant 6 : i32
      %add3A_582 = arith.addi %add3A_556, %add3A_581 : i32
      %sub3A_583 = arith.constant 1 : i32
      %sub3A_584 = arith.subi %add3A_582, %sub3A_583 : i32
      %lt3A_585 = arith.constant 210 : i32
      %lt3A_586 = arith.cmpi slt, %sub3A_584, %lt3A_585 : i32
      %convert_element_type3A_587 = arith.extui %lt3A_586 : i1 to i32
      %cond3A_588 = arith.constant 0 : i32
      %cond3A_589 = arith.cmpi ne, %convert_element_type3A_587, %cond3A_588 : i32
      scf.if %cond3A_589 {
        %gt3A = arith.constant 0 : i32
        %gt3A_660 = arith.cmpi sgt, %add3A_556, %gt3A : i32
        %convert_element_type3A_661 = arith.extui %gt3A_660 : i1 to i32
        %cond3A_662 = arith.constant 0 : i32
        %cond3A_663 = arith.cmpi ne, %convert_element_type3A_661, %cond3A_662 : i32
        scf.if %cond3A_663 {
          %dma_wait3A_751 = arith.constant 2 : i32
          %dma_wait3A_752 = arith.constant 2 : i32
          %dma_wait3A_753 = arith.constant 0 : i32
          %dma_wait3A_754 = arith.constant 0 : i32
          %dma_wait3A_755 = tpu.memref_slice %arg10[%dma_wait3A_751, %dma_wait3A_753, %dma_wait3A_754] : memref<6x48x128xf32, #tpu.memory_space<vmem>> -> memref<1x48x128xf32, #tpu.memory_space<vmem>>
          %dma_wait3A_756 = tpu.memref_squeeze %dma_wait3A_755 : memref<1x48x128xf32, #tpu.memory_space<vmem>> -> memref<48x128xf32, #tpu.memory_space<vmem>>
          %dma_wait3A_757 = arith.constant 0 : i32
          %dma_wait3A_758 = tpu.memref_slice %arg9[%dma_wait3A_752, %dma_wait3A_757] : memref<6x48xi32, #tpu.memory_space<vmem>> -> memref<1x48xi32, #tpu.memory_space<vmem>>
          %dma_wait3A_759 = tpu.memref_squeeze %dma_wait3A_758 : memref<1x48xi32, #tpu.memory_space<vmem>> -> memref<48xi32, #tpu.memory_space<vmem>>
          %dma_wait3A_760 = arith.constant 0 : i32
          %dma_wait3A_761 = arith.constant 0 : i32
          %dma_wait3A_762 = tpu.memref_slice %arg11[%dma_wait3A_760, %dma_wait3A_761] : memref<10112x128xf32, #tpu.memory_space<vmem_shared>> -> memref<10112x128xf32, #tpu.memory_space<vmem_shared>>
          tpu.wait_indirect_dma semaphore(%arg20 : memref<!tpu.dma_semaphore, #tpu.memory_space<semaphore_mem>>) src(%dma_wait3A_756 : memref<48x128xf32, #tpu.memory_space<vmem>>) dst(%dma_wait3A_762 : memref<10112x128xf32, #tpu.memory_space<vmem_shared>>)
        } else {
        }
        %add3A_664 = arith.constant 6 : i32
        %add3A_665 = arith.addi %add3A_556, %add3A_664 : i32
        %sub3A_666 = arith.constant 1 : i32
        %sub3A_667 = arith.subi %add3A_665, %sub3A_666 : i32
        %mul3A_668 = arith.constant 48 : i32
        %mul3A_669 = arith.muli %sub3A_667, %mul3A_668 : i32
        %add3A_670 = arith.constant 0 : i32
        %add3A_671 = arith.addi %mul3A_669, %add3A_670 : i32
        %get3A_672 = arith.index_cast %add3A_671 : i32 to index
        %get3A_673 = tpu.vector_load %arg7[%get3A_672] {strides = array<i32>} : memref<10080xi32, #tpu.memory_space<vmem>>, vector<16xi32>,
        %get3A_674 = vector.shape_cast %get3A_673 : vector<16xi32> to vector<16xi32>
        %shift_right_logical3A_675 = arith.constant 14 : i32
        %shift_right_logical3A_676 = vector.broadcast %shift_right_logical3A_675 : i32 to vector<16xi32>
        %shift_right_logical3A_677 = arith.shrui %get3A_674, %shift_right_logical3A_676 : vector<16xi32>
        %swap3A_678 = arith.constant 2 : i32
        %swap3A_679 = arith.index_cast %swap3A_678 : i32 to index
        %swap3A_680 = arith.constant 0 : index
        %swap3A_681 = tpu.vector_load %arg9[%swap3A_679, %swap3A_680] {strides = array<i32>} : memref<6x48xi32, #tpu.memory_space<vmem>>, vector<1x16xi32>,
        %swap3A_682 = vector.shape_cast %swap3A_681 : vector<1x16xi32> to vector<16xi32>
        %swap3A_683 = vector.shape_cast %shift_right_logical3A_677 : vector<16xi32> to vector<1x16xi32>
        tpu.vector_store %arg9[%swap3A_679, %swap3A_680], %swap3A_683 {strides = array<i32>} : memref<6x48xi32, #tpu.memory_space<vmem>>, vector<1x16xi32>,
        %and3A_684 = arith.constant 16383 : i32
        %and3A_685 = vector.broadcast %and3A_684 : i32 to vector<16xi32>
        %and3A_686 = arith.andi %get3A_674, %and3A_685 : vector<16xi32>
        %swap3A_687 = arith.constant 2 : i32
        %swap3A_688 = arith.index_cast %swap3A_687 : i32 to index
        %swap3A_689 = arith.constant 0 : index
        %swap3A_690 = tpu.vector_load %arg8[%swap3A_688, %swap3A_689] {strides = array<i32>} : memref<6x48xi32, #tpu.memory_space<vmem>>, vector<1x16xi32>,
        %swap3A_691 = vector.shape_cast %swap3A_690 : vector<1x16xi32> to vector<16xi32>
        %swap3A_692 = vector.shape_cast %and3A_686 : vector<16xi32> to vector<1x16xi32>
        tpu.vector_store %arg8[%swap3A_688, %swap3A_689], %swap3A_692 {strides = array<i32>} : memref<6x48xi32, #tpu.memory_space<vmem>>, vector<1x16xi32>,
        %add3A_693 = arith.constant 16 : i32
        %add3A_694 = arith.addi %mul3A_669, %add3A_693 : i32
        %get3A_695 = arith.index_cast %add3A_694 : i32 to index
        %get3A_696 = tpu.vector_load %arg7[%get3A_695] {strides = array<i32>} : memref<10080xi32, #tpu.memory_space<vmem>>, vector<16xi32>,
        %get3A_697 = vector.shape_cast %get3A_696 : vector<16xi32> to vector<16xi32>
        %shift_right_logical3A_698 = arith.constant 14 : i32
        %shift_right_logical3A_699 = vector.broadcast %shift_right_logical3A_698 : i32 to vector<16xi32>
        %shift_right_logical3A_700 = arith.shrui %get3A_697, %shift_right_logical3A_699 : vector<16xi32>
        %swap3A_701 = arith.constant 2 : i32
        %swap3A_702 = arith.index_cast %swap3A_701 : i32 to index
        %swap3A_703 = arith.constant 16 : index
        %swap3A_704 = tpu.vector_load %arg9[%swap3A_702, %swap3A_703] {strides = array<i32>} : memref<6x48xi32, #tpu.memory_space<vmem>>, vector<1x16xi32>,
        %swap3A_705 = vector.shape_cast %swap3A_704 : vector<1x16xi32> to vector<16xi32>
        %swap3A_706 = vector.shape_cast %shift_right_logical3A_700 : vector<16xi32> to vector<1x16xi32>
        tpu.vector_store %arg9[%swap3A_702, %swap3A_703], %swap3A_706 {strides = array<i32>} : memref<6x48xi32, #tpu.memory_space<vmem>>, vector<1x16xi32>,
        %and3A_707 = arith.constant 16383 : i32
        %and3A_708 = vector.broadcast %and3A_707 : i32 to vector<16xi32>
        %and3A_709 = arith.andi %get3A_697, %and3A_708 : vector<16xi32>
        %swap3A_710 = arith.constant 2 : i32
        %swap3A_711 = arith.index_cast %swap3A_710 : i32 to index
        %swap3A_712 = arith.constant 16 : index
        %swap3A_713 = tpu.vector_load %arg8[%swap3A_711, %swap3A_712] {strides = array<i32>} : memref<6x48xi32, #tpu.memory_space<vmem>>, vector<1x16xi32>,
        %swap3A_714 = vector.shape_cast %swap3A_713 : vector<1x16xi32> to vector<16xi32>
        %swap3A_715 = vector.shape_cast %and3A_709 : vector<16xi32> to vector<1x16xi32>
        tpu.vector_store %arg8[%swap3A_711, %swap3A_712], %swap3A_715 {strides = array<i32>} : memref<6x48xi32, #tpu.memory_space<vmem>>, vector<1x16xi32>,
        %add3A_716 = arith.constant 32 : i32
        %add3A_717 = arith.addi %mul3A_669, %add3A_716 : i32
        %get3A_718 = arith.index_cast %add3A_717 : i32 to index
        %get3A_719 = tpu.vector_load %arg7[%get3A_718] {strides = array<i32>} : memref<10080xi32, #tpu.memory_space<vmem>>, vector<16xi32>,
        %get3A_720 = vector.shape_cast %get3A_719 : vector<16xi32> to vector<16xi32>
        %shift_right_logical3A_721 = arith.constant 14 : i32
        %shift_right_logical3A_722 = vector.broadcast %shift_right_logical3A_721 : i32 to vector<16xi32>
        %shift_right_logical3A_723 = arith.shrui %get3A_720, %shift_right_logical3A_722 : vector<16xi32>
        %swap3A_724 = arith.constant 2 : i32
        %swap3A_725 = arith.index_cast %swap3A_724 : i32 to index
        %swap3A_726 = arith.constant 32 : index
        %swap3A_727 = tpu.vector_load %arg9[%swap3A_725, %swap3A_726] {strides = array<i32>} : memref<6x48xi32, #tpu.memory_space<vmem>>, vector<1x16xi32>,
        %swap3A_728 = vector.shape_cast %swap3A_727 : vector<1x16xi32> to vector<16xi32>
        %swap3A_729 = vector.shape_cast %shift_right_logical3A_723 : vector<16xi32> to vector<1x16xi32>
        tpu.vector_store %arg9[%swap3A_725, %swap3A_726], %swap3A_729 {strides = array<i32>} : memref<6x48xi32, #tpu.memory_space<vmem>>, vector<1x16xi32>,
        %and3A_730 = arith.constant 16383 : i32
        %and3A_731 = vector.broadcast %and3A_730 : i32 to vector<16xi32>
        %and3A_732 = arith.andi %get3A_720, %and3A_731 : vector<16xi32>
        %swap3A_733 = arith.constant 2 : i32
        %swap3A_734 = arith.index_cast %swap3A_733 : i32 to index
        %swap3A_735 = arith.constant 32 : index
        %swap3A_736 = tpu.vector_load %arg8[%swap3A_734, %swap3A_735] {strides = array<i32>} : memref<6x48xi32, #tpu.memory_space<vmem>>, vector<1x16xi32>,
        %swap3A_737 = vector.shape_cast %swap3A_736 : vector<1x16xi32> to vector<16xi32>
        %swap3A_738 = vector.shape_cast %and3A_732 : vector<16xi32> to vector<1x16xi32>
        tpu.vector_store %arg8[%swap3A_734, %swap3A_735], %swap3A_738 {strides = array<i32>} : memref<6x48xi32, #tpu.memory_space<vmem>>, vector<1x16xi32>,
        %dma_start3A_739 = arith.constant 2 : i32
        %dma_start3A_740 = arith.constant 2 : i32
        %dma_start3A_741 = arith.constant 0 : i32
        %dma_start3A_742 = arith.constant 0 : i32
        %dma_start3A_743 = tpu.memref_slice %arg10[%dma_start3A_740, %dma_start3A_741, %dma_start3A_742] : memref<6x48x128xf32, #tpu.memory_space<vmem>> -> memref<1x48x128xf32, #tpu.memory_space<vmem>>
        %dma_start3A_744 = tpu.memref_squeeze %dma_start3A_743 : memref<1x48x128xf32, #tpu.memory_space<vmem>> -> memref<48x128xf32, #tpu.memory_space<vmem>>
        %dma_start3A_745 = arith.constant 0 : i32
        %dma_start3A_746 = tpu.memref_slice %arg8[%dma_start3A_739, %dma_start3A_745] : memref<6x48xi32, #tpu.memory_space<vmem>> -> memref<1x48xi32, #tpu.memory_space<vmem>>
        %dma_start3A_747 = tpu.memref_squeeze %dma_start3A_746 : memref<1x48xi32, #tpu.memory_space<vmem>> -> memref<48xi32, #tpu.memory_space<vmem>>
        %dma_start3A_748 = arith.constant 0 : i32
        %dma_start3A_749 = arith.constant 0 : i32
        %dma_start3A_750 = tpu.memref_slice %arg2[%dma_start3A_748, %dma_start3A_749] : memref<10000x128xf32, #tpu.memory_space<hbm>> -> memref<10000x128xf32, #tpu.memory_space<hbm>>
        tpu.enqueue_indirect_dma source(%dma_start3A_750 : memref<10000x128xf32, #tpu.memory_space<hbm>>) target(%dma_start3A_744 : memref<48x128xf32, #tpu.memory_space<vmem>>) offsets(%dma_start3A_747 : memref<48xi32, #tpu.memory_space<vmem>>) semaphore(%arg14 : memref<!tpu.dma_semaphore, #tpu.memory_space<semaphore_mem>>)
      } else {
      }
      %add3A_590 = arith.constant 4 : i32
      %add3A_591 = arith.addi %mul3A_453, %add3A_590 : i32
      %dma_wait3A_592 = arith.constant 4 : i32
      %dma_wait3A_593 = arith.constant 4 : i32
      %dma_wait3A_594 = arith.constant 0 : i32
      %dma_wait3A_595 = arith.constant 0 : i32
      %dma_wait3A_596 = tpu.memref_slice %arg10[%dma_wait3A_593, %dma_wait3A_594, %dma_wait3A_595] : memref<6x48x128xf32, #tpu.memory_space<vmem>> -> memref<1x48x128xf32, #tpu.memory_space<vmem>>
      %dma_wait3A_597 = tpu.memref_squeeze %dma_wait3A_596 : memref<1x48x128xf32, #tpu.memory_space<vmem>> -> memref<48x128xf32, #tpu.memory_space<vmem>>
      %dma_wait3A_598 = arith.constant 0 : i32
      %dma_wait3A_599 = tpu.memref_slice %arg8[%dma_wait3A_592, %dma_wait3A_598] : memref<6x48xi32, #tpu.memory_space<vmem>> -> memref<1x48xi32, #tpu.memory_space<vmem>>
      %dma_wait3A_600 = tpu.memref_squeeze %dma_wait3A_599 : memref<1x48xi32, #tpu.memory_space<vmem>> -> memref<48xi32, #tpu.memory_space<vmem>>
      %dma_wait3A_601 = arith.constant 0 : i32
      %dma_wait3A_602 = arith.constant 0 : i32
      %dma_wait3A_603 = tpu.memref_slice %arg2[%dma_wait3A_601, %dma_wait3A_602] : memref<10000x128xf32, #tpu.memory_space<hbm>> -> memref<10000x128xf32, #tpu.memory_space<hbm>>
      tpu.wait_indirect_dma semaphore(%arg16 : memref<!tpu.dma_semaphore, #tpu.memory_space<semaphore_mem>>) src(%dma_wait3A_603 : memref<10000x128xf32, #tpu.memory_space<hbm>>) dst(%dma_wait3A_597 : memref<48x128xf32, #tpu.memory_space<vmem>>)
      %dma_start3A_604 = arith.constant 4 : i32
      %dma_start3A_605 = arith.constant 4 : i32
      %dma_start3A_606 = arith.constant 0 : i32
      %dma_start3A_607 = arith.constant 0 : i32
      %dma_start3A_608 = tpu.memref_slice %arg10[%dma_start3A_604, %dma_start3A_606, %dma_start3A_607] : memref<6x48x128xf32, #tpu.memory_space<vmem>> -> memref<1x48x128xf32, #tpu.memory_space<vmem>>
      %dma_start3A_609 = tpu.memref_squeeze %dma_start3A_608 : memref<1x48x128xf32, #tpu.memory_space<vmem>> -> memref<48x128xf32, #tpu.memory_space<vmem>>
      %dma_start3A_610 = arith.constant 0 : i32
      %dma_start3A_611 = tpu.memref_slice %arg9[%dma_start3A_605, %dma_start3A_610] : memref<6x48xi32, #tpu.memory_space<vmem>> -> memref<1x48xi32, #tpu.memory_space<vmem>>
      %dma_start3A_612 = tpu.memref_squeeze %dma_start3A_611 : memref<1x48xi32, #tpu.memory_space<vmem>> -> memref<48xi32, #tpu.memory_space<vmem>>
      %dma_start3A_613 = arith.constant 0 : i32
      %dma_start3A_614 = arith.constant 0 : i32
      %dma_start3A_615 = tpu.memref_slice %arg11[%dma_start3A_613, %dma_start3A_614] : memref<10112x128xf32, #tpu.memory_space<vmem_shared>> -> memref<10112x128xf32, #tpu.memory_space<vmem_shared>>
      tpu.enqueue_indirect_dma source(%dma_start3A_609 : memref<48x128xf32, #tpu.memory_space<vmem>>) target(%dma_start3A_615 : memref<10112x128xf32, #tpu.memory_space<vmem_shared>>) offsets(%dma_start3A_612 : memref<48xi32, #tpu.memory_space<vmem>>) semaphore(%arg22 : memref<!tpu.dma_semaphore, #tpu.memory_space<semaphore_mem>>) {add = true}
      %add3A_616 = arith.constant 6 : i32
      %add3A_617 = arith.addi %add3A_591, %add3A_616 : i32
      %sub3A_618 = arith.constant 1 : i32
      %sub3A_619 = arith.subi %add3A_617, %sub3A_618 : i32
      %lt3A_620 = arith.constant 210 : i32
      %lt3A_621 = arith.cmpi slt, %sub3A_619, %lt3A_620 : i32
      %convert_element_type3A_622 = arith.extui %lt3A_621 : i1 to i32
      %cond3A_623 = arith.constant 0 : i32
      %cond3A_624 = arith.cmpi ne, %convert_element_type3A_622, %cond3A_623 : i32
      scf.if %cond3A_624 {
        %gt3A = arith.constant 0 : i32
        %gt3A_660 = arith.cmpi sgt, %add3A_591, %gt3A : i32
        %convert_element_type3A_661 = arith.extui %gt3A_660 : i1 to i32
        %cond3A_662 = arith.constant 0 : i32
        %cond3A_663 = arith.cmpi ne, %convert_element_type3A_661, %cond3A_662 : i32
        scf.if %cond3A_663 {
          %dma_wait3A_751 = arith.constant 3 : i32
          %dma_wait3A_752 = arith.constant 3 : i32
          %dma_wait3A_753 = arith.constant 0 : i32
          %dma_wait3A_754 = arith.constant 0 : i32
          %dma_wait3A_755 = tpu.memref_slice %arg10[%dma_wait3A_751, %dma_wait3A_753, %dma_wait3A_754] : memref<6x48x128xf32, #tpu.memory_space<vmem>> -> memref<1x48x128xf32, #tpu.memory_space<vmem>>
          %dma_wait3A_756 = tpu.memref_squeeze %dma_wait3A_755 : memref<1x48x128xf32, #tpu.memory_space<vmem>> -> memref<48x128xf32, #tpu.memory_space<vmem>>
          %dma_wait3A_757 = arith.constant 0 : i32
          %dma_wait3A_758 = tpu.memref_slice %arg9[%dma_wait3A_752, %dma_wait3A_757] : memref<6x48xi32, #tpu.memory_space<vmem>> -> memref<1x48xi32, #tpu.memory_space<vmem>>
          %dma_wait3A_759 = tpu.memref_squeeze %dma_wait3A_758 : memref<1x48xi32, #tpu.memory_space<vmem>> -> memref<48xi32, #tpu.memory_space<vmem>>
          %dma_wait3A_760 = arith.constant 0 : i32
          %dma_wait3A_761 = arith.constant 0 : i32
          %dma_wait3A_762 = tpu.memref_slice %arg11[%dma_wait3A_760, %dma_wait3A_761] : memref<10112x128xf32, #tpu.memory_space<vmem_shared>> -> memref<10112x128xf32, #tpu.memory_space<vmem_shared>>
          tpu.wait_indirect_dma semaphore(%arg21 : memref<!tpu.dma_semaphore, #tpu.memory_space<semaphore_mem>>) src(%dma_wait3A_756 : memref<48x128xf32, #tpu.memory_space<vmem>>) dst(%dma_wait3A_762 : memref<10112x128xf32, #tpu.memory_space<vmem_shared>>)
        } else {
        }
        %add3A_664 = arith.constant 6 : i32
        %add3A_665 = arith.addi %add3A_591, %add3A_664 : i32
        %sub3A_666 = arith.constant 1 : i32
        %sub3A_667 = arith.subi %add3A_665, %sub3A_666 : i32
        %mul3A_668 = arith.constant 48 : i32
        %mul3A_669 = arith.muli %sub3A_667, %mul3A_668 : i32
        %add3A_670 = arith.constant 0 : i32
        %add3A_671 = arith.addi %mul3A_669, %add3A_670 : i32
        %get3A_672 = arith.index_cast %add3A_671 : i32 to index
        %get3A_673 = tpu.vector_load %arg7[%get3A_672] {strides = array<i32>} : memref<10080xi32, #tpu.memory_space<vmem>>, vector<16xi32>,
        %get3A_674 = vector.shape_cast %get3A_673 : vector<16xi32> to vector<16xi32>
        %shift_right_logical3A_675 = arith.constant 14 : i32
        %shift_right_logical3A_676 = vector.broadcast %shift_right_logical3A_675 : i32 to vector<16xi32>
        %shift_right_logical3A_677 = arith.shrui %get3A_674, %shift_right_logical3A_676 : vector<16xi32>
        %swap3A_678 = arith.constant 3 : i32
        %swap3A_679 = arith.index_cast %swap3A_678 : i32 to index
        %swap3A_680 = arith.constant 0 : index
        %swap3A_681 = tpu.vector_load %arg9[%swap3A_679, %swap3A_680] {strides = array<i32>} : memref<6x48xi32, #tpu.memory_space<vmem>>, vector<1x16xi32>,
        %swap3A_682 = vector.shape_cast %swap3A_681 : vector<1x16xi32> to vector<16xi32>
        %swap3A_683 = vector.shape_cast %shift_right_logical3A_677 : vector<16xi32> to vector<1x16xi32>
        tpu.vector_store %arg9[%swap3A_679, %swap3A_680], %swap3A_683 {strides = array<i32>} : memref<6x48xi32, #tpu.memory_space<vmem>>, vector<1x16xi32>,
        %and3A_684 = arith.constant 16383 : i32
        %and3A_685 = vector.broadcast %and3A_684 : i32 to vector<16xi32>
        %and3A_686 = arith.andi %get3A_674, %and3A_685 : vector<16xi32>
        %swap3A_687 = arith.constant 3 : i32
        %swap3A_688 = arith.index_cast %swap3A_687 : i32 to index
        %swap3A_689 = arith.constant 0 : index
        %swap3A_690 = tpu.vector_load %arg8[%swap3A_688, %swap3A_689] {strides = array<i32>} : memref<6x48xi32, #tpu.memory_space<vmem>>, vector<1x16xi32>,
        %swap3A_691 = vector.shape_cast %swap3A_690 : vector<1x16xi32> to vector<16xi32>
        %swap3A_692 = vector.shape_cast %and3A_686 : vector<16xi32> to vector<1x16xi32>
        tpu.vector_store %arg8[%swap3A_688, %swap3A_689], %swap3A_692 {strides = array<i32>} : memref<6x48xi32, #tpu.memory_space<vmem>>, vector<1x16xi32>,
        %add3A_693 = arith.constant 16 : i32
        %add3A_694 = arith.addi %mul3A_669, %add3A_693 : i32
        %get3A_695 = arith.index_cast %add3A_694 : i32 to index
        %get3A_696 = tpu.vector_load %arg7[%get3A_695] {strides = array<i32>} : memref<10080xi32, #tpu.memory_space<vmem>>, vector<16xi32>,
        %get3A_697 = vector.shape_cast %get3A_696 : vector<16xi32> to vector<16xi32>
        %shift_right_logical3A_698 = arith.constant 14 : i32
        %shift_right_logical3A_699 = vector.broadcast %shift_right_logical3A_698 : i32 to vector<16xi32>
        %shift_right_logical3A_700 = arith.shrui %get3A_697, %shift_right_logical3A_699 : vector<16xi32>
        %swap3A_701 = arith.constant 3 : i32
        %swap3A_702 = arith.index_cast %swap3A_701 : i32 to index
        %swap3A_703 = arith.constant 16 : index
        %swap3A_704 = tpu.vector_load %arg9[%swap3A_702, %swap3A_703] {strides = array<i32>} : memref<6x48xi32, #tpu.memory_space<vmem>>, vector<1x16xi32>,
        %swap3A_705 = vector.shape_cast %swap3A_704 : vector<1x16xi32> to vector<16xi32>
        %swap3A_706 = vector.shape_cast %shift_right_logical3A_700 : vector<16xi32> to vector<1x16xi32>
        tpu.vector_store %arg9[%swap3A_702, %swap3A_703], %swap3A_706 {strides = array<i32>} : memref<6x48xi32, #tpu.memory_space<vmem>>, vector<1x16xi32>,
        %and3A_707 = arith.constant 16383 : i32
        %and3A_708 = vector.broadcast %and3A_707 : i32 to vector<16xi32>
        %and3A_709 = arith.andi %get3A_697, %and3A_708 : vector<16xi32>
        %swap3A_710 = arith.constant 3 : i32
        %swap3A_711 = arith.index_cast %swap3A_710 : i32 to index
        %swap3A_712 = arith.constant 16 : index
        %swap3A_713 = tpu.vector_load %arg8[%swap3A_711, %swap3A_712] {strides = array<i32>} : memref<6x48xi32, #tpu.memory_space<vmem>>, vector<1x16xi32>,
        %swap3A_714 = vector.shape_cast %swap3A_713 : vector<1x16xi32> to vector<16xi32>
        %swap3A_715 = vector.shape_cast %and3A_709 : vector<16xi32> to vector<1x16xi32>
        tpu.vector_store %arg8[%swap3A_711, %swap3A_712], %swap3A_715 {strides = array<i32>} : memref<6x48xi32, #tpu.memory_space<vmem>>, vector<1x16xi32>,
        %add3A_716 = arith.constant 32 : i32
        %add3A_717 = arith.addi %mul3A_669, %add3A_716 : i32
        %get3A_718 = arith.index_cast %add3A_717 : i32 to index
        %get3A_719 = tpu.vector_load %arg7[%get3A_718] {strides = array<i32>} : memref<10080xi32, #tpu.memory_space<vmem>>, vector<16xi32>,
        %get3A_720 = vector.shape_cast %get3A_719 : vector<16xi32> to vector<16xi32>
        %shift_right_logical3A_721 = arith.constant 14 : i32
        %shift_right_logical3A_722 = vector.broadcast %shift_right_logical3A_721 : i32 to vector<16xi32>
        %shift_right_logical3A_723 = arith.shrui %get3A_720, %shift_right_logical3A_722 : vector<16xi32>
        %swap3A_724 = arith.constant 3 : i32
        %swap3A_725 = arith.index_cast %swap3A_724 : i32 to index
        %swap3A_726 = arith.constant 32 : index
        %swap3A_727 = tpu.vector_load %arg9[%swap3A_725, %swap3A_726] {strides = array<i32>} : memref<6x48xi32, #tpu.memory_space<vmem>>, vector<1x16xi32>,
        %swap3A_728 = vector.shape_cast %swap3A_727 : vector<1x16xi32> to vector<16xi32>
        %swap3A_729 = vector.shape_cast %shift_right_logical3A_723 : vector<16xi32> to vector<1x16xi32>
        tpu.vector_store %arg9[%swap3A_725, %swap3A_726], %swap3A_729 {strides = array<i32>} : memref<6x48xi32, #tpu.memory_space<vmem>>, vector<1x16xi32>,
        %and3A_730 = arith.constant 16383 : i32
        %and3A_731 = vector.broadcast %and3A_730 : i32 to vector<16xi32>
        %and3A_732 = arith.andi %get3A_720, %and3A_731 : vector<16xi32>
        %swap3A_733 = arith.constant 3 : i32
        %swap3A_734 = arith.index_cast %swap3A_733 : i32 to index
        %swap3A_735 = arith.constant 32 : index
        %swap3A_736 = tpu.vector_load %arg8[%swap3A_734, %swap3A_735] {strides = array<i32>} : memref<6x48xi32, #tpu.memory_space<vmem>>, vector<1x16xi32>,
        %swap3A_737 = vector.shape_cast %swap3A_736 : vector<1x16xi32> to vector<16xi32>
        %swap3A_738 = vector.shape_cast %and3A_732 : vector<16xi32> to vector<1x16xi32>
        tpu.vector_store %arg8[%swap3A_734, %swap3A_735], %swap3A_738 {strides = array<i32>} : memref<6x48xi32, #tpu.memory_space<vmem>>, vector<1x16xi32>,
        %dma_start3A_739 = arith.constant 3 : i32
        %dma_start3A_740 = arith.constant 3 : i32
        %dma_start3A_741 = arith.constant 0 : i32
        %dma_start3A_742 = arith.constant 0 : i32
        %dma_start3A_743 = tpu.memref_slice %arg10[%dma_start3A_740, %dma_start3A_741, %dma_start3A_742] : memref<6x48x128xf32, #tpu.memory_space<vmem>> -> memref<1x48x128xf32, #tpu.memory_space<vmem>>
        %dma_start3A_744 = tpu.memref_squeeze %dma_start3A_743 : memref<1x48x128xf32, #tpu.memory_space<vmem>> -> memref<48x128xf32, #tpu.memory_space<vmem>>
        %dma_start3A_745 = arith.constant 0 : i32
        %dma_start3A_746 = tpu.memref_slice %arg8[%dma_start3A_739, %dma_start3A_745] : memref<6x48xi32, #tpu.memory_space<vmem>> -> memref<1x48xi32, #tpu.memory_space<vmem>>
        %dma_start3A_747 = tpu.memref_squeeze %dma_start3A_746 : memref<1x48xi32, #tpu.memory_space<vmem>> -> memref<48xi32, #tpu.memory_space<vmem>>
        %dma_start3A_748 = arith.constant 0 : i32
        %dma_start3A_749 = arith.constant 0 : i32
        %dma_start3A_750 = tpu.memref_slice %arg2[%dma_start3A_748, %dma_start3A_749] : memref<10000x128xf32, #tpu.memory_space<hbm>> -> memref<10000x128xf32, #tpu.memory_space<hbm>>
        tpu.enqueue_indirect_dma source(%dma_start3A_750 : memref<10000x128xf32, #tpu.memory_space<hbm>>) target(%dma_start3A_744 : memref<48x128xf32, #tpu.memory_space<vmem>>) offsets(%dma_start3A_747 : memref<48xi32, #tpu.memory_space<vmem>>) semaphore(%arg15 : memref<!tpu.dma_semaphore, #tpu.memory_space<semaphore_mem>>)
      } else {
      }
      %add3A_625 = arith.constant 5 : i32
      %add3A_626 = arith.addi %mul3A_453, %add3A_625 : i32
      %dma_wait3A_627 = arith.constant 5 : i32
      %dma_wait3A_628 = arith.constant 5 : i32
      %dma_wait3A_629 = arith.constant 0 : i32
      %dma_wait3A_630 = arith.constant 0 : i32
      %dma_wait3A_631 = tpu.memref_slice %arg10[%dma_wait3A_628, %dma_wait3A_629, %dma_wait3A_630] : memref<6x48x128xf32, #tpu.memory_space<vmem>> -> memref<1x48x128xf32, #tpu.memory_space<vmem>>
      %dma_wait3A_632 = tpu.memref_squeeze %dma_wait3A_631 : memref<1x48x128xf32, #tpu.memory_space<vmem>> -> memref<48x128xf32, #tpu.memory_space<vmem>>
      %dma_wait3A_633 = arith.constant 0 : i32
      %dma_wait3A_634 = tpu.memref_slice %arg8[%dma_wait3A_627, %dma_wait3A_633] : memref<6x48xi32, #tpu.memory_space<vmem>> -> memref<1x48xi32, #tpu.memory_space<vmem>>
      %dma_wait3A_635 = tpu.memref_squeeze %dma_wait3A_634 : memref<1x48xi32, #tpu.memory_space<vmem>> -> memref<48xi32, #tpu.memory_space<vmem>>
      %dma_wait3A_636 = arith.constant 0 : i32
      %dma_wait3A_637 = arith.constant 0 : i32
      %dma_wait3A_638 = tpu.memref_slice %arg2[%dma_wait3A_636, %dma_wait3A_637] : memref<10000x128xf32, #tpu.memory_space<hbm>> -> memref<10000x128xf32, #tpu.memory_space<hbm>>
      tpu.wait_indirect_dma semaphore(%arg17 : memref<!tpu.dma_semaphore, #tpu.memory_space<semaphore_mem>>) src(%dma_wait3A_638 : memref<10000x128xf32, #tpu.memory_space<hbm>>) dst(%dma_wait3A_632 : memref<48x128xf32, #tpu.memory_space<vmem>>)
      %dma_start3A_639 = arith.constant 5 : i32
      %dma_start3A_640 = arith.constant 5 : i32
      %dma_start3A_641 = arith.constant 0 : i32
      %dma_start3A_642 = arith.constant 0 : i32
      %dma_start3A_643 = tpu.memref_slice %arg10[%dma_start3A_639, %dma_start3A_641, %dma_start3A_642] : memref<6x48x128xf32, #tpu.memory_space<vmem>> -> memref<1x48x128xf32, #tpu.memory_space<vmem>>
      %dma_start3A_644 = tpu.memref_squeeze %dma_start3A_643 : memref<1x48x128xf32, #tpu.memory_space<vmem>> -> memref<48x128xf32, #tpu.memory_space<vmem>>
      %dma_start3A_645 = arith.constant 0 : i32
      %dma_start3A_646 = tpu.memref_slice %arg9[%dma_start3A_640, %dma_start3A_645] : memref<6x48xi32, #tpu.memory_space<vmem>> -> memref<1x48xi32, #tpu.memory_space<vmem>>
      %dma_start3A_647 = tpu.memref_squeeze %dma_start3A_646 : memref<1x48xi32, #tpu.memory_space<vmem>> -> memref<48xi32, #tpu.memory_space<vmem>>
      %dma_start3A_648 = arith.constant 0 : i32
      %dma_start3A_649 = arith.constant 0 : i32
      %dma_start3A_650 = tpu.memref_slice %arg11[%dma_start3A_648, %dma_start3A_649] : memref<10112x128xf32, #tpu.memory_space<vmem_shared>> -> memref<10112x128xf32, #tpu.memory_space<vmem_shared>>
      tpu.enqueue_indirect_dma source(%dma_start3A_644 : memref<48x128xf32, #tpu.memory_space<vmem>>) target(%dma_start3A_650 : memref<10112x128xf32, #tpu.memory_space<vmem_shared>>) offsets(%dma_start3A_647 : memref<48xi32, #tpu.memory_space<vmem>>) semaphore(%arg23 : memref<!tpu.dma_semaphore, #tpu.memory_space<semaphore_mem>>) {add = true}
      %add3A_651 = arith.constant 6 : i32
      %add3A_652 = arith.addi %add3A_626, %add3A_651 : i32
      %sub3A_653 = arith.constant 1 : i32
      %sub3A_654 = arith.subi %add3A_652, %sub3A_653 : i32
      %lt3A_655 = arith.constant 210 : i32
      %lt3A_656 = arith.cmpi slt, %sub3A_654, %lt3A_655 : i32
      %convert_element_type3A_657 = arith.extui %lt3A_656 : i1 to i32
      %cond3A_658 = arith.constant 0 : i32
      %cond3A_659 = arith.cmpi ne, %convert_element_type3A_657, %cond3A_658 : i32
      scf.if %cond3A_659 {
        %gt3A = arith.constant 0 : i32
        %gt3A_660 = arith.cmpi sgt, %add3A_626, %gt3A : i32
        %convert_element_type3A_661 = arith.extui %gt3A_660 : i1 to i32
        %cond3A_662 = arith.constant 0 : i32
        %cond3A_663 = arith.cmpi ne, %convert_element_type3A_661, %cond3A_662 : i32
        scf.if %cond3A_663 {
          %dma_wait3A_751 = arith.constant 4 : i32
          %dma_wait3A_752 = arith.constant 4 : i32
          %dma_wait3A_753 = arith.constant 0 : i32
          %dma_wait3A_754 = arith.constant 0 : i32
          %dma_wait3A_755 = tpu.memref_slice %arg10[%dma_wait3A_751, %dma_wait3A_753, %dma_wait3A_754] : memref<6x48x128xf32, #tpu.memory_space<vmem>> -> memref<1x48x128xf32, #tpu.memory_space<vmem>>
          %dma_wait3A_756 = tpu.memref_squeeze %dma_wait3A_755 : memref<1x48x128xf32, #tpu.memory_space<vmem>> -> memref<48x128xf32, #tpu.memory_space<vmem>>
          %dma_wait3A_757 = arith.constant 0 : i32
          %dma_wait3A_758 = tpu.memref_slice %arg9[%dma_wait3A_752, %dma_wait3A_757] : memref<6x48xi32, #tpu.memory_space<vmem>> -> memref<1x48xi32, #tpu.memory_space<vmem>>
          %dma_wait3A_759 = tpu.memref_squeeze %dma_wait3A_758 : memref<1x48xi32, #tpu.memory_space<vmem>> -> memref<48xi32, #tpu.memory_space<vmem>>
          %dma_wait3A_760 = arith.constant 0 : i32
          %dma_wait3A_761 = arith.constant 0 : i32
          %dma_wait3A_762 = tpu.memref_slice %arg11[%dma_wait3A_760, %dma_wait3A_761] : memref<10112x128xf32, #tpu.memory_space<vmem_shared>> -> memref<10112x128xf32, #tpu.memory_space<vmem_shared>>
          tpu.wait_indirect_dma semaphore(%arg22 : memref<!tpu.dma_semaphore, #tpu.memory_space<semaphore_mem>>) src(%dma_wait3A_756 : memref<48x128xf32, #tpu.memory_space<vmem>>) dst(%dma_wait3A_762 : memref<10112x128xf32, #tpu.memory_space<vmem_shared>>)
        } else {
        }
        %add3A_664 = arith.constant 6 : i32
        %add3A_665 = arith.addi %add3A_626, %add3A_664 : i32
        %sub3A_666 = arith.constant 1 : i32
        %sub3A_667 = arith.subi %add3A_665, %sub3A_666 : i32
        %mul3A_668 = arith.constant 48 : i32
        %mul3A_669 = arith.muli %sub3A_667, %mul3A_668 : i32
        %add3A_670 = arith.constant 0 : i32
        %add3A_671 = arith.addi %mul3A_669, %add3A_670 : i32
        %get3A_672 = arith.index_cast %add3A_671 : i32 to index
        %get3A_673 = tpu.vector_load %arg7[%get3A_672] {strides = array<i32>} : memref<10080xi32, #tpu.memory_space<vmem>>, vector<16xi32>,
        %get3A_674 = vector.shape_cast %get3A_673 : vector<16xi32> to vector<16xi32>
        %shift_right_logical3A_675 = arith.constant 14 : i32
        %shift_right_logical3A_676 = vector.broadcast %shift_right_logical3A_675 : i32 to vector<16xi32>
        %shift_right_logical3A_677 = arith.shrui %get3A_674, %shift_right_logical3A_676 : vector<16xi32>
        %swap3A_678 = arith.constant 4 : i32
        %swap3A_679 = arith.index_cast %swap3A_678 : i32 to index
        %swap3A_680 = arith.constant 0 : index
        %swap3A_681 = tpu.vector_load %arg9[%swap3A_679, %swap3A_680] {strides = array<i32>} : memref<6x48xi32, #tpu.memory_space<vmem>>, vector<1x16xi32>,
        %swap3A_682 = vector.shape_cast %swap3A_681 : vector<1x16xi32> to vector<16xi32>
        %swap3A_683 = vector.shape_cast %shift_right_logical3A_677 : vector<16xi32> to vector<1x16xi32>
        tpu.vector_store %arg9[%swap3A_679, %swap3A_680], %swap3A_683 {strides = array<i32>} : memref<6x48xi32, #tpu.memory_space<vmem>>, vector<1x16xi32>,
        %and3A_684 = arith.constant 16383 : i32
        %and3A_685 = vector.broadcast %and3A_684 : i32 to vector<16xi32>
        %and3A_686 = arith.andi %get3A_674, %and3A_685 : vector<16xi32>
        %swap3A_687 = arith.constant 4 : i32
        %swap3A_688 = arith.index_cast %swap3A_687 : i32 to index
        %swap3A_689 = arith.constant 0 : index
        %swap3A_690 = tpu.vector_load %arg8[%swap3A_688, %swap3A_689] {strides = array<i32>} : memref<6x48xi32, #tpu.memory_space<vmem>>, vector<1x16xi32>,
        %swap3A_691 = vector.shape_cast %swap3A_690 : vector<1x16xi32> to vector<16xi32>
        %swap3A_692 = vector.shape_cast %and3A_686 : vector<16xi32> to vector<1x16xi32>
        tpu.vector_store %arg8[%swap3A_688, %swap3A_689], %swap3A_692 {strides = array<i32>} : memref<6x48xi32, #tpu.memory_space<vmem>>, vector<1x16xi32>,
        %add3A_693 = arith.constant 16 : i32
        %add3A_694 = arith.addi %mul3A_669, %add3A_693 : i32
        %get3A_695 = arith.index_cast %add3A_694 : i32 to index
        %get3A_696 = tpu.vector_load %arg7[%get3A_695] {strides = array<i32>} : memref<10080xi32, #tpu.memory_space<vmem>>, vector<16xi32>,
        %get3A_697 = vector.shape_cast %get3A_696 : vector<16xi32> to vector<16xi32>
        %shift_right_logical3A_698 = arith.constant 14 : i32
        %shift_right_logical3A_699 = vector.broadcast %shift_right_logical3A_698 : i32 to vector<16xi32>
        %shift_right_logical3A_700 = arith.shrui %get3A_697, %shift_right_logical3A_699 : vector<16xi32>
        %swap3A_701 = arith.constant 4 : i32
        %swap3A_702 = arith.index_cast %swap3A_701 : i32 to index
        %swap3A_703 = arith.constant 16 : index
        %swap3A_704 = tpu.vector_load %arg9[%swap3A_702, %swap3A_703] {strides = array<i32>} : memref<6x48xi32, #tpu.memory_space<vmem>>, vector<1x16xi32>,
        %swap3A_705 = vector.shape_cast %swap3A_704 : vector<1x16xi32> to vector<16xi32>
        %swap3A_706 = vector.shape_cast %shift_right_logical3A_700 : vector<16xi32> to vector<1x16xi32>
        tpu.vector_store %arg9[%swap3A_702, %swap3A_703], %swap3A_706 {strides = array<i32>} : memref<6x48xi32, #tpu.memory_space<vmem>>, vector<1x16xi32>,
        %and3A_707 = arith.constant 16383 : i32
        %and3A_708 = vector.broadcast %and3A_707 : i32 to vector<16xi32>
        %and3A_709 = arith.andi %get3A_697, %and3A_708 : vector<16xi32>
        %swap3A_710 = arith.constant 4 : i32
        %swap3A_711 = arith.index_cast %swap3A_710 : i32 to index
        %swap3A_712 = arith.constant 16 : index
        %swap3A_713 = tpu.vector_load %arg8[%swap3A_711, %swap3A_712] {strides = array<i32>} : memref<6x48xi32, #tpu.memory_space<vmem>>, vector<1x16xi32>,
        %swap3A_714 = vector.shape_cast %swap3A_713 : vector<1x16xi32> to vector<16xi32>
        %swap3A_715 = vector.shape_cast %and3A_709 : vector<16xi32> to vector<1x16xi32>
        tpu.vector_store %arg8[%swap3A_711, %swap3A_712], %swap3A_715 {strides = array<i32>} : memref<6x48xi32, #tpu.memory_space<vmem>>, vector<1x16xi32>,
        %add3A_716 = arith.constant 32 : i32
        %add3A_717 = arith.addi %mul3A_669, %add3A_716 : i32
        %get3A_718 = arith.index_cast %add3A_717 : i32 to index
        %get3A_719 = tpu.vector_load %arg7[%get3A_718] {strides = array<i32>} : memref<10080xi32, #tpu.memory_space<vmem>>, vector<16xi32>,
        %get3A_720 = vector.shape_cast %get3A_719 : vector<16xi32> to vector<16xi32>
        %shift_right_logical3A_721 = arith.constant 14 : i32
        %shift_right_logical3A_722 = vector.broadcast %shift_right_logical3A_721 : i32 to vector<16xi32>
        %shift_right_logical3A_723 = arith.shrui %get3A_720, %shift_right_logical3A_722 : vector<16xi32>
        %swap3A_724 = arith.constant 4 : i32
        %swap3A_725 = arith.index_cast %swap3A_724 : i32 to index
        %swap3A_726 = arith.constant 32 : index
        %swap3A_727 = tpu.vector_load %arg9[%swap3A_725, %swap3A_726] {strides = array<i32>} : memref<6x48xi32, #tpu.memory_space<vmem>>, vector<1x16xi32>,
        %swap3A_728 = vector.shape_cast %swap3A_727 : vector<1x16xi32> to vector<16xi32>
        %swap3A_729 = vector.shape_cast %shift_right_logical3A_723 : vector<16xi32> to vector<1x16xi32>
        tpu.vector_store %arg9[%swap3A_725, %swap3A_726], %swap3A_729 {strides = array<i32>} : memref<6x48xi32, #tpu.memory_space<vmem>>, vector<1x16xi32>,
        %and3A_730 = arith.constant 16383 : i32
        %and3A_731 = vector.broadcast %and3A_730 : i32 to vector<16xi32>
        %and3A_732 = arith.andi %get3A_720, %and3A_731 : vector<16xi32>
        %swap3A_733 = arith.constant 4 : i32
        %swap3A_734 = arith.index_cast %swap3A_733 : i32 to index
        %swap3A_735 = arith.constant 32 : index
        %swap3A_736 = tpu.vector_load %arg8[%swap3A_734, %swap3A_735] {strides = array<i32>} : memref<6x48xi32, #tpu.memory_space<vmem>>, vector<1x16xi32>,
        %swap3A_737 = vector.shape_cast %swap3A_736 : vector<1x16xi32> to vector<16xi32>
        %swap3A_738 = vector.shape_cast %and3A_732 : vector<16xi32> to vector<1x16xi32>
        tpu.vector_store %arg8[%swap3A_734, %swap3A_735], %swap3A_738 {strides = array<i32>} : memref<6x48xi32, #tpu.memory_space<vmem>>, vector<1x16xi32>,
        %dma_start3A_739 = arith.constant 4 : i32
        %dma_start3A_740 = arith.constant 4 : i32
        %dma_start3A_741 = arith.constant 0 : i32
        %dma_start3A_742 = arith.constant 0 : i32
        %dma_start3A_743 = tpu.memref_slice %arg10[%dma_start3A_740, %dma_start3A_741, %dma_start3A_742] : memref<6x48x128xf32, #tpu.memory_space<vmem>> -> memref<1x48x128xf32, #tpu.memory_space<vmem>>
        %dma_start3A_744 = tpu.memref_squeeze %dma_start3A_743 : memref<1x48x128xf32, #tpu.memory_space<vmem>> -> memref<48x128xf32, #tpu.memory_space<vmem>>
        %dma_start3A_745 = arith.constant 0 : i32
        %dma_start3A_746 = tpu.memref_slice %arg8[%dma_start3A_739, %dma_start3A_745] : memref<6x48xi32, #tpu.memory_space<vmem>> -> memref<1x48xi32, #tpu.memory_space<vmem>>
        %dma_start3A_747 = tpu.memref_squeeze %dma_start3A_746 : memref<1x48xi32, #tpu.memory_space<vmem>> -> memref<48xi32, #tpu.memory_space<vmem>>
        %dma_start3A_748 = arith.constant 0 : i32
        %dma_start3A_749 = arith.constant 0 : i32
        %dma_start3A_750 = tpu.memref_slice %arg2[%dma_start3A_748, %dma_start3A_749] : memref<10000x128xf32, #tpu.memory_space<hbm>> -> memref<10000x128xf32, #tpu.memory_space<hbm>>
        tpu.enqueue_indirect_dma source(%dma_start3A_750 : memref<10000x128xf32, #tpu.memory_space<hbm>>) target(%dma_start3A_744 : memref<48x128xf32, #tpu.memory_space<vmem>>) offsets(%dma_start3A_747 : memref<48xi32, #tpu.memory_space<vmem>>) semaphore(%arg16 : memref<!tpu.dma_semaphore, #tpu.memory_space<semaphore_mem>>)
      } else {
      }
    }
    %scan3A_378 = arith.constant 35 : i32
    %dma_wait3A = arith.constant 0 : i32
    %dma_wait3A_379 = arith.constant 0 : i32
    %dma_wait3A_380 = arith.constant 0 : i32
    %dma_wait3A_381 = arith.constant 0 : i32
    %dma_wait3A_382 = tpu.memref_slice %arg10[%dma_wait3A, %dma_wait3A_380, %dma_wait3A_381] : memref<6x48x128xf32, #tpu.memory_space<vmem>> -> memref<1x48x128xf32, #tpu.memory_space<vmem>>
    %dma_wait3A_383 = tpu.memref_squeeze %dma_wait3A_382 : memref<1x48x128xf32, #tpu.memory_space<vmem>> -> memref<48x128xf32, #tpu.memory_space<vmem>>
    %dma_wait3A_384 = arith.constant 0 : i32
    %dma_wait3A_385 = tpu.memref_slice %arg9[%dma_wait3A_379, %dma_wait3A_384] : memref<6x48xi32, #tpu.memory_space<vmem>> -> memref<1x48xi32, #tpu.memory_space<vmem>>
    %dma_wait3A_386 = tpu.memref_squeeze %dma_wait3A_385 : memref<1x48xi32, #tpu.memory_space<vmem>> -> memref<48xi32, #tpu.memory_space<vmem>>
    %dma_wait3A_387 = arith.constant 0 : i32
    %dma_wait3A_388 = arith.constant 0 : i32
    %dma_wait3A_389 = tpu.memref_slice %arg11[%dma_wait3A_387, %dma_wait3A_388] : memref<10112x128xf32, #tpu.memory_space<vmem_shared>> -> memref<10112x128xf32, #tpu.memory_space<vmem_shared>>
    tpu.wait_indirect_dma semaphore(%arg18 : memref<!tpu.dma_semaphore, #tpu.memory_space<semaphore_mem>>) src(%dma_wait3A_383 : memref<48x128xf32, #tpu.memory_space<vmem>>) dst(%dma_wait3A_389 : memref<10112x128xf32, #tpu.memory_space<vmem_shared>>)
    %dma_wait3A_390 = arith.constant 1 : i32
    %dma_wait3A_391 = arith.constant 1 : i32
    %dma_wait3A_392 = arith.constant 0 : i32
    %dma_wait3A_393 = arith.constant 0 : i32
    %dma_wait3A_394 = tpu.memref_slice %arg10[%dma_wait3A_390, %dma_wait3A_392, %dma_wait3A_393] : memref<6x48x128xf32, #tpu.memory_space<vmem>> -> memref<1x48x128xf32, #tpu.memory_space<vmem>>
    %dma_wait3A_395 = tpu.memref_squeeze %dma_wait3A_394 : memref<1x48x128xf32, #tpu.memory_space<vmem>> -> memref<48x128xf32, #tpu.memory_space<vmem>>
    %dma_wait3A_396 = arith.constant 0 : i32
    %dma_wait3A_397 = tpu.memref_slice %arg9[%dma_wait3A_391, %dma_wait3A_396] : memref<6x48xi32, #tpu.memory_space<vmem>> -> memref<1x48xi32, #tpu.memory_space<vmem>>
    %dma_wait3A_398 = tpu.memref_squeeze %dma_wait3A_397 : memref<1x48xi32, #tpu.memory_space<vmem>> -> memref<48xi32, #tpu.memory_space<vmem>>
    %dma_wait3A_399 = arith.constant 0 : i32
    %dma_wait3A_400 = arith.constant 0 : i32
    %dma_wait3A_401 = tpu.memref_slice %arg11[%dma_wait3A_399, %dma_wait3A_400] : memref<10112x128xf32, #tpu.memory_space<vmem_shared>> -> memref<10112x128xf32, #tpu.memory_space<vmem_shared>>
    tpu.wait_indirect_dma semaphore(%arg19 : memref<!tpu.dma_semaphore, #tpu.memory_space<semaphore_mem>>) src(%dma_wait3A_395 : memref<48x128xf32, #tpu.memory_space<vmem>>) dst(%dma_wait3A_401 : memref<10112x128xf32, #tpu.memory_space<vmem_shared>>)
    %dma_wait3A_402 = arith.constant 2 : i32
    %dma_wait3A_403 = arith.constant 2 : i32
    %dma_wait3A_404 = arith.constant 0 : i32
    %dma_wait3A_405 = arith.constant 0 : i32
    %dma_wait3A_406 = tpu.memref_slice %arg10[%dma_wait3A_402, %dma_wait3A_404, %dma_wait3A_405] : memref<6x48x128xf32, #tpu.memory_space<vmem>> -> memref<1x48x128xf32, #tpu.memory_space<vmem>>
    %dma_wait3A_407 = tpu.memref_squeeze %dma_wait3A_406 : memref<1x48x128xf32, #tpu.memory_space<vmem>> -> memref<48x128xf32, #tpu.memory_space<vmem>>
    %dma_wait3A_408 = arith.constant 0 : i32
    %dma_wait3A_409 = tpu.memref_slice %arg9[%dma_wait3A_403, %dma_wait3A_408] : memref<6x48xi32, #tpu.memory_space<vmem>> -> memref<1x48xi32, #tpu.memory_space<vmem>>
    %dma_wait3A_410 = tpu.memref_squeeze %dma_wait3A_409 : memref<1x48xi32, #tpu.memory_space<vmem>> -> memref<48xi32, #tpu.memory_space<vmem>>
    %dma_wait3A_411 = arith.constant 0 : i32
    %dma_wait3A_412 = arith.constant 0 : i32
    %dma_wait3A_413 = tpu.memref_slice %arg11[%dma_wait3A_411, %dma_wait3A_412] : memref<10112x128xf32, #tpu.memory_space<vmem_shared>> -> memref<10112x128xf32, #tpu.memory_space<vmem_shared>>
    tpu.wait_indirect_dma semaphore(%arg20 : memref<!tpu.dma_semaphore, #tpu.memory_space<semaphore_mem>>) src(%dma_wait3A_407 : memref<48x128xf32, #tpu.memory_space<vmem>>) dst(%dma_wait3A_413 : memref<10112x128xf32, #tpu.memory_space<vmem_shared>>)
    %dma_wait3A_414 = arith.constant 3 : i32
    %dma_wait3A_415 = arith.constant 3 : i32
    %dma_wait3A_416 = arith.constant 0 : i32
    %dma_wait3A_417 = arith.constant 0 : i32
    %dma_wait3A_418 = tpu.memref_slice %arg10[%dma_wait3A_414, %dma_wait3A_416, %dma_wait3A_417] : memref<6x48x128xf32, #tpu.memory_space<vmem>> -> memref<1x48x128xf32, #tpu.memory_space<vmem>>
    %dma_wait3A_419 = tpu.memref_squeeze %dma_wait3A_418 : memref<1x48x128xf32, #tpu.memory_space<vmem>> -> memref<48x128xf32, #tpu.memory_space<vmem>>
    %dma_wait3A_420 = arith.constant 0 : i32
    %dma_wait3A_421 = tpu.memref_slice %arg9[%dma_wait3A_415, %dma_wait3A_420] : memref<6x48xi32, #tpu.memory_space<vmem>> -> memref<1x48xi32, #tpu.memory_space<vmem>>
    %dma_wait3A_422 = tpu.memref_squeeze %dma_wait3A_421 : memref<1x48xi32, #tpu.memory_space<vmem>> -> memref<48xi32, #tpu.memory_space<vmem>>
    %dma_wait3A_423 = arith.constant 0 : i32
    %dma_wait3A_424 = arith.constant 0 : i32
    %dma_wait3A_425 = tpu.memref_slice %arg11[%dma_wait3A_423, %dma_wait3A_424] : memref<10112x128xf32, #tpu.memory_space<vmem_shared>> -> memref<10112x128xf32, #tpu.memory_space<vmem_shared>>
    tpu.wait_indirect_dma semaphore(%arg21 : memref<!tpu.dma_semaphore, #tpu.memory_space<semaphore_mem>>) src(%dma_wait3A_419 : memref<48x128xf32, #tpu.memory_space<vmem>>) dst(%dma_wait3A_425 : memref<10112x128xf32, #tpu.memory_space<vmem_shared>>)
    %dma_wait3A_426 = arith.constant 4 : i32
    %dma_wait3A_427 = arith.constant 4 : i32
    %dma_wait3A_428 = arith.constant 0 : i32
    %dma_wait3A_429 = arith.constant 0 : i32
    %dma_wait3A_430 = tpu.memref_slice %arg10[%dma_wait3A_426, %dma_wait3A_428, %dma_wait3A_429] : memref<6x48x128xf32, #tpu.memory_space<vmem>> -> memref<1x48x128xf32, #tpu.memory_space<vmem>>
    %dma_wait3A_431 = tpu.memref_squeeze %dma_wait3A_430 : memref<1x48x128xf32, #tpu.memory_space<vmem>> -> memref<48x128xf32, #tpu.memory_space<vmem>>
    %dma_wait3A_432 = arith.constant 0 : i32
    %dma_wait3A_433 = tpu.memref_slice %arg9[%dma_wait3A_427, %dma_wait3A_432] : memref<6x48xi32, #tpu.memory_space<vmem>> -> memref<1x48xi32, #tpu.memory_space<vmem>>
    %dma_wait3A_434 = tpu.memref_squeeze %dma_wait3A_433 : memref<1x48xi32, #tpu.memory_space<vmem>> -> memref<48xi32, #tpu.memory_space<vmem>>
    %dma_wait3A_435 = arith.constant 0 : i32
    %dma_wait3A_436 = arith.constant 0 : i32
    %dma_wait3A_437 = tpu.memref_slice %arg11[%dma_wait3A_435, %dma_wait3A_436] : memref<10112x128xf32, #tpu.memory_space<vmem_shared>> -> memref<10112x128xf32, #tpu.memory_space<vmem_shared>>
    tpu.wait_indirect_dma semaphore(%arg22 : memref<!tpu.dma_semaphore, #tpu.memory_space<semaphore_mem>>) src(%dma_wait3A_431 : memref<48x128xf32, #tpu.memory_space<vmem>>) dst(%dma_wait3A_437 : memref<10112x128xf32, #tpu.memory_space<vmem_shared>>)
    %dma_wait3A_438 = arith.constant 5 : i32
    %dma_wait3A_439 = arith.constant 5 : i32
    %dma_wait3A_440 = arith.constant 0 : i32
    %dma_wait3A_441 = arith.constant 0 : i32
    %dma_wait3A_442 = tpu.memref_slice %arg10[%dma_wait3A_438, %dma_wait3A_440, %dma_wait3A_441] : memref<6x48x128xf32, #tpu.memory_space<vmem>> -> memref<1x48x128xf32, #tpu.memory_space<vmem>>
    %dma_wait3A_443 = tpu.memref_squeeze %dma_wait3A_442 : memref<1x48x128xf32, #tpu.memory_space<vmem>> -> memref<48x128xf32, #tpu.memory_space<vmem>>
    %dma_wait3A_444 = arith.constant 0 : i32
    %dma_wait3A_445 = tpu.memref_slice %arg9[%dma_wait3A_439, %dma_wait3A_444] : memref<6x48xi32, #tpu.memory_space<vmem>> -> memref<1x48xi32, #tpu.memory_space<vmem>>
    %dma_wait3A_446 = tpu.memref_squeeze %dma_wait3A_445 : memref<1x48xi32, #tpu.memory_space<vmem>> -> memref<48xi32, #tpu.memory_space<vmem>>
    %dma_wait3A_447 = arith.constant 0 : i32
    %dma_wait3A_448 = arith.constant 0 : i32
    %dma_wait3A_449 = tpu.memref_slice %arg11[%dma_wait3A_447, %dma_wait3A_448] : memref<10112x128xf32, #tpu.memory_space<vmem_shared>> -> memref<10112x128xf32, #tpu.memory_space<vmem_shared>>
    tpu.wait_indirect_dma semaphore(%arg23 : memref<!tpu.dma_semaphore, #tpu.memory_space<semaphore_mem>>) src(%dma_wait3A_443 : memref<48x128xf32, #tpu.memory_space<vmem>>) dst(%dma_wait3A_449 : memref<10112x128xf32, #tpu.memory_space<vmem_shared>>)
    %barrier3A_450 = arith.constant 0 : index
    tpu.barrier barrier_id(%barrier3A_450)
    "tpu.region"() ({
      %run_scoped3A = tpu.sem_alloc : memref<!tpu.dma_semaphore, #tpu.memory_space<semaphore_mem>>
      %dma_start3A_451 = arith.constant 0 : i32
      %dma_start3A_452 = arith.constant 0 : i32
      %dma_start3A_453 = tpu.memref_slice %arg6[%arg0, %dma_start3A_451, %dma_start3A_452] : memref<2x10112x128xf32, #tpu.memory_space<hbm>> -> memref<1x10112x128xf32, #tpu.memory_space<hbm>>
      %dma_start3A_454 = tpu.memref_squeeze %dma_start3A_453 : memref<1x10112x128xf32, #tpu.memory_space<hbm>> -> memref<10112x128xf32, #tpu.memory_space<hbm>>
      %dma_start3A_455 = arith.constant 0 : i32
      %dma_start3A_456 = tpu.memref_slice %dma_start3A_454[%mul3A_2, %dma_start3A_455] : memref<10112x128xf32, #tpu.memory_space<hbm>> -> memref<632x128xf32, #tpu.memory_space<hbm>>
      %dma_start3A_457 = arith.constant 0 : i32
      %dma_start3A_458 = tpu.memref_slice %arg11[%mul3A_2, %dma_start3A_457] : memref<10112x128xf32, #tpu.memory_space<vmem_shared>> -> memref<632x128xf32, #tpu.memory_space<vmem_shared>>
      tpu.enqueue_dma source(%dma_start3A_458 : memref<632x128xf32, #tpu.memory_space<vmem_shared>>) target(%dma_start3A_456 : memref<632x128xf32, #tpu.memory_space<hbm>>) target_semaphore(%run_scoped3A : memref<!tpu.dma_semaphore, #tpu.memory_space<semaphore_mem>>)
      %dma_wait3A_459 = arith.constant 0 : i32
      %dma_wait3A_460 = arith.constant 0 : i32
      %dma_wait3A_461 = tpu.memref_slice %arg6[%arg0, %dma_wait3A_459, %dma_wait3A_460] : memref<2x10112x128xf32, #tpu.memory_space<hbm>> -> memref<1x10112x128xf32, #tpu.memory_space<hbm>>
      %dma_wait3A_462 = tpu.memref_squeeze %dma_wait3A_461 : memref<1x10112x128xf32, #tpu.memory_space<hbm>> -> memref<10112x128xf32, #tpu.memory_space<hbm>>
      %dma_wait3A_463 = arith.constant 0 : i32
      %dma_wait3A_464 = tpu.memref_slice %dma_wait3A_462[%mul3A_2, %dma_wait3A_463] : memref<10112x128xf32, #tpu.memory_space<hbm>> -> memref<632x128xf32, #tpu.memory_space<hbm>>
      %dma_wait3A_465 = arith.constant 0 : i32
      %dma_wait3A_466 = tpu.memref_slice %arg11[%mul3A_2, %dma_wait3A_465] : memref<10112x128xf32, #tpu.memory_space<vmem_shared>> -> memref<632x128xf32, #tpu.memory_space<vmem_shared>>
      tpu.wait_dma2 semaphore(%run_scoped3A : memref<!tpu.dma_semaphore, #tpu.memory_space<semaphore_mem>>) src(%dma_wait3A_466 : memref<632x128xf32, #tpu.memory_space<vmem_shared>>) dst(%dma_wait3A_464 : memref<632x128xf32, #tpu.memory_space<hbm>>)
      tpu.yield
    }) : () -> ()
    return
  }
}

#map = affine_map<(d0, d1) -> (0, 0)>
#map1 = affine_map<(d0, d1) -> (0)>
#map2 = affine_map<(d0, d1) -> (0, 0, 0)>
module attributes {stable_mosaic.version = 14 : i64} {
  func.func @sc_kernel(%arg0: i32, %arg1: i32, %arg2: memref<10000x128xf32, #tpu.memory_space<hbm>>, %arg3: memref<322560xi32, #tpu.memory_space<hbm>>, %arg4: memref<10112x128xf32, #tpu.memory_space<hbm>>, %arg5: memref<10112xf32, #tpu.memory_space<hbm>>, %arg6: memref<2x10112x128xf32, #tpu.memory_space<hbm>>, %arg7: memref<2x10112xf32, #tpu.memory_space<hbm>>, %arg8: memref<10080xi32, #tpu.memory_space<vmem>>, %arg9: memref<6x48xi32, #tpu.memory_space<vmem>>, %arg10: memref<6x48xi32, #tpu.memory_space<vmem>>, %arg11: memref<6x48x128xf32, #tpu.memory_space<vmem>>, %arg12: memref<10112x128xf32, #tpu.memory_space<vmem_shared>>, %arg13: memref<!tpu.dma_semaphore, #tpu.memory_space<semaphore_mem>>, %arg14: memref<!tpu.dma_semaphore, #tpu.memory_space<semaphore_mem>>, %arg15: memref<!tpu.dma_semaphore, #tpu.memory_space<semaphore_mem>>, %arg16: memref<!tpu.dma_semaphore, #tpu.memory_space<semaphore_mem>>, %arg17: memref<!tpu.dma_semaphore, #tpu.memory_space<semaphore_mem>>, %arg18: memref<!tpu.dma_semaphore, #tpu.memory_space<semaphore_mem>>, %arg19: memref<!tpu.dma_semaphore, #tpu.memory_space<semaphore_mem>>, %arg20: memref<!tpu.dma_semaphore, #tpu.memory_space<semaphore_mem>>, %arg21: memref<!tpu.dma_semaphore, #tpu.memory_space<semaphore_mem>>, %arg22: memref<!tpu.dma_semaphore, #tpu.memory_space<semaphore_mem>>, %arg23: memref<!tpu.dma_semaphore, #tpu.memory_space<semaphore_mem>>, %arg24: memref<!tpu.dma_semaphore, #tpu.memory_space<semaphore_mem>>, %arg25: memref<10112xf32, #tpu.memory_space<vmem_shared>>, %arg26: memref<48xf32, #tpu.memory_space<vmem>>) attributes {dimension_semantics = [#tpu.dimension_semantics<core_parallel>, #tpu.dimension_semantics<subcore_parallel>], iteration_bounds = array<i64: 2, 16>, scalar_prefetch = 0 : i64, scratch_operands = 19 : i64, tpu.core_type = #tpu.core_type<sc_vector_subcore>, window_params = [{transform_indices = #map}, {transform_indices = #map1}, {transform_indices = #map}, {transform_indices = #map1}, {transform_indices = #map2}, {transform_indices = #map}]} {
    %mul3A = arith.constant 16 : i32
    %mul3A_0 = arith.muli %arg0, %mul3A : i32
    %add3A = arith.addi %mul3A_0, %arg1 : i32
    %mul3A_1 = arith.constant 632 : i32
    %mul3A_2 = arith.muli %arg1, %mul3A_1 : i32
    "tpu.region"() ({
      %run_scoped3A = tpu.sem_alloc : memref<!tpu.dma_semaphore, #tpu.memory_space<semaphore_mem>>
      %dma_start3A_511 = arith.constant 0 : i32
      %dma_start3A_512 = tpu.memref_slice %arg12[%mul3A_2, %dma_start3A_511] : memref<10112x128xf32, #tpu.memory_space<vmem_shared>> -> memref<632x128xf32, #tpu.memory_space<vmem_shared>>
      %dma_start3A_513 = arith.constant 0 : i32
      %dma_start3A_514 = tpu.memref_slice %arg4[%mul3A_2, %dma_start3A_513] : memref<10112x128xf32, #tpu.memory_space<hbm>> -> memref<632x128xf32, #tpu.memory_space<hbm>>
      tpu.enqueue_dma source(%dma_start3A_514 : memref<632x128xf32, #tpu.memory_space<hbm>>) target(%dma_start3A_512 : memref<632x128xf32, #tpu.memory_space<vmem_shared>>) target_semaphore(%run_scoped3A : memref<!tpu.dma_semaphore, #tpu.memory_space<semaphore_mem>>)
      %dma_wait3A_515 = arith.constant 0 : i32
      %dma_wait3A_516 = tpu.memref_slice %arg12[%mul3A_2, %dma_wait3A_515] : memref<10112x128xf32, #tpu.memory_space<vmem_shared>> -> memref<632x128xf32, #tpu.memory_space<vmem_shared>>
      %dma_wait3A_517 = arith.constant 0 : i32
      %dma_wait3A_518 = tpu.memref_slice %arg4[%mul3A_2, %dma_wait3A_517] : memref<10112x128xf32, #tpu.memory_space<hbm>> -> memref<632x128xf32, #tpu.memory_space<hbm>>
      tpu.wait_dma2 semaphore(%run_scoped3A : memref<!tpu.dma_semaphore, #tpu.memory_space<semaphore_mem>>) src(%dma_wait3A_518 : memref<632x128xf32, #tpu.memory_space<hbm>>) dst(%dma_wait3A_516 : memref<632x128xf32, #tpu.memory_space<vmem_shared>>)
      tpu.yield
    }) : () -> ()
    %mul3A_3 = arith.constant 10080 : i32
    %mul3A_4 = arith.muli %add3A, %mul3A_3 : i32
    "tpu.region"() ({
      %run_scoped3A = tpu.sem_alloc : memref<!tpu.dma_semaphore, #tpu.memory_space<semaphore_mem>>
      %dma_start3A_511 = tpu.memref_slice %arg3[%mul3A_4] : memref<322560xi32, #tpu.memory_space<hbm>> -> memref<10080xi32, #tpu.memory_space<hbm>>
      %dma_start3A_512 = tpu.memref_slice %arg3[%mul3A_4] : memref<322560xi32, #tpu.memory_space<hbm>> -> memref<10080xi32, #tpu.memory_space<hbm>>
      tpu.enqueue_dma source(%dma_start3A_512 : memref<10080xi32, #tpu.memory_space<hbm>>) target(%arg8 : memref<10080xi32, #tpu.memory_space<vmem>>) target_semaphore(%run_scoped3A : memref<!tpu.dma_semaphore, #tpu.memory_space<semaphore_mem>>)
      %dma_wait3A_513 = tpu.memref_slice %arg3[%mul3A_4] : memref<322560xi32, #tpu.memory_space<hbm>> -> memref<10080xi32, #tpu.memory_space<hbm>>
      %dma_wait3A_514 = tpu.memref_slice %arg3[%mul3A_4] : memref<322560xi32, #tpu.memory_space<hbm>> -> memref<10080xi32, #tpu.memory_space<hbm>>
      tpu.wait_dma2 semaphore(%run_scoped3A : memref<!tpu.dma_semaphore, #tpu.memory_space<semaphore_mem>>) src(%dma_wait3A_514 : memref<10080xi32, #tpu.memory_space<hbm>>) dst(%arg8 : memref<10080xi32, #tpu.memory_space<vmem>>)
      tpu.yield
    }) : () -> ()
    %eq3A = arith.constant 0 : i32
    %eq3A_5 = arith.cmpi eq, %arg1, %eq3A : i32
    %convert_element_type3A = arith.extui %eq3A_5 : i1 to i32
    %cond3A = arith.constant 0 : i32
    %cond3A_6 = arith.cmpi ne, %convert_element_type3A, %cond3A : i32
    scf.if %cond3A_6 {
      "tpu.region"() ({
        %run_scoped3A = tpu.sem_alloc : memref<!tpu.dma_semaphore, #tpu.memory_space<semaphore_mem>>
        tpu.enqueue_dma source(%arg5 : memref<10112xf32, #tpu.memory_space<hbm>>) target(%arg25 : memref<10112xf32, #tpu.memory_space<vmem_shared>>) target_semaphore(%run_scoped3A : memref<!tpu.dma_semaphore, #tpu.memory_space<semaphore_mem>>)
        tpu.wait_dma2 semaphore(%run_scoped3A : memref<!tpu.dma_semaphore, #tpu.memory_space<semaphore_mem>>) src(%arg5 : memref<10112xf32, #tpu.memory_space<hbm>>) dst(%arg25 : memref<10112xf32, #tpu.memory_space<vmem_shared>>)
        tpu.yield
      }) : () -> ()
    } else {
    }
    %broadcast_in_dim3A = arith.constant 1.000000e+00 : f32
    %broadcast_in_dim3A_7 = vector.broadcast %broadcast_in_dim3A : f32 to vector<16xf32>
    %swap3A = arith.constant 0 : index
    %swap3A_8 = tpu.vector_load %arg26[%swap3A] {strides = array<i32>} : memref<48xf32, #tpu.memory_space<vmem>>, vector<16xf32>,
    %swap3A_9 = vector.shape_cast %swap3A_8 : vector<16xf32> to vector<16xf32>
    %swap3A_10 = vector.shape_cast %broadcast_in_dim3A_7 : vector<16xf32> to vector<16xf32>
    tpu.vector_store %arg26[%swap3A], %swap3A_10 {strides = array<i32>} : memref<48xf32, #tpu.memory_space<vmem>>, vector<16xf32>,
    %broadcast_in_dim3A_11 = arith.constant 1.000000e+00 : f32
    %broadcast_in_dim3A_12 = vector.broadcast %broadcast_in_dim3A_11 : f32 to vector<16xf32>
    %swap3A_13 = arith.constant 16 : index
    %swap3A_14 = tpu.vector_load %arg26[%swap3A_13] {strides = array<i32>} : memref<48xf32, #tpu.memory_space<vmem>>, vector<16xf32>,
    %swap3A_15 = vector.shape_cast %swap3A_14 : vector<16xf32> to vector<16xf32>
    %swap3A_16 = vector.shape_cast %broadcast_in_dim3A_12 : vector<16xf32> to vector<16xf32>
    tpu.vector_store %arg26[%swap3A_13], %swap3A_16 {strides = array<i32>} : memref<48xf32, #tpu.memory_space<vmem>>, vector<16xf32>,
    %broadcast_in_dim3A_17 = arith.constant 1.000000e+00 : f32
    %broadcast_in_dim3A_18 = vector.broadcast %broadcast_in_dim3A_17 : f32 to vector<16xf32>
    %swap3A_19 = arith.constant 32 : index
    %swap3A_20 = tpu.vector_load %arg26[%swap3A_19] {strides = array<i32>} : memref<48xf32, #tpu.memory_space<vmem>>, vector<16xf32>,
    %swap3A_21 = vector.shape_cast %swap3A_20 : vector<16xf32> to vector<16xf32>
    %swap3A_22 = vector.shape_cast %broadcast_in_dim3A_18 : vector<16xf32> to vector<16xf32>
    tpu.vector_store %arg26[%swap3A_19], %swap3A_22 {strides = array<i32>} : memref<48xf32, #tpu.memory_space<vmem>>, vector<16xf32>,
    %barrier3A = arith.constant 0 : index
    tpu.barrier barrier_id(%barrier3A)
    %get3A = arith.constant 0 : index
    %get3A_23 = tpu.vector_load %arg8[%get3A] {strides = array<i32>} : memref<10080xi32, #tpu.memory_space<vmem>>, vector<16xi32>,
    %get3A_24 = vector.shape_cast %get3A_23 : vector<16xi32> to vector<16xi32>
    %shift_right_logical3A = arith.constant 14 : i32
    %shift_right_logical3A_25 = vector.broadcast %shift_right_logical3A : i32 to vector<16xi32>
    %shift_right_logical3A_26 = arith.shrui %get3A_24, %shift_right_logical3A_25 : vector<16xi32>
    %swap3A_27 = arith.constant 0 : i32
    %swap3A_28 = arith.index_cast %swap3A_27 : i32 to index
    %swap3A_29 = arith.constant 0 : index
    %swap3A_30 = tpu.vector_load %arg10[%swap3A_28, %swap3A_29] {strides = array<i32>} : memref<6x48xi32, #tpu.memory_space<vmem>>, vector<1x16xi32>,
    %swap3A_31 = vector.shape_cast %swap3A_30 : vector<1x16xi32> to vector<16xi32>
    %swap3A_32 = vector.shape_cast %shift_right_logical3A_26 : vector<16xi32> to vector<1x16xi32>
    tpu.vector_store %arg10[%swap3A_28, %swap3A_29], %swap3A_32 {strides = array<i32>} : memref<6x48xi32, #tpu.memory_space<vmem>>, vector<1x16xi32>,
    %and3A = arith.constant 16383 : i32
    %and3A_33 = vector.broadcast %and3A : i32 to vector<16xi32>
    %and3A_34 = arith.andi %get3A_24, %and3A_33 : vector<16xi32>
    %swap3A_35 = arith.constant 0 : i32
    %swap3A_36 = arith.index_cast %swap3A_35 : i32 to index
    %swap3A_37 = arith.constant 0 : index
    %swap3A_38 = tpu.vector_load %arg9[%swap3A_36, %swap3A_37] {strides = array<i32>} : memref<6x48xi32, #tpu.memory_space<vmem>>, vector<1x16xi32>,
    %swap3A_39 = vector.shape_cast %swap3A_38 : vector<1x16xi32> to vector<16xi32>
    %swap3A_40 = vector.shape_cast %and3A_34 : vector<16xi32> to vector<1x16xi32>
    tpu.vector_store %arg9[%swap3A_36, %swap3A_37], %swap3A_40 {strides = array<i32>} : memref<6x48xi32, #tpu.memory_space<vmem>>, vector<1x16xi32>,
    %get3A_41 = arith.constant 16 : index
    %get3A_42 = tpu.vector_load %arg8[%get3A_41] {strides = array<i32>} : memref<10080xi32, #tpu.memory_space<vmem>>, vector<16xi32>,
    %get3A_43 = vector.shape_cast %get3A_42 : vector<16xi32> to vector<16xi32>
    %shift_right_logical3A_44 = arith.constant 14 : i32
    %shift_right_logical3A_45 = vector.broadcast %shift_right_logical3A_44 : i32 to vector<16xi32>
    %shift_right_logical3A_46 = arith.shrui %get3A_43, %shift_right_logical3A_45 : vector<16xi32>
    %swap3A_47 = arith.constant 0 : i32
    %swap3A_48 = arith.index_cast %swap3A_47 : i32 to index
    %swap3A_49 = arith.constant 16 : index
    %swap3A_50 = tpu.vector_load %arg10[%swap3A_48, %swap3A_49] {strides = array<i32>} : memref<6x48xi32, #tpu.memory_space<vmem>>, vector<1x16xi32>,
    %swap3A_51 = vector.shape_cast %swap3A_50 : vector<1x16xi32> to vector<16xi32>
    %swap3A_52 = vector.shape_cast %shift_right_logical3A_46 : vector<16xi32> to vector<1x16xi32>
    tpu.vector_store %arg10[%swap3A_48, %swap3A_49], %swap3A_52 {strides = array<i32>} : memref<6x48xi32, #tpu.memory_space<vmem>>, vector<1x16xi32>,
    %and3A_53 = arith.constant 16383 : i32
    %and3A_54 = vector.broadcast %and3A_53 : i32 to vector<16xi32>
    %and3A_55 = arith.andi %get3A_43, %and3A_54 : vector<16xi32>
    %swap3A_56 = arith.constant 0 : i32
    %swap3A_57 = arith.index_cast %swap3A_56 : i32 to index
    %swap3A_58 = arith.constant 16 : index
    %swap3A_59 = tpu.vector_load %arg9[%swap3A_57, %swap3A_58] {strides = array<i32>} : memref<6x48xi32, #tpu.memory_space<vmem>>, vector<1x16xi32>,
    %swap3A_60 = vector.shape_cast %swap3A_59 : vector<1x16xi32> to vector<16xi32>
    %swap3A_61 = vector.shape_cast %and3A_55 : vector<16xi32> to vector<1x16xi32>
    tpu.vector_store %arg9[%swap3A_57, %swap3A_58], %swap3A_61 {strides = array<i32>} : memref<6x48xi32, #tpu.memory_space<vmem>>, vector<1x16xi32>,
    %get3A_62 = arith.constant 32 : index
    %get3A_63 = tpu.vector_load %arg8[%get3A_62] {strides = array<i32>} : memref<10080xi32, #tpu.memory_space<vmem>>, vector<16xi32>,
    %get3A_64 = vector.shape_cast %get3A_63 : vector<16xi32> to vector<16xi32>
    %shift_right_logical3A_65 = arith.constant 14 : i32
    %shift_right_logical3A_66 = vector.broadcast %shift_right_logical3A_65 : i32 to vector<16xi32>
    %shift_right_logical3A_67 = arith.shrui %get3A_64, %shift_right_logical3A_66 : vector<16xi32>
    %swap3A_68 = arith.constant 0 : i32
    %swap3A_69 = arith.index_cast %swap3A_68 : i32 to index
    %swap3A_70 = arith.constant 32 : index
    %swap3A_71 = tpu.vector_load %arg10[%swap3A_69, %swap3A_70] {strides = array<i32>} : memref<6x48xi32, #tpu.memory_space<vmem>>, vector<1x16xi32>,
    %swap3A_72 = vector.shape_cast %swap3A_71 : vector<1x16xi32> to vector<16xi32>
    %swap3A_73 = vector.shape_cast %shift_right_logical3A_67 : vector<16xi32> to vector<1x16xi32>
    tpu.vector_store %arg10[%swap3A_69, %swap3A_70], %swap3A_73 {strides = array<i32>} : memref<6x48xi32, #tpu.memory_space<vmem>>, vector<1x16xi32>,
    %and3A_74 = arith.constant 16383 : i32
    %and3A_75 = vector.broadcast %and3A_74 : i32 to vector<16xi32>
    %and3A_76 = arith.andi %get3A_64, %and3A_75 : vector<16xi32>
    %swap3A_77 = arith.constant 0 : i32
    %swap3A_78 = arith.index_cast %swap3A_77 : i32 to index
    %swap3A_79 = arith.constant 32 : index
    %swap3A_80 = tpu.vector_load %arg9[%swap3A_78, %swap3A_79] {strides = array<i32>} : memref<6x48xi32, #tpu.memory_space<vmem>>, vector<1x16xi32>,
    %swap3A_81 = vector.shape_cast %swap3A_80 : vector<1x16xi32> to vector<16xi32>
    %swap3A_82 = vector.shape_cast %and3A_76 : vector<16xi32> to vector<1x16xi32>
    tpu.vector_store %arg9[%swap3A_78, %swap3A_79], %swap3A_82 {strides = array<i32>} : memref<6x48xi32, #tpu.memory_space<vmem>>, vector<1x16xi32>,
    %dma_start3A = arith.constant 0 : i32
    %dma_start3A_83 = arith.constant 0 : i32
    %dma_start3A_84 = arith.constant 0 : i32
    %dma_start3A_85 = arith.constant 0 : i32
    %dma_start3A_86 = tpu.memref_slice %arg11[%dma_start3A_83, %dma_start3A_84, %dma_start3A_85] : memref<6x48x128xf32, #tpu.memory_space<vmem>> -> memref<1x48x128xf32, #tpu.memory_space<vmem>>
    %dma_start3A_87 = tpu.memref_squeeze %dma_start3A_86 : memref<1x48x128xf32, #tpu.memory_space<vmem>> -> memref<48x128xf32, #tpu.memory_space<vmem>>
    %dma_start3A_88 = arith.constant 0 : i32
    %dma_start3A_89 = tpu.memref_slice %arg9[%dma_start3A, %dma_start3A_88] : memref<6x48xi32, #tpu.memory_space<vmem>> -> memref<1x48xi32, #tpu.memory_space<vmem>>
    %dma_start3A_90 = tpu.memref_squeeze %dma_start3A_89 : memref<1x48xi32, #tpu.memory_space<vmem>> -> memref<48xi32, #tpu.memory_space<vmem>>
    %dma_start3A_91 = arith.constant 0 : i32
    %dma_start3A_92 = arith.constant 0 : i32
    %dma_start3A_93 = tpu.memref_slice %arg2[%dma_start3A_91, %dma_start3A_92] : memref<10000x128xf32, #tpu.memory_space<hbm>> -> memref<10000x128xf32, #tpu.memory_space<hbm>>
    tpu.enqueue_indirect_dma source(%dma_start3A_93 : memref<10000x128xf32, #tpu.memory_space<hbm>>) target(%dma_start3A_87 : memref<48x128xf32, #tpu.memory_space<vmem>>) offsets(%dma_start3A_90 : memref<48xi32, #tpu.memory_space<vmem>>) semaphore(%arg13 : memref<!tpu.dma_semaphore, #tpu.memory_space<semaphore_mem>>)
    %get3A_94 = arith.constant 48 : index
    %get3A_95 = tpu.vector_load %arg8[%get3A_94] {strides = array<i32>} : memref<10080xi32, #tpu.memory_space<vmem>>, vector<16xi32>,
    %get3A_96 = vector.shape_cast %get3A_95 : vector<16xi32> to vector<16xi32>
    %shift_right_logical3A_97 = arith.constant 14 : i32
    %shift_right_logical3A_98 = vector.broadcast %shift_right_logical3A_97 : i32 to vector<16xi32>
    %shift_right_logical3A_99 = arith.shrui %get3A_96, %shift_right_logical3A_98 : vector<16xi32>
    %swap3A_100 = arith.constant 1 : i32
    %swap3A_101 = arith.index_cast %swap3A_100 : i32 to index
    %swap3A_102 = arith.constant 0 : index
    %swap3A_103 = tpu.vector_load %arg10[%swap3A_101, %swap3A_102] {strides = array<i32>} : memref<6x48xi32, #tpu.memory_space<vmem>>, vector<1x16xi32>,
    %swap3A_104 = vector.shape_cast %swap3A_103 : vector<1x16xi32> to vector<16xi32>
    %swap3A_105 = vector.shape_cast %shift_right_logical3A_99 : vector<16xi32> to vector<1x16xi32>
    tpu.vector_store %arg10[%swap3A_101, %swap3A_102], %swap3A_105 {strides = array<i32>} : memref<6x48xi32, #tpu.memory_space<vmem>>, vector<1x16xi32>,
    %and3A_106 = arith.constant 16383 : i32
    %and3A_107 = vector.broadcast %and3A_106 : i32 to vector<16xi32>
    %and3A_108 = arith.andi %get3A_96, %and3A_107 : vector<16xi32>
    %swap3A_109 = arith.constant 1 : i32
    %swap3A_110 = arith.index_cast %swap3A_109 : i32 to index
    %swap3A_111 = arith.constant 0 : index
    %swap3A_112 = tpu.vector_load %arg9[%swap3A_110, %swap3A_111] {strides = array<i32>} : memref<6x48xi32, #tpu.memory_space<vmem>>, vector<1x16xi32>,
    %swap3A_113 = vector.shape_cast %swap3A_112 : vector<1x16xi32> to vector<16xi32>
    %swap3A_114 = vector.shape_cast %and3A_108 : vector<16xi32> to vector<1x16xi32>
    tpu.vector_store %arg9[%swap3A_110, %swap3A_111], %swap3A_114 {strides = array<i32>} : memref<6x48xi32, #tpu.memory_space<vmem>>, vector<1x16xi32>,
    %get3A_115 = arith.constant 64 : index
    %get3A_116 = tpu.vector_load %arg8[%get3A_115] {strides = array<i32>} : memref<10080xi32, #tpu.memory_space<vmem>>, vector<16xi32>,
    %get3A_117 = vector.shape_cast %get3A_116 : vector<16xi32> to vector<16xi32>
    %shift_right_logical3A_118 = arith.constant 14 : i32
    %shift_right_logical3A_119 = vector.broadcast %shift_right_logical3A_118 : i32 to vector<16xi32>
    %shift_right_logical3A_120 = arith.shrui %get3A_117, %shift_right_logical3A_119 : vector<16xi32>
    %swap3A_121 = arith.constant 1 : i32
    %swap3A_122 = arith.index_cast %swap3A_121 : i32 to index
    %swap3A_123 = arith.constant 16 : index
    %swap3A_124 = tpu.vector_load %arg10[%swap3A_122, %swap3A_123] {strides = array<i32>} : memref<6x48xi32, #tpu.memory_space<vmem>>, vector<1x16xi32>,
    %swap3A_125 = vector.shape_cast %swap3A_124 : vector<1x16xi32> to vector<16xi32>
    %swap3A_126 = vector.shape_cast %shift_right_logical3A_120 : vector<16xi32> to vector<1x16xi32>
    tpu.vector_store %arg10[%swap3A_122, %swap3A_123], %swap3A_126 {strides = array<i32>} : memref<6x48xi32, #tpu.memory_space<vmem>>, vector<1x16xi32>,
    %and3A_127 = arith.constant 16383 : i32
    %and3A_128 = vector.broadcast %and3A_127 : i32 to vector<16xi32>
    %and3A_129 = arith.andi %get3A_117, %and3A_128 : vector<16xi32>
    %swap3A_130 = arith.constant 1 : i32
    %swap3A_131 = arith.index_cast %swap3A_130 : i32 to index
    %swap3A_132 = arith.constant 16 : index
    %swap3A_133 = tpu.vector_load %arg9[%swap3A_131, %swap3A_132] {strides = array<i32>} : memref<6x48xi32, #tpu.memory_space<vmem>>, vector<1x16xi32>,
    %swap3A_134 = vector.shape_cast %swap3A_133 : vector<1x16xi32> to vector<16xi32>
    %swap3A_135 = vector.shape_cast %and3A_129 : vector<16xi32> to vector<1x16xi32>
    tpu.vector_store %arg9[%swap3A_131, %swap3A_132], %swap3A_135 {strides = array<i32>} : memref<6x48xi32, #tpu.memory_space<vmem>>, vector<1x16xi32>,
    %get3A_136 = arith.constant 80 : index
    %get3A_137 = tpu.vector_load %arg8[%get3A_136] {strides = array<i32>} : memref<10080xi32, #tpu.memory_space<vmem>>, vector<16xi32>,
    %get3A_138 = vector.shape_cast %get3A_137 : vector<16xi32> to vector<16xi32>
    %shift_right_logical3A_139 = arith.constant 14 : i32
    %shift_right_logical3A_140 = vector.broadcast %shift_right_logical3A_139 : i32 to vector<16xi32>
    %shift_right_logical3A_141 = arith.shrui %get3A_138, %shift_right_logical3A_140 : vector<16xi32>
    %swap3A_142 = arith.constant 1 : i32
    %swap3A_143 = arith.index_cast %swap3A_142 : i32 to index
    %swap3A_144 = arith.constant 32 : index
    %swap3A_145 = tpu.vector_load %arg10[%swap3A_143, %swap3A_144] {strides = array<i32>} : memref<6x48xi32, #tpu.memory_space<vmem>>, vector<1x16xi32>,
    %swap3A_146 = vector.shape_cast %swap3A_145 : vector<1x16xi32> to vector<16xi32>
    %swap3A_147 = vector.shape_cast %shift_right_logical3A_141 : vector<16xi32> to vector<1x16xi32>
    tpu.vector_store %arg10[%swap3A_143, %swap3A_144], %swap3A_147 {strides = array<i32>} : memref<6x48xi32, #tpu.memory_space<vmem>>, vector<1x16xi32>,
    %and3A_148 = arith.constant 16383 : i32
    %and3A_149 = vector.broadcast %and3A_148 : i32 to vector<16xi32>
    %and3A_150 = arith.andi %get3A_138, %and3A_149 : vector<16xi32>
    %swap3A_151 = arith.constant 1 : i32
    %swap3A_152 = arith.index_cast %swap3A_151 : i32 to index
    %swap3A_153 = arith.constant 32 : index
    %swap3A_154 = tpu.vector_load %arg9[%swap3A_152, %swap3A_153] {strides = array<i32>} : memref<6x48xi32, #tpu.memory_space<vmem>>, vector<1x16xi32>,
    %swap3A_155 = vector.shape_cast %swap3A_154 : vector<1x16xi32> to vector<16xi32>
    %swap3A_156 = vector.shape_cast %and3A_150 : vector<16xi32> to vector<1x16xi32>
    tpu.vector_store %arg9[%swap3A_152, %swap3A_153], %swap3A_156 {strides = array<i32>} : memref<6x48xi32, #tpu.memory_space<vmem>>, vector<1x16xi32>,
    %dma_start3A_157 = arith.constant 1 : i32
    %dma_start3A_158 = arith.constant 1 : i32
    %dma_start3A_159 = arith.constant 0 : i32
    %dma_start3A_160 = arith.constant 0 : i32
    %dma_start3A_161 = tpu.memref_slice %arg11[%dma_start3A_158, %dma_start3A_159, %dma_start3A_160] : memref<6x48x128xf32, #tpu.memory_space<vmem>> -> memref<1x48x128xf32, #tpu.memory_space<vmem>>
    %dma_start3A_162 = tpu.memref_squeeze %dma_start3A_161 : memref<1x48x128xf32, #tpu.memory_space<vmem>> -> memref<48x128xf32, #tpu.memory_space<vmem>>
    %dma_start3A_163 = arith.constant 0 : i32
    %dma_start3A_164 = tpu.memref_slice %arg9[%dma_start3A_157, %dma_start3A_163] : memref<6x48xi32, #tpu.memory_space<vmem>> -> memref<1x48xi32, #tpu.memory_space<vmem>>
    %dma_start3A_165 = tpu.memref_squeeze %dma_start3A_164 : memref<1x48xi32, #tpu.memory_space<vmem>> -> memref<48xi32, #tpu.memory_space<vmem>>
    %dma_start3A_166 = arith.constant 0 : i32
    %dma_start3A_167 = arith.constant 0 : i32
    %dma_start3A_168 = tpu.memref_slice %arg2[%dma_start3A_166, %dma_start3A_167] : memref<10000x128xf32, #tpu.memory_space<hbm>> -> memref<10000x128xf32, #tpu.memory_space<hbm>>
    tpu.enqueue_indirect_dma source(%dma_start3A_168 : memref<10000x128xf32, #tpu.memory_space<hbm>>) target(%dma_start3A_162 : memref<48x128xf32, #tpu.memory_space<vmem>>) offsets(%dma_start3A_165 : memref<48xi32, #tpu.memory_space<vmem>>) semaphore(%arg14 : memref<!tpu.dma_semaphore, #tpu.memory_space<semaphore_mem>>)
    %get3A_169 = arith.constant 96 : index
    %get3A_170 = tpu.vector_load %arg8[%get3A_169] {strides = array<i32>} : memref<10080xi32, #tpu.memory_space<vmem>>, vector<16xi32>,
    %get3A_171 = vector.shape_cast %get3A_170 : vector<16xi32> to vector<16xi32>
    %shift_right_logical3A_172 = arith.constant 14 : i32
    %shift_right_logical3A_173 = vector.broadcast %shift_right_logical3A_172 : i32 to vector<16xi32>
    %shift_right_logical3A_174 = arith.shrui %get3A_171, %shift_right_logical3A_173 : vector<16xi32>
    %swap3A_175 = arith.constant 2 : i32
    %swap3A_176 = arith.index_cast %swap3A_175 : i32 to index
    %swap3A_177 = arith.constant 0 : index
    %swap3A_178 = tpu.vector_load %arg10[%swap3A_176, %swap3A_177] {strides = array<i32>} : memref<6x48xi32, #tpu.memory_space<vmem>>, vector<1x16xi32>,
    %swap3A_179 = vector.shape_cast %swap3A_178 : vector<1x16xi32> to vector<16xi32>
    %swap3A_180 = vector.shape_cast %shift_right_logical3A_174 : vector<16xi32> to vector<1x16xi32>
    tpu.vector_store %arg10[%swap3A_176, %swap3A_177], %swap3A_180 {strides = array<i32>} : memref<6x48xi32, #tpu.memory_space<vmem>>, vector<1x16xi32>,
    %and3A_181 = arith.constant 16383 : i32
    %and3A_182 = vector.broadcast %and3A_181 : i32 to vector<16xi32>
    %and3A_183 = arith.andi %get3A_171, %and3A_182 : vector<16xi32>
    %swap3A_184 = arith.constant 2 : i32
    %swap3A_185 = arith.index_cast %swap3A_184 : i32 to index
    %swap3A_186 = arith.constant 0 : index
    %swap3A_187 = tpu.vector_load %arg9[%swap3A_185, %swap3A_186] {strides = array<i32>} : memref<6x48xi32, #tpu.memory_space<vmem>>, vector<1x16xi32>,
    %swap3A_188 = vector.shape_cast %swap3A_187 : vector<1x16xi32> to vector<16xi32>
    %swap3A_189 = vector.shape_cast %and3A_183 : vector<16xi32> to vector<1x16xi32>
    tpu.vector_store %arg9[%swap3A_185, %swap3A_186], %swap3A_189 {strides = array<i32>} : memref<6x48xi32, #tpu.memory_space<vmem>>, vector<1x16xi32>,
    %get3A_190 = arith.constant 112 : index
    %get3A_191 = tpu.vector_load %arg8[%get3A_190] {strides = array<i32>} : memref<10080xi32, #tpu.memory_space<vmem>>, vector<16xi32>,
    %get3A_192 = vector.shape_cast %get3A_191 : vector<16xi32> to vector<16xi32>
    %shift_right_logical3A_193 = arith.constant 14 : i32
    %shift_right_logical3A_194 = vector.broadcast %shift_right_logical3A_193 : i32 to vector<16xi32>
    %shift_right_logical3A_195 = arith.shrui %get3A_192, %shift_right_logical3A_194 : vector<16xi32>
    %swap3A_196 = arith.constant 2 : i32
    %swap3A_197 = arith.index_cast %swap3A_196 : i32 to index
    %swap3A_198 = arith.constant 16 : index
    %swap3A_199 = tpu.vector_load %arg10[%swap3A_197, %swap3A_198] {strides = array<i32>} : memref<6x48xi32, #tpu.memory_space<vmem>>, vector<1x16xi32>,
    %swap3A_200 = vector.shape_cast %swap3A_199 : vector<1x16xi32> to vector<16xi32>
    %swap3A_201 = vector.shape_cast %shift_right_logical3A_195 : vector<16xi32> to vector<1x16xi32>
    tpu.vector_store %arg10[%swap3A_197, %swap3A_198], %swap3A_201 {strides = array<i32>} : memref<6x48xi32, #tpu.memory_space<vmem>>, vector<1x16xi32>,
    %and3A_202 = arith.constant 16383 : i32
    %and3A_203 = vector.broadcast %and3A_202 : i32 to vector<16xi32>
    %and3A_204 = arith.andi %get3A_192, %and3A_203 : vector<16xi32>
    %swap3A_205 = arith.constant 2 : i32
    %swap3A_206 = arith.index_cast %swap3A_205 : i32 to index
    %swap3A_207 = arith.constant 16 : index
    %swap3A_208 = tpu.vector_load %arg9[%swap3A_206, %swap3A_207] {strides = array<i32>} : memref<6x48xi32, #tpu.memory_space<vmem>>, vector<1x16xi32>,
    %swap3A_209 = vector.shape_cast %swap3A_208 : vector<1x16xi32> to vector<16xi32>
    %swap3A_210 = vector.shape_cast %and3A_204 : vector<16xi32> to vector<1x16xi32>
    tpu.vector_store %arg9[%swap3A_206, %swap3A_207], %swap3A_210 {strides = array<i32>} : memref<6x48xi32, #tpu.memory_space<vmem>>, vector<1x16xi32>,
    %get3A_211 = arith.constant 128 : index
    %get3A_212 = tpu.vector_load %arg8[%get3A_211] {strides = array<i32>} : memref<10080xi32, #tpu.memory_space<vmem>>, vector<16xi32>,
    %get3A_213 = vector.shape_cast %get3A_212 : vector<16xi32> to vector<16xi32>
    %shift_right_logical3A_214 = arith.constant 14 : i32
    %shift_right_logical3A_215 = vector.broadcast %shift_right_logical3A_214 : i32 to vector<16xi32>
    %shift_right_logical3A_216 = arith.shrui %get3A_213, %shift_right_logical3A_215 : vector<16xi32>
    %swap3A_217 = arith.constant 2 : i32
    %swap3A_218 = arith.index_cast %swap3A_217 : i32 to index
    %swap3A_219 = arith.constant 32 : index
    %swap3A_220 = tpu.vector_load %arg10[%swap3A_218, %swap3A_219] {strides = array<i32>} : memref<6x48xi32, #tpu.memory_space<vmem>>, vector<1x16xi32>,
    %swap3A_221 = vector.shape_cast %swap3A_220 : vector<1x16xi32> to vector<16xi32>
    %swap3A_222 = vector.shape_cast %shift_right_logical3A_216 : vector<16xi32> to vector<1x16xi32>
    tpu.vector_store %arg10[%swap3A_218, %swap3A_219], %swap3A_222 {strides = array<i32>} : memref<6x48xi32, #tpu.memory_space<vmem>>, vector<1x16xi32>,
    %and3A_223 = arith.constant 16383 : i32
    %and3A_224 = vector.broadcast %and3A_223 : i32 to vector<16xi32>
    %and3A_225 = arith.andi %get3A_213, %and3A_224 : vector<16xi32>
    %swap3A_226 = arith.constant 2 : i32
    %swap3A_227 = arith.index_cast %swap3A_226 : i32 to index
    %swap3A_228 = arith.constant 32 : index
    %swap3A_229 = tpu.vector_load %arg9[%swap3A_227, %swap3A_228] {strides = array<i32>} : memref<6x48xi32, #tpu.memory_space<vmem>>, vector<1x16xi32>,
    %swap3A_230 = vector.shape_cast %swap3A_229 : vector<1x16xi32> to vector<16xi32>
    %swap3A_231 = vector.shape_cast %and3A_225 : vector<16xi32> to vector<1x16xi32>
    tpu.vector_store %arg9[%swap3A_227, %swap3A_228], %swap3A_231 {strides = array<i32>} : memref<6x48xi32, #tpu.memory_space<vmem>>, vector<1x16xi32>,
    %dma_start3A_232 = arith.constant 2 : i32
    %dma_start3A_233 = arith.constant 2 : i32
    %dma_start3A_234 = arith.constant 0 : i32
    %dma_start3A_235 = arith.constant 0 : i32
    %dma_start3A_236 = tpu.memref_slice %arg11[%dma_start3A_233, %dma_start3A_234, %dma_start3A_235] : memref<6x48x128xf32, #tpu.memory_space<vmem>> -> memref<1x48x128xf32, #tpu.memory_space<vmem>>
    %dma_start3A_237 = tpu.memref_squeeze %dma_start3A_236 : memref<1x48x128xf32, #tpu.memory_space<vmem>> -> memref<48x128xf32, #tpu.memory_space<vmem>>
    %dma_start3A_238 = arith.constant 0 : i32
    %dma_start3A_239 = tpu.memref_slice %arg9[%dma_start3A_232, %dma_start3A_238] : memref<6x48xi32, #tpu.memory_space<vmem>> -> memref<1x48xi32, #tpu.memory_space<vmem>>
    %dma_start3A_240 = tpu.memref_squeeze %dma_start3A_239 : memref<1x48xi32, #tpu.memory_space<vmem>> -> memref<48xi32, #tpu.memory_space<vmem>>
    %dma_start3A_241 = arith.constant 0 : i32
    %dma_start3A_242 = arith.constant 0 : i32
    %dma_start3A_243 = tpu.memref_slice %arg2[%dma_start3A_241, %dma_start3A_242] : memref<10000x128xf32, #tpu.memory_space<hbm>> -> memref<10000x128xf32, #tpu.memory_space<hbm>>
    tpu.enqueue_indirect_dma source(%dma_start3A_243 : memref<10000x128xf32, #tpu.memory_space<hbm>>) target(%dma_start3A_237 : memref<48x128xf32, #tpu.memory_space<vmem>>) offsets(%dma_start3A_240 : memref<48xi32, #tpu.memory_space<vmem>>) semaphore(%arg15 : memref<!tpu.dma_semaphore, #tpu.memory_space<semaphore_mem>>)
    %get3A_244 = arith.constant 144 : index
    %get3A_245 = tpu.vector_load %arg8[%get3A_244] {strides = array<i32>} : memref<10080xi32, #tpu.memory_space<vmem>>, vector<16xi32>,
    %get3A_246 = vector.shape_cast %get3A_245 : vector<16xi32> to vector<16xi32>
    %shift_right_logical3A_247 = arith.constant 14 : i32
    %shift_right_logical3A_248 = vector.broadcast %shift_right_logical3A_247 : i32 to vector<16xi32>
    %shift_right_logical3A_249 = arith.shrui %get3A_246, %shift_right_logical3A_248 : vector<16xi32>
    %swap3A_250 = arith.constant 3 : i32
    %swap3A_251 = arith.index_cast %swap3A_250 : i32 to index
    %swap3A_252 = arith.constant 0 : index
    %swap3A_253 = tpu.vector_load %arg10[%swap3A_251, %swap3A_252] {strides = array<i32>} : memref<6x48xi32, #tpu.memory_space<vmem>>, vector<1x16xi32>,
    %swap3A_254 = vector.shape_cast %swap3A_253 : vector<1x16xi32> to vector<16xi32>
    %swap3A_255 = vector.shape_cast %shift_right_logical3A_249 : vector<16xi32> to vector<1x16xi32>
    tpu.vector_store %arg10[%swap3A_251, %swap3A_252], %swap3A_255 {strides = array<i32>} : memref<6x48xi32, #tpu.memory_space<vmem>>, vector<1x16xi32>,
    %and3A_256 = arith.constant 16383 : i32
    %and3A_257 = vector.broadcast %and3A_256 : i32 to vector<16xi32>
    %and3A_258 = arith.andi %get3A_246, %and3A_257 : vector<16xi32>
    %swap3A_259 = arith.constant 3 : i32
    %swap3A_260 = arith.index_cast %swap3A_259 : i32 to index
    %swap3A_261 = arith.constant 0 : index
    %swap3A_262 = tpu.vector_load %arg9[%swap3A_260, %swap3A_261] {strides = array<i32>} : memref<6x48xi32, #tpu.memory_space<vmem>>, vector<1x16xi32>,
    %swap3A_263 = vector.shape_cast %swap3A_262 : vector<1x16xi32> to vector<16xi32>
    %swap3A_264 = vector.shape_cast %and3A_258 : vector<16xi32> to vector<1x16xi32>
    tpu.vector_store %arg9[%swap3A_260, %swap3A_261], %swap3A_264 {strides = array<i32>} : memref<6x48xi32, #tpu.memory_space<vmem>>, vector<1x16xi32>,
    %get3A_265 = arith.constant 160 : index
    %get3A_266 = tpu.vector_load %arg8[%get3A_265] {strides = array<i32>} : memref<10080xi32, #tpu.memory_space<vmem>>, vector<16xi32>,
    %get3A_267 = vector.shape_cast %get3A_266 : vector<16xi32> to vector<16xi32>
    %shift_right_logical3A_268 = arith.constant 14 : i32
    %shift_right_logical3A_269 = vector.broadcast %shift_right_logical3A_268 : i32 to vector<16xi32>
    %shift_right_logical3A_270 = arith.shrui %get3A_267, %shift_right_logical3A_269 : vector<16xi32>
    %swap3A_271 = arith.constant 3 : i32
    %swap3A_272 = arith.index_cast %swap3A_271 : i32 to index
    %swap3A_273 = arith.constant 16 : index
    %swap3A_274 = tpu.vector_load %arg10[%swap3A_272, %swap3A_273] {strides = array<i32>} : memref<6x48xi32, #tpu.memory_space<vmem>>, vector<1x16xi32>,
    %swap3A_275 = vector.shape_cast %swap3A_274 : vector<1x16xi32> to vector<16xi32>
    %swap3A_276 = vector.shape_cast %shift_right_logical3A_270 : vector<16xi32> to vector<1x16xi32>
    tpu.vector_store %arg10[%swap3A_272, %swap3A_273], %swap3A_276 {strides = array<i32>} : memref<6x48xi32, #tpu.memory_space<vmem>>, vector<1x16xi32>,
    %and3A_277 = arith.constant 16383 : i32
    %and3A_278 = vector.broadcast %and3A_277 : i32 to vector<16xi32>
    %and3A_279 = arith.andi %get3A_267, %and3A_278 : vector<16xi32>
    %swap3A_280 = arith.constant 3 : i32
    %swap3A_281 = arith.index_cast %swap3A_280 : i32 to index
    %swap3A_282 = arith.constant 16 : index
    %swap3A_283 = tpu.vector_load %arg9[%swap3A_281, %swap3A_282] {strides = array<i32>} : memref<6x48xi32, #tpu.memory_space<vmem>>, vector<1x16xi32>,
    %swap3A_284 = vector.shape_cast %swap3A_283 : vector<1x16xi32> to vector<16xi32>
    %swap3A_285 = vector.shape_cast %and3A_279 : vector<16xi32> to vector<1x16xi32>
    tpu.vector_store %arg9[%swap3A_281, %swap3A_282], %swap3A_285 {strides = array<i32>} : memref<6x48xi32, #tpu.memory_space<vmem>>, vector<1x16xi32>,
    %get3A_286 = arith.constant 176 : index
    %get3A_287 = tpu.vector_load %arg8[%get3A_286] {strides = array<i32>} : memref<10080xi32, #tpu.memory_space<vmem>>, vector<16xi32>,
    %get3A_288 = vector.shape_cast %get3A_287 : vector<16xi32> to vector<16xi32>
    %shift_right_logical3A_289 = arith.constant 14 : i32
    %shift_right_logical3A_290 = vector.broadcast %shift_right_logical3A_289 : i32 to vector<16xi32>
    %shift_right_logical3A_291 = arith.shrui %get3A_288, %shift_right_logical3A_290 : vector<16xi32>
    %swap3A_292 = arith.constant 3 : i32
    %swap3A_293 = arith.index_cast %swap3A_292 : i32 to index
    %swap3A_294 = arith.constant 32 : index
    %swap3A_295 = tpu.vector_load %arg10[%swap3A_293, %swap3A_294] {strides = array<i32>} : memref<6x48xi32, #tpu.memory_space<vmem>>, vector<1x16xi32>,
    %swap3A_296 = vector.shape_cast %swap3A_295 : vector<1x16xi32> to vector<16xi32>
    %swap3A_297 = vector.shape_cast %shift_right_logical3A_291 : vector<16xi32> to vector<1x16xi32>
    tpu.vector_store %arg10[%swap3A_293, %swap3A_294], %swap3A_297 {strides = array<i32>} : memref<6x48xi32, #tpu.memory_space<vmem>>, vector<1x16xi32>,
    %and3A_298 = arith.constant 16383 : i32
    %and3A_299 = vector.broadcast %and3A_298 : i32 to vector<16xi32>
    %and3A_300 = arith.andi %get3A_288, %and3A_299 : vector<16xi32>
    %swap3A_301 = arith.constant 3 : i32
    %swap3A_302 = arith.index_cast %swap3A_301 : i32 to index
    %swap3A_303 = arith.constant 32 : index
    %swap3A_304 = tpu.vector_load %arg9[%swap3A_302, %swap3A_303] {strides = array<i32>} : memref<6x48xi32, #tpu.memory_space<vmem>>, vector<1x16xi32>,
    %swap3A_305 = vector.shape_cast %swap3A_304 : vector<1x16xi32> to vector<16xi32>
    %swap3A_306 = vector.shape_cast %and3A_300 : vector<16xi32> to vector<1x16xi32>
    tpu.vector_store %arg9[%swap3A_302, %swap3A_303], %swap3A_306 {strides = array<i32>} : memref<6x48xi32, #tpu.memory_space<vmem>>, vector<1x16xi32>,
    %dma_start3A_307 = arith.constant 3 : i32
    %dma_start3A_308 = arith.constant 3 : i32
    %dma_start3A_309 = arith.constant 0 : i32
    %dma_start3A_310 = arith.constant 0 : i32
    %dma_start3A_311 = tpu.memref_slice %arg11[%dma_start3A_308, %dma_start3A_309, %dma_start3A_310] : memref<6x48x128xf32, #tpu.memory_space<vmem>> -> memref<1x48x128xf32, #tpu.memory_space<vmem>>
    %dma_start3A_312 = tpu.memref_squeeze %dma_start3A_311 : memref<1x48x128xf32, #tpu.memory_space<vmem>> -> memref<48x128xf32, #tpu.memory_space<vmem>>
    %dma_start3A_313 = arith.constant 0 : i32
    %dma_start3A_314 = tpu.memref_slice %arg9[%dma_start3A_307, %dma_start3A_313] : memref<6x48xi32, #tpu.memory_space<vmem>> -> memref<1x48xi32, #tpu.memory_space<vmem>>
    %dma_start3A_315 = tpu.memref_squeeze %dma_start3A_314 : memref<1x48xi32, #tpu.memory_space<vmem>> -> memref<48xi32, #tpu.memory_space<vmem>>
    %dma_start3A_316 = arith.constant 0 : i32
    %dma_start3A_317 = arith.constant 0 : i32
    %dma_start3A_318 = tpu.memref_slice %arg2[%dma_start3A_316, %dma_start3A_317] : memref<10000x128xf32, #tpu.memory_space<hbm>> -> memref<10000x128xf32, #tpu.memory_space<hbm>>
    tpu.enqueue_indirect_dma source(%dma_start3A_318 : memref<10000x128xf32, #tpu.memory_space<hbm>>) target(%dma_start3A_312 : memref<48x128xf32, #tpu.memory_space<vmem>>) offsets(%dma_start3A_315 : memref<48xi32, #tpu.memory_space<vmem>>) semaphore(%arg16 : memref<!tpu.dma_semaphore, #tpu.memory_space<semaphore_mem>>)
    %get3A_319 = arith.constant 192 : index
    %get3A_320 = tpu.vector_load %arg8[%get3A_319] {strides = array<i32>} : memref<10080xi32, #tpu.memory_space<vmem>>, vector<16xi32>,
    %get3A_321 = vector.shape_cast %get3A_320 : vector<16xi32> to vector<16xi32>
    %shift_right_logical3A_322 = arith.constant 14 : i32
    %shift_right_logical3A_323 = vector.broadcast %shift_right_logical3A_322 : i32 to vector<16xi32>
    %shift_right_logical3A_324 = arith.shrui %get3A_321, %shift_right_logical3A_323 : vector<16xi32>
    %swap3A_325 = arith.constant 4 : i32
    %swap3A_326 = arith.index_cast %swap3A_325 : i32 to index
    %swap3A_327 = arith.constant 0 : index
    %swap3A_328 = tpu.vector_load %arg10[%swap3A_326, %swap3A_327] {strides = array<i32>} : memref<6x48xi32, #tpu.memory_space<vmem>>, vector<1x16xi32>,
    %swap3A_329 = vector.shape_cast %swap3A_328 : vector<1x16xi32> to vector<16xi32>
    %swap3A_330 = vector.shape_cast %shift_right_logical3A_324 : vector<16xi32> to vector<1x16xi32>
    tpu.vector_store %arg10[%swap3A_326, %swap3A_327], %swap3A_330 {strides = array<i32>} : memref<6x48xi32, #tpu.memory_space<vmem>>, vector<1x16xi32>,
    %and3A_331 = arith.constant 16383 : i32
    %and3A_332 = vector.broadcast %and3A_331 : i32 to vector<16xi32>
    %and3A_333 = arith.andi %get3A_321, %and3A_332 : vector<16xi32>
    %swap3A_334 = arith.constant 4 : i32
    %swap3A_335 = arith.index_cast %swap3A_334 : i32 to index
    %swap3A_336 = arith.constant 0 : index
    %swap3A_337 = tpu.vector_load %arg9[%swap3A_335, %swap3A_336] {strides = array<i32>} : memref<6x48xi32, #tpu.memory_space<vmem>>, vector<1x16xi32>,
    %swap3A_338 = vector.shape_cast %swap3A_337 : vector<1x16xi32> to vector<16xi32>
    %swap3A_339 = vector.shape_cast %and3A_333 : vector<16xi32> to vector<1x16xi32>
    tpu.vector_store %arg9[%swap3A_335, %swap3A_336], %swap3A_339 {strides = array<i32>} : memref<6x48xi32, #tpu.memory_space<vmem>>, vector<1x16xi32>,
    %get3A_340 = arith.constant 208 : index
    %get3A_341 = tpu.vector_load %arg8[%get3A_340] {strides = array<i32>} : memref<10080xi32, #tpu.memory_space<vmem>>, vector<16xi32>,
    %get3A_342 = vector.shape_cast %get3A_341 : vector<16xi32> to vector<16xi32>
    %shift_right_logical3A_343 = arith.constant 14 : i32
    %shift_right_logical3A_344 = vector.broadcast %shift_right_logical3A_343 : i32 to vector<16xi32>
    %shift_right_logical3A_345 = arith.shrui %get3A_342, %shift_right_logical3A_344 : vector<16xi32>
    %swap3A_346 = arith.constant 4 : i32
    %swap3A_347 = arith.index_cast %swap3A_346 : i32 to index
    %swap3A_348 = arith.constant 16 : index
    %swap3A_349 = tpu.vector_load %arg10[%swap3A_347, %swap3A_348] {strides = array<i32>} : memref<6x48xi32, #tpu.memory_space<vmem>>, vector<1x16xi32>,
    %swap3A_350 = vector.shape_cast %swap3A_349 : vector<1x16xi32> to vector<16xi32>
    %swap3A_351 = vector.shape_cast %shift_right_logical3A_345 : vector<16xi32> to vector<1x16xi32>
    tpu.vector_store %arg10[%swap3A_347, %swap3A_348], %swap3A_351 {strides = array<i32>} : memref<6x48xi32, #tpu.memory_space<vmem>>, vector<1x16xi32>,
    %and3A_352 = arith.constant 16383 : i32
    %and3A_353 = vector.broadcast %and3A_352 : i32 to vector<16xi32>
    %and3A_354 = arith.andi %get3A_342, %and3A_353 : vector<16xi32>
    %swap3A_355 = arith.constant 4 : i32
    %swap3A_356 = arith.index_cast %swap3A_355 : i32 to index
    %swap3A_357 = arith.constant 16 : index
    %swap3A_358 = tpu.vector_load %arg9[%swap3A_356, %swap3A_357] {strides = array<i32>} : memref<6x48xi32, #tpu.memory_space<vmem>>, vector<1x16xi32>,
    %swap3A_359 = vector.shape_cast %swap3A_358 : vector<1x16xi32> to vector<16xi32>
    %swap3A_360 = vector.shape_cast %and3A_354 : vector<16xi32> to vector<1x16xi32>
    tpu.vector_store %arg9[%swap3A_356, %swap3A_357], %swap3A_360 {strides = array<i32>} : memref<6x48xi32, #tpu.memory_space<vmem>>, vector<1x16xi32>,
    %get3A_361 = arith.constant 224 : index
    %get3A_362 = tpu.vector_load %arg8[%get3A_361] {strides = array<i32>} : memref<10080xi32, #tpu.memory_space<vmem>>, vector<16xi32>,
    %get3A_363 = vector.shape_cast %get3A_362 : vector<16xi32> to vector<16xi32>
    %shift_right_logical3A_364 = arith.constant 14 : i32
    %shift_right_logical3A_365 = vector.broadcast %shift_right_logical3A_364 : i32 to vector<16xi32>
    %shift_right_logical3A_366 = arith.shrui %get3A_363, %shift_right_logical3A_365 : vector<16xi32>
    %swap3A_367 = arith.constant 4 : i32
    %swap3A_368 = arith.index_cast %swap3A_367 : i32 to index
    %swap3A_369 = arith.constant 32 : index
    %swap3A_370 = tpu.vector_load %arg10[%swap3A_368, %swap3A_369] {strides = array<i32>} : memref<6x48xi32, #tpu.memory_space<vmem>>, vector<1x16xi32>,
    %swap3A_371 = vector.shape_cast %swap3A_370 : vector<1x16xi32> to vector<16xi32>
    %swap3A_372 = vector.shape_cast %shift_right_logical3A_366 : vector<16xi32> to vector<1x16xi32>
    tpu.vector_store %arg10[%swap3A_368, %swap3A_369], %swap3A_372 {strides = array<i32>} : memref<6x48xi32, #tpu.memory_space<vmem>>, vector<1x16xi32>,
    %and3A_373 = arith.constant 16383 : i32
    %and3A_374 = vector.broadcast %and3A_373 : i32 to vector<16xi32>
    %and3A_375 = arith.andi %get3A_363, %and3A_374 : vector<16xi32>
    %swap3A_376 = arith.constant 4 : i32
    %swap3A_377 = arith.index_cast %swap3A_376 : i32 to index
    %swap3A_378 = arith.constant 32 : index
    %swap3A_379 = tpu.vector_load %arg9[%swap3A_377, %swap3A_378] {strides = array<i32>} : memref<6x48xi32, #tpu.memory_space<vmem>>, vector<1x16xi32>,
    %swap3A_380 = vector.shape_cast %swap3A_379 : vector<1x16xi32> to vector<16xi32>
    %swap3A_381 = vector.shape_cast %and3A_375 : vector<16xi32> to vector<1x16xi32>
    tpu.vector_store %arg9[%swap3A_377, %swap3A_378], %swap3A_381 {strides = array<i32>} : memref<6x48xi32, #tpu.memory_space<vmem>>, vector<1x16xi32>,
    %dma_start3A_382 = arith.constant 4 : i32
    %dma_start3A_383 = arith.constant 4 : i32
    %dma_start3A_384 = arith.constant 0 : i32
    %dma_start3A_385 = arith.constant 0 : i32
    %dma_start3A_386 = tpu.memref_slice %arg11[%dma_start3A_383, %dma_start3A_384, %dma_start3A_385] : memref<6x48x128xf32, #tpu.memory_space<vmem>> -> memref<1x48x128xf32, #tpu.memory_space<vmem>>
    %dma_start3A_387 = tpu.memref_squeeze %dma_start3A_386 : memref<1x48x128xf32, #tpu.memory_space<vmem>> -> memref<48x128xf32, #tpu.memory_space<vmem>>
    %dma_start3A_388 = arith.constant 0 : i32
    %dma_start3A_389 = tpu.memref_slice %arg9[%dma_start3A_382, %dma_start3A_388] : memref<6x48xi32, #tpu.memory_space<vmem>> -> memref<1x48xi32, #tpu.memory_space<vmem>>
    %dma_start3A_390 = tpu.memref_squeeze %dma_start3A_389 : memref<1x48xi32, #tpu.memory_space<vmem>> -> memref<48xi32, #tpu.memory_space<vmem>>
    %dma_start3A_391 = arith.constant 0 : i32
    %dma_start3A_392 = arith.constant 0 : i32
    %dma_start3A_393 = tpu.memref_slice %arg2[%dma_start3A_391, %dma_start3A_392] : memref<10000x128xf32, #tpu.memory_space<hbm>> -> memref<10000x128xf32, #tpu.memory_space<hbm>>
    tpu.enqueue_indirect_dma source(%dma_start3A_393 : memref<10000x128xf32, #tpu.memory_space<hbm>>) target(%dma_start3A_387 : memref<48x128xf32, #tpu.memory_space<vmem>>) offsets(%dma_start3A_390 : memref<48xi32, #tpu.memory_space<vmem>>) semaphore(%arg17 : memref<!tpu.dma_semaphore, #tpu.memory_space<semaphore_mem>>)
    %scan3A = arith.constant 0 : i32
    %scan3A_394 = arith.constant 35 : i32
    %scan3A_395 = arith.addi %scan3A, %scan3A_394 : i32
    %scan3A_396 = arith.constant 1 : i32
    scf.for %scan3A_511 = %scan3A to %scan3A_395 step %scan3A_396  : i32 {
      %mul3A_512 = arith.constant 6 : i32
      %mul3A_513 = arith.muli %mul3A_512, %scan3A_511 : i32
      %add3A_514 = arith.constant 0 : i32
      %add3A_515 = arith.addi %mul3A_513, %add3A_514 : i32
      %dma_wait3A_516 = arith.constant 0 : i32
      %dma_wait3A_517 = arith.constant 0 : i32
      %dma_wait3A_518 = arith.constant 0 : i32
      %dma_wait3A_519 = arith.constant 0 : i32
      %dma_wait3A_520 = tpu.memref_slice %arg11[%dma_wait3A_517, %dma_wait3A_518, %dma_wait3A_519] : memref<6x48x128xf32, #tpu.memory_space<vmem>> -> memref<1x48x128xf32, #tpu.memory_space<vmem>>
      %dma_wait3A_521 = tpu.memref_squeeze %dma_wait3A_520 : memref<1x48x128xf32, #tpu.memory_space<vmem>> -> memref<48x128xf32, #tpu.memory_space<vmem>>
      %dma_wait3A_522 = arith.constant 0 : i32
      %dma_wait3A_523 = tpu.memref_slice %arg9[%dma_wait3A_516, %dma_wait3A_522] : memref<6x48xi32, #tpu.memory_space<vmem>> -> memref<1x48xi32, #tpu.memory_space<vmem>>
      %dma_wait3A_524 = tpu.memref_squeeze %dma_wait3A_523 : memref<1x48xi32, #tpu.memory_space<vmem>> -> memref<48xi32, #tpu.memory_space<vmem>>
      %dma_wait3A_525 = arith.constant 0 : i32
      %dma_wait3A_526 = arith.constant 0 : i32
      %dma_wait3A_527 = tpu.memref_slice %arg2[%dma_wait3A_525, %dma_wait3A_526] : memref<10000x128xf32, #tpu.memory_space<hbm>> -> memref<10000x128xf32, #tpu.memory_space<hbm>>
      tpu.wait_indirect_dma semaphore(%arg13 : memref<!tpu.dma_semaphore, #tpu.memory_space<semaphore_mem>>) src(%dma_wait3A_527 : memref<10000x128xf32, #tpu.memory_space<hbm>>) dst(%dma_wait3A_521 : memref<48x128xf32, #tpu.memory_space<vmem>>)
      %dma_start3A_528 = arith.constant 0 : i32
      %dma_start3A_529 = arith.constant 0 : i32
      %dma_start3A_530 = arith.constant 0 : i32
      %dma_start3A_531 = arith.constant 0 : i32
      %dma_start3A_532 = tpu.memref_slice %arg11[%dma_start3A_528, %dma_start3A_530, %dma_start3A_531] : memref<6x48x128xf32, #tpu.memory_space<vmem>> -> memref<1x48x128xf32, #tpu.memory_space<vmem>>
      %dma_start3A_533 = tpu.memref_squeeze %dma_start3A_532 : memref<1x48x128xf32, #tpu.memory_space<vmem>> -> memref<48x128xf32, #tpu.memory_space<vmem>>
      %dma_start3A_534 = arith.constant 0 : i32
      %dma_start3A_535 = tpu.memref_slice %arg10[%dma_start3A_529, %dma_start3A_534] : memref<6x48xi32, #tpu.memory_space<vmem>> -> memref<1x48xi32, #tpu.memory_space<vmem>>
      %dma_start3A_536 = tpu.memref_squeeze %dma_start3A_535 : memref<1x48xi32, #tpu.memory_space<vmem>> -> memref<48xi32, #tpu.memory_space<vmem>>
      %dma_start3A_537 = arith.constant 0 : i32
      %dma_start3A_538 = arith.constant 0 : i32
      %dma_start3A_539 = tpu.memref_slice %arg12[%dma_start3A_537, %dma_start3A_538] : memref<10112x128xf32, #tpu.memory_space<vmem_shared>> -> memref<10112x128xf32, #tpu.memory_space<vmem_shared>>
      tpu.enqueue_indirect_dma source(%dma_start3A_533 : memref<48x128xf32, #tpu.memory_space<vmem>>) target(%dma_start3A_539 : memref<10112x128xf32, #tpu.memory_space<vmem_shared>>) offsets(%dma_start3A_536 : memref<48xi32, #tpu.memory_space<vmem>>) semaphore(%arg19 : memref<!tpu.dma_semaphore, #tpu.memory_space<semaphore_mem>>) {add = true}
      %dma_start3A_540 = arith.constant 0 : i32
      %dma_start3A_541 = arith.constant 0 : i32
      %dma_start3A_542 = tpu.memref_slice %arg10[%dma_start3A_540, %dma_start3A_541] : memref<6x48xi32, #tpu.memory_space<vmem>> -> memref<1x48xi32, #tpu.memory_space<vmem>>
      %dma_start3A_543 = tpu.memref_squeeze %dma_start3A_542 : memref<1x48xi32, #tpu.memory_space<vmem>> -> memref<48xi32, #tpu.memory_space<vmem>>
      %dma_start3A_544 = arith.constant 0 : i32
      %dma_start3A_545 = tpu.memref_slice %arg25[%dma_start3A_544] : memref<10112xf32, #tpu.memory_space<vmem_shared>> -> memref<10112xf32, #tpu.memory_space<vmem_shared>>
      tpu.enqueue_indirect_dma source(%arg26 : memref<48xf32, #tpu.memory_space<vmem>>) target(%dma_start3A_545 : memref<10112xf32, #tpu.memory_space<vmem_shared>>) offsets(%dma_start3A_543 : memref<48xi32, #tpu.memory_space<vmem>>) semaphore(%arg19 : memref<!tpu.dma_semaphore, #tpu.memory_space<semaphore_mem>>) {add = true}
      %add3A_546 = arith.constant 6 : i32
      %add3A_547 = arith.addi %add3A_515, %add3A_546 : i32
      %sub3A = arith.constant 1 : i32
      %sub3A_548 = arith.subi %add3A_547, %sub3A : i32
      %lt3A = arith.constant 210 : i32
      %lt3A_549 = arith.cmpi slt, %sub3A_548, %lt3A : i32
      %convert_element_type3A_550 = arith.extui %lt3A_549 : i1 to i32
      %cond3A_551 = arith.constant 0 : i32
      %cond3A_552 = arith.cmpi ne, %convert_element_type3A_550, %cond3A_551 : i32
      scf.if %cond3A_552 {
        %gt3A = arith.constant 0 : i32
        %gt3A_758 = arith.cmpi sgt, %add3A_515, %gt3A : i32
        %convert_element_type3A_759 = arith.extui %gt3A_758 : i1 to i32
        %cond3A_760 = arith.constant 0 : i32
        %cond3A_761 = arith.cmpi ne, %convert_element_type3A_759, %cond3A_760 : i32
        scf.if %cond3A_761 {
          %dma_wait3A_849 = arith.constant 5 : i32
          %dma_wait3A_850 = arith.constant 5 : i32
          %dma_wait3A_851 = arith.constant 0 : i32
          %dma_wait3A_852 = arith.constant 0 : i32
          %dma_wait3A_853 = tpu.memref_slice %arg11[%dma_wait3A_849, %dma_wait3A_851, %dma_wait3A_852] : memref<6x48x128xf32, #tpu.memory_space<vmem>> -> memref<1x48x128xf32, #tpu.memory_space<vmem>>
          %dma_wait3A_854 = tpu.memref_squeeze %dma_wait3A_853 : memref<1x48x128xf32, #tpu.memory_space<vmem>> -> memref<48x128xf32, #tpu.memory_space<vmem>>
          %dma_wait3A_855 = arith.constant 0 : i32
          %dma_wait3A_856 = tpu.memref_slice %arg10[%dma_wait3A_850, %dma_wait3A_855] : memref<6x48xi32, #tpu.memory_space<vmem>> -> memref<1x48xi32, #tpu.memory_space<vmem>>
          %dma_wait3A_857 = tpu.memref_squeeze %dma_wait3A_856 : memref<1x48xi32, #tpu.memory_space<vmem>> -> memref<48xi32, #tpu.memory_space<vmem>>
          %dma_wait3A_858 = arith.constant 0 : i32
          %dma_wait3A_859 = arith.constant 0 : i32
          %dma_wait3A_860 = tpu.memref_slice %arg12[%dma_wait3A_858, %dma_wait3A_859] : memref<10112x128xf32, #tpu.memory_space<vmem_shared>> -> memref<10112x128xf32, #tpu.memory_space<vmem_shared>>
          tpu.wait_indirect_dma semaphore(%arg24 : memref<!tpu.dma_semaphore, #tpu.memory_space<semaphore_mem>>) src(%dma_wait3A_854 : memref<48x128xf32, #tpu.memory_space<vmem>>) dst(%dma_wait3A_860 : memref<10112x128xf32, #tpu.memory_space<vmem_shared>>)
          %dma_wait3A_861 = arith.constant 5 : i32
          %dma_wait3A_862 = arith.constant 0 : i32
          %dma_wait3A_863 = tpu.memref_slice %arg10[%dma_wait3A_861, %dma_wait3A_862] : memref<6x48xi32, #tpu.memory_space<vmem>> -> memref<1x48xi32, #tpu.memory_space<vmem>>
          %dma_wait3A_864 = tpu.memref_squeeze %dma_wait3A_863 : memref<1x48xi32, #tpu.memory_space<vmem>> -> memref<48xi32, #tpu.memory_space<vmem>>
          %dma_wait3A_865 = arith.constant 0 : i32
          %dma_wait3A_866 = tpu.memref_slice %arg25[%dma_wait3A_865] : memref<10112xf32, #tpu.memory_space<vmem_shared>> -> memref<10112xf32, #tpu.memory_space<vmem_shared>>
          tpu.wait_indirect_dma semaphore(%arg24 : memref<!tpu.dma_semaphore, #tpu.memory_space<semaphore_mem>>) src(%arg26 : memref<48xf32, #tpu.memory_space<vmem>>) dst(%dma_wait3A_866 : memref<10112xf32, #tpu.memory_space<vmem_shared>>)
        } else {
        }
        %add3A_762 = arith.constant 6 : i32
        %add3A_763 = arith.addi %add3A_515, %add3A_762 : i32
        %sub3A_764 = arith.constant 1 : i32
        %sub3A_765 = arith.subi %add3A_763, %sub3A_764 : i32
        %mul3A_766 = arith.constant 48 : i32
        %mul3A_767 = arith.muli %sub3A_765, %mul3A_766 : i32
        %add3A_768 = arith.constant 0 : i32
        %add3A_769 = arith.addi %mul3A_767, %add3A_768 : i32
        %get3A_770 = arith.index_cast %add3A_769 : i32 to index
        %get3A_771 = tpu.vector_load %arg8[%get3A_770] {strides = array<i32>} : memref<10080xi32, #tpu.memory_space<vmem>>, vector<16xi32>,
        %get3A_772 = vector.shape_cast %get3A_771 : vector<16xi32> to vector<16xi32>
        %shift_right_logical3A_773 = arith.constant 14 : i32
        %shift_right_logical3A_774 = vector.broadcast %shift_right_logical3A_773 : i32 to vector<16xi32>
        %shift_right_logical3A_775 = arith.shrui %get3A_772, %shift_right_logical3A_774 : vector<16xi32>
        %swap3A_776 = arith.constant 5 : i32
        %swap3A_777 = arith.index_cast %swap3A_776 : i32 to index
        %swap3A_778 = arith.constant 0 : index
        %swap3A_779 = tpu.vector_load %arg10[%swap3A_777, %swap3A_778] {strides = array<i32>} : memref<6x48xi32, #tpu.memory_space<vmem>>, vector<1x16xi32>,
        %swap3A_780 = vector.shape_cast %swap3A_779 : vector<1x16xi32> to vector<16xi32>
        %swap3A_781 = vector.shape_cast %shift_right_logical3A_775 : vector<16xi32> to vector<1x16xi32>
        tpu.vector_store %arg10[%swap3A_777, %swap3A_778], %swap3A_781 {strides = array<i32>} : memref<6x48xi32, #tpu.memory_space<vmem>>, vector<1x16xi32>,
        %and3A_782 = arith.constant 16383 : i32
        %and3A_783 = vector.broadcast %and3A_782 : i32 to vector<16xi32>
        %and3A_784 = arith.andi %get3A_772, %and3A_783 : vector<16xi32>
        %swap3A_785 = arith.constant 5 : i32
        %swap3A_786 = arith.index_cast %swap3A_785 : i32 to index
        %swap3A_787 = arith.constant 0 : index
        %swap3A_788 = tpu.vector_load %arg9[%swap3A_786, %swap3A_787] {strides = array<i32>} : memref<6x48xi32, #tpu.memory_space<vmem>>, vector<1x16xi32>,
        %swap3A_789 = vector.shape_cast %swap3A_788 : vector<1x16xi32> to vector<16xi32>
        %swap3A_790 = vector.shape_cast %and3A_784 : vector<16xi32> to vector<1x16xi32>
        tpu.vector_store %arg9[%swap3A_786, %swap3A_787], %swap3A_790 {strides = array<i32>} : memref<6x48xi32, #tpu.memory_space<vmem>>, vector<1x16xi32>,
        %add3A_791 = arith.constant 16 : i32
        %add3A_792 = arith.addi %mul3A_767, %add3A_791 : i32
        %get3A_793 = arith.index_cast %add3A_792 : i32 to index
        %get3A_794 = tpu.vector_load %arg8[%get3A_793] {strides = array<i32>} : memref<10080xi32, #tpu.memory_space<vmem>>, vector<16xi32>,
        %get3A_795 = vector.shape_cast %get3A_794 : vector<16xi32> to vector<16xi32>
        %shift_right_logical3A_796 = arith.constant 14 : i32
        %shift_right_logical3A_797 = vector.broadcast %shift_right_logical3A_796 : i32 to vector<16xi32>
        %shift_right_logical3A_798 = arith.shrui %get3A_795, %shift_right_logical3A_797 : vector<16xi32>
        %swap3A_799 = arith.constant 5 : i32
        %swap3A_800 = arith.index_cast %swap3A_799 : i32 to index
        %swap3A_801 = arith.constant 16 : index
        %swap3A_802 = tpu.vector_load %arg10[%swap3A_800, %swap3A_801] {strides = array<i32>} : memref<6x48xi32, #tpu.memory_space<vmem>>, vector<1x16xi32>,
        %swap3A_803 = vector.shape_cast %swap3A_802 : vector<1x16xi32> to vector<16xi32>
        %swap3A_804 = vector.shape_cast %shift_right_logical3A_798 : vector<16xi32> to vector<1x16xi32>
        tpu.vector_store %arg10[%swap3A_800, %swap3A_801], %swap3A_804 {strides = array<i32>} : memref<6x48xi32, #tpu.memory_space<vmem>>, vector<1x16xi32>,
        %and3A_805 = arith.constant 16383 : i32
        %and3A_806 = vector.broadcast %and3A_805 : i32 to vector<16xi32>
        %and3A_807 = arith.andi %get3A_795, %and3A_806 : vector<16xi32>
        %swap3A_808 = arith.constant 5 : i32
        %swap3A_809 = arith.index_cast %swap3A_808 : i32 to index
        %swap3A_810 = arith.constant 16 : index
        %swap3A_811 = tpu.vector_load %arg9[%swap3A_809, %swap3A_810] {strides = array<i32>} : memref<6x48xi32, #tpu.memory_space<vmem>>, vector<1x16xi32>,
        %swap3A_812 = vector.shape_cast %swap3A_811 : vector<1x16xi32> to vector<16xi32>
        %swap3A_813 = vector.shape_cast %and3A_807 : vector<16xi32> to vector<1x16xi32>
        tpu.vector_store %arg9[%swap3A_809, %swap3A_810], %swap3A_813 {strides = array<i32>} : memref<6x48xi32, #tpu.memory_space<vmem>>, vector<1x16xi32>,
        %add3A_814 = arith.constant 32 : i32
        %add3A_815 = arith.addi %mul3A_767, %add3A_814 : i32
        %get3A_816 = arith.index_cast %add3A_815 : i32 to index
        %get3A_817 = tpu.vector_load %arg8[%get3A_816] {strides = array<i32>} : memref<10080xi32, #tpu.memory_space<vmem>>, vector<16xi32>,
        %get3A_818 = vector.shape_cast %get3A_817 : vector<16xi32> to vector<16xi32>
        %shift_right_logical3A_819 = arith.constant 14 : i32
        %shift_right_logical3A_820 = vector.broadcast %shift_right_logical3A_819 : i32 to vector<16xi32>
        %shift_right_logical3A_821 = arith.shrui %get3A_818, %shift_right_logical3A_820 : vector<16xi32>
        %swap3A_822 = arith.constant 5 : i32
        %swap3A_823 = arith.index_cast %swap3A_822 : i32 to index
        %swap3A_824 = arith.constant 32 : index
        %swap3A_825 = tpu.vector_load %arg10[%swap3A_823, %swap3A_824] {strides = array<i32>} : memref<6x48xi32, #tpu.memory_space<vmem>>, vector<1x16xi32>,
        %swap3A_826 = vector.shape_cast %swap3A_825 : vector<1x16xi32> to vector<16xi32>
        %swap3A_827 = vector.shape_cast %shift_right_logical3A_821 : vector<16xi32> to vector<1x16xi32>
        tpu.vector_store %arg10[%swap3A_823, %swap3A_824], %swap3A_827 {strides = array<i32>} : memref<6x48xi32, #tpu.memory_space<vmem>>, vector<1x16xi32>,
        %and3A_828 = arith.constant 16383 : i32
        %and3A_829 = vector.broadcast %and3A_828 : i32 to vector<16xi32>
        %and3A_830 = arith.andi %get3A_818, %and3A_829 : vector<16xi32>
        %swap3A_831 = arith.constant 5 : i32
        %swap3A_832 = arith.index_cast %swap3A_831 : i32 to index
        %swap3A_833 = arith.constant 32 : index
        %swap3A_834 = tpu.vector_load %arg9[%swap3A_832, %swap3A_833] {strides = array<i32>} : memref<6x48xi32, #tpu.memory_space<vmem>>, vector<1x16xi32>,
        %swap3A_835 = vector.shape_cast %swap3A_834 : vector<1x16xi32> to vector<16xi32>
        %swap3A_836 = vector.shape_cast %and3A_830 : vector<16xi32> to vector<1x16xi32>
        tpu.vector_store %arg9[%swap3A_832, %swap3A_833], %swap3A_836 {strides = array<i32>} : memref<6x48xi32, #tpu.memory_space<vmem>>, vector<1x16xi32>,
        %dma_start3A_837 = arith.constant 5 : i32
        %dma_start3A_838 = arith.constant 5 : i32
        %dma_start3A_839 = arith.constant 0 : i32
        %dma_start3A_840 = arith.constant 0 : i32
        %dma_start3A_841 = tpu.memref_slice %arg11[%dma_start3A_838, %dma_start3A_839, %dma_start3A_840] : memref<6x48x128xf32, #tpu.memory_space<vmem>> -> memref<1x48x128xf32, #tpu.memory_space<vmem>>
        %dma_start3A_842 = tpu.memref_squeeze %dma_start3A_841 : memref<1x48x128xf32, #tpu.memory_space<vmem>> -> memref<48x128xf32, #tpu.memory_space<vmem>>
        %dma_start3A_843 = arith.constant 0 : i32
        %dma_start3A_844 = tpu.memref_slice %arg9[%dma_start3A_837, %dma_start3A_843] : memref<6x48xi32, #tpu.memory_space<vmem>> -> memref<1x48xi32, #tpu.memory_space<vmem>>
        %dma_start3A_845 = tpu.memref_squeeze %dma_start3A_844 : memref<1x48xi32, #tpu.memory_space<vmem>> -> memref<48xi32, #tpu.memory_space<vmem>>
        %dma_start3A_846 = arith.constant 0 : i32
        %dma_start3A_847 = arith.constant 0 : i32
        %dma_start3A_848 = tpu.memref_slice %arg2[%dma_start3A_846, %dma_start3A_847] : memref<10000x128xf32, #tpu.memory_space<hbm>> -> memref<10000x128xf32, #tpu.memory_space<hbm>>
        tpu.enqueue_indirect_dma source(%dma_start3A_848 : memref<10000x128xf32, #tpu.memory_space<hbm>>) target(%dma_start3A_842 : memref<48x128xf32, #tpu.memory_space<vmem>>) offsets(%dma_start3A_845 : memref<48xi32, #tpu.memory_space<vmem>>) semaphore(%arg18 : memref<!tpu.dma_semaphore, #tpu.memory_space<semaphore_mem>>)
      } else {
      }
      %add3A_553 = arith.constant 1 : i32
      %add3A_554 = arith.addi %mul3A_513, %add3A_553 : i32
      %dma_wait3A_555 = arith.constant 1 : i32
      %dma_wait3A_556 = arith.constant 1 : i32
      %dma_wait3A_557 = arith.constant 0 : i32
      %dma_wait3A_558 = arith.constant 0 : i32
      %dma_wait3A_559 = tpu.memref_slice %arg11[%dma_wait3A_556, %dma_wait3A_557, %dma_wait3A_558] : memref<6x48x128xf32, #tpu.memory_space<vmem>> -> memref<1x48x128xf32, #tpu.memory_space<vmem>>
      %dma_wait3A_560 = tpu.memref_squeeze %dma_wait3A_559 : memref<1x48x128xf32, #tpu.memory_space<vmem>> -> memref<48x128xf32, #tpu.memory_space<vmem>>
      %dma_wait3A_561 = arith.constant 0 : i32
      %dma_wait3A_562 = tpu.memref_slice %arg9[%dma_wait3A_555, %dma_wait3A_561] : memref<6x48xi32, #tpu.memory_space<vmem>> -> memref<1x48xi32, #tpu.memory_space<vmem>>
      %dma_wait3A_563 = tpu.memref_squeeze %dma_wait3A_562 : memref<1x48xi32, #tpu.memory_space<vmem>> -> memref<48xi32, #tpu.memory_space<vmem>>
      %dma_wait3A_564 = arith.constant 0 : i32
      %dma_wait3A_565 = arith.constant 0 : i32
      %dma_wait3A_566 = tpu.memref_slice %arg2[%dma_wait3A_564, %dma_wait3A_565] : memref<10000x128xf32, #tpu.memory_space<hbm>> -> memref<10000x128xf32, #tpu.memory_space<hbm>>
      tpu.wait_indirect_dma semaphore(%arg14 : memref<!tpu.dma_semaphore, #tpu.memory_space<semaphore_mem>>) src(%dma_wait3A_566 : memref<10000x128xf32, #tpu.memory_space<hbm>>) dst(%dma_wait3A_560 : memref<48x128xf32, #tpu.memory_space<vmem>>)
      %dma_start3A_567 = arith.constant 1 : i32
      %dma_start3A_568 = arith.constant 1 : i32
      %dma_start3A_569 = arith.constant 0 : i32
      %dma_start3A_570 = arith.constant 0 : i32
      %dma_start3A_571 = tpu.memref_slice %arg11[%dma_start3A_567, %dma_start3A_569, %dma_start3A_570] : memref<6x48x128xf32, #tpu.memory_space<vmem>> -> memref<1x48x128xf32, #tpu.memory_space<vmem>>
      %dma_start3A_572 = tpu.memref_squeeze %dma_start3A_571 : memref<1x48x128xf32, #tpu.memory_space<vmem>> -> memref<48x128xf32, #tpu.memory_space<vmem>>
      %dma_start3A_573 = arith.constant 0 : i32
      %dma_start3A_574 = tpu.memref_slice %arg10[%dma_start3A_568, %dma_start3A_573] : memref<6x48xi32, #tpu.memory_space<vmem>> -> memref<1x48xi32, #tpu.memory_space<vmem>>
      %dma_start3A_575 = tpu.memref_squeeze %dma_start3A_574 : memref<1x48xi32, #tpu.memory_space<vmem>> -> memref<48xi32, #tpu.memory_space<vmem>>
      %dma_start3A_576 = arith.constant 0 : i32
      %dma_start3A_577 = arith.constant 0 : i32
      %dma_start3A_578 = tpu.memref_slice %arg12[%dma_start3A_576, %dma_start3A_577] : memref<10112x128xf32, #tpu.memory_space<vmem_shared>> -> memref<10112x128xf32, #tpu.memory_space<vmem_shared>>
      tpu.enqueue_indirect_dma source(%dma_start3A_572 : memref<48x128xf32, #tpu.memory_space<vmem>>) target(%dma_start3A_578 : memref<10112x128xf32, #tpu.memory_space<vmem_shared>>) offsets(%dma_start3A_575 : memref<48xi32, #tpu.memory_space<vmem>>) semaphore(%arg20 : memref<!tpu.dma_semaphore, #tpu.memory_space<semaphore_mem>>) {add = true}
      %dma_start3A_579 = arith.constant 1 : i32
      %dma_start3A_580 = arith.constant 0 : i32
      %dma_start3A_581 = tpu.memref_slice %arg10[%dma_start3A_579, %dma_start3A_580] : memref<6x48xi32, #tpu.memory_space<vmem>> -> memref<1x48xi32, #tpu.memory_space<vmem>>
      %dma_start3A_582 = tpu.memref_squeeze %dma_start3A_581 : memref<1x48xi32, #tpu.memory_space<vmem>> -> memref<48xi32, #tpu.memory_space<vmem>>
      %dma_start3A_583 = arith.constant 0 : i32
      %dma_start3A_584 = tpu.memref_slice %arg25[%dma_start3A_583] : memref<10112xf32, #tpu.memory_space<vmem_shared>> -> memref<10112xf32, #tpu.memory_space<vmem_shared>>
      tpu.enqueue_indirect_dma source(%arg26 : memref<48xf32, #tpu.memory_space<vmem>>) target(%dma_start3A_584 : memref<10112xf32, #tpu.memory_space<vmem_shared>>) offsets(%dma_start3A_582 : memref<48xi32, #tpu.memory_space<vmem>>) semaphore(%arg20 : memref<!tpu.dma_semaphore, #tpu.memory_space<semaphore_mem>>) {add = true}
      %add3A_585 = arith.constant 6 : i32
      %add3A_586 = arith.addi %add3A_554, %add3A_585 : i32
      %sub3A_587 = arith.constant 1 : i32
      %sub3A_588 = arith.subi %add3A_586, %sub3A_587 : i32
      %lt3A_589 = arith.constant 210 : i32
      %lt3A_590 = arith.cmpi slt, %sub3A_588, %lt3A_589 : i32
      %convert_element_type3A_591 = arith.extui %lt3A_590 : i1 to i32
      %cond3A_592 = arith.constant 0 : i32
      %cond3A_593 = arith.cmpi ne, %convert_element_type3A_591, %cond3A_592 : i32
      scf.if %cond3A_593 {
        %gt3A = arith.constant 0 : i32
        %gt3A_758 = arith.cmpi sgt, %add3A_554, %gt3A : i32
        %convert_element_type3A_759 = arith.extui %gt3A_758 : i1 to i32
        %cond3A_760 = arith.constant 0 : i32
        %cond3A_761 = arith.cmpi ne, %convert_element_type3A_759, %cond3A_760 : i32
        scf.if %cond3A_761 {
          %dma_wait3A_849 = arith.constant 0 : i32
          %dma_wait3A_850 = arith.constant 0 : i32
          %dma_wait3A_851 = arith.constant 0 : i32
          %dma_wait3A_852 = arith.constant 0 : i32
          %dma_wait3A_853 = tpu.memref_slice %arg11[%dma_wait3A_849, %dma_wait3A_851, %dma_wait3A_852] : memref<6x48x128xf32, #tpu.memory_space<vmem>> -> memref<1x48x128xf32, #tpu.memory_space<vmem>>
          %dma_wait3A_854 = tpu.memref_squeeze %dma_wait3A_853 : memref<1x48x128xf32, #tpu.memory_space<vmem>> -> memref<48x128xf32, #tpu.memory_space<vmem>>
          %dma_wait3A_855 = arith.constant 0 : i32
          %dma_wait3A_856 = tpu.memref_slice %arg10[%dma_wait3A_850, %dma_wait3A_855] : memref<6x48xi32, #tpu.memory_space<vmem>> -> memref<1x48xi32, #tpu.memory_space<vmem>>
          %dma_wait3A_857 = tpu.memref_squeeze %dma_wait3A_856 : memref<1x48xi32, #tpu.memory_space<vmem>> -> memref<48xi32, #tpu.memory_space<vmem>>
          %dma_wait3A_858 = arith.constant 0 : i32
          %dma_wait3A_859 = arith.constant 0 : i32
          %dma_wait3A_860 = tpu.memref_slice %arg12[%dma_wait3A_858, %dma_wait3A_859] : memref<10112x128xf32, #tpu.memory_space<vmem_shared>> -> memref<10112x128xf32, #tpu.memory_space<vmem_shared>>
          tpu.wait_indirect_dma semaphore(%arg19 : memref<!tpu.dma_semaphore, #tpu.memory_space<semaphore_mem>>) src(%dma_wait3A_854 : memref<48x128xf32, #tpu.memory_space<vmem>>) dst(%dma_wait3A_860 : memref<10112x128xf32, #tpu.memory_space<vmem_shared>>)
          %dma_wait3A_861 = arith.constant 0 : i32
          %dma_wait3A_862 = arith.constant 0 : i32
          %dma_wait3A_863 = tpu.memref_slice %arg10[%dma_wait3A_861, %dma_wait3A_862] : memref<6x48xi32, #tpu.memory_space<vmem>> -> memref<1x48xi32, #tpu.memory_space<vmem>>
          %dma_wait3A_864 = tpu.memref_squeeze %dma_wait3A_863 : memref<1x48xi32, #tpu.memory_space<vmem>> -> memref<48xi32, #tpu.memory_space<vmem>>
          %dma_wait3A_865 = arith.constant 0 : i32
          %dma_wait3A_866 = tpu.memref_slice %arg25[%dma_wait3A_865] : memref<10112xf32, #tpu.memory_space<vmem_shared>> -> memref<10112xf32, #tpu.memory_space<vmem_shared>>
          tpu.wait_indirect_dma semaphore(%arg19 : memref<!tpu.dma_semaphore, #tpu.memory_space<semaphore_mem>>) src(%arg26 : memref<48xf32, #tpu.memory_space<vmem>>) dst(%dma_wait3A_866 : memref<10112xf32, #tpu.memory_space<vmem_shared>>)
        } else {
        }
        %add3A_762 = arith.constant 6 : i32
        %add3A_763 = arith.addi %add3A_554, %add3A_762 : i32
        %sub3A_764 = arith.constant 1 : i32
        %sub3A_765 = arith.subi %add3A_763, %sub3A_764 : i32
        %mul3A_766 = arith.constant 48 : i32
        %mul3A_767 = arith.muli %sub3A_765, %mul3A_766 : i32
        %add3A_768 = arith.constant 0 : i32
        %add3A_769 = arith.addi %mul3A_767, %add3A_768 : i32
        %get3A_770 = arith.index_cast %add3A_769 : i32 to index
        %get3A_771 = tpu.vector_load %arg8[%get3A_770] {strides = array<i32>} : memref<10080xi32, #tpu.memory_space<vmem>>, vector<16xi32>,
        %get3A_772 = vector.shape_cast %get3A_771 : vector<16xi32> to vector<16xi32>
        %shift_right_logical3A_773 = arith.constant 14 : i32
        %shift_right_logical3A_774 = vector.broadcast %shift_right_logical3A_773 : i32 to vector<16xi32>
        %shift_right_logical3A_775 = arith.shrui %get3A_772, %shift_right_logical3A_774 : vector<16xi32>
        %swap3A_776 = arith.constant 0 : i32
        %swap3A_777 = arith.index_cast %swap3A_776 : i32 to index
        %swap3A_778 = arith.constant 0 : index
        %swap3A_779 = tpu.vector_load %arg10[%swap3A_777, %swap3A_778] {strides = array<i32>} : memref<6x48xi32, #tpu.memory_space<vmem>>, vector<1x16xi32>,
        %swap3A_780 = vector.shape_cast %swap3A_779 : vector<1x16xi32> to vector<16xi32>
        %swap3A_781 = vector.shape_cast %shift_right_logical3A_775 : vector<16xi32> to vector<1x16xi32>
        tpu.vector_store %arg10[%swap3A_777, %swap3A_778], %swap3A_781 {strides = array<i32>} : memref<6x48xi32, #tpu.memory_space<vmem>>, vector<1x16xi32>,
        %and3A_782 = arith.constant 16383 : i32
        %and3A_783 = vector.broadcast %and3A_782 : i32 to vector<16xi32>
        %and3A_784 = arith.andi %get3A_772, %and3A_783 : vector<16xi32>
        %swap3A_785 = arith.constant 0 : i32
        %swap3A_786 = arith.index_cast %swap3A_785 : i32 to index
        %swap3A_787 = arith.constant 0 : index
        %swap3A_788 = tpu.vector_load %arg9[%swap3A_786, %swap3A_787] {strides = array<i32>} : memref<6x48xi32, #tpu.memory_space<vmem>>, vector<1x16xi32>,
        %swap3A_789 = vector.shape_cast %swap3A_788 : vector<1x16xi32> to vector<16xi32>
        %swap3A_790 = vector.shape_cast %and3A_784 : vector<16xi32> to vector<1x16xi32>
        tpu.vector_store %arg9[%swap3A_786, %swap3A_787], %swap3A_790 {strides = array<i32>} : memref<6x48xi32, #tpu.memory_space<vmem>>, vector<1x16xi32>,
        %add3A_791 = arith.constant 16 : i32
        %add3A_792 = arith.addi %mul3A_767, %add3A_791 : i32
        %get3A_793 = arith.index_cast %add3A_792 : i32 to index
        %get3A_794 = tpu.vector_load %arg8[%get3A_793] {strides = array<i32>} : memref<10080xi32, #tpu.memory_space<vmem>>, vector<16xi32>,
        %get3A_795 = vector.shape_cast %get3A_794 : vector<16xi32> to vector<16xi32>
        %shift_right_logical3A_796 = arith.constant 14 : i32
        %shift_right_logical3A_797 = vector.broadcast %shift_right_logical3A_796 : i32 to vector<16xi32>
        %shift_right_logical3A_798 = arith.shrui %get3A_795, %shift_right_logical3A_797 : vector<16xi32>
        %swap3A_799 = arith.constant 0 : i32
        %swap3A_800 = arith.index_cast %swap3A_799 : i32 to index
        %swap3A_801 = arith.constant 16 : index
        %swap3A_802 = tpu.vector_load %arg10[%swap3A_800, %swap3A_801] {strides = array<i32>} : memref<6x48xi32, #tpu.memory_space<vmem>>, vector<1x16xi32>,
        %swap3A_803 = vector.shape_cast %swap3A_802 : vector<1x16xi32> to vector<16xi32>
        %swap3A_804 = vector.shape_cast %shift_right_logical3A_798 : vector<16xi32> to vector<1x16xi32>
        tpu.vector_store %arg10[%swap3A_800, %swap3A_801], %swap3A_804 {strides = array<i32>} : memref<6x48xi32, #tpu.memory_space<vmem>>, vector<1x16xi32>,
        %and3A_805 = arith.constant 16383 : i32
        %and3A_806 = vector.broadcast %and3A_805 : i32 to vector<16xi32>
        %and3A_807 = arith.andi %get3A_795, %and3A_806 : vector<16xi32>
        %swap3A_808 = arith.constant 0 : i32
        %swap3A_809 = arith.index_cast %swap3A_808 : i32 to index
        %swap3A_810 = arith.constant 16 : index
        %swap3A_811 = tpu.vector_load %arg9[%swap3A_809, %swap3A_810] {strides = array<i32>} : memref<6x48xi32, #tpu.memory_space<vmem>>, vector<1x16xi32>,
        %swap3A_812 = vector.shape_cast %swap3A_811 : vector<1x16xi32> to vector<16xi32>
        %swap3A_813 = vector.shape_cast %and3A_807 : vector<16xi32> to vector<1x16xi32>
        tpu.vector_store %arg9[%swap3A_809, %swap3A_810], %swap3A_813 {strides = array<i32>} : memref<6x48xi32, #tpu.memory_space<vmem>>, vector<1x16xi32>,
        %add3A_814 = arith.constant 32 : i32
        %add3A_815 = arith.addi %mul3A_767, %add3A_814 : i32
        %get3A_816 = arith.index_cast %add3A_815 : i32 to index
        %get3A_817 = tpu.vector_load %arg8[%get3A_816] {strides = array<i32>} : memref<10080xi32, #tpu.memory_space<vmem>>, vector<16xi32>,
        %get3A_818 = vector.shape_cast %get3A_817 : vector<16xi32> to vector<16xi32>
        %shift_right_logical3A_819 = arith.constant 14 : i32
        %shift_right_logical3A_820 = vector.broadcast %shift_right_logical3A_819 : i32 to vector<16xi32>
        %shift_right_logical3A_821 = arith.shrui %get3A_818, %shift_right_logical3A_820 : vector<16xi32>
        %swap3A_822 = arith.constant 0 : i32
        %swap3A_823 = arith.index_cast %swap3A_822 : i32 to index
        %swap3A_824 = arith.constant 32 : index
        %swap3A_825 = tpu.vector_load %arg10[%swap3A_823, %swap3A_824] {strides = array<i32>} : memref<6x48xi32, #tpu.memory_space<vmem>>, vector<1x16xi32>,
        %swap3A_826 = vector.shape_cast %swap3A_825 : vector<1x16xi32> to vector<16xi32>
        %swap3A_827 = vector.shape_cast %shift_right_logical3A_821 : vector<16xi32> to vector<1x16xi32>
        tpu.vector_store %arg10[%swap3A_823, %swap3A_824], %swap3A_827 {strides = array<i32>} : memref<6x48xi32, #tpu.memory_space<vmem>>, vector<1x16xi32>,
        %and3A_828 = arith.constant 16383 : i32
        %and3A_829 = vector.broadcast %and3A_828 : i32 to vector<16xi32>
        %and3A_830 = arith.andi %get3A_818, %and3A_829 : vector<16xi32>
        %swap3A_831 = arith.constant 0 : i32
        %swap3A_832 = arith.index_cast %swap3A_831 : i32 to index
        %swap3A_833 = arith.constant 32 : index
        %swap3A_834 = tpu.vector_load %arg9[%swap3A_832, %swap3A_833] {strides = array<i32>} : memref<6x48xi32, #tpu.memory_space<vmem>>, vector<1x16xi32>,
        %swap3A_835 = vector.shape_cast %swap3A_834 : vector<1x16xi32> to vector<16xi32>
        %swap3A_836 = vector.shape_cast %and3A_830 : vector<16xi32> to vector<1x16xi32>
        tpu.vector_store %arg9[%swap3A_832, %swap3A_833], %swap3A_836 {strides = array<i32>} : memref<6x48xi32, #tpu.memory_space<vmem>>, vector<1x16xi32>,
        %dma_start3A_837 = arith.constant 0 : i32
        %dma_start3A_838 = arith.constant 0 : i32
        %dma_start3A_839 = arith.constant 0 : i32
        %dma_start3A_840 = arith.constant 0 : i32
        %dma_start3A_841 = tpu.memref_slice %arg11[%dma_start3A_838, %dma_start3A_839, %dma_start3A_840] : memref<6x48x128xf32, #tpu.memory_space<vmem>> -> memref<1x48x128xf32, #tpu.memory_space<vmem>>
        %dma_start3A_842 = tpu.memref_squeeze %dma_start3A_841 : memref<1x48x128xf32, #tpu.memory_space<vmem>> -> memref<48x128xf32, #tpu.memory_space<vmem>>
        %dma_start3A_843 = arith.constant 0 : i32
        %dma_start3A_844 = tpu.memref_slice %arg9[%dma_start3A_837, %dma_start3A_843] : memref<6x48xi32, #tpu.memory_space<vmem>> -> memref<1x48xi32, #tpu.memory_space<vmem>>
        %dma_start3A_845 = tpu.memref_squeeze %dma_start3A_844 : memref<1x48xi32, #tpu.memory_space<vmem>> -> memref<48xi32, #tpu.memory_space<vmem>>
        %dma_start3A_846 = arith.constant 0 : i32
        %dma_start3A_847 = arith.constant 0 : i32
        %dma_start3A_848 = tpu.memref_slice %arg2[%dma_start3A_846, %dma_start3A_847] : memref<10000x128xf32, #tpu.memory_space<hbm>> -> memref<10000x128xf32, #tpu.memory_space<hbm>>
        tpu.enqueue_indirect_dma source(%dma_start3A_848 : memref<10000x128xf32, #tpu.memory_space<hbm>>) target(%dma_start3A_842 : memref<48x128xf32, #tpu.memory_space<vmem>>) offsets(%dma_start3A_845 : memref<48xi32, #tpu.memory_space<vmem>>) semaphore(%arg13 : memref<!tpu.dma_semaphore, #tpu.memory_space<semaphore_mem>>)
      } else {
      }
      %add3A_594 = arith.constant 2 : i32
      %add3A_595 = arith.addi %mul3A_513, %add3A_594 : i32
      %dma_wait3A_596 = arith.constant 2 : i32
      %dma_wait3A_597 = arith.constant 2 : i32
      %dma_wait3A_598 = arith.constant 0 : i32
      %dma_wait3A_599 = arith.constant 0 : i32
      %dma_wait3A_600 = tpu.memref_slice %arg11[%dma_wait3A_597, %dma_wait3A_598, %dma_wait3A_599] : memref<6x48x128xf32, #tpu.memory_space<vmem>> -> memref<1x48x128xf32, #tpu.memory_space<vmem>>
      %dma_wait3A_601 = tpu.memref_squeeze %dma_wait3A_600 : memref<1x48x128xf32, #tpu.memory_space<vmem>> -> memref<48x128xf32, #tpu.memory_space<vmem>>
      %dma_wait3A_602 = arith.constant 0 : i32
      %dma_wait3A_603 = tpu.memref_slice %arg9[%dma_wait3A_596, %dma_wait3A_602] : memref<6x48xi32, #tpu.memory_space<vmem>> -> memref<1x48xi32, #tpu.memory_space<vmem>>
      %dma_wait3A_604 = tpu.memref_squeeze %dma_wait3A_603 : memref<1x48xi32, #tpu.memory_space<vmem>> -> memref<48xi32, #tpu.memory_space<vmem>>
      %dma_wait3A_605 = arith.constant 0 : i32
      %dma_wait3A_606 = arith.constant 0 : i32
      %dma_wait3A_607 = tpu.memref_slice %arg2[%dma_wait3A_605, %dma_wait3A_606] : memref<10000x128xf32, #tpu.memory_space<hbm>> -> memref<10000x128xf32, #tpu.memory_space<hbm>>
      tpu.wait_indirect_dma semaphore(%arg15 : memref<!tpu.dma_semaphore, #tpu.memory_space<semaphore_mem>>) src(%dma_wait3A_607 : memref<10000x128xf32, #tpu.memory_space<hbm>>) dst(%dma_wait3A_601 : memref<48x128xf32, #tpu.memory_space<vmem>>)
      %dma_start3A_608 = arith.constant 2 : i32
      %dma_start3A_609 = arith.constant 2 : i32
      %dma_start3A_610 = arith.constant 0 : i32
      %dma_start3A_611 = arith.constant 0 : i32
      %dma_start3A_612 = tpu.memref_slice %arg11[%dma_start3A_608, %dma_start3A_610, %dma_start3A_611] : memref<6x48x128xf32, #tpu.memory_space<vmem>> -> memref<1x48x128xf32, #tpu.memory_space<vmem>>
      %dma_start3A_613 = tpu.memref_squeeze %dma_start3A_612 : memref<1x48x128xf32, #tpu.memory_space<vmem>> -> memref<48x128xf32, #tpu.memory_space<vmem>>
      %dma_start3A_614 = arith.constant 0 : i32
      %dma_start3A_615 = tpu.memref_slice %arg10[%dma_start3A_609, %dma_start3A_614] : memref<6x48xi32, #tpu.memory_space<vmem>> -> memref<1x48xi32, #tpu.memory_space<vmem>>
      %dma_start3A_616 = tpu.memref_squeeze %dma_start3A_615 : memref<1x48xi32, #tpu.memory_space<vmem>> -> memref<48xi32, #tpu.memory_space<vmem>>
      %dma_start3A_617 = arith.constant 0 : i32
      %dma_start3A_618 = arith.constant 0 : i32
      %dma_start3A_619 = tpu.memref_slice %arg12[%dma_start3A_617, %dma_start3A_618] : memref<10112x128xf32, #tpu.memory_space<vmem_shared>> -> memref<10112x128xf32, #tpu.memory_space<vmem_shared>>
      tpu.enqueue_indirect_dma source(%dma_start3A_613 : memref<48x128xf32, #tpu.memory_space<vmem>>) target(%dma_start3A_619 : memref<10112x128xf32, #tpu.memory_space<vmem_shared>>) offsets(%dma_start3A_616 : memref<48xi32, #tpu.memory_space<vmem>>) semaphore(%arg21 : memref<!tpu.dma_semaphore, #tpu.memory_space<semaphore_mem>>) {add = true}
      %dma_start3A_620 = arith.constant 2 : i32
      %dma_start3A_621 = arith.constant 0 : i32
      %dma_start3A_622 = tpu.memref_slice %arg10[%dma_start3A_620, %dma_start3A_621] : memref<6x48xi32, #tpu.memory_space<vmem>> -> memref<1x48xi32, #tpu.memory_space<vmem>>
      %dma_start3A_623 = tpu.memref_squeeze %dma_start3A_622 : memref<1x48xi32, #tpu.memory_space<vmem>> -> memref<48xi32, #tpu.memory_space<vmem>>
      %dma_start3A_624 = arith.constant 0 : i32
      %dma_start3A_625 = tpu.memref_slice %arg25[%dma_start3A_624] : memref<10112xf32, #tpu.memory_space<vmem_shared>> -> memref<10112xf32, #tpu.memory_space<vmem_shared>>
      tpu.enqueue_indirect_dma source(%arg26 : memref<48xf32, #tpu.memory_space<vmem>>) target(%dma_start3A_625 : memref<10112xf32, #tpu.memory_space<vmem_shared>>) offsets(%dma_start3A_623 : memref<48xi32, #tpu.memory_space<vmem>>) semaphore(%arg21 : memref<!tpu.dma_semaphore, #tpu.memory_space<semaphore_mem>>) {add = true}
      %add3A_626 = arith.constant 6 : i32
      %add3A_627 = arith.addi %add3A_595, %add3A_626 : i32
      %sub3A_628 = arith.constant 1 : i32
      %sub3A_629 = arith.subi %add3A_627, %sub3A_628 : i32
      %lt3A_630 = arith.constant 210 : i32
      %lt3A_631 = arith.cmpi slt, %sub3A_629, %lt3A_630 : i32
      %convert_element_type3A_632 = arith.extui %lt3A_631 : i1 to i32
      %cond3A_633 = arith.constant 0 : i32
      %cond3A_634 = arith.cmpi ne, %convert_element_type3A_632, %cond3A_633 : i32
      scf.if %cond3A_634 {
        %gt3A = arith.constant 0 : i32
        %gt3A_758 = arith.cmpi sgt, %add3A_595, %gt3A : i32
        %convert_element_type3A_759 = arith.extui %gt3A_758 : i1 to i32
        %cond3A_760 = arith.constant 0 : i32
        %cond3A_761 = arith.cmpi ne, %convert_element_type3A_759, %cond3A_760 : i32
        scf.if %cond3A_761 {
          %dma_wait3A_849 = arith.constant 1 : i32
          %dma_wait3A_850 = arith.constant 1 : i32
          %dma_wait3A_851 = arith.constant 0 : i32
          %dma_wait3A_852 = arith.constant 0 : i32
          %dma_wait3A_853 = tpu.memref_slice %arg11[%dma_wait3A_849, %dma_wait3A_851, %dma_wait3A_852] : memref<6x48x128xf32, #tpu.memory_space<vmem>> -> memref<1x48x128xf32, #tpu.memory_space<vmem>>
          %dma_wait3A_854 = tpu.memref_squeeze %dma_wait3A_853 : memref<1x48x128xf32, #tpu.memory_space<vmem>> -> memref<48x128xf32, #tpu.memory_space<vmem>>
          %dma_wait3A_855 = arith.constant 0 : i32
          %dma_wait3A_856 = tpu.memref_slice %arg10[%dma_wait3A_850, %dma_wait3A_855] : memref<6x48xi32, #tpu.memory_space<vmem>> -> memref<1x48xi32, #tpu.memory_space<vmem>>
          %dma_wait3A_857 = tpu.memref_squeeze %dma_wait3A_856 : memref<1x48xi32, #tpu.memory_space<vmem>> -> memref<48xi32, #tpu.memory_space<vmem>>
          %dma_wait3A_858 = arith.constant 0 : i32
          %dma_wait3A_859 = arith.constant 0 : i32
          %dma_wait3A_860 = tpu.memref_slice %arg12[%dma_wait3A_858, %dma_wait3A_859] : memref<10112x128xf32, #tpu.memory_space<vmem_shared>> -> memref<10112x128xf32, #tpu.memory_space<vmem_shared>>
          tpu.wait_indirect_dma semaphore(%arg20 : memref<!tpu.dma_semaphore, #tpu.memory_space<semaphore_mem>>) src(%dma_wait3A_854 : memref<48x128xf32, #tpu.memory_space<vmem>>) dst(%dma_wait3A_860 : memref<10112x128xf32, #tpu.memory_space<vmem_shared>>)
          %dma_wait3A_861 = arith.constant 1 : i32
          %dma_wait3A_862 = arith.constant 0 : i32
          %dma_wait3A_863 = tpu.memref_slice %arg10[%dma_wait3A_861, %dma_wait3A_862] : memref<6x48xi32, #tpu.memory_space<vmem>> -> memref<1x48xi32, #tpu.memory_space<vmem>>
          %dma_wait3A_864 = tpu.memref_squeeze %dma_wait3A_863 : memref<1x48xi32, #tpu.memory_space<vmem>> -> memref<48xi32, #tpu.memory_space<vmem>>
          %dma_wait3A_865 = arith.constant 0 : i32
          %dma_wait3A_866 = tpu.memref_slice %arg25[%dma_wait3A_865] : memref<10112xf32, #tpu.memory_space<vmem_shared>> -> memref<10112xf32, #tpu.memory_space<vmem_shared>>
          tpu.wait_indirect_dma semaphore(%arg20 : memref<!tpu.dma_semaphore, #tpu.memory_space<semaphore_mem>>) src(%arg26 : memref<48xf32, #tpu.memory_space<vmem>>) dst(%dma_wait3A_866 : memref<10112xf32, #tpu.memory_space<vmem_shared>>)
        } else {
        }
        %add3A_762 = arith.constant 6 : i32
        %add3A_763 = arith.addi %add3A_595, %add3A_762 : i32
        %sub3A_764 = arith.constant 1 : i32
        %sub3A_765 = arith.subi %add3A_763, %sub3A_764 : i32
        %mul3A_766 = arith.constant 48 : i32
        %mul3A_767 = arith.muli %sub3A_765, %mul3A_766 : i32
        %add3A_768 = arith.constant 0 : i32
        %add3A_769 = arith.addi %mul3A_767, %add3A_768 : i32
        %get3A_770 = arith.index_cast %add3A_769 : i32 to index
        %get3A_771 = tpu.vector_load %arg8[%get3A_770] {strides = array<i32>} : memref<10080xi32, #tpu.memory_space<vmem>>, vector<16xi32>,
        %get3A_772 = vector.shape_cast %get3A_771 : vector<16xi32> to vector<16xi32>
        %shift_right_logical3A_773 = arith.constant 14 : i32
        %shift_right_logical3A_774 = vector.broadcast %shift_right_logical3A_773 : i32 to vector<16xi32>
        %shift_right_logical3A_775 = arith.shrui %get3A_772, %shift_right_logical3A_774 : vector<16xi32>
        %swap3A_776 = arith.constant 1 : i32
        %swap3A_777 = arith.index_cast %swap3A_776 : i32 to index
        %swap3A_778 = arith.constant 0 : index
        %swap3A_779 = tpu.vector_load %arg10[%swap3A_777, %swap3A_778] {strides = array<i32>} : memref<6x48xi32, #tpu.memory_space<vmem>>, vector<1x16xi32>,
        %swap3A_780 = vector.shape_cast %swap3A_779 : vector<1x16xi32> to vector<16xi32>
        %swap3A_781 = vector.shape_cast %shift_right_logical3A_775 : vector<16xi32> to vector<1x16xi32>
        tpu.vector_store %arg10[%swap3A_777, %swap3A_778], %swap3A_781 {strides = array<i32>} : memref<6x48xi32, #tpu.memory_space<vmem>>, vector<1x16xi32>,
        %and3A_782 = arith.constant 16383 : i32
        %and3A_783 = vector.broadcast %and3A_782 : i32 to vector<16xi32>
        %and3A_784 = arith.andi %get3A_772, %and3A_783 : vector<16xi32>
        %swap3A_785 = arith.constant 1 : i32
        %swap3A_786 = arith.index_cast %swap3A_785 : i32 to index
        %swap3A_787 = arith.constant 0 : index
        %swap3A_788 = tpu.vector_load %arg9[%swap3A_786, %swap3A_787] {strides = array<i32>} : memref<6x48xi32, #tpu.memory_space<vmem>>, vector<1x16xi32>,
        %swap3A_789 = vector.shape_cast %swap3A_788 : vector<1x16xi32> to vector<16xi32>
        %swap3A_790 = vector.shape_cast %and3A_784 : vector<16xi32> to vector<1x16xi32>
        tpu.vector_store %arg9[%swap3A_786, %swap3A_787], %swap3A_790 {strides = array<i32>} : memref<6x48xi32, #tpu.memory_space<vmem>>, vector<1x16xi32>,
        %add3A_791 = arith.constant 16 : i32
        %add3A_792 = arith.addi %mul3A_767, %add3A_791 : i32
        %get3A_793 = arith.index_cast %add3A_792 : i32 to index
        %get3A_794 = tpu.vector_load %arg8[%get3A_793] {strides = array<i32>} : memref<10080xi32, #tpu.memory_space<vmem>>, vector<16xi32>,
        %get3A_795 = vector.shape_cast %get3A_794 : vector<16xi32> to vector<16xi32>
        %shift_right_logical3A_796 = arith.constant 14 : i32
        %shift_right_logical3A_797 = vector.broadcast %shift_right_logical3A_796 : i32 to vector<16xi32>
        %shift_right_logical3A_798 = arith.shrui %get3A_795, %shift_right_logical3A_797 : vector<16xi32>
        %swap3A_799 = arith.constant 1 : i32
        %swap3A_800 = arith.index_cast %swap3A_799 : i32 to index
        %swap3A_801 = arith.constant 16 : index
        %swap3A_802 = tpu.vector_load %arg10[%swap3A_800, %swap3A_801] {strides = array<i32>} : memref<6x48xi32, #tpu.memory_space<vmem>>, vector<1x16xi32>,
        %swap3A_803 = vector.shape_cast %swap3A_802 : vector<1x16xi32> to vector<16xi32>
        %swap3A_804 = vector.shape_cast %shift_right_logical3A_798 : vector<16xi32> to vector<1x16xi32>
        tpu.vector_store %arg10[%swap3A_800, %swap3A_801], %swap3A_804 {strides = array<i32>} : memref<6x48xi32, #tpu.memory_space<vmem>>, vector<1x16xi32>,
        %and3A_805 = arith.constant 16383 : i32
        %and3A_806 = vector.broadcast %and3A_805 : i32 to vector<16xi32>
        %and3A_807 = arith.andi %get3A_795, %and3A_806 : vector<16xi32>
        %swap3A_808 = arith.constant 1 : i32
        %swap3A_809 = arith.index_cast %swap3A_808 : i32 to index
        %swap3A_810 = arith.constant 16 : index
        %swap3A_811 = tpu.vector_load %arg9[%swap3A_809, %swap3A_810] {strides = array<i32>} : memref<6x48xi32, #tpu.memory_space<vmem>>, vector<1x16xi32>,
        %swap3A_812 = vector.shape_cast %swap3A_811 : vector<1x16xi32> to vector<16xi32>
        %swap3A_813 = vector.shape_cast %and3A_807 : vector<16xi32> to vector<1x16xi32>
        tpu.vector_store %arg9[%swap3A_809, %swap3A_810], %swap3A_813 {strides = array<i32>} : memref<6x48xi32, #tpu.memory_space<vmem>>, vector<1x16xi32>,
        %add3A_814 = arith.constant 32 : i32
        %add3A_815 = arith.addi %mul3A_767, %add3A_814 : i32
        %get3A_816 = arith.index_cast %add3A_815 : i32 to index
        %get3A_817 = tpu.vector_load %arg8[%get3A_816] {strides = array<i32>} : memref<10080xi32, #tpu.memory_space<vmem>>, vector<16xi32>,
        %get3A_818 = vector.shape_cast %get3A_817 : vector<16xi32> to vector<16xi32>
        %shift_right_logical3A_819 = arith.constant 14 : i32
        %shift_right_logical3A_820 = vector.broadcast %shift_right_logical3A_819 : i32 to vector<16xi32>
        %shift_right_logical3A_821 = arith.shrui %get3A_818, %shift_right_logical3A_820 : vector<16xi32>
        %swap3A_822 = arith.constant 1 : i32
        %swap3A_823 = arith.index_cast %swap3A_822 : i32 to index
        %swap3A_824 = arith.constant 32 : index
        %swap3A_825 = tpu.vector_load %arg10[%swap3A_823, %swap3A_824] {strides = array<i32>} : memref<6x48xi32, #tpu.memory_space<vmem>>, vector<1x16xi32>,
        %swap3A_826 = vector.shape_cast %swap3A_825 : vector<1x16xi32> to vector<16xi32>
        %swap3A_827 = vector.shape_cast %shift_right_logical3A_821 : vector<16xi32> to vector<1x16xi32>
        tpu.vector_store %arg10[%swap3A_823, %swap3A_824], %swap3A_827 {strides = array<i32>} : memref<6x48xi32, #tpu.memory_space<vmem>>, vector<1x16xi32>,
        %and3A_828 = arith.constant 16383 : i32
        %and3A_829 = vector.broadcast %and3A_828 : i32 to vector<16xi32>
        %and3A_830 = arith.andi %get3A_818, %and3A_829 : vector<16xi32>
        %swap3A_831 = arith.constant 1 : i32
        %swap3A_832 = arith.index_cast %swap3A_831 : i32 to index
        %swap3A_833 = arith.constant 32 : index
        %swap3A_834 = tpu.vector_load %arg9[%swap3A_832, %swap3A_833] {strides = array<i32>} : memref<6x48xi32, #tpu.memory_space<vmem>>, vector<1x16xi32>,
        %swap3A_835 = vector.shape_cast %swap3A_834 : vector<1x16xi32> to vector<16xi32>
        %swap3A_836 = vector.shape_cast %and3A_830 : vector<16xi32> to vector<1x16xi32>
        tpu.vector_store %arg9[%swap3A_832, %swap3A_833], %swap3A_836 {strides = array<i32>} : memref<6x48xi32, #tpu.memory_space<vmem>>, vector<1x16xi32>,
        %dma_start3A_837 = arith.constant 1 : i32
        %dma_start3A_838 = arith.constant 1 : i32
        %dma_start3A_839 = arith.constant 0 : i32
        %dma_start3A_840 = arith.constant 0 : i32
        %dma_start3A_841 = tpu.memref_slice %arg11[%dma_start3A_838, %dma_start3A_839, %dma_start3A_840] : memref<6x48x128xf32, #tpu.memory_space<vmem>> -> memref<1x48x128xf32, #tpu.memory_space<vmem>>
        %dma_start3A_842 = tpu.memref_squeeze %dma_start3A_841 : memref<1x48x128xf32, #tpu.memory_space<vmem>> -> memref<48x128xf32, #tpu.memory_space<vmem>>
        %dma_start3A_843 = arith.constant 0 : i32
        %dma_start3A_844 = tpu.memref_slice %arg9[%dma_start3A_837, %dma_start3A_843] : memref<6x48xi32, #tpu.memory_space<vmem>> -> memref<1x48xi32, #tpu.memory_space<vmem>>
        %dma_start3A_845 = tpu.memref_squeeze %dma_start3A_844 : memref<1x48xi32, #tpu.memory_space<vmem>> -> memref<48xi32, #tpu.memory_space<vmem>>
        %dma_start3A_846 = arith.constant 0 : i32
        %dma_start3A_847 = arith.constant 0 : i32
        %dma_start3A_848 = tpu.memref_slice %arg2[%dma_start3A_846, %dma_start3A_847] : memref<10000x128xf32, #tpu.memory_space<hbm>> -> memref<10000x128xf32, #tpu.memory_space<hbm>>
        tpu.enqueue_indirect_dma source(%dma_start3A_848 : memref<10000x128xf32, #tpu.memory_space<hbm>>) target(%dma_start3A_842 : memref<48x128xf32, #tpu.memory_space<vmem>>) offsets(%dma_start3A_845 : memref<48xi32, #tpu.memory_space<vmem>>) semaphore(%arg14 : memref<!tpu.dma_semaphore, #tpu.memory_space<semaphore_mem>>)
      } else {
      }
      %add3A_635 = arith.constant 3 : i32
      %add3A_636 = arith.addi %mul3A_513, %add3A_635 : i32
      %dma_wait3A_637 = arith.constant 3 : i32
      %dma_wait3A_638 = arith.constant 3 : i32
      %dma_wait3A_639 = arith.constant 0 : i32
      %dma_wait3A_640 = arith.constant 0 : i32
      %dma_wait3A_641 = tpu.memref_slice %arg11[%dma_wait3A_638, %dma_wait3A_639, %dma_wait3A_640] : memref<6x48x128xf32, #tpu.memory_space<vmem>> -> memref<1x48x128xf32, #tpu.memory_space<vmem>>
      %dma_wait3A_642 = tpu.memref_squeeze %dma_wait3A_641 : memref<1x48x128xf32, #tpu.memory_space<vmem>> -> memref<48x128xf32, #tpu.memory_space<vmem>>
      %dma_wait3A_643 = arith.constant 0 : i32
      %dma_wait3A_644 = tpu.memref_slice %arg9[%dma_wait3A_637, %dma_wait3A_643] : memref<6x48xi32, #tpu.memory_space<vmem>> -> memref<1x48xi32, #tpu.memory_space<vmem>>
      %dma_wait3A_645 = tpu.memref_squeeze %dma_wait3A_644 : memref<1x48xi32, #tpu.memory_space<vmem>> -> memref<48xi32, #tpu.memory_space<vmem>>
      %dma_wait3A_646 = arith.constant 0 : i32
      %dma_wait3A_647 = arith.constant 0 : i32
      %dma_wait3A_648 = tpu.memref_slice %arg2[%dma_wait3A_646, %dma_wait3A_647] : memref<10000x128xf32, #tpu.memory_space<hbm>> -> memref<10000x128xf32, #tpu.memory_space<hbm>>
      tpu.wait_indirect_dma semaphore(%arg16 : memref<!tpu.dma_semaphore, #tpu.memory_space<semaphore_mem>>) src(%dma_wait3A_648 : memref<10000x128xf32, #tpu.memory_space<hbm>>) dst(%dma_wait3A_642 : memref<48x128xf32, #tpu.memory_space<vmem>>)
      %dma_start3A_649 = arith.constant 3 : i32
      %dma_start3A_650 = arith.constant 3 : i32
      %dma_start3A_651 = arith.constant 0 : i32
      %dma_start3A_652 = arith.constant 0 : i32
      %dma_start3A_653 = tpu.memref_slice %arg11[%dma_start3A_649, %dma_start3A_651, %dma_start3A_652] : memref<6x48x128xf32, #tpu.memory_space<vmem>> -> memref<1x48x128xf32, #tpu.memory_space<vmem>>
      %dma_start3A_654 = tpu.memref_squeeze %dma_start3A_653 : memref<1x48x128xf32, #tpu.memory_space<vmem>> -> memref<48x128xf32, #tpu.memory_space<vmem>>
      %dma_start3A_655 = arith.constant 0 : i32
      %dma_start3A_656 = tpu.memref_slice %arg10[%dma_start3A_650, %dma_start3A_655] : memref<6x48xi32, #tpu.memory_space<vmem>> -> memref<1x48xi32, #tpu.memory_space<vmem>>
      %dma_start3A_657 = tpu.memref_squeeze %dma_start3A_656 : memref<1x48xi32, #tpu.memory_space<vmem>> -> memref<48xi32, #tpu.memory_space<vmem>>
      %dma_start3A_658 = arith.constant 0 : i32
      %dma_start3A_659 = arith.constant 0 : i32
      %dma_start3A_660 = tpu.memref_slice %arg12[%dma_start3A_658, %dma_start3A_659] : memref<10112x128xf32, #tpu.memory_space<vmem_shared>> -> memref<10112x128xf32, #tpu.memory_space<vmem_shared>>
      tpu.enqueue_indirect_dma source(%dma_start3A_654 : memref<48x128xf32, #tpu.memory_space<vmem>>) target(%dma_start3A_660 : memref<10112x128xf32, #tpu.memory_space<vmem_shared>>) offsets(%dma_start3A_657 : memref<48xi32, #tpu.memory_space<vmem>>) semaphore(%arg22 : memref<!tpu.dma_semaphore, #tpu.memory_space<semaphore_mem>>) {add = true}
      %dma_start3A_661 = arith.constant 3 : i32
      %dma_start3A_662 = arith.constant 0 : i32
      %dma_start3A_663 = tpu.memref_slice %arg10[%dma_start3A_661, %dma_start3A_662] : memref<6x48xi32, #tpu.memory_space<vmem>> -> memref<1x48xi32, #tpu.memory_space<vmem>>
      %dma_start3A_664 = tpu.memref_squeeze %dma_start3A_663 : memref<1x48xi32, #tpu.memory_space<vmem>> -> memref<48xi32, #tpu.memory_space<vmem>>
      %dma_start3A_665 = arith.constant 0 : i32
      %dma_start3A_666 = tpu.memref_slice %arg25[%dma_start3A_665] : memref<10112xf32, #tpu.memory_space<vmem_shared>> -> memref<10112xf32, #tpu.memory_space<vmem_shared>>
      tpu.enqueue_indirect_dma source(%arg26 : memref<48xf32, #tpu.memory_space<vmem>>) target(%dma_start3A_666 : memref<10112xf32, #tpu.memory_space<vmem_shared>>) offsets(%dma_start3A_664 : memref<48xi32, #tpu.memory_space<vmem>>) semaphore(%arg22 : memref<!tpu.dma_semaphore, #tpu.memory_space<semaphore_mem>>) {add = true}
      %add3A_667 = arith.constant 6 : i32
      %add3A_668 = arith.addi %add3A_636, %add3A_667 : i32
      %sub3A_669 = arith.constant 1 : i32
      %sub3A_670 = arith.subi %add3A_668, %sub3A_669 : i32
      %lt3A_671 = arith.constant 210 : i32
      %lt3A_672 = arith.cmpi slt, %sub3A_670, %lt3A_671 : i32
      %convert_element_type3A_673 = arith.extui %lt3A_672 : i1 to i32
      %cond3A_674 = arith.constant 0 : i32
      %cond3A_675 = arith.cmpi ne, %convert_element_type3A_673, %cond3A_674 : i32
      scf.if %cond3A_675 {
        %gt3A = arith.constant 0 : i32
        %gt3A_758 = arith.cmpi sgt, %add3A_636, %gt3A : i32
        %convert_element_type3A_759 = arith.extui %gt3A_758 : i1 to i32
        %cond3A_760 = arith.constant 0 : i32
        %cond3A_761 = arith.cmpi ne, %convert_element_type3A_759, %cond3A_760 : i32
        scf.if %cond3A_761 {
          %dma_wait3A_849 = arith.constant 2 : i32
          %dma_wait3A_850 = arith.constant 2 : i32
          %dma_wait3A_851 = arith.constant 0 : i32
          %dma_wait3A_852 = arith.constant 0 : i32
          %dma_wait3A_853 = tpu.memref_slice %arg11[%dma_wait3A_849, %dma_wait3A_851, %dma_wait3A_852] : memref<6x48x128xf32, #tpu.memory_space<vmem>> -> memref<1x48x128xf32, #tpu.memory_space<vmem>>
          %dma_wait3A_854 = tpu.memref_squeeze %dma_wait3A_853 : memref<1x48x128xf32, #tpu.memory_space<vmem>> -> memref<48x128xf32, #tpu.memory_space<vmem>>
          %dma_wait3A_855 = arith.constant 0 : i32
          %dma_wait3A_856 = tpu.memref_slice %arg10[%dma_wait3A_850, %dma_wait3A_855] : memref<6x48xi32, #tpu.memory_space<vmem>> -> memref<1x48xi32, #tpu.memory_space<vmem>>
          %dma_wait3A_857 = tpu.memref_squeeze %dma_wait3A_856 : memref<1x48xi32, #tpu.memory_space<vmem>> -> memref<48xi32, #tpu.memory_space<vmem>>
          %dma_wait3A_858 = arith.constant 0 : i32
          %dma_wait3A_859 = arith.constant 0 : i32
          %dma_wait3A_860 = tpu.memref_slice %arg12[%dma_wait3A_858, %dma_wait3A_859] : memref<10112x128xf32, #tpu.memory_space<vmem_shared>> -> memref<10112x128xf32, #tpu.memory_space<vmem_shared>>
          tpu.wait_indirect_dma semaphore(%arg21 : memref<!tpu.dma_semaphore, #tpu.memory_space<semaphore_mem>>) src(%dma_wait3A_854 : memref<48x128xf32, #tpu.memory_space<vmem>>) dst(%dma_wait3A_860 : memref<10112x128xf32, #tpu.memory_space<vmem_shared>>)
          %dma_wait3A_861 = arith.constant 2 : i32
          %dma_wait3A_862 = arith.constant 0 : i32
          %dma_wait3A_863 = tpu.memref_slice %arg10[%dma_wait3A_861, %dma_wait3A_862] : memref<6x48xi32, #tpu.memory_space<vmem>> -> memref<1x48xi32, #tpu.memory_space<vmem>>
          %dma_wait3A_864 = tpu.memref_squeeze %dma_wait3A_863 : memref<1x48xi32, #tpu.memory_space<vmem>> -> memref<48xi32, #tpu.memory_space<vmem>>
          %dma_wait3A_865 = arith.constant 0 : i32
          %dma_wait3A_866 = tpu.memref_slice %arg25[%dma_wait3A_865] : memref<10112xf32, #tpu.memory_space<vmem_shared>> -> memref<10112xf32, #tpu.memory_space<vmem_shared>>
          tpu.wait_indirect_dma semaphore(%arg21 : memref<!tpu.dma_semaphore, #tpu.memory_space<semaphore_mem>>) src(%arg26 : memref<48xf32, #tpu.memory_space<vmem>>) dst(%dma_wait3A_866 : memref<10112xf32, #tpu.memory_space<vmem_shared>>)
        } else {
        }
        %add3A_762 = arith.constant 6 : i32
        %add3A_763 = arith.addi %add3A_636, %add3A_762 : i32
        %sub3A_764 = arith.constant 1 : i32
        %sub3A_765 = arith.subi %add3A_763, %sub3A_764 : i32
        %mul3A_766 = arith.constant 48 : i32
        %mul3A_767 = arith.muli %sub3A_765, %mul3A_766 : i32
        %add3A_768 = arith.constant 0 : i32
        %add3A_769 = arith.addi %mul3A_767, %add3A_768 : i32
        %get3A_770 = arith.index_cast %add3A_769 : i32 to index
        %get3A_771 = tpu.vector_load %arg8[%get3A_770] {strides = array<i32>} : memref<10080xi32, #tpu.memory_space<vmem>>, vector<16xi32>,
        %get3A_772 = vector.shape_cast %get3A_771 : vector<16xi32> to vector<16xi32>
        %shift_right_logical3A_773 = arith.constant 14 : i32
        %shift_right_logical3A_774 = vector.broadcast %shift_right_logical3A_773 : i32 to vector<16xi32>
        %shift_right_logical3A_775 = arith.shrui %get3A_772, %shift_right_logical3A_774 : vector<16xi32>
        %swap3A_776 = arith.constant 2 : i32
        %swap3A_777 = arith.index_cast %swap3A_776 : i32 to index
        %swap3A_778 = arith.constant 0 : index
        %swap3A_779 = tpu.vector_load %arg10[%swap3A_777, %swap3A_778] {strides = array<i32>} : memref<6x48xi32, #tpu.memory_space<vmem>>, vector<1x16xi32>,
        %swap3A_780 = vector.shape_cast %swap3A_779 : vector<1x16xi32> to vector<16xi32>
        %swap3A_781 = vector.shape_cast %shift_right_logical3A_775 : vector<16xi32> to vector<1x16xi32>
        tpu.vector_store %arg10[%swap3A_777, %swap3A_778], %swap3A_781 {strides = array<i32>} : memref<6x48xi32, #tpu.memory_space<vmem>>, vector<1x16xi32>,
        %and3A_782 = arith.constant 16383 : i32
        %and3A_783 = vector.broadcast %and3A_782 : i32 to vector<16xi32>
        %and3A_784 = arith.andi %get3A_772, %and3A_783 : vector<16xi32>
        %swap3A_785 = arith.constant 2 : i32
        %swap3A_786 = arith.index_cast %swap3A_785 : i32 to index
        %swap3A_787 = arith.constant 0 : index
        %swap3A_788 = tpu.vector_load %arg9[%swap3A_786, %swap3A_787] {strides = array<i32>} : memref<6x48xi32, #tpu.memory_space<vmem>>, vector<1x16xi32>,
        %swap3A_789 = vector.shape_cast %swap3A_788 : vector<1x16xi32> to vector<16xi32>
        %swap3A_790 = vector.shape_cast %and3A_784 : vector<16xi32> to vector<1x16xi32>
        tpu.vector_store %arg9[%swap3A_786, %swap3A_787], %swap3A_790 {strides = array<i32>} : memref<6x48xi32, #tpu.memory_space<vmem>>, vector<1x16xi32>,
        %add3A_791 = arith.constant 16 : i32
        %add3A_792 = arith.addi %mul3A_767, %add3A_791 : i32
        %get3A_793 = arith.index_cast %add3A_792 : i32 to index
        %get3A_794 = tpu.vector_load %arg8[%get3A_793] {strides = array<i32>} : memref<10080xi32, #tpu.memory_space<vmem>>, vector<16xi32>,
        %get3A_795 = vector.shape_cast %get3A_794 : vector<16xi32> to vector<16xi32>
        %shift_right_logical3A_796 = arith.constant 14 : i32
        %shift_right_logical3A_797 = vector.broadcast %shift_right_logical3A_796 : i32 to vector<16xi32>
        %shift_right_logical3A_798 = arith.shrui %get3A_795, %shift_right_logical3A_797 : vector<16xi32>
        %swap3A_799 = arith.constant 2 : i32
        %swap3A_800 = arith.index_cast %swap3A_799 : i32 to index
        %swap3A_801 = arith.constant 16 : index
        %swap3A_802 = tpu.vector_load %arg10[%swap3A_800, %swap3A_801] {strides = array<i32>} : memref<6x48xi32, #tpu.memory_space<vmem>>, vector<1x16xi32>,
        %swap3A_803 = vector.shape_cast %swap3A_802 : vector<1x16xi32> to vector<16xi32>
        %swap3A_804 = vector.shape_cast %shift_right_logical3A_798 : vector<16xi32> to vector<1x16xi32>
        tpu.vector_store %arg10[%swap3A_800, %swap3A_801], %swap3A_804 {strides = array<i32>} : memref<6x48xi32, #tpu.memory_space<vmem>>, vector<1x16xi32>,
        %and3A_805 = arith.constant 16383 : i32
        %and3A_806 = vector.broadcast %and3A_805 : i32 to vector<16xi32>
        %and3A_807 = arith.andi %get3A_795, %and3A_806 : vector<16xi32>
        %swap3A_808 = arith.constant 2 : i32
        %swap3A_809 = arith.index_cast %swap3A_808 : i32 to index
        %swap3A_810 = arith.constant 16 : index
        %swap3A_811 = tpu.vector_load %arg9[%swap3A_809, %swap3A_810] {strides = array<i32>} : memref<6x48xi32, #tpu.memory_space<vmem>>, vector<1x16xi32>,
        %swap3A_812 = vector.shape_cast %swap3A_811 : vector<1x16xi32> to vector<16xi32>
        %swap3A_813 = vector.shape_cast %and3A_807 : vector<16xi32> to vector<1x16xi32>
        tpu.vector_store %arg9[%swap3A_809, %swap3A_810], %swap3A_813 {strides = array<i32>} : memref<6x48xi32, #tpu.memory_space<vmem>>, vector<1x16xi32>,
        %add3A_814 = arith.constant 32 : i32
        %add3A_815 = arith.addi %mul3A_767, %add3A_814 : i32
        %get3A_816 = arith.index_cast %add3A_815 : i32 to index
        %get3A_817 = tpu.vector_load %arg8[%get3A_816] {strides = array<i32>} : memref<10080xi32, #tpu.memory_space<vmem>>, vector<16xi32>,
        %get3A_818 = vector.shape_cast %get3A_817 : vector<16xi32> to vector<16xi32>
        %shift_right_logical3A_819 = arith.constant 14 : i32
        %shift_right_logical3A_820 = vector.broadcast %shift_right_logical3A_819 : i32 to vector<16xi32>
        %shift_right_logical3A_821 = arith.shrui %get3A_818, %shift_right_logical3A_820 : vector<16xi32>
        %swap3A_822 = arith.constant 2 : i32
        %swap3A_823 = arith.index_cast %swap3A_822 : i32 to index
        %swap3A_824 = arith.constant 32 : index
        %swap3A_825 = tpu.vector_load %arg10[%swap3A_823, %swap3A_824] {strides = array<i32>} : memref<6x48xi32, #tpu.memory_space<vmem>>, vector<1x16xi32>,
        %swap3A_826 = vector.shape_cast %swap3A_825 : vector<1x16xi32> to vector<16xi32>
        %swap3A_827 = vector.shape_cast %shift_right_logical3A_821 : vector<16xi32> to vector<1x16xi32>
        tpu.vector_store %arg10[%swap3A_823, %swap3A_824], %swap3A_827 {strides = array<i32>} : memref<6x48xi32, #tpu.memory_space<vmem>>, vector<1x16xi32>,
        %and3A_828 = arith.constant 16383 : i32
        %and3A_829 = vector.broadcast %and3A_828 : i32 to vector<16xi32>
        %and3A_830 = arith.andi %get3A_818, %and3A_829 : vector<16xi32>
        %swap3A_831 = arith.constant 2 : i32
        %swap3A_832 = arith.index_cast %swap3A_831 : i32 to index
        %swap3A_833 = arith.constant 32 : index
        %swap3A_834 = tpu.vector_load %arg9[%swap3A_832, %swap3A_833] {strides = array<i32>} : memref<6x48xi32, #tpu.memory_space<vmem>>, vector<1x16xi32>,
        %swap3A_835 = vector.shape_cast %swap3A_834 : vector<1x16xi32> to vector<16xi32>
        %swap3A_836 = vector.shape_cast %and3A_830 : vector<16xi32> to vector<1x16xi32>
        tpu.vector_store %arg9[%swap3A_832, %swap3A_833], %swap3A_836 {strides = array<i32>} : memref<6x48xi32, #tpu.memory_space<vmem>>, vector<1x16xi32>,
        %dma_start3A_837 = arith.constant 2 : i32
        %dma_start3A_838 = arith.constant 2 : i32
        %dma_start3A_839 = arith.constant 0 : i32
        %dma_start3A_840 = arith.constant 0 : i32
        %dma_start3A_841 = tpu.memref_slice %arg11[%dma_start3A_838, %dma_start3A_839, %dma_start3A_840] : memref<6x48x128xf32, #tpu.memory_space<vmem>> -> memref<1x48x128xf32, #tpu.memory_space<vmem>>
        %dma_start3A_842 = tpu.memref_squeeze %dma_start3A_841 : memref<1x48x128xf32, #tpu.memory_space<vmem>> -> memref<48x128xf32, #tpu.memory_space<vmem>>
        %dma_start3A_843 = arith.constant 0 : i32
        %dma_start3A_844 = tpu.memref_slice %arg9[%dma_start3A_837, %dma_start3A_843] : memref<6x48xi32, #tpu.memory_space<vmem>> -> memref<1x48xi32, #tpu.memory_space<vmem>>
        %dma_start3A_845 = tpu.memref_squeeze %dma_start3A_844 : memref<1x48xi32, #tpu.memory_space<vmem>> -> memref<48xi32, #tpu.memory_space<vmem>>
        %dma_start3A_846 = arith.constant 0 : i32
        %dma_start3A_847 = arith.constant 0 : i32
        %dma_start3A_848 = tpu.memref_slice %arg2[%dma_start3A_846, %dma_start3A_847] : memref<10000x128xf32, #tpu.memory_space<hbm>> -> memref<10000x128xf32, #tpu.memory_space<hbm>>
        tpu.enqueue_indirect_dma source(%dma_start3A_848 : memref<10000x128xf32, #tpu.memory_space<hbm>>) target(%dma_start3A_842 : memref<48x128xf32, #tpu.memory_space<vmem>>) offsets(%dma_start3A_845 : memref<48xi32, #tpu.memory_space<vmem>>) semaphore(%arg15 : memref<!tpu.dma_semaphore, #tpu.memory_space<semaphore_mem>>)
      } else {
      }
      %add3A_676 = arith.constant 4 : i32
      %add3A_677 = arith.addi %mul3A_513, %add3A_676 : i32
      %dma_wait3A_678 = arith.constant 4 : i32
      %dma_wait3A_679 = arith.constant 4 : i32
      %dma_wait3A_680 = arith.constant 0 : i32
      %dma_wait3A_681 = arith.constant 0 : i32
      %dma_wait3A_682 = tpu.memref_slice %arg11[%dma_wait3A_679, %dma_wait3A_680, %dma_wait3A_681] : memref<6x48x128xf32, #tpu.memory_space<vmem>> -> memref<1x48x128xf32, #tpu.memory_space<vmem>>
      %dma_wait3A_683 = tpu.memref_squeeze %dma_wait3A_682 : memref<1x48x128xf32, #tpu.memory_space<vmem>> -> memref<48x128xf32, #tpu.memory_space<vmem>>
      %dma_wait3A_684 = arith.constant 0 : i32
      %dma_wait3A_685 = tpu.memref_slice %arg9[%dma_wait3A_678, %dma_wait3A_684] : memref<6x48xi32, #tpu.memory_space<vmem>> -> memref<1x48xi32, #tpu.memory_space<vmem>>
      %dma_wait3A_686 = tpu.memref_squeeze %dma_wait3A_685 : memref<1x48xi32, #tpu.memory_space<vmem>> -> memref<48xi32, #tpu.memory_space<vmem>>
      %dma_wait3A_687 = arith.constant 0 : i32
      %dma_wait3A_688 = arith.constant 0 : i32
      %dma_wait3A_689 = tpu.memref_slice %arg2[%dma_wait3A_687, %dma_wait3A_688] : memref<10000x128xf32, #tpu.memory_space<hbm>> -> memref<10000x128xf32, #tpu.memory_space<hbm>>
      tpu.wait_indirect_dma semaphore(%arg17 : memref<!tpu.dma_semaphore, #tpu.memory_space<semaphore_mem>>) src(%dma_wait3A_689 : memref<10000x128xf32, #tpu.memory_space<hbm>>) dst(%dma_wait3A_683 : memref<48x128xf32, #tpu.memory_space<vmem>>)
      %dma_start3A_690 = arith.constant 4 : i32
      %dma_start3A_691 = arith.constant 4 : i32
      %dma_start3A_692 = arith.constant 0 : i32
      %dma_start3A_693 = arith.constant 0 : i32
      %dma_start3A_694 = tpu.memref_slice %arg11[%dma_start3A_690, %dma_start3A_692, %dma_start3A_693] : memref<6x48x128xf32, #tpu.memory_space<vmem>> -> memref<1x48x128xf32, #tpu.memory_space<vmem>>
      %dma_start3A_695 = tpu.memref_squeeze %dma_start3A_694 : memref<1x48x128xf32, #tpu.memory_space<vmem>> -> memref<48x128xf32, #tpu.memory_space<vmem>>
      %dma_start3A_696 = arith.constant 0 : i32
      %dma_start3A_697 = tpu.memref_slice %arg10[%dma_start3A_691, %dma_start3A_696] : memref<6x48xi32, #tpu.memory_space<vmem>> -> memref<1x48xi32, #tpu.memory_space<vmem>>
      %dma_start3A_698 = tpu.memref_squeeze %dma_start3A_697 : memref<1x48xi32, #tpu.memory_space<vmem>> -> memref<48xi32, #tpu.memory_space<vmem>>
      %dma_start3A_699 = arith.constant 0 : i32
      %dma_start3A_700 = arith.constant 0 : i32
      %dma_start3A_701 = tpu.memref_slice %arg12[%dma_start3A_699, %dma_start3A_700] : memref<10112x128xf32, #tpu.memory_space<vmem_shared>> -> memref<10112x128xf32, #tpu.memory_space<vmem_shared>>
      tpu.enqueue_indirect_dma source(%dma_start3A_695 : memref<48x128xf32, #tpu.memory_space<vmem>>) target(%dma_start3A_701 : memref<10112x128xf32, #tpu.memory_space<vmem_shared>>) offsets(%dma_start3A_698 : memref<48xi32, #tpu.memory_space<vmem>>) semaphore(%arg23 : memref<!tpu.dma_semaphore, #tpu.memory_space<semaphore_mem>>) {add = true}
      %dma_start3A_702 = arith.constant 4 : i32
      %dma_start3A_703 = arith.constant 0 : i32
      %dma_start3A_704 = tpu.memref_slice %arg10[%dma_start3A_702, %dma_start3A_703] : memref<6x48xi32, #tpu.memory_space<vmem>> -> memref<1x48xi32, #tpu.memory_space<vmem>>
      %dma_start3A_705 = tpu.memref_squeeze %dma_start3A_704 : memref<1x48xi32, #tpu.memory_space<vmem>> -> memref<48xi32, #tpu.memory_space<vmem>>
      %dma_start3A_706 = arith.constant 0 : i32
      %dma_start3A_707 = tpu.memref_slice %arg25[%dma_start3A_706] : memref<10112xf32, #tpu.memory_space<vmem_shared>> -> memref<10112xf32, #tpu.memory_space<vmem_shared>>
      tpu.enqueue_indirect_dma source(%arg26 : memref<48xf32, #tpu.memory_space<vmem>>) target(%dma_start3A_707 : memref<10112xf32, #tpu.memory_space<vmem_shared>>) offsets(%dma_start3A_705 : memref<48xi32, #tpu.memory_space<vmem>>) semaphore(%arg23 : memref<!tpu.dma_semaphore, #tpu.memory_space<semaphore_mem>>) {add = true}
      %add3A_708 = arith.constant 6 : i32
      %add3A_709 = arith.addi %add3A_677, %add3A_708 : i32
      %sub3A_710 = arith.constant 1 : i32
      %sub3A_711 = arith.subi %add3A_709, %sub3A_710 : i32
      %lt3A_712 = arith.constant 210 : i32
      %lt3A_713 = arith.cmpi slt, %sub3A_711, %lt3A_712 : i32
      %convert_element_type3A_714 = arith.extui %lt3A_713 : i1 to i32
      %cond3A_715 = arith.constant 0 : i32
      %cond3A_716 = arith.cmpi ne, %convert_element_type3A_714, %cond3A_715 : i32
      scf.if %cond3A_716 {
        %gt3A = arith.constant 0 : i32
        %gt3A_758 = arith.cmpi sgt, %add3A_677, %gt3A : i32
        %convert_element_type3A_759 = arith.extui %gt3A_758 : i1 to i32
        %cond3A_760 = arith.constant 0 : i32
        %cond3A_761 = arith.cmpi ne, %convert_element_type3A_759, %cond3A_760 : i32
        scf.if %cond3A_761 {
          %dma_wait3A_849 = arith.constant 3 : i32
          %dma_wait3A_850 = arith.constant 3 : i32
          %dma_wait3A_851 = arith.constant 0 : i32
          %dma_wait3A_852 = arith.constant 0 : i32
          %dma_wait3A_853 = tpu.memref_slice %arg11[%dma_wait3A_849, %dma_wait3A_851, %dma_wait3A_852] : memref<6x48x128xf32, #tpu.memory_space<vmem>> -> memref<1x48x128xf32, #tpu.memory_space<vmem>>
          %dma_wait3A_854 = tpu.memref_squeeze %dma_wait3A_853 : memref<1x48x128xf32, #tpu.memory_space<vmem>> -> memref<48x128xf32, #tpu.memory_space<vmem>>
          %dma_wait3A_855 = arith.constant 0 : i32
          %dma_wait3A_856 = tpu.memref_slice %arg10[%dma_wait3A_850, %dma_wait3A_855] : memref<6x48xi32, #tpu.memory_space<vmem>> -> memref<1x48xi32, #tpu.memory_space<vmem>>
          %dma_wait3A_857 = tpu.memref_squeeze %dma_wait3A_856 : memref<1x48xi32, #tpu.memory_space<vmem>> -> memref<48xi32, #tpu.memory_space<vmem>>
          %dma_wait3A_858 = arith.constant 0 : i32
          %dma_wait3A_859 = arith.constant 0 : i32
          %dma_wait3A_860 = tpu.memref_slice %arg12[%dma_wait3A_858, %dma_wait3A_859] : memref<10112x128xf32, #tpu.memory_space<vmem_shared>> -> memref<10112x128xf32, #tpu.memory_space<vmem_shared>>
          tpu.wait_indirect_dma semaphore(%arg22 : memref<!tpu.dma_semaphore, #tpu.memory_space<semaphore_mem>>) src(%dma_wait3A_854 : memref<48x128xf32, #tpu.memory_space<vmem>>) dst(%dma_wait3A_860 : memref<10112x128xf32, #tpu.memory_space<vmem_shared>>)
          %dma_wait3A_861 = arith.constant 3 : i32
          %dma_wait3A_862 = arith.constant 0 : i32
          %dma_wait3A_863 = tpu.memref_slice %arg10[%dma_wait3A_861, %dma_wait3A_862] : memref<6x48xi32, #tpu.memory_space<vmem>> -> memref<1x48xi32, #tpu.memory_space<vmem>>
          %dma_wait3A_864 = tpu.memref_squeeze %dma_wait3A_863 : memref<1x48xi32, #tpu.memory_space<vmem>> -> memref<48xi32, #tpu.memory_space<vmem>>
          %dma_wait3A_865 = arith.constant 0 : i32
          %dma_wait3A_866 = tpu.memref_slice %arg25[%dma_wait3A_865] : memref<10112xf32, #tpu.memory_space<vmem_shared>> -> memref<10112xf32, #tpu.memory_space<vmem_shared>>
          tpu.wait_indirect_dma semaphore(%arg22 : memref<!tpu.dma_semaphore, #tpu.memory_space<semaphore_mem>>) src(%arg26 : memref<48xf32, #tpu.memory_space<vmem>>) dst(%dma_wait3A_866 : memref<10112xf32, #tpu.memory_space<vmem_shared>>)
        } else {
        }
        %add3A_762 = arith.constant 6 : i32
        %add3A_763 = arith.addi %add3A_677, %add3A_762 : i32
        %sub3A_764 = arith.constant 1 : i32
        %sub3A_765 = arith.subi %add3A_763, %sub3A_764 : i32
        %mul3A_766 = arith.constant 48 : i32
        %mul3A_767 = arith.muli %sub3A_765, %mul3A_766 : i32
        %add3A_768 = arith.constant 0 : i32
        %add3A_769 = arith.addi %mul3A_767, %add3A_768 : i32
        %get3A_770 = arith.index_cast %add3A_769 : i32 to index
        %get3A_771 = tpu.vector_load %arg8[%get3A_770] {strides = array<i32>} : memref<10080xi32, #tpu.memory_space<vmem>>, vector<16xi32>,
        %get3A_772 = vector.shape_cast %get3A_771 : vector<16xi32> to vector<16xi32>
        %shift_right_logical3A_773 = arith.constant 14 : i32
        %shift_right_logical3A_774 = vector.broadcast %shift_right_logical3A_773 : i32 to vector<16xi32>
        %shift_right_logical3A_775 = arith.shrui %get3A_772, %shift_right_logical3A_774 : vector<16xi32>
        %swap3A_776 = arith.constant 3 : i32
        %swap3A_777 = arith.index_cast %swap3A_776 : i32 to index
        %swap3A_778 = arith.constant 0 : index
        %swap3A_779 = tpu.vector_load %arg10[%swap3A_777, %swap3A_778] {strides = array<i32>} : memref<6x48xi32, #tpu.memory_space<vmem>>, vector<1x16xi32>,
        %swap3A_780 = vector.shape_cast %swap3A_779 : vector<1x16xi32> to vector<16xi32>
        %swap3A_781 = vector.shape_cast %shift_right_logical3A_775 : vector<16xi32> to vector<1x16xi32>
        tpu.vector_store %arg10[%swap3A_777, %swap3A_778], %swap3A_781 {strides = array<i32>} : memref<6x48xi32, #tpu.memory_space<vmem>>, vector<1x16xi32>,
        %and3A_782 = arith.constant 16383 : i32
        %and3A_783 = vector.broadcast %and3A_782 : i32 to vector<16xi32>
        %and3A_784 = arith.andi %get3A_772, %and3A_783 : vector<16xi32>
        %swap3A_785 = arith.constant 3 : i32
        %swap3A_786 = arith.index_cast %swap3A_785 : i32 to index
        %swap3A_787 = arith.constant 0 : index
        %swap3A_788 = tpu.vector_load %arg9[%swap3A_786, %swap3A_787] {strides = array<i32>} : memref<6x48xi32, #tpu.memory_space<vmem>>, vector<1x16xi32>,
        %swap3A_789 = vector.shape_cast %swap3A_788 : vector<1x16xi32> to vector<16xi32>
        %swap3A_790 = vector.shape_cast %and3A_784 : vector<16xi32> to vector<1x16xi32>
        tpu.vector_store %arg9[%swap3A_786, %swap3A_787], %swap3A_790 {strides = array<i32>} : memref<6x48xi32, #tpu.memory_space<vmem>>, vector<1x16xi32>,
        %add3A_791 = arith.constant 16 : i32
        %add3A_792 = arith.addi %mul3A_767, %add3A_791 : i32
        %get3A_793 = arith.index_cast %add3A_792 : i32 to index
        %get3A_794 = tpu.vector_load %arg8[%get3A_793] {strides = array<i32>} : memref<10080xi32, #tpu.memory_space<vmem>>, vector<16xi32>,
        %get3A_795 = vector.shape_cast %get3A_794 : vector<16xi32> to vector<16xi32>
        %shift_right_logical3A_796 = arith.constant 14 : i32
        %shift_right_logical3A_797 = vector.broadcast %shift_right_logical3A_796 : i32 to vector<16xi32>
        %shift_right_logical3A_798 = arith.shrui %get3A_795, %shift_right_logical3A_797 : vector<16xi32>
        %swap3A_799 = arith.constant 3 : i32
        %swap3A_800 = arith.index_cast %swap3A_799 : i32 to index
        %swap3A_801 = arith.constant 16 : index
        %swap3A_802 = tpu.vector_load %arg10[%swap3A_800, %swap3A_801] {strides = array<i32>} : memref<6x48xi32, #tpu.memory_space<vmem>>, vector<1x16xi32>,
        %swap3A_803 = vector.shape_cast %swap3A_802 : vector<1x16xi32> to vector<16xi32>
        %swap3A_804 = vector.shape_cast %shift_right_logical3A_798 : vector<16xi32> to vector<1x16xi32>
        tpu.vector_store %arg10[%swap3A_800, %swap3A_801], %swap3A_804 {strides = array<i32>} : memref<6x48xi32, #tpu.memory_space<vmem>>, vector<1x16xi32>,
        %and3A_805 = arith.constant 16383 : i32
        %and3A_806 = vector.broadcast %and3A_805 : i32 to vector<16xi32>
        %and3A_807 = arith.andi %get3A_795, %and3A_806 : vector<16xi32>
        %swap3A_808 = arith.constant 3 : i32
        %swap3A_809 = arith.index_cast %swap3A_808 : i32 to index
        %swap3A_810 = arith.constant 16 : index
        %swap3A_811 = tpu.vector_load %arg9[%swap3A_809, %swap3A_810] {strides = array<i32>} : memref<6x48xi32, #tpu.memory_space<vmem>>, vector<1x16xi32>,
        %swap3A_812 = vector.shape_cast %swap3A_811 : vector<1x16xi32> to vector<16xi32>
        %swap3A_813 = vector.shape_cast %and3A_807 : vector<16xi32> to vector<1x16xi32>
        tpu.vector_store %arg9[%swap3A_809, %swap3A_810], %swap3A_813 {strides = array<i32>} : memref<6x48xi32, #tpu.memory_space<vmem>>, vector<1x16xi32>,
        %add3A_814 = arith.constant 32 : i32
        %add3A_815 = arith.addi %mul3A_767, %add3A_814 : i32
        %get3A_816 = arith.index_cast %add3A_815 : i32 to index
        %get3A_817 = tpu.vector_load %arg8[%get3A_816] {strides = array<i32>} : memref<10080xi32, #tpu.memory_space<vmem>>, vector<16xi32>,
        %get3A_818 = vector.shape_cast %get3A_817 : vector<16xi32> to vector<16xi32>
        %shift_right_logical3A_819 = arith.constant 14 : i32
        %shift_right_logical3A_820 = vector.broadcast %shift_right_logical3A_819 : i32 to vector<16xi32>
        %shift_right_logical3A_821 = arith.shrui %get3A_818, %shift_right_logical3A_820 : vector<16xi32>
        %swap3A_822 = arith.constant 3 : i32
        %swap3A_823 = arith.index_cast %swap3A_822 : i32 to index
        %swap3A_824 = arith.constant 32 : index
        %swap3A_825 = tpu.vector_load %arg10[%swap3A_823, %swap3A_824] {strides = array<i32>} : memref<6x48xi32, #tpu.memory_space<vmem>>, vector<1x16xi32>,
        %swap3A_826 = vector.shape_cast %swap3A_825 : vector<1x16xi32> to vector<16xi32>
        %swap3A_827 = vector.shape_cast %shift_right_logical3A_821 : vector<16xi32> to vector<1x16xi32>
        tpu.vector_store %arg10[%swap3A_823, %swap3A_824], %swap3A_827 {strides = array<i32>} : memref<6x48xi32, #tpu.memory_space<vmem>>, vector<1x16xi32>,
        %and3A_828 = arith.constant 16383 : i32
        %and3A_829 = vector.broadcast %and3A_828 : i32 to vector<16xi32>
        %and3A_830 = arith.andi %get3A_818, %and3A_829 : vector<16xi32>
        %swap3A_831 = arith.constant 3 : i32
        %swap3A_832 = arith.index_cast %swap3A_831 : i32 to index
        %swap3A_833 = arith.constant 32 : index
        %swap3A_834 = tpu.vector_load %arg9[%swap3A_832, %swap3A_833] {strides = array<i32>} : memref<6x48xi32, #tpu.memory_space<vmem>>, vector<1x16xi32>,
        %swap3A_835 = vector.shape_cast %swap3A_834 : vector<1x16xi32> to vector<16xi32>
        %swap3A_836 = vector.shape_cast %and3A_830 : vector<16xi32> to vector<1x16xi32>
        tpu.vector_store %arg9[%swap3A_832, %swap3A_833], %swap3A_836 {strides = array<i32>} : memref<6x48xi32, #tpu.memory_space<vmem>>, vector<1x16xi32>,
        %dma_start3A_837 = arith.constant 3 : i32
        %dma_start3A_838 = arith.constant 3 : i32
        %dma_start3A_839 = arith.constant 0 : i32
        %dma_start3A_840 = arith.constant 0 : i32
        %dma_start3A_841 = tpu.memref_slice %arg11[%dma_start3A_838, %dma_start3A_839, %dma_start3A_840] : memref<6x48x128xf32, #tpu.memory_space<vmem>> -> memref<1x48x128xf32, #tpu.memory_space<vmem>>
        %dma_start3A_842 = tpu.memref_squeeze %dma_start3A_841 : memref<1x48x128xf32, #tpu.memory_space<vmem>> -> memref<48x128xf32, #tpu.memory_space<vmem>>
        %dma_start3A_843 = arith.constant 0 : i32
        %dma_start3A_844 = tpu.memref_slice %arg9[%dma_start3A_837, %dma_start3A_843] : memref<6x48xi32, #tpu.memory_space<vmem>> -> memref<1x48xi32, #tpu.memory_space<vmem>>
        %dma_start3A_845 = tpu.memref_squeeze %dma_start3A_844 : memref<1x48xi32, #tpu.memory_space<vmem>> -> memref<48xi32, #tpu.memory_space<vmem>>
        %dma_start3A_846 = arith.constant 0 : i32
        %dma_start3A_847 = arith.constant 0 : i32
        %dma_start3A_848 = tpu.memref_slice %arg2[%dma_start3A_846, %dma_start3A_847] : memref<10000x128xf32, #tpu.memory_space<hbm>> -> memref<10000x128xf32, #tpu.memory_space<hbm>>
        tpu.enqueue_indirect_dma source(%dma_start3A_848 : memref<10000x128xf32, #tpu.memory_space<hbm>>) target(%dma_start3A_842 : memref<48x128xf32, #tpu.memory_space<vmem>>) offsets(%dma_start3A_845 : memref<48xi32, #tpu.memory_space<vmem>>) semaphore(%arg16 : memref<!tpu.dma_semaphore, #tpu.memory_space<semaphore_mem>>)
      } else {
      }
      %add3A_717 = arith.constant 5 : i32
      %add3A_718 = arith.addi %mul3A_513, %add3A_717 : i32
      %dma_wait3A_719 = arith.constant 5 : i32
      %dma_wait3A_720 = arith.constant 5 : i32
      %dma_wait3A_721 = arith.constant 0 : i32
      %dma_wait3A_722 = arith.constant 0 : i32
      %dma_wait3A_723 = tpu.memref_slice %arg11[%dma_wait3A_720, %dma_wait3A_721, %dma_wait3A_722] : memref<6x48x128xf32, #tpu.memory_space<vmem>> -> memref<1x48x128xf32, #tpu.memory_space<vmem>>
      %dma_wait3A_724 = tpu.memref_squeeze %dma_wait3A_723 : memref<1x48x128xf32, #tpu.memory_space<vmem>> -> memref<48x128xf32, #tpu.memory_space<vmem>>
      %dma_wait3A_725 = arith.constant 0 : i32
      %dma_wait3A_726 = tpu.memref_slice %arg9[%dma_wait3A_719, %dma_wait3A_725] : memref<6x48xi32, #tpu.memory_space<vmem>> -> memref<1x48xi32, #tpu.memory_space<vmem>>
      %dma_wait3A_727 = tpu.memref_squeeze %dma_wait3A_726 : memref<1x48xi32, #tpu.memory_space<vmem>> -> memref<48xi32, #tpu.memory_space<vmem>>
      %dma_wait3A_728 = arith.constant 0 : i32
      %dma_wait3A_729 = arith.constant 0 : i32
      %dma_wait3A_730 = tpu.memref_slice %arg2[%dma_wait3A_728, %dma_wait3A_729] : memref<10000x128xf32, #tpu.memory_space<hbm>> -> memref<10000x128xf32, #tpu.memory_space<hbm>>
      tpu.wait_indirect_dma semaphore(%arg18 : memref<!tpu.dma_semaphore, #tpu.memory_space<semaphore_mem>>) src(%dma_wait3A_730 : memref<10000x128xf32, #tpu.memory_space<hbm>>) dst(%dma_wait3A_724 : memref<48x128xf32, #tpu.memory_space<vmem>>)
      %dma_start3A_731 = arith.constant 5 : i32
      %dma_start3A_732 = arith.constant 5 : i32
      %dma_start3A_733 = arith.constant 0 : i32
      %dma_start3A_734 = arith.constant 0 : i32
      %dma_start3A_735 = tpu.memref_slice %arg11[%dma_start3A_731, %dma_start3A_733, %dma_start3A_734] : memref<6x48x128xf32, #tpu.memory_space<vmem>> -> memref<1x48x128xf32, #tpu.memory_space<vmem>>
      %dma_start3A_736 = tpu.memref_squeeze %dma_start3A_735 : memref<1x48x128xf32, #tpu.memory_space<vmem>> -> memref<48x128xf32, #tpu.memory_space<vmem>>
      %dma_start3A_737 = arith.constant 0 : i32
      %dma_start3A_738 = tpu.memref_slice %arg10[%dma_start3A_732, %dma_start3A_737] : memref<6x48xi32, #tpu.memory_space<vmem>> -> memref<1x48xi32, #tpu.memory_space<vmem>>
      %dma_start3A_739 = tpu.memref_squeeze %dma_start3A_738 : memref<1x48xi32, #tpu.memory_space<vmem>> -> memref<48xi32, #tpu.memory_space<vmem>>
      %dma_start3A_740 = arith.constant 0 : i32
      %dma_start3A_741 = arith.constant 0 : i32
      %dma_start3A_742 = tpu.memref_slice %arg12[%dma_start3A_740, %dma_start3A_741] : memref<10112x128xf32, #tpu.memory_space<vmem_shared>> -> memref<10112x128xf32, #tpu.memory_space<vmem_shared>>
      tpu.enqueue_indirect_dma source(%dma_start3A_736 : memref<48x128xf32, #tpu.memory_space<vmem>>) target(%dma_start3A_742 : memref<10112x128xf32, #tpu.memory_space<vmem_shared>>) offsets(%dma_start3A_739 : memref<48xi32, #tpu.memory_space<vmem>>) semaphore(%arg24 : memref<!tpu.dma_semaphore, #tpu.memory_space<semaphore_mem>>) {add = true}
      %dma_start3A_743 = arith.constant 5 : i32
      %dma_start3A_744 = arith.constant 0 : i32
      %dma_start3A_745 = tpu.memref_slice %arg10[%dma_start3A_743, %dma_start3A_744] : memref<6x48xi32, #tpu.memory_space<vmem>> -> memref<1x48xi32, #tpu.memory_space<vmem>>
      %dma_start3A_746 = tpu.memref_squeeze %dma_start3A_745 : memref<1x48xi32, #tpu.memory_space<vmem>> -> memref<48xi32, #tpu.memory_space<vmem>>
      %dma_start3A_747 = arith.constant 0 : i32
      %dma_start3A_748 = tpu.memref_slice %arg25[%dma_start3A_747] : memref<10112xf32, #tpu.memory_space<vmem_shared>> -> memref<10112xf32, #tpu.memory_space<vmem_shared>>
      tpu.enqueue_indirect_dma source(%arg26 : memref<48xf32, #tpu.memory_space<vmem>>) target(%dma_start3A_748 : memref<10112xf32, #tpu.memory_space<vmem_shared>>) offsets(%dma_start3A_746 : memref<48xi32, #tpu.memory_space<vmem>>) semaphore(%arg24 : memref<!tpu.dma_semaphore, #tpu.memory_space<semaphore_mem>>) {add = true}
      %add3A_749 = arith.constant 6 : i32
      %add3A_750 = arith.addi %add3A_718, %add3A_749 : i32
      %sub3A_751 = arith.constant 1 : i32
      %sub3A_752 = arith.subi %add3A_750, %sub3A_751 : i32
      %lt3A_753 = arith.constant 210 : i32
      %lt3A_754 = arith.cmpi slt, %sub3A_752, %lt3A_753 : i32
      %convert_element_type3A_755 = arith.extui %lt3A_754 : i1 to i32
      %cond3A_756 = arith.constant 0 : i32
      %cond3A_757 = arith.cmpi ne, %convert_element_type3A_755, %cond3A_756 : i32
      scf.if %cond3A_757 {
        %gt3A = arith.constant 0 : i32
        %gt3A_758 = arith.cmpi sgt, %add3A_718, %gt3A : i32
        %convert_element_type3A_759 = arith.extui %gt3A_758 : i1 to i32
        %cond3A_760 = arith.constant 0 : i32
        %cond3A_761 = arith.cmpi ne, %convert_element_type3A_759, %cond3A_760 : i32
        scf.if %cond3A_761 {
          %dma_wait3A_849 = arith.constant 4 : i32
          %dma_wait3A_850 = arith.constant 4 : i32
          %dma_wait3A_851 = arith.constant 0 : i32
          %dma_wait3A_852 = arith.constant 0 : i32
          %dma_wait3A_853 = tpu.memref_slice %arg11[%dma_wait3A_849, %dma_wait3A_851, %dma_wait3A_852] : memref<6x48x128xf32, #tpu.memory_space<vmem>> -> memref<1x48x128xf32, #tpu.memory_space<vmem>>
          %dma_wait3A_854 = tpu.memref_squeeze %dma_wait3A_853 : memref<1x48x128xf32, #tpu.memory_space<vmem>> -> memref<48x128xf32, #tpu.memory_space<vmem>>
          %dma_wait3A_855 = arith.constant 0 : i32
          %dma_wait3A_856 = tpu.memref_slice %arg10[%dma_wait3A_850, %dma_wait3A_855] : memref<6x48xi32, #tpu.memory_space<vmem>> -> memref<1x48xi32, #tpu.memory_space<vmem>>
          %dma_wait3A_857 = tpu.memref_squeeze %dma_wait3A_856 : memref<1x48xi32, #tpu.memory_space<vmem>> -> memref<48xi32, #tpu.memory_space<vmem>>
          %dma_wait3A_858 = arith.constant 0 : i32
          %dma_wait3A_859 = arith.constant 0 : i32
          %dma_wait3A_860 = tpu.memref_slice %arg12[%dma_wait3A_858, %dma_wait3A_859] : memref<10112x128xf32, #tpu.memory_space<vmem_shared>> -> memref<10112x128xf32, #tpu.memory_space<vmem_shared>>
          tpu.wait_indirect_dma semaphore(%arg23 : memref<!tpu.dma_semaphore, #tpu.memory_space<semaphore_mem>>) src(%dma_wait3A_854 : memref<48x128xf32, #tpu.memory_space<vmem>>) dst(%dma_wait3A_860 : memref<10112x128xf32, #tpu.memory_space<vmem_shared>>)
          %dma_wait3A_861 = arith.constant 4 : i32
          %dma_wait3A_862 = arith.constant 0 : i32
          %dma_wait3A_863 = tpu.memref_slice %arg10[%dma_wait3A_861, %dma_wait3A_862] : memref<6x48xi32, #tpu.memory_space<vmem>> -> memref<1x48xi32, #tpu.memory_space<vmem>>
          %dma_wait3A_864 = tpu.memref_squeeze %dma_wait3A_863 : memref<1x48xi32, #tpu.memory_space<vmem>> -> memref<48xi32, #tpu.memory_space<vmem>>
          %dma_wait3A_865 = arith.constant 0 : i32
          %dma_wait3A_866 = tpu.memref_slice %arg25[%dma_wait3A_865] : memref<10112xf32, #tpu.memory_space<vmem_shared>> -> memref<10112xf32, #tpu.memory_space<vmem_shared>>
          tpu.wait_indirect_dma semaphore(%arg23 : memref<!tpu.dma_semaphore, #tpu.memory_space<semaphore_mem>>) src(%arg26 : memref<48xf32, #tpu.memory_space<vmem>>) dst(%dma_wait3A_866 : memref<10112xf32, #tpu.memory_space<vmem_shared>>)
        } else {
        }
        %add3A_762 = arith.constant 6 : i32
        %add3A_763 = arith.addi %add3A_718, %add3A_762 : i32
        %sub3A_764 = arith.constant 1 : i32
        %sub3A_765 = arith.subi %add3A_763, %sub3A_764 : i32
        %mul3A_766 = arith.constant 48 : i32
        %mul3A_767 = arith.muli %sub3A_765, %mul3A_766 : i32
        %add3A_768 = arith.constant 0 : i32
        %add3A_769 = arith.addi %mul3A_767, %add3A_768 : i32
        %get3A_770 = arith.index_cast %add3A_769 : i32 to index
        %get3A_771 = tpu.vector_load %arg8[%get3A_770] {strides = array<i32>} : memref<10080xi32, #tpu.memory_space<vmem>>, vector<16xi32>,
        %get3A_772 = vector.shape_cast %get3A_771 : vector<16xi32> to vector<16xi32>
        %shift_right_logical3A_773 = arith.constant 14 : i32
        %shift_right_logical3A_774 = vector.broadcast %shift_right_logical3A_773 : i32 to vector<16xi32>
        %shift_right_logical3A_775 = arith.shrui %get3A_772, %shift_right_logical3A_774 : vector<16xi32>
        %swap3A_776 = arith.constant 4 : i32
        %swap3A_777 = arith.index_cast %swap3A_776 : i32 to index
        %swap3A_778 = arith.constant 0 : index
        %swap3A_779 = tpu.vector_load %arg10[%swap3A_777, %swap3A_778] {strides = array<i32>} : memref<6x48xi32, #tpu.memory_space<vmem>>, vector<1x16xi32>,
        %swap3A_780 = vector.shape_cast %swap3A_779 : vector<1x16xi32> to vector<16xi32>
        %swap3A_781 = vector.shape_cast %shift_right_logical3A_775 : vector<16xi32> to vector<1x16xi32>
        tpu.vector_store %arg10[%swap3A_777, %swap3A_778], %swap3A_781 {strides = array<i32>} : memref<6x48xi32, #tpu.memory_space<vmem>>, vector<1x16xi32>,
        %and3A_782 = arith.constant 16383 : i32
        %and3A_783 = vector.broadcast %and3A_782 : i32 to vector<16xi32>
        %and3A_784 = arith.andi %get3A_772, %and3A_783 : vector<16xi32>
        %swap3A_785 = arith.constant 4 : i32
        %swap3A_786 = arith.index_cast %swap3A_785 : i32 to index
        %swap3A_787 = arith.constant 0 : index
        %swap3A_788 = tpu.vector_load %arg9[%swap3A_786, %swap3A_787] {strides = array<i32>} : memref<6x48xi32, #tpu.memory_space<vmem>>, vector<1x16xi32>,
        %swap3A_789 = vector.shape_cast %swap3A_788 : vector<1x16xi32> to vector<16xi32>
        %swap3A_790 = vector.shape_cast %and3A_784 : vector<16xi32> to vector<1x16xi32>
        tpu.vector_store %arg9[%swap3A_786, %swap3A_787], %swap3A_790 {strides = array<i32>} : memref<6x48xi32, #tpu.memory_space<vmem>>, vector<1x16xi32>,
        %add3A_791 = arith.constant 16 : i32
        %add3A_792 = arith.addi %mul3A_767, %add3A_791 : i32
        %get3A_793 = arith.index_cast %add3A_792 : i32 to index
        %get3A_794 = tpu.vector_load %arg8[%get3A_793] {strides = array<i32>} : memref<10080xi32, #tpu.memory_space<vmem>>, vector<16xi32>,
        %get3A_795 = vector.shape_cast %get3A_794 : vector<16xi32> to vector<16xi32>
        %shift_right_logical3A_796 = arith.constant 14 : i32
        %shift_right_logical3A_797 = vector.broadcast %shift_right_logical3A_796 : i32 to vector<16xi32>
        %shift_right_logical3A_798 = arith.shrui %get3A_795, %shift_right_logical3A_797 : vector<16xi32>
        %swap3A_799 = arith.constant 4 : i32
        %swap3A_800 = arith.index_cast %swap3A_799 : i32 to index
        %swap3A_801 = arith.constant 16 : index
        %swap3A_802 = tpu.vector_load %arg10[%swap3A_800, %swap3A_801] {strides = array<i32>} : memref<6x48xi32, #tpu.memory_space<vmem>>, vector<1x16xi32>,
        %swap3A_803 = vector.shape_cast %swap3A_802 : vector<1x16xi32> to vector<16xi32>
        %swap3A_804 = vector.shape_cast %shift_right_logical3A_798 : vector<16xi32> to vector<1x16xi32>
        tpu.vector_store %arg10[%swap3A_800, %swap3A_801], %swap3A_804 {strides = array<i32>} : memref<6x48xi32, #tpu.memory_space<vmem>>, vector<1x16xi32>,
        %and3A_805 = arith.constant 16383 : i32
        %and3A_806 = vector.broadcast %and3A_805 : i32 to vector<16xi32>
        %and3A_807 = arith.andi %get3A_795, %and3A_806 : vector<16xi32>
        %swap3A_808 = arith.constant 4 : i32
        %swap3A_809 = arith.index_cast %swap3A_808 : i32 to index
        %swap3A_810 = arith.constant 16 : index
        %swap3A_811 = tpu.vector_load %arg9[%swap3A_809, %swap3A_810] {strides = array<i32>} : memref<6x48xi32, #tpu.memory_space<vmem>>, vector<1x16xi32>,
        %swap3A_812 = vector.shape_cast %swap3A_811 : vector<1x16xi32> to vector<16xi32>
        %swap3A_813 = vector.shape_cast %and3A_807 : vector<16xi32> to vector<1x16xi32>
        tpu.vector_store %arg9[%swap3A_809, %swap3A_810], %swap3A_813 {strides = array<i32>} : memref<6x48xi32, #tpu.memory_space<vmem>>, vector<1x16xi32>,
        %add3A_814 = arith.constant 32 : i32
        %add3A_815 = arith.addi %mul3A_767, %add3A_814 : i32
        %get3A_816 = arith.index_cast %add3A_815 : i32 to index
        %get3A_817 = tpu.vector_load %arg8[%get3A_816] {strides = array<i32>} : memref<10080xi32, #tpu.memory_space<vmem>>, vector<16xi32>,
        %get3A_818 = vector.shape_cast %get3A_817 : vector<16xi32> to vector<16xi32>
        %shift_right_logical3A_819 = arith.constant 14 : i32
        %shift_right_logical3A_820 = vector.broadcast %shift_right_logical3A_819 : i32 to vector<16xi32>
        %shift_right_logical3A_821 = arith.shrui %get3A_818, %shift_right_logical3A_820 : vector<16xi32>
        %swap3A_822 = arith.constant 4 : i32
        %swap3A_823 = arith.index_cast %swap3A_822 : i32 to index
        %swap3A_824 = arith.constant 32 : index
        %swap3A_825 = tpu.vector_load %arg10[%swap3A_823, %swap3A_824] {strides = array<i32>} : memref<6x48xi32, #tpu.memory_space<vmem>>, vector<1x16xi32>,
        %swap3A_826 = vector.shape_cast %swap3A_825 : vector<1x16xi32> to vector<16xi32>
        %swap3A_827 = vector.shape_cast %shift_right_logical3A_821 : vector<16xi32> to vector<1x16xi32>
        tpu.vector_store %arg10[%swap3A_823, %swap3A_824], %swap3A_827 {strides = array<i32>} : memref<6x48xi32, #tpu.memory_space<vmem>>, vector<1x16xi32>,
        %and3A_828 = arith.constant 16383 : i32
        %and3A_829 = vector.broadcast %and3A_828 : i32 to vector<16xi32>
        %and3A_830 = arith.andi %get3A_818, %and3A_829 : vector<16xi32>
        %swap3A_831 = arith.constant 4 : i32
        %swap3A_832 = arith.index_cast %swap3A_831 : i32 to index
        %swap3A_833 = arith.constant 32 : index
        %swap3A_834 = tpu.vector_load %arg9[%swap3A_832, %swap3A_833] {strides = array<i32>} : memref<6x48xi32, #tpu.memory_space<vmem>>, vector<1x16xi32>,
        %swap3A_835 = vector.shape_cast %swap3A_834 : vector<1x16xi32> to vector<16xi32>
        %swap3A_836 = vector.shape_cast %and3A_830 : vector<16xi32> to vector<1x16xi32>
        tpu.vector_store %arg9[%swap3A_832, %swap3A_833], %swap3A_836 {strides = array<i32>} : memref<6x48xi32, #tpu.memory_space<vmem>>, vector<1x16xi32>,
        %dma_start3A_837 = arith.constant 4 : i32
        %dma_start3A_838 = arith.constant 4 : i32
        %dma_start3A_839 = arith.constant 0 : i32
        %dma_start3A_840 = arith.constant 0 : i32
        %dma_start3A_841 = tpu.memref_slice %arg11[%dma_start3A_838, %dma_start3A_839, %dma_start3A_840] : memref<6x48x128xf32, #tpu.memory_space<vmem>> -> memref<1x48x128xf32, #tpu.memory_space<vmem>>
        %dma_start3A_842 = tpu.memref_squeeze %dma_start3A_841 : memref<1x48x128xf32, #tpu.memory_space<vmem>> -> memref<48x128xf32, #tpu.memory_space<vmem>>
        %dma_start3A_843 = arith.constant 0 : i32
        %dma_start3A_844 = tpu.memref_slice %arg9[%dma_start3A_837, %dma_start3A_843] : memref<6x48xi32, #tpu.memory_space<vmem>> -> memref<1x48xi32, #tpu.memory_space<vmem>>
        %dma_start3A_845 = tpu.memref_squeeze %dma_start3A_844 : memref<1x48xi32, #tpu.memory_space<vmem>> -> memref<48xi32, #tpu.memory_space<vmem>>
        %dma_start3A_846 = arith.constant 0 : i32
        %dma_start3A_847 = arith.constant 0 : i32
        %dma_start3A_848 = tpu.memref_slice %arg2[%dma_start3A_846, %dma_start3A_847] : memref<10000x128xf32, #tpu.memory_space<hbm>> -> memref<10000x128xf32, #tpu.memory_space<hbm>>
        tpu.enqueue_indirect_dma source(%dma_start3A_848 : memref<10000x128xf32, #tpu.memory_space<hbm>>) target(%dma_start3A_842 : memref<48x128xf32, #tpu.memory_space<vmem>>) offsets(%dma_start3A_845 : memref<48xi32, #tpu.memory_space<vmem>>) semaphore(%arg17 : memref<!tpu.dma_semaphore, #tpu.memory_space<semaphore_mem>>)
      } else {
      }
    }
    %scan3A_397 = arith.constant 35 : i32
    %dma_wait3A = arith.constant 0 : i32
    %dma_wait3A_398 = arith.constant 0 : i32
    %dma_wait3A_399 = arith.constant 0 : i32
    %dma_wait3A_400 = arith.constant 0 : i32
    %dma_wait3A_401 = tpu.memref_slice %arg11[%dma_wait3A, %dma_wait3A_399, %dma_wait3A_400] : memref<6x48x128xf32, #tpu.memory_space<vmem>> -> memref<1x48x128xf32, #tpu.memory_space<vmem>>
    %dma_wait3A_402 = tpu.memref_squeeze %dma_wait3A_401 : memref<1x48x128xf32, #tpu.memory_space<vmem>> -> memref<48x128xf32, #tpu.memory_space<vmem>>
    %dma_wait3A_403 = arith.constant 0 : i32
    %dma_wait3A_404 = tpu.memref_slice %arg10[%dma_wait3A_398, %dma_wait3A_403] : memref<6x48xi32, #tpu.memory_space<vmem>> -> memref<1x48xi32, #tpu.memory_space<vmem>>
    %dma_wait3A_405 = tpu.memref_squeeze %dma_wait3A_404 : memref<1x48xi32, #tpu.memory_space<vmem>> -> memref<48xi32, #tpu.memory_space<vmem>>
    %dma_wait3A_406 = arith.constant 0 : i32
    %dma_wait3A_407 = arith.constant 0 : i32
    %dma_wait3A_408 = tpu.memref_slice %arg12[%dma_wait3A_406, %dma_wait3A_407] : memref<10112x128xf32, #tpu.memory_space<vmem_shared>> -> memref<10112x128xf32, #tpu.memory_space<vmem_shared>>
    tpu.wait_indirect_dma semaphore(%arg19 : memref<!tpu.dma_semaphore, #tpu.memory_space<semaphore_mem>>) src(%dma_wait3A_402 : memref<48x128xf32, #tpu.memory_space<vmem>>) dst(%dma_wait3A_408 : memref<10112x128xf32, #tpu.memory_space<vmem_shared>>)
    %dma_wait3A_409 = arith.constant 0 : i32
    %dma_wait3A_410 = arith.constant 0 : i32
    %dma_wait3A_411 = tpu.memref_slice %arg10[%dma_wait3A_409, %dma_wait3A_410] : memref<6x48xi32, #tpu.memory_space<vmem>> -> memref<1x48xi32, #tpu.memory_space<vmem>>
    %dma_wait3A_412 = tpu.memref_squeeze %dma_wait3A_411 : memref<1x48xi32, #tpu.memory_space<vmem>> -> memref<48xi32, #tpu.memory_space<vmem>>
    %dma_wait3A_413 = arith.constant 0 : i32
    %dma_wait3A_414 = tpu.memref_slice %arg25[%dma_wait3A_413] : memref<10112xf32, #tpu.memory_space<vmem_shared>> -> memref<10112xf32, #tpu.memory_space<vmem_shared>>
    tpu.wait_indirect_dma semaphore(%arg19 : memref<!tpu.dma_semaphore, #tpu.memory_space<semaphore_mem>>) src(%arg26 : memref<48xf32, #tpu.memory_space<vmem>>) dst(%dma_wait3A_414 : memref<10112xf32, #tpu.memory_space<vmem_shared>>)
    %dma_wait3A_415 = arith.constant 1 : i32
    %dma_wait3A_416 = arith.constant 1 : i32
    %dma_wait3A_417 = arith.constant 0 : i32
    %dma_wait3A_418 = arith.constant 0 : i32
    %dma_wait3A_419 = tpu.memref_slice %arg11[%dma_wait3A_415, %dma_wait3A_417, %dma_wait3A_418] : memref<6x48x128xf32, #tpu.memory_space<vmem>> -> memref<1x48x128xf32, #tpu.memory_space<vmem>>
    %dma_wait3A_420 = tpu.memref_squeeze %dma_wait3A_419 : memref<1x48x128xf32, #tpu.memory_space<vmem>> -> memref<48x128xf32, #tpu.memory_space<vmem>>
    %dma_wait3A_421 = arith.constant 0 : i32
    %dma_wait3A_422 = tpu.memref_slice %arg10[%dma_wait3A_416, %dma_wait3A_421] : memref<6x48xi32, #tpu.memory_space<vmem>> -> memref<1x48xi32, #tpu.memory_space<vmem>>
    %dma_wait3A_423 = tpu.memref_squeeze %dma_wait3A_422 : memref<1x48xi32, #tpu.memory_space<vmem>> -> memref<48xi32, #tpu.memory_space<vmem>>
    %dma_wait3A_424 = arith.constant 0 : i32
    %dma_wait3A_425 = arith.constant 0 : i32
    %dma_wait3A_426 = tpu.memref_slice %arg12[%dma_wait3A_424, %dma_wait3A_425] : memref<10112x128xf32, #tpu.memory_space<vmem_shared>> -> memref<10112x128xf32, #tpu.memory_space<vmem_shared>>
    tpu.wait_indirect_dma semaphore(%arg20 : memref<!tpu.dma_semaphore, #tpu.memory_space<semaphore_mem>>) src(%dma_wait3A_420 : memref<48x128xf32, #tpu.memory_space<vmem>>) dst(%dma_wait3A_426 : memref<10112x128xf32, #tpu.memory_space<vmem_shared>>)
    %dma_wait3A_427 = arith.constant 1 : i32
    %dma_wait3A_428 = arith.constant 0 : i32
    %dma_wait3A_429 = tpu.memref_slice %arg10[%dma_wait3A_427, %dma_wait3A_428] : memref<6x48xi32, #tpu.memory_space<vmem>> -> memref<1x48xi32, #tpu.memory_space<vmem>>
    %dma_wait3A_430 = tpu.memref_squeeze %dma_wait3A_429 : memref<1x48xi32, #tpu.memory_space<vmem>> -> memref<48xi32, #tpu.memory_space<vmem>>
    %dma_wait3A_431 = arith.constant 0 : i32
    %dma_wait3A_432 = tpu.memref_slice %arg25[%dma_wait3A_431] : memref<10112xf32, #tpu.memory_space<vmem_shared>> -> memref<10112xf32, #tpu.memory_space<vmem_shared>>
    tpu.wait_indirect_dma semaphore(%arg20 : memref<!tpu.dma_semaphore, #tpu.memory_space<semaphore_mem>>) src(%arg26 : memref<48xf32, #tpu.memory_space<vmem>>) dst(%dma_wait3A_432 : memref<10112xf32, #tpu.memory_space<vmem_shared>>)
    %dma_wait3A_433 = arith.constant 2 : i32
    %dma_wait3A_434 = arith.constant 2 : i32
    %dma_wait3A_435 = arith.constant 0 : i32
    %dma_wait3A_436 = arith.constant 0 : i32
    %dma_wait3A_437 = tpu.memref_slice %arg11[%dma_wait3A_433, %dma_wait3A_435, %dma_wait3A_436] : memref<6x48x128xf32, #tpu.memory_space<vmem>> -> memref<1x48x128xf32, #tpu.memory_space<vmem>>
    %dma_wait3A_438 = tpu.memref_squeeze %dma_wait3A_437 : memref<1x48x128xf32, #tpu.memory_space<vmem>> -> memref<48x128xf32, #tpu.memory_space<vmem>>
    %dma_wait3A_439 = arith.constant 0 : i32
    %dma_wait3A_440 = tpu.memref_slice %arg10[%dma_wait3A_434, %dma_wait3A_439] : memref<6x48xi32, #tpu.memory_space<vmem>> -> memref<1x48xi32, #tpu.memory_space<vmem>>
    %dma_wait3A_441 = tpu.memref_squeeze %dma_wait3A_440 : memref<1x48xi32, #tpu.memory_space<vmem>> -> memref<48xi32, #tpu.memory_space<vmem>>
    %dma_wait3A_442 = arith.constant 0 : i32
    %dma_wait3A_443 = arith.constant 0 : i32
    %dma_wait3A_444 = tpu.memref_slice %arg12[%dma_wait3A_442, %dma_wait3A_443] : memref<10112x128xf32, #tpu.memory_space<vmem_shared>> -> memref<10112x128xf32, #tpu.memory_space<vmem_shared>>
    tpu.wait_indirect_dma semaphore(%arg21 : memref<!tpu.dma_semaphore, #tpu.memory_space<semaphore_mem>>) src(%dma_wait3A_438 : memref<48x128xf32, #tpu.memory_space<vmem>>) dst(%dma_wait3A_444 : memref<10112x128xf32, #tpu.memory_space<vmem_shared>>)
    %dma_wait3A_445 = arith.constant 2 : i32
    %dma_wait3A_446 = arith.constant 0 : i32
    %dma_wait3A_447 = tpu.memref_slice %arg10[%dma_wait3A_445, %dma_wait3A_446] : memref<6x48xi32, #tpu.memory_space<vmem>> -> memref<1x48xi32, #tpu.memory_space<vmem>>
    %dma_wait3A_448 = tpu.memref_squeeze %dma_wait3A_447 : memref<1x48xi32, #tpu.memory_space<vmem>> -> memref<48xi32, #tpu.memory_space<vmem>>
    %dma_wait3A_449 = arith.constant 0 : i32
    %dma_wait3A_450 = tpu.memref_slice %arg25[%dma_wait3A_449] : memref<10112xf32, #tpu.memory_space<vmem_shared>> -> memref<10112xf32, #tpu.memory_space<vmem_shared>>
    tpu.wait_indirect_dma semaphore(%arg21 : memref<!tpu.dma_semaphore, #tpu.memory_space<semaphore_mem>>) src(%arg26 : memref<48xf32, #tpu.memory_space<vmem>>) dst(%dma_wait3A_450 : memref<10112xf32, #tpu.memory_space<vmem_shared>>)
    %dma_wait3A_451 = arith.constant 3 : i32
    %dma_wait3A_452 = arith.constant 3 : i32
    %dma_wait3A_453 = arith.constant 0 : i32
    %dma_wait3A_454 = arith.constant 0 : i32
    %dma_wait3A_455 = tpu.memref_slice %arg11[%dma_wait3A_451, %dma_wait3A_453, %dma_wait3A_454] : memref<6x48x128xf32, #tpu.memory_space<vmem>> -> memref<1x48x128xf32, #tpu.memory_space<vmem>>
    %dma_wait3A_456 = tpu.memref_squeeze %dma_wait3A_455 : memref<1x48x128xf32, #tpu.memory_space<vmem>> -> memref<48x128xf32, #tpu.memory_space<vmem>>
    %dma_wait3A_457 = arith.constant 0 : i32
    %dma_wait3A_458 = tpu.memref_slice %arg10[%dma_wait3A_452, %dma_wait3A_457] : memref<6x48xi32, #tpu.memory_space<vmem>> -> memref<1x48xi32, #tpu.memory_space<vmem>>
    %dma_wait3A_459 = tpu.memref_squeeze %dma_wait3A_458 : memref<1x48xi32, #tpu.memory_space<vmem>> -> memref<48xi32, #tpu.memory_space<vmem>>
    %dma_wait3A_460 = arith.constant 0 : i32
    %dma_wait3A_461 = arith.constant 0 : i32
    %dma_wait3A_462 = tpu.memref_slice %arg12[%dma_wait3A_460, %dma_wait3A_461] : memref<10112x128xf32, #tpu.memory_space<vmem_shared>> -> memref<10112x128xf32, #tpu.memory_space<vmem_shared>>
    tpu.wait_indirect_dma semaphore(%arg22 : memref<!tpu.dma_semaphore, #tpu.memory_space<semaphore_mem>>) src(%dma_wait3A_456 : memref<48x128xf32, #tpu.memory_space<vmem>>) dst(%dma_wait3A_462 : memref<10112x128xf32, #tpu.memory_space<vmem_shared>>)
    %dma_wait3A_463 = arith.constant 3 : i32
    %dma_wait3A_464 = arith.constant 0 : i32
    %dma_wait3A_465 = tpu.memref_slice %arg10[%dma_wait3A_463, %dma_wait3A_464] : memref<6x48xi32, #tpu.memory_space<vmem>> -> memref<1x48xi32, #tpu.memory_space<vmem>>
    %dma_wait3A_466 = tpu.memref_squeeze %dma_wait3A_465 : memref<1x48xi32, #tpu.memory_space<vmem>> -> memref<48xi32, #tpu.memory_space<vmem>>
    %dma_wait3A_467 = arith.constant 0 : i32
    %dma_wait3A_468 = tpu.memref_slice %arg25[%dma_wait3A_467] : memref<10112xf32, #tpu.memory_space<vmem_shared>> -> memref<10112xf32, #tpu.memory_space<vmem_shared>>
    tpu.wait_indirect_dma semaphore(%arg22 : memref<!tpu.dma_semaphore, #tpu.memory_space<semaphore_mem>>) src(%arg26 : memref<48xf32, #tpu.memory_space<vmem>>) dst(%dma_wait3A_468 : memref<10112xf32, #tpu.memory_space<vmem_shared>>)
    %dma_wait3A_469 = arith.constant 4 : i32
    %dma_wait3A_470 = arith.constant 4 : i32
    %dma_wait3A_471 = arith.constant 0 : i32
    %dma_wait3A_472 = arith.constant 0 : i32
    %dma_wait3A_473 = tpu.memref_slice %arg11[%dma_wait3A_469, %dma_wait3A_471, %dma_wait3A_472] : memref<6x48x128xf32, #tpu.memory_space<vmem>> -> memref<1x48x128xf32, #tpu.memory_space<vmem>>
    %dma_wait3A_474 = tpu.memref_squeeze %dma_wait3A_473 : memref<1x48x128xf32, #tpu.memory_space<vmem>> -> memref<48x128xf32, #tpu.memory_space<vmem>>
    %dma_wait3A_475 = arith.constant 0 : i32
    %dma_wait3A_476 = tpu.memref_slice %arg10[%dma_wait3A_470, %dma_wait3A_475] : memref<6x48xi32, #tpu.memory_space<vmem>> -> memref<1x48xi32, #tpu.memory_space<vmem>>
    %dma_wait3A_477 = tpu.memref_squeeze %dma_wait3A_476 : memref<1x48xi32, #tpu.memory_space<vmem>> -> memref<48xi32, #tpu.memory_space<vmem>>
    %dma_wait3A_478 = arith.constant 0 : i32
    %dma_wait3A_479 = arith.constant 0 : i32
    %dma_wait3A_480 = tpu.memref_slice %arg12[%dma_wait3A_478, %dma_wait3A_479] : memref<10112x128xf32, #tpu.memory_space<vmem_shared>> -> memref<10112x128xf32, #tpu.memory_space<vmem_shared>>
    tpu.wait_indirect_dma semaphore(%arg23 : memref<!tpu.dma_semaphore, #tpu.memory_space<semaphore_mem>>) src(%dma_wait3A_474 : memref<48x128xf32, #tpu.memory_space<vmem>>) dst(%dma_wait3A_480 : memref<10112x128xf32, #tpu.memory_space<vmem_shared>>)
    %dma_wait3A_481 = arith.constant 4 : i32
    %dma_wait3A_482 = arith.constant 0 : i32
    %dma_wait3A_483 = tpu.memref_slice %arg10[%dma_wait3A_481, %dma_wait3A_482] : memref<6x48xi32, #tpu.memory_space<vmem>> -> memref<1x48xi32, #tpu.memory_space<vmem>>
    %dma_wait3A_484 = tpu.memref_squeeze %dma_wait3A_483 : memref<1x48xi32, #tpu.memory_space<vmem>> -> memref<48xi32, #tpu.memory_space<vmem>>
    %dma_wait3A_485 = arith.constant 0 : i32
    %dma_wait3A_486 = tpu.memref_slice %arg25[%dma_wait3A_485] : memref<10112xf32, #tpu.memory_space<vmem_shared>> -> memref<10112xf32, #tpu.memory_space<vmem_shared>>
    tpu.wait_indirect_dma semaphore(%arg23 : memref<!tpu.dma_semaphore, #tpu.memory_space<semaphore_mem>>) src(%arg26 : memref<48xf32, #tpu.memory_space<vmem>>) dst(%dma_wait3A_486 : memref<10112xf32, #tpu.memory_space<vmem_shared>>)
    %dma_wait3A_487 = arith.constant 5 : i32
    %dma_wait3A_488 = arith.constant 5 : i32
    %dma_wait3A_489 = arith.constant 0 : i32
    %dma_wait3A_490 = arith.constant 0 : i32
    %dma_wait3A_491 = tpu.memref_slice %arg11[%dma_wait3A_487, %dma_wait3A_489, %dma_wait3A_490] : memref<6x48x128xf32, #tpu.memory_space<vmem>> -> memref<1x48x128xf32, #tpu.memory_space<vmem>>
    %dma_wait3A_492 = tpu.memref_squeeze %dma_wait3A_491 : memref<1x48x128xf32, #tpu.memory_space<vmem>> -> memref<48x128xf32, #tpu.memory_space<vmem>>
    %dma_wait3A_493 = arith.constant 0 : i32
    %dma_wait3A_494 = tpu.memref_slice %arg10[%dma_wait3A_488, %dma_wait3A_493] : memref<6x48xi32, #tpu.memory_space<vmem>> -> memref<1x48xi32, #tpu.memory_space<vmem>>
    %dma_wait3A_495 = tpu.memref_squeeze %dma_wait3A_494 : memref<1x48xi32, #tpu.memory_space<vmem>> -> memref<48xi32, #tpu.memory_space<vmem>>
    %dma_wait3A_496 = arith.constant 0 : i32
    %dma_wait3A_497 = arith.constant 0 : i32
    %dma_wait3A_498 = tpu.memref_slice %arg12[%dma_wait3A_496, %dma_wait3A_497] : memref<10112x128xf32, #tpu.memory_space<vmem_shared>> -> memref<10112x128xf32, #tpu.memory_space<vmem_shared>>
    tpu.wait_indirect_dma semaphore(%arg24 : memref<!tpu.dma_semaphore, #tpu.memory_space<semaphore_mem>>) src(%dma_wait3A_492 : memref<48x128xf32, #tpu.memory_space<vmem>>) dst(%dma_wait3A_498 : memref<10112x128xf32, #tpu.memory_space<vmem_shared>>)
    %dma_wait3A_499 = arith.constant 5 : i32
    %dma_wait3A_500 = arith.constant 0 : i32
    %dma_wait3A_501 = tpu.memref_slice %arg10[%dma_wait3A_499, %dma_wait3A_500] : memref<6x48xi32, #tpu.memory_space<vmem>> -> memref<1x48xi32, #tpu.memory_space<vmem>>
    %dma_wait3A_502 = tpu.memref_squeeze %dma_wait3A_501 : memref<1x48xi32, #tpu.memory_space<vmem>> -> memref<48xi32, #tpu.memory_space<vmem>>
    %dma_wait3A_503 = arith.constant 0 : i32
    %dma_wait3A_504 = tpu.memref_slice %arg25[%dma_wait3A_503] : memref<10112xf32, #tpu.memory_space<vmem_shared>> -> memref<10112xf32, #tpu.memory_space<vmem_shared>>
    tpu.wait_indirect_dma semaphore(%arg24 : memref<!tpu.dma_semaphore, #tpu.memory_space<semaphore_mem>>) src(%arg26 : memref<48xf32, #tpu.memory_space<vmem>>) dst(%dma_wait3A_504 : memref<10112xf32, #tpu.memory_space<vmem_shared>>)
    %barrier3A_505 = arith.constant 0 : index
    tpu.barrier barrier_id(%barrier3A_505)
    "tpu.region"() ({
      %run_scoped3A = tpu.sem_alloc : memref<!tpu.dma_semaphore, #tpu.memory_space<semaphore_mem>>
      %dma_start3A_511 = arith.constant 0 : i32
      %dma_start3A_512 = arith.constant 0 : i32
      %dma_start3A_513 = tpu.memref_slice %arg6[%arg0, %dma_start3A_511, %dma_start3A_512] : memref<2x10112x128xf32, #tpu.memory_space<hbm>> -> memref<1x10112x128xf32, #tpu.memory_space<hbm>>
      %dma_start3A_514 = tpu.memref_squeeze %dma_start3A_513 : memref<1x10112x128xf32, #tpu.memory_space<hbm>> -> memref<10112x128xf32, #tpu.memory_space<hbm>>
      %dma_start3A_515 = arith.constant 0 : i32
      %dma_start3A_516 = tpu.memref_slice %dma_start3A_514[%mul3A_2, %dma_start3A_515] : memref<10112x128xf32, #tpu.memory_space<hbm>> -> memref<632x128xf32, #tpu.memory_space<hbm>>
      %dma_start3A_517 = arith.constant 0 : i32
      %dma_start3A_518 = tpu.memref_slice %arg12[%mul3A_2, %dma_start3A_517] : memref<10112x128xf32, #tpu.memory_space<vmem_shared>> -> memref<632x128xf32, #tpu.memory_space<vmem_shared>>
      tpu.enqueue_dma source(%dma_start3A_518 : memref<632x128xf32, #tpu.memory_space<vmem_shared>>) target(%dma_start3A_516 : memref<632x128xf32, #tpu.memory_space<hbm>>) target_semaphore(%run_scoped3A : memref<!tpu.dma_semaphore, #tpu.memory_space<semaphore_mem>>)
      %dma_wait3A_519 = arith.constant 0 : i32
      %dma_wait3A_520 = arith.constant 0 : i32
      %dma_wait3A_521 = tpu.memref_slice %arg6[%arg0, %dma_wait3A_519, %dma_wait3A_520] : memref<2x10112x128xf32, #tpu.memory_space<hbm>> -> memref<1x10112x128xf32, #tpu.memory_space<hbm>>
      %dma_wait3A_522 = tpu.memref_squeeze %dma_wait3A_521 : memref<1x10112x128xf32, #tpu.memory_space<hbm>> -> memref<10112x128xf32, #tpu.memory_space<hbm>>
      %dma_wait3A_523 = arith.constant 0 : i32
      %dma_wait3A_524 = tpu.memref_slice %dma_wait3A_522[%mul3A_2, %dma_wait3A_523] : memref<10112x128xf32, #tpu.memory_space<hbm>> -> memref<632x128xf32, #tpu.memory_space<hbm>>
      %dma_wait3A_525 = arith.constant 0 : i32
      %dma_wait3A_526 = tpu.memref_slice %arg12[%mul3A_2, %dma_wait3A_525] : memref<10112x128xf32, #tpu.memory_space<vmem_shared>> -> memref<632x128xf32, #tpu.memory_space<vmem_shared>>
      tpu.wait_dma2 semaphore(%run_scoped3A : memref<!tpu.dma_semaphore, #tpu.memory_space<semaphore_mem>>) src(%dma_wait3A_526 : memref<632x128xf32, #tpu.memory_space<vmem_shared>>) dst(%dma_wait3A_524 : memref<632x128xf32, #tpu.memory_space<hbm>>)
      tpu.yield
    }) : () -> ()
    %eq3A_506 = arith.constant 0 : i32
    %eq3A_507 = arith.cmpi eq, %arg1, %eq3A_506 : i32
    %convert_element_type3A_508 = arith.extui %eq3A_507 : i1 to i32
    %cond3A_509 = arith.constant 0 : i32
    %cond3A_510 = arith.cmpi ne, %convert_element_type3A_508, %cond3A_509 : i32
    scf.if %cond3A_510 {
      "tpu.region"() ({
        %run_scoped3A = tpu.sem_alloc : memref<!tpu.dma_semaphore, #tpu.memory_space<semaphore_mem>>
        %dma_start3A_511 = arith.constant 0 : i32
        %dma_start3A_512 = tpu.memref_slice %arg7[%arg0, %dma_start3A_511] : memref<2x10112xf32, #tpu.memory_space<hbm>> -> memref<1x10112xf32, #tpu.memory_space<hbm>>
        %dma_start3A_513 = tpu.memref_squeeze %dma_start3A_512 : memref<1x10112xf32, #tpu.memory_space<hbm>> -> memref<10112xf32, #tpu.memory_space<hbm>>
        tpu.enqueue_dma source(%arg25 : memref<10112xf32, #tpu.memory_space<vmem_shared>>) target(%dma_start3A_513 : memref<10112xf32, #tpu.memory_space<hbm>>) target_semaphore(%run_scoped3A : memref<!tpu.dma_semaphore, #tpu.memory_space<semaphore_mem>>)
        %dma_wait3A_514 = arith.constant 0 : i32
        %dma_wait3A_515 = tpu.memref_slice %arg7[%arg0, %dma_wait3A_514] : memref<2x10112xf32, #tpu.memory_space<hbm>> -> memref<1x10112xf32, #tpu.memory_space<hbm>>
        %dma_wait3A_516 = tpu.memref_squeeze %dma_wait3A_515 : memref<1x10112xf32, #tpu.memory_space<hbm>> -> memref<10112xf32, #tpu.memory_space<hbm>>
        tpu.wait_dma2 semaphore(%run_scoped3A : memref<!tpu.dma_semaphore, #tpu.memory_space<semaphore_mem>>) src(%arg25 : memref<10112xf32, #tpu.memory_space<vmem_shared>>) dst(%dma_wait3A_516 : memref<10112xf32, #tpu.memory_space<hbm>>)
        tpu.yield
      }) : () -> ()
    } else {
    }
    return
  }
}

module attributes {stable_mosaic.version = 14 : i64} {
  func.func @body(%arg0: memref<2x2500x128xi32, #tpu.memory_space<vmem>>, %arg1: memref<2520x128xi32, #tpu.memory_space<vmem>>) attributes {dimension_semantics = [], scalar_prefetch = 0 : i64, scratch_operands = 0 : i64, tpu.core_type = #tpu.core_type<tc>} {
    %get3A = arith.constant 0 : index
    %get3A_0 = arith.constant 0 : index
    %get3A_1 = arith.constant 0 : index
    %get3A_2 = vector.load %arg0[%get3A, %get3A_0, %get3A_1] : memref<2x2500x128xi32, #tpu.memory_space<vmem>>, vector<1x2500x128xi32>
    %get3A_3 = vector.shape_cast %get3A_2 : vector<1x2500x128xi32> to vector<2500x128xi32>
    %shift_left3A = arith.constant 14 : i32
    %shift_left3A_4 = vector.broadcast %shift_left3A : i32 to vector<2500x128xi32>
    %shift_left3A_5 = arith.shli %get3A_3, %shift_left3A_4 : vector<2500x128xi32>
    %get3A_6 = arith.constant 1 : index
    %get3A_7 = arith.constant 0 : index
    %get3A_8 = arith.constant 0 : index
    %get3A_9 = vector.load %arg0[%get3A_6, %get3A_7, %get3A_8] : memref<2x2500x128xi32, #tpu.memory_space<vmem>>, vector<1x2500x128xi32>
    %get3A_10 = vector.shape_cast %get3A_9 : vector<1x2500x128xi32> to vector<2500x128xi32>
    %or3A = arith.ori %shift_left3A_5, %get3A_10 : vector<2500x128xi32>
    %iota3A = tpu.iota {dimensions = array<i32: 0>} : vector<20x128xi32>
    %mul3A = arith.constant 128 : i32
    %mul3A_11 = vector.broadcast %mul3A : i32 to vector<20x128xi32>
    %mul3A_12 = arith.muli %iota3A, %mul3A_11 : vector<20x128xi32>
    %iota3A_13 = tpu.iota {dimensions = array<i32: 1>} : vector<20x128xi32>
    %add3A = arith.addi %mul3A_12, %iota3A_13 : vector<20x128xi32>
    %rem3A = arith.constant 112 : i32
    %rem3A_14 = vector.broadcast %rem3A : i32 to vector<20x128xi32>
    %rem3A_15 = arith.remsi %add3A, %rem3A_14 : vector<20x128xi32>
    %add3A_16 = arith.constant 10000 : i32
    %add3A_17 = vector.broadcast %add3A_16 : i32 to vector<20x128xi32>
    %add3A_18 = arith.addi %add3A_17, %rem3A_15 : vector<20x128xi32>
    %rem3A_19 = arith.constant 10000 : i32
    %rem3A_20 = vector.broadcast %rem3A_19 : i32 to vector<20x128xi32>
    %rem3A_21 = arith.remsi %add3A, %rem3A_20 : vector<20x128xi32>
    %shift_left3A_22 = arith.constant 14 : i32
    %shift_left3A_23 = vector.broadcast %shift_left3A_22 : i32 to vector<20x128xi32>
    %shift_left3A_24 = arith.shli %add3A_18, %shift_left3A_23 : vector<20x128xi32>
    %or3A_25 = arith.ori %shift_left3A_24, %rem3A_21 : vector<20x128xi32>
    %concatenate3A = tpu.concatenate %or3A, %or3A_25 in 0 : vector<2500x128xi32>, vector<20x128xi32> -> vector<2520x128xi32>
    %swap3A = arith.constant 0 : index
    %swap3A_26 = arith.constant 0 : index
    %swap3A_27 = vector.load %arg1[%swap3A, %swap3A_26] : memref<2520x128xi32, #tpu.memory_space<vmem>>, vector<2520x128xi32>
    tpu.vector_store %arg1[%swap3A, %swap3A_26], %concatenate3A {strides = array<i32>} : memref<2520x128xi32, #tpu.memory_space<vmem>>, vector<2520x128xi32>,
    return
  }
}

module attributes {stable_mosaic.version = 14 : i64} {
  func.func @body(%arg0: memref<2x79x128xf32, #tpu.memory_space<vmem>>, %arg1: memref<79x128xf32, #tpu.memory_space<vmem>>) attributes {dimension_semantics = [], scalar_prefetch = 0 : i64, scratch_operands = 0 : i64, tpu.core_type = #tpu.core_type<tc>} {
    %get3A = arith.constant 0 : index
    %get3A_0 = arith.constant 0 : index
    %get3A_1 = arith.constant 0 : index
    %get3A_2 = vector.load %arg0[%get3A, %get3A_0, %get3A_1] : memref<2x79x128xf32, #tpu.memory_space<vmem>>, vector<1x79x128xf32>
    %get3A_3 = vector.shape_cast %get3A_2 : vector<1x79x128xf32> to vector<79x128xf32>
    %get3A_4 = arith.constant 1 : index
    %get3A_5 = arith.constant 0 : index
    %get3A_6 = arith.constant 0 : index
    %get3A_7 = vector.load %arg0[%get3A_4, %get3A_5, %get3A_6] : memref<2x79x128xf32, #tpu.memory_space<vmem>>, vector<1x79x128xf32>
    %get3A_8 = vector.shape_cast %get3A_7 : vector<1x79x128xf32> to vector<79x128xf32>
    %add3A = arith.addf %get3A_3, %get3A_8 : vector<79x128xf32>
    %max3A = arith.constant 1.000000e+00 : f32
    %max3A_9 = vector.broadcast %max3A : f32 to vector<79x128xf32>
    %max3A_10 = arith.maximumf %add3A, %max3A_9 : vector<79x128xf32>
    %div3A = arith.constant 1.000000e+00 : f32
    %div3A_11 = vector.broadcast %div3A : f32 to vector<79x128xf32>
    %div3A_12 = arith.divf %div3A_11, %max3A_10 : vector<79x128xf32>
    %swap3A = arith.constant 0 : index
    %swap3A_13 = arith.constant 0 : index
    %swap3A_14 = vector.load %arg1[%swap3A, %swap3A_13] : memref<79x128xf32, #tpu.memory_space<vmem>>, vector<79x128xf32>
    tpu.vector_store %arg1[%swap3A, %swap3A_13], %div3A_12 {strides = array<i32>} : memref<79x128xf32, #tpu.memory_space<vmem>>, vector<79x128xf32>,
    return
  }
}

module attributes {stable_mosaic.version = 14 : i64} {
  func.func @body(%arg0: i32, %arg1: memref<2x2000x128xf32, #tpu.memory_space<vmem>>, %arg2: memref<2000x1xf32, #tpu.memory_space<vmem>>, %arg3: memref<128x128xf32, #tpu.memory_space<vmem>>, %arg4: memref<1x128xf32, #tpu.memory_space<vmem>>, %arg5: memref<2000x128xf32, #tpu.memory_space<vmem>>) attributes {dimension_semantics = [#tpu.dimension_semantics<arbitrary>], iteration_bounds = array<i64: 5>, scalar_prefetch = 0 : i64, scratch_operands = 0 : i64, tpu.core_type = #tpu.core_type<tc>, window_params = [{transform_indices = @transform_0, window_bounds = array<i64: 2, 2000, 128>}, {transform_indices = @transform_1, window_bounds = array<i64: 2000, 1>}, {pipeline_mode = #tpu.pipeline_mode<synchronous>, transform_indices = @transform_2, window_bounds = array<i64: 128, 128>}, {pipeline_mode = #tpu.pipeline_mode<synchronous>, transform_indices = @transform_3, window_bounds = array<i64: 1, 128>}, {transform_indices = @transform_4, window_bounds = array<i64: 2000, 128>}]} {
    %get3A = arith.constant 0 : index
    %get3A_0 = arith.constant 0 : index
    %get3A_1 = arith.constant 0 : index
    %get3A_2 = vector.load %arg1[%get3A, %get3A_0, %get3A_1] : memref<2x2000x128xf32, #tpu.memory_space<vmem>>, vector<1x2000x128xf32>
    %get3A_3 = vector.shape_cast %get3A_2 : vector<1x2000x128xf32> to vector<2000x128xf32>
    %get3A_4 = arith.constant 1 : index
    %get3A_5 = arith.constant 0 : index
    %get3A_6 = arith.constant 0 : index
    %get3A_7 = vector.load %arg1[%get3A_4, %get3A_5, %get3A_6] : memref<2x2000x128xf32, #tpu.memory_space<vmem>>, vector<1x2000x128xf32>
    %get3A_8 = vector.shape_cast %get3A_7 : vector<1x2000x128xf32> to vector<2000x128xf32>
    %add3A = arith.addf %get3A_3, %get3A_8 : vector<2000x128xf32>
    %get3A_9 = arith.constant 0 : index
    %get3A_10 = arith.constant 0 : index
    %get3A_11 = vector.load %arg2[%get3A_9, %get3A_10] : memref<2000x1xf32, #tpu.memory_space<vmem>>, vector<2000x1xf32>
    %mul3A = vector.broadcast %get3A_11 : vector<2000x1xf32> to vector<2000x128xf32>
    %mul3A_12 = arith.mulf %add3A, %mul3A : vector<2000x128xf32>
    %get3A_13 = arith.constant 0 : index
    %get3A_14 = arith.constant 0 : index
    %get3A_15 = vector.load %arg3[%get3A_13, %get3A_14] : memref<128x128xf32, #tpu.memory_space<vmem>>, vector<128x128xf32>
    %dot_general3A = arith.constant dense<0.000000e+00> : vector<2000x128xf32>
    %dot_general3A_16 = tpu.matmul %mul3A_12, %get3A_15, %dot_general3A {dimension_numbers = #tpu.dot_dimension_numbers<[1], [0], [0], [1], [0, 0, 1, 1], [], []>, transpose_lhs_hint = false} : vector<2000x128xf32>, vector<128x128xf32>, vector<2000x128xf32> -> vector<2000x128xf32>
    %get3A_17 = arith.constant 0 : index
    %get3A_18 = arith.constant 0 : index
    %get3A_19 = vector.load %arg4[%get3A_17, %get3A_18] : memref<1x128xf32, #tpu.memory_space<vmem>>, vector<1x128xf32>
    %add3A_20 = vector.broadcast %get3A_19 : vector<1x128xf32> to vector<2000x128xf32>
    %add3A_21 = arith.addf %dot_general3A_16, %add3A_20 : vector<2000x128xf32>
    %max3A = arith.constant 0.000000e+00 : f32
    %max3A_22 = vector.broadcast %max3A : f32 to vector<2000x128xf32>
    %max3A_23 = arith.maximumf %add3A_21, %max3A_22 : vector<2000x128xf32>
    %swap3A = arith.constant 0 : index
    %swap3A_24 = arith.constant 0 : index
    %swap3A_25 = vector.load %arg5[%swap3A, %swap3A_24] : memref<2000x128xf32, #tpu.memory_space<vmem>>, vector<2000x128xf32>
    tpu.vector_store %arg5[%swap3A, %swap3A_24], %max3A_23 {strides = array<i32>} : memref<2000x128xf32, #tpu.memory_space<vmem>>, vector<2000x128xf32>,
    return
  }
  func.func @transform_0(%arg0: i32) -> (i32, i32, i32) {
    %c0_i32 = arith.constant 0 : i32
    %c0_i32_0 = arith.constant 0 : i32
    %c0_i32_1 = arith.constant 0 : i32
    return %c0_i32, %arg0, %c0_i32_0 : i32, i32, i32
  }
  func.func @transform_1(%arg0: i32) -> (i32, i32) {
    %c0_i32 = arith.constant 0 : i32
    %c0_i32_0 = arith.constant 0 : i32
    return %arg0, %c0_i32 : i32, i32
  }
  func.func @transform_2(%arg0: i32) -> (i32, i32) {
    %c0_i32 = arith.constant 0 : i32
    %c0_i32_0 = arith.constant 0 : i32
    %c0_i32_1 = arith.constant 0 : i32
    return %c0_i32, %c0_i32_0 : i32, i32
  }
  func.func @transform_3(%arg0: i32) -> (i32, i32) {
    %c0_i32 = arith.constant 0 : i32
    %c0_i32_0 = arith.constant 0 : i32
    %c0_i32_1 = arith.constant 0 : i32
    return %c0_i32, %c0_i32_0 : i32, i32
  }
  func.func @transform_4(%arg0: i32) -> (i32, i32) {
    %c0_i32 = arith.constant 0 : i32
    %c0_i32_0 = arith.constant 0 : i32
    return %arg0, %c0_i32 : i32, i32
  }
}

module attributes {stable_mosaic.version = 14 : i64} {
  func.func @body(%arg0: i32, %arg1: memref<2x2000x128xf32, #tpu.memory_space<vmem>>, %arg2: memref<2000x1xf32, #tpu.memory_space<vmem>>, %arg3: memref<128x128xf32, #tpu.memory_space<vmem>>, %arg4: memref<1x128xf32, #tpu.memory_space<vmem>>, %arg5: memref<2000x128xf32, #tpu.memory_space<vmem>>) attributes {dimension_semantics = [#tpu.dimension_semantics<arbitrary>], iteration_bounds = array<i64: 5>, scalar_prefetch = 0 : i64, scratch_operands = 0 : i64, tpu.core_type = #tpu.core_type<tc>, window_params = [{transform_indices = @transform_0, window_bounds = array<i64: 2, 2000, 128>}, {transform_indices = @transform_1, window_bounds = array<i64: 2000, 1>}, {pipeline_mode = #tpu.pipeline_mode<synchronous>, transform_indices = @transform_2, window_bounds = array<i64: 128, 128>}, {pipeline_mode = #tpu.pipeline_mode<synchronous>, transform_indices = @transform_3, window_bounds = array<i64: 1, 128>}, {transform_indices = @transform_4, window_bounds = array<i64: 2000, 128>}]} {
    %get3A = arith.constant 0 : index
    %get3A_0 = arith.constant 0 : index
    %get3A_1 = arith.constant 0 : index
    %get3A_2 = vector.load %arg1[%get3A, %get3A_0, %get3A_1] : memref<2x2000x128xf32, #tpu.memory_space<vmem>>, vector<1x2000x128xf32>
    %get3A_3 = vector.shape_cast %get3A_2 : vector<1x2000x128xf32> to vector<2000x128xf32>
    %get3A_4 = arith.constant 1 : index
    %get3A_5 = arith.constant 0 : index
    %get3A_6 = arith.constant 0 : index
    %get3A_7 = vector.load %arg1[%get3A_4, %get3A_5, %get3A_6] : memref<2x2000x128xf32, #tpu.memory_space<vmem>>, vector<1x2000x128xf32>
    %get3A_8 = vector.shape_cast %get3A_7 : vector<1x2000x128xf32> to vector<2000x128xf32>
    %add3A = arith.addf %get3A_3, %get3A_8 : vector<2000x128xf32>
    %get3A_9 = arith.constant 0 : index
    %get3A_10 = arith.constant 0 : index
    %get3A_11 = vector.load %arg2[%get3A_9, %get3A_10] : memref<2000x1xf32, #tpu.memory_space<vmem>>, vector<2000x1xf32>
    %mul3A = vector.broadcast %get3A_11 : vector<2000x1xf32> to vector<2000x128xf32>
    %mul3A_12 = arith.mulf %add3A, %mul3A : vector<2000x128xf32>
    %get3A_13 = arith.constant 0 : index
    %get3A_14 = arith.constant 0 : index
    %get3A_15 = vector.load %arg3[%get3A_13, %get3A_14] : memref<128x128xf32, #tpu.memory_space<vmem>>, vector<128x128xf32>
    %dot_general3A = arith.constant dense<0.000000e+00> : vector<2000x128xf32>
    %dot_general3A_16 = tpu.matmul %mul3A_12, %get3A_15, %dot_general3A {dimension_numbers = #tpu.dot_dimension_numbers<[1], [0], [0], [1], [0, 0, 1, 1], [], []>, transpose_lhs_hint = false} : vector<2000x128xf32>, vector<128x128xf32>, vector<2000x128xf32> -> vector<2000x128xf32>
    %get3A_17 = arith.constant 0 : index
    %get3A_18 = arith.constant 0 : index
    %get3A_19 = vector.load %arg4[%get3A_17, %get3A_18] : memref<1x128xf32, #tpu.memory_space<vmem>>, vector<1x128xf32>
    %add3A_20 = vector.broadcast %get3A_19 : vector<1x128xf32> to vector<2000x128xf32>
    %add3A_21 = arith.addf %dot_general3A_16, %add3A_20 : vector<2000x128xf32>
    %max3A = arith.constant 0.000000e+00 : f32
    %max3A_22 = vector.broadcast %max3A : f32 to vector<2000x128xf32>
    %max3A_23 = arith.maximumf %add3A_21, %max3A_22 : vector<2000x128xf32>
    %swap3A = arith.constant 0 : index
    %swap3A_24 = arith.constant 0 : index
    %swap3A_25 = vector.load %arg5[%swap3A, %swap3A_24] : memref<2000x128xf32, #tpu.memory_space<vmem>>, vector<2000x128xf32>
    tpu.vector_store %arg5[%swap3A, %swap3A_24], %max3A_23 {strides = array<i32>} : memref<2000x128xf32, #tpu.memory_space<vmem>>, vector<2000x128xf32>,
    return
  }
  func.func @transform_0(%arg0: i32) -> (i32, i32, i32) {
    %c0_i32 = arith.constant 0 : i32
    %c0_i32_0 = arith.constant 0 : i32
    %c0_i32_1 = arith.constant 0 : i32
    return %c0_i32, %arg0, %c0_i32_0 : i32, i32, i32
  }
  func.func @transform_1(%arg0: i32) -> (i32, i32) {
    %c0_i32 = arith.constant 0 : i32
    %c0_i32_0 = arith.constant 0 : i32
    return %arg0, %c0_i32 : i32, i32
  }
  func.func @transform_2(%arg0: i32) -> (i32, i32) {
    %c0_i32 = arith.constant 0 : i32
    %c0_i32_0 = arith.constant 0 : i32
    %c0_i32_1 = arith.constant 0 : i32
    return %c0_i32, %c0_i32_0 : i32, i32
  }
  func.func @transform_3(%arg0: i32) -> (i32, i32) {
    %c0_i32 = arith.constant 0 : i32
    %c0_i32_0 = arith.constant 0 : i32
    %c0_i32_1 = arith.constant 0 : i32
    return %c0_i32, %c0_i32_0 : i32, i32
  }
  func.func @transform_4(%arg0: i32) -> (i32, i32) {
    %c0_i32 = arith.constant 0 : i32
    %c0_i32_0 = arith.constant 0 : i32
    return %arg0, %c0_i32 : i32, i32
  }
}

</mosaic_0001>

<sc_bundles>
// kernel: kernel.11.cloned.1.call-start
scs
__scs_entry_jumppad:
0x0: {  	(pc) =	sbr.rel $0x88, $3  }
0x1: {  	(tag) =	ssettag $0x0;
	lr =	simm.s32 $0x1  }
0x2: {  	[smem:$0x3F9B] =	sst lr;
	_ =	strace $0xD0000000  }
0x3: {  	_ = 	snop  }
0x4: {  	_ = 	snop  }
0x5: {  	_ = 	snop  }
0x6: {  	_ = 	snop  }
0x7: {  	_ = 	snop  }
__scs_overlays_trampoline_lowered:
0x8: {  	[smem:$0x3FAA] =	sst s0  }
0x9: {  	[smem:$0x3FAB] =	sst s1  }
0xa: {  	[smem:$0x3FAC] =	sst s2  }
0xb: {  	[smem:$0x3FAD] =	sst s3  }
0xc: {  	[smem:$0x3FAE] =	sst s4  }
0xd: {  	[smem:$0x3FAF] =	sst s5  }
0xe: {  	[smem:$0x3FB0] =	sst s6  }
0xf: {  	[smem:$0x3FB1] =	sst s7  }
0x10: {  	[smem:$0x3FB2] =	sst s8  }
0x11: {  	[smem:$0x3FB3] =	sst s9;
	s0 =	simm.s32 @!p0 $0x0  }
0x12: {  	s1 =	sld [smem:$0x3F99];
	s0 =	simm.s32 @p0 $0x1  }
0x13: {  	[smem:$0x3FB4] =	sst s0;
	s0 =	simm.s32 @!p1 $0x0  }
0x14: {  	s2 =	sld [smem:$0x3F98];
	s0 =	simm.s32 @p1 $0x1  }
0x15: {  	[smem:$0x3FB5] =	sst s0;
	s0 =	simm.s32 @!p2 $0x0  }
0x16: {  	s3 =	sld [smem:$0x3FDB];
	s0 =	simm.s32 @p2 $0x1  }
0x17: {  	s4 =	simm.s32 $0x1BF5;
	[smem:$0x3FB7] =	sst s0  }
0x18: {  	s0 =	sld [smem:$0x3F9A];
	_ =	swait.ge [sflag:s4], $0x0  }
0x19: {  	s7 =	sld [smem:$0x3F9B]  }
0x1a: {  	s8 =	sadd.s32 $0xFFFFE003, lr  }
0x1b: {  	s9 =	sadd.s32 $0xFFFFFEF7, lr;
	s5 =	simm.s32 $0xFFFFFFFF;
	p2 =	slt.u32 s8, $0xFFFFF086  }
0x1c: {  	p1 =	slt.u32 s9, $0xF7A;
	s5 =	simm.s32 @!p2 $0x0  }
0x1d: {  	s5 =	simm.s32 @p1 $0x1;
	p0 =	seq.s32 s7, s2  }
0x1e: {  	s7 =	smul.u32 @!p0 $0xF7A, s2;
	p2 =	seq.s32 @!p0 s5, $0x0  }
0x1f: {  	s9 =	smul.u32 $0xF7A, s1;
	s8 =	simm.s32 @!p0 $0x1BF5;
	p2 =	por !p2, p0  }
0x20: {  	[sflag:s8] =	ssyncset.s32 @!p0 $0xFFFFF086;
	s6 =	sadd.s32 @!p0 s3, s7;
	s7 =	simm.s32 @!p0 $0x108  }
0x21: {  	s3 =	sadd.s32 s3, s9;
	s6 =	sadd.s32 @!p0 $0x88, s6;
	s7 =	simm.s32 @p2 $0x1082  }
0x22: {  	[simem:s7], [sflag:s8] =	dma.local @!p0 [hbm:s6], $0xF7A  }
0x23: {  	s9 =	sor.u32 $0xD0000000, s2;
	s6 =	simm.s32 $0x108;
	_ =	swait.ge @!p0 [sflag:s8], $0x0  }
0x24: {  	s3 =	sadd.s32 $0x88, s3;
	s6 =	simm.s32 @!p1 $0x1082;
	[sflag:s4] =	ssyncset.s32 $0xFFFFF086  }
0x25: {  	[simem:s6], [sflag:s4] =	dma.local [hbm:s3], $0xF7A  }
0x26: {  	[smem:$0x3F9B] =	sst s1;
	(tag) =	ssettag s2;
	_ =	strace s9  }
0x27: {  	s1 =	sld [smem:$0x3FAB]  }
0x28: {  	s2 =	sld [smem:$0x3FAC]  }
0x29: {  	s4 =	sld [smem:$0x3FAE]  }
0x2a: {  	p0 =	seq.s32 s5, $0x0;
	s5 =	sld [smem:$0x3FAF]  }
0x2b: {  	s6 =	sld [smem:$0x3FB0]  }
0x2c: {  	s7 =	sld [smem:$0x3FB1]  }
0x2d: {  	s3 =	simm.s32 $0x108;
	s8 =	sld [smem:$0x3FB2]  }
0x2e: {  	s3 =	simm.s32 @!p0 $0x1082;
	s9 =	sld [smem:$0x3FB3]  }
0x2f: {  	lr =	sadd.s32 s0, s3;
	s0 =	sld [smem:$0x3FAA]  }
0x30: {  	s3 =	sld [smem:$0x3FAD]  }
0x31: {  	[smem:$0x3FB6] =	sst s10  }
0x32: {  	s10 =	sld [smem:$0x3FB4];
	_ =	sdelay $0x3  }
0x33: {  	p0 =	seq.s32 s10, $0x1;
	s10 =	sld [smem:$0x3FB6];
	_ =	sdelay $0x3  }
0x34: {  	[smem:$0x3FB6] =	sst s10  }
0x35: {  	s10 =	sld [smem:$0x3FB5];
	_ =	sdelay $0x3  }
0x36: {  	p1 =	seq.s32 s10, $0x1;
	s10 =	sld [smem:$0x3FB6];
	_ =	sdelay $0x3  }
0x37: {  	[smem:$0x3FB6] =	sst s10  }
0x38: {  	s10 =	sld [smem:$0x3FB7]  }
0x39: {  	_ = 	snop;
	(pc) =	sbr.ind lr, $3  }
0x3a: {  	_ = 	snop  }
0x3b: {  	_ = 	snop  }
0x3c: {  	p2 =	seq.s32 s10, $0x1;
	s10 =	sld [smem:$0x3FB6]  }
0x3d: {  	_ =	shalt  }
0x3e: {  	_ =	shalt  }
0x3f: {  	_ =	shalt  }
0x40: {  	_ =	shalt  }
0x41: {  	_ =	shalt  }
0x42: {  	_ =	shalt  }
0x43: {  	_ =	shalt  }
0x44: {  	_ =	shalt  }
0x45: {  	_ =	shalt  }
0x46: {  	_ =	shalt  }
0x47: {  	_ =	shalt  }
0x48: {  	_ =	shalt  }
0x49: {  	_ =	shalt  }
0x4a: {  	_ =	shalt  }
0x4b: {  	_ =	shalt  }
0x4c: {  	_ =	shalt  }
0x4d: {  	_ =	shalt  }
0x4e: {  	_ =	shalt  }
0x4f: {  	_ =	shalt  }
0x50: {  	_ =	shalt  }
0x51: {  	_ =	shalt  }
0x52: {  	_ =	shalt  }
0x53: {  	_ =	shalt  }
0x54: {  	_ =	shalt  }
0x55: {  	_ =	shalt  }
0x56: {  	_ =	shalt  }
0x57: {  	_ =	shalt  }
0x58: {  	_ =	shalt  }
0x59: {  	_ =	shalt  }
0x5a: {  	_ =	shalt  }
0x5b: {  	_ =	shalt  }
0x5c: {  	_ =	shalt  }
0x5d: {  	_ =	shalt  }
0x5e: {  	_ =	shalt  }
0x5f: {  	_ =	shalt  }
0x60: {  	_ =	shalt  }
0x61: {  	_ =	shalt  }
0x62: {  	_ =	shalt  }
0x63: {  	_ =	shalt  }
0x64: {  	_ =	shalt  }
0x65: {  	_ =	shalt  }
0x66: {  	_ =	shalt  }
0x67: {  	_ =	shalt  }
0x68: {  	_ =	shalt  }
0x69: {  	_ =	shalt  }
0x6a: {  	_ =	shalt  }
0x6b: {  	_ =	shalt  }
0x6c: {  	_ =	shalt  }
0x6d: {  	_ =	shalt  }
0x6e: {  	_ =	shalt  }
0x6f: {  	_ =	shalt  }
0x70: {  	_ =	shalt  }
0x71: {  	_ =	shalt  }
0x72: {  	_ =	shalt  }
0x73: {  	_ =	shalt  }
0x74: {  	_ =	shalt  }
0x75: {  	_ =	shalt  }
0x76: {  	_ =	shalt  }
0x77: {  	_ =	shalt  }
0x78: {  	_ =	shalt  }
0x79: {  	_ =	shalt  }
0x7a: {  	_ =	shalt  }
0x7b: {  	_ =	shalt  }
0x7c: {  	_ =	shalt  }
0x7d: {  	_ =	shalt  }
0x7e: {  	_ =	shalt  }
0x7f: {  	_ =	shalt  }
0x80: {  	_ =	shalt  }
0x81: {  	_ =	shalt  }
0x82: {  	_ =	shalt  }
0x83: {  	_ =	shalt  }
0x84: {  	_ =	shalt  }
0x85: {  	_ =	shalt  }
0x86: {  	_ =	shalt  }
0x87: {  	_ =	shalt  }
.Lfunc_end0:
.L_simem_size_0:
called_computation.1_lowered:
.L_overlay_start_0:
0x88: {  	s2 =	sld [smem:$0x3FD9]  }
0x89: {  	s3 =	sld [smem:$0x3FFE];
	_ =	sdelay $0x1  }
0x8a: {  	s1 =	srdreg.scid  }
0x8b: {  	s0 =	sand.u32 $0x1, s1  }
0x8c: {  	s17 =	sshll.u32 s0, $0xA;
	s2 =	sadd.s32 s3, s2  }
0x8d: {  	s2 =	sadd.s32 s2, s17  }
0x8e: {  	[smem:$0x3FC2] =	sst s2  }
0x8f: {  	_ = 	snop  }
0x90: {  	s2 =	sld [smem:$0x3FD0];
	(tm) =	ssettm $0x1  }
0x91: {  	s18 =	sld [smem:$0x3FFB];
	_ =	sdelay $0x3  }
0x92: {  	_ =	strace s18  }
0x93: {  	s3 =	sld [smem:$0x3FFC];
	_ =	sdelay $0x3  }
0x94: {  	_ =	strace s3  }
0x95: {  	s3 =	sld [smem:$0x3FFD];
	_ =	sdelay $0x3  }
0x96: {  	_ =	strace s3  }
0x97: {  	_ =	strace $0x8FFFFFFF  }
0x98: {  	s19 =	sld [smem:$0x3FDB];
	_ =	sdelay $0x1  }
0x99: {  	s4 =	simm.s32 $_scs_section_size  }
0x9a: {  	s5 =	simm.s32 $_size__tile_overlayer_lowered;
	s6 =	simm.s32 $_tile_overlayer_lowered  }
0x9b: {  	s22 =	simm.s32 $0x1BFF;
	s21 =	sshll.u32 s6, $0x1;
	s3 =	sadd.s32 s4, s19  }
0x9c: {  	s7 =	simm.s32 $0x0;
	s20 =	sshll.u32 s5, $0x1;
	s5 =	sadd.s32 s21, s3  }
0x9d: {  	[timem:s7], [sflag:s22] =	dma.local [hbm:s5], s20  }
0x9e: {  	_ =	swait.ge [sflag:s22], s20  }
0x9f: {  	s4 =	ssub.s32 $0x0, s20;
	[sflag:s22] =	ssyncset.done $0x0  }
0xa0: {  	[sflag:s22] =	ssyncadd.s32 s4;
	_ =	sdelay $0x1  }
0xa1: {  	s23 =	simm.s32 $0x1B8B  }
0xa2: {  	_ =	swait.ge [sflag:s23], $0x1  }
0xa3: {  	[sflag:s23] =	ssyncset.done $0x0  }
0xa4: {  	s25 =	simm.s32 $0x1B8E;
	s24 =	sld [smem:$0x3FFE];
	[sflag:s23] =	ssyncadd.s32 $0xFFFFFFFF  }
0xa5: {  	s26 =	simm.s32 $execute0_lowered;
	[smem:$0x3FD2] =	sst s25  }
0xa6: {  	s5 =	sshll.u32 s26, $0x1;
	_ =	strace $0x80000049;
	[dreg:$0x1] =	wrdreg $0xFFFFFFFF  }
0xa7: {  	s28 =	simm.s32 $_size_execute0_lowered;
	s3 =	sadd.s32 s3, s5;
	[dreg:$0x0] =	wrdreg $0x0  }
0xa8: {  	s5 =	sshll.u32 s28, $0x1;
	[dreg:$0x2] =	wrdreg s3  }
0xa9: {  	[dreg:$0x3] =	wrdreg s5  }
0xaa: {  	[dreg:$0x4] =	wrdreg $0xC0  }
0xab: {  	_ =	task [dreg:s7], $0x5FFFF  }
0xac: {  	[dreg:$0x1] =	wrdreg $0xFFFFFFFF  }
0xad: {  	[dreg:$0x0] =	wrdreg $0x60  }
0xae: {  	[dreg:$0x2] =	wrdreg s2  }
0xaf: {  	[dreg:$0x3] =	wrdreg s24  }
0xb0: {  	[dreg:$0x4] =	wrdreg $0xB9A00  }
0xb1: {  	[dreg:$0x5] =	wrdreg $0x9  }
0xb2: {  	_ =	task.clear_ibuf [dreg:s7], $0x6FFFF;
	_ =	strace $0x90000049  }
0xb3: {  	s29 =	simm.s32 $0x9;
	_ =	strace $0x8000004B  }
0xb4: {  	_ =	swait.ge [sflag:s29], $0x1  }
0xb5: {  	[sflag:s29] =	ssyncadd.s32 $0xFFFFFFFF  }
0xb6: {  	_ =	strace $0x9000004B  }
0xb7: {  	_ =	sfence  }
0xb8: {  	s30 =	sld [smem:$0x0];
	_ =	sdelay $0x2  }
0xb9: {  	s31 =	sshll.u32 s1, $0xD;
	s1 =	sshrl.u32 s1, $0x2  }
0xba: {  	s3 =	sand.u32 $0x4000, s31;
	s1 =	sadd.s32 s1, s30  }
0xbb: {  	s0 =	sor.u32 s3, s0;
	s1 =	sshll.u32 s1, $0x11  }
0xbc: {  	s0 =	sor.u32 s1, s0  }
0xbd: {  	s0 =	sadd.s32 $0x8F2B, s0  }
0xbe: {  	[sflag:s0] =	ssyncadd.remote.s32 $0x1  }
0xbf: {  	_ =	sfence.sel $0xFFFF  }
0xc0: {  	[dreg:$0x0] =	wrdreg $0xFFFFFFFF;
	(pc) =	sbr.abs _section_cstart, $3  }
0xc1: {  	[dreg:$0x1] =	wrdreg $0xFFFFFFFF  }
0xc2: {  	_ =	task.clear_ibuf [dreg:s7], $0x2FFFF;
	_ =	strace $0x9FFFFFFF  }
0xc3: {  	(tm) =	ssettm $0x7FFFFFFF  }
tec
execute0_lowered:
.L_overlay_start_1:
0x0: {  	(tag) =	ssettag $0x1  }
0x1: {  	s1 =	rddreg [dreg:$0x0]  }
0x2: {  	s0 =	srdreg.scid;
	s2 =	rddreg [dreg:$0x1]  }
0x3: {  	s9 =	stileid.u32;
	s3 =	rddreg [dreg:$0x2];
	s5 =	simm.s32 $0x0  }
0x4: {  	s10 =	simm.s32 $0xD;
	s11 =	simm.s32 $0x30;
	s13 =	simm.s32 $0x29A0  }
0x5: {  	s15 =	simm.s32 $0x41A0;
	s19 =	simm.s32 $0x71A0;
	s20 =	simm.s32 $0x2820  }
0x6: {  	s21 =	simm.s32 $0x89A0;
	s22 =	simm.s32 $0x1;
	s28 =	simm.s32 $0x2  }
0x7: {  	s29 =	simm.s32 $0x28B0;
	s30 =	simm.s32 $0x4;
	s31 =	simm.s32 $0x2910  }
0x8: {  	s17 =	simm.s32 $0xB;
	s0 =	sand.u32 $0x1, s0;
	[smem:$0x7FF] =	sst s5  }
0x9: {  	s23 =	smul.u32 $0x13C00, s9;
	s25 =	sshll.u32 s9, $0x6;
	s4 =	sshll.u32 s0, $0x4  }
0xa: {  	_ =	strace $0x8000004A;
	s6 =	smul.u32 $0x27800, s0;
	s0 =	ssub.s32 $0x2, s0  }
0xb: {  	s4 =	sor.u32 s9, s4;
	s7 =	sshrl.u32 s23, $0x3;
	s24 =	sshrl.u32 s0, $0x1  }
0xc: {  	s5 =	sadd.s32 s23, s3;
	s23 =	simm.s32 $0x2880;
	s4 =	smul.u32 $0x4EC, s4  }
0xd: {  	s8 =	sadd.s32 s7, s2;
	s0 =	ssub.s32 s0, s24;
	s9 =	sshrl.u32 s5, $0x3  }
0xe: {  	s5 =	simm.s32 $0x0;
	s8 =	sadd.s32 $0xBA00, s8;
	s0 =	smax.u32 s0, $0x1  }
.Ltmp0:
0xf: {  	s4 =	sadd.s32 s4, s2;
	[dreg:$0x4] =	wrdreg s8;
	(pc) =	sbr.rel .LBB2_1-.Ltmp0, $4  }
0x10: {  	s2 =	sadd.s32 s6, s2;
	s6 =	sor.u32 $0x1C0D, s25;
	[dreg:$0x6] =	wrdreg s0  }
0x11: {  	s25 =	simm.s32 $0x2850;
	s4 =	sadd.s32 $0x1C00, s4;
	s2 =	sadd.s32 $0x33800, s2  }
0x12: {  	s0 =	simm.s32 $0x2970;
	[dreg:$0x5] =	wrdreg s4;
	s26 =	sadd.s32 s7, s2  }
0x13: {  	s2 =	simm.s32 $0x6;
	[dreg:$0x7] =	wrdreg s26;
	s26 =	simm.s32 $0xA1A0  }
.LBB2_4:
0x14: {  	s4 =	simm.s32 $0x7  }
0x15: {  	_ =	swait.ge [sflag:s4], $0x1800  }
0x16: {  	[sflag:s4] =	ssyncset.done $0x0  }
0x17: {  	s8 =	simm.s32 $0x8;
	[sflag:s4] =	ssyncadd.s32 $0xFFFFE800  }
0x18: {  	_ =	swait.ge [sflag:s8], $0x1800  }
0x19: {  	[sflag:s8] =	ssyncset.done $0x0  }
0x1a: {  	s12 =	simm.s32 $0x9;
	[sflag:s8] =	ssyncadd.s32 $0xFFFFE800  }
0x1b: {  	_ =	swait.ge [sflag:s12], $0x1800  }
0x1c: {  	[sflag:s12] =	ssyncset.done $0x0  }
0x1d: {  	s14 =	simm.s32 $0xA;
	[sflag:s12] =	ssyncadd.s32 $0xFFFFE800  }
0x1e: {  	_ =	swait.ge [sflag:s14], $0x1800  }
0x1f: {  	[sflag:s14] =	ssyncset.done $0x0  }
0x20: {  	[sflag:s14] =	ssyncadd.s32 $0xFFFFE800  }
0x21: {  	_ =	swait.ge [sflag:s17], $0x1800  }
0x22: {  	[sflag:s17] =	ssyncset.done $0x0  }
0x23: {  	s16 =	simm.s32 $0xC;
	[sflag:s17] =	ssyncadd.s32 $0xFFFFE800  }
0x24: {  	_ =	swait.ge [sflag:s16], $0x1800  }
0x25: {  	[sflag:s16] =	ssyncset.done $0x0  }
0x26: {  	[sflag:s16] =	ssyncadd.s32 $0xFFFFE800  }
0x27: {  	[bflag:$0x0] =	sbarrier.arrive $0xFFFF  }
0x28: {  	s18 =	rddreg [dreg:$0x7]  }
0x29: {  	[hbm:s18], [sflag:s6] =	dma.local [spmem:s9], $0x2780  }
0x2a: {  	_ =	swait.ge [sflag:s10], $0x2780  }
0x2b: {  	s5 =	sadd.s32 $0x1, s5;
	s24 =	rddreg [dreg:$0x6]  }
0x2c: {  	p0 =	sne.s32 s5, s24  }
.Ltmp1:
0x2d: {  	_ = 	snop;
	(pc) =	sbr.rel @!p0 .LBB2_5-.Ltmp1, $3  }
0x2e: {  	_ =	sdelay $0x1  }
0x2f: {  	[sflag:s10] =	ssyncset.done $0x0  }
0x30: {  	[sflag:s10] =	ssyncadd.s32 $0xFFFFD880  }
.LBB2_1:
0x31: {  	s4 =	rddreg [dreg:$0x4]  }
0x32: {  	[spmem:s9], [sflag:s6] =	dma.local [hbm:s4], $0x2780  }
0x33: {  	_ =	swait.ge [sflag:s10], $0x2780  }
0x34: {  	[sflag:s10] =	ssyncset.done $0x0  }
0x35: {  	s8 =	simm.s32 $0x0;
	s7 =	rddreg [dreg:$0x5];
	[sflag:s10] =	ssyncadd.s32 $0xFFFFD880  }
0x36: {  	[tilespmem:s8], [sflag:$0xD] =	stream.linear.gather [hbm4b:s7+s8], $0x2760, $0x38;
	[tilespmem:$0x1F5A0] =	vst v63  }
0x37: {  	_ =	swait.ge [sflag:s10], $0x2760  }
0x38: {  	[sflag:s10] =	ssyncset.done $0x0  }
0x39: {  	[sflag:s10] =	ssyncadd.s32 $0xFFFFD8A0  }
0x3a: {  	[bflag:$0x0] =	sbarrier.arrive $0xFFFF  }
0x3b: {  	v0 =	vld [tilespmem:$0x0];
	_ =	sdelay $0x1  }
0x3c: {  	v1 =	vld [tilespmem:$0x10];
	_ =	sdelay $0x1  }
0x3d: {  	v2 =	vld [tilespmem:$0x20]  }
0x3e: {  	v3 =	vshrl.u32 v0, $0xE  }
0x3f: {  	v0 =	vand.u32 $0x3FFF, v0;
	[tilespmem:$0x2880] =	vst v3  }
0x40: {  	v28 =	vshrl.u32 v1, $0xE;
	[tilespmem:$0x2760] =	vst v0  }
0x41: {  	v29 =	vand.u32 $0x3FFF, v1;
	[tilespmem:$0x2890] =	vst v28  }
0x42: {  	v30 =	vshrl.u32 v2, $0xE;
	[tilespmem:$0x2770] =	vst v29  }
0x43: {  	v31 =	vand.u32 $0x3FFF, v2;
	[tilespmem:$0x28A0] =	vst v30  }
0x44: {  	s12 =	simm.s32 $0x2760;
	[tilespmem:$0x2780] =	vst v31  }
0x45: {  	[tilespmem:s13], [sflag:$0x1] =	stream.indirect.gather [hbm4b:s1+s11], $0x80, s12, s11, $0xb8;
	[tilespmem:$0x1F5A0] =	vst v63  }
0x46: {  	v32 =	vld [tilespmem:$0x30];
	_ =	sdelay $0x1  }
0x47: {  	v33 =	vld [tilespmem:$0x40];
	_ =	sdelay $0x1  }
0x48: {  	v34 =	vld [tilespmem:$0x50]  }
0x49: {  	v35 =	vshrl.u32 v32, $0xE  }
0x4a: {  	v0 =	vand.u32 $0x3FFF, v32;
	[tilespmem:$0x28B0] =	vst v35  }
0x4b: {  	v36 =	vshrl.u32 v33, $0xE;
	[tilespmem:$0x2790] =	vst v0  }
0x4c: {  	v37 =	vand.u32 $0x3FFF, v33;
	[tilespmem:$0x28C0] =	vst v36  }
0x4d: {  	v38 =	vshrl.u32 v34, $0xE;
	[tilespmem:$0x27A0] =	vst v37  }
0x4e: {  	v39 =	vand.u32 $0x3FFF, v34;
	[tilespmem:$0x28D0] =	vst v38  }
0x4f: {  	s14 =	simm.s32 $0x2790;
	[tilespmem:$0x27B0] =	vst v39  }
0x50: {  	[tilespmem:s15], [sflag:$0x2] =	stream.indirect.gather [hbm4b:s1+s11], $0x80, s14, s11, $0xb8;
	[tilespmem:$0x1F5A0] =	vst v63  }
0x51: {  	v40 =	vld [tilespmem:$0x60];
	_ =	sdelay $0x1  }
0x52: {  	v41 =	vld [tilespmem:$0x70];
	_ =	sdelay $0x1  }
0x53: {  	v42 =	vld [tilespmem:$0x80]  }
0x54: {  	v43 =	vshrl.u32 v40, $0xE  }
0x55: {  	v0 =	vand.u32 $0x3FFF, v40;
	[tilespmem:$0x28E0] =	vst v43  }
0x56: {  	v44 =	vshrl.u32 v41, $0xE;
	[tilespmem:$0x27C0] =	vst v0  }
0x57: {  	v45 =	vand.u32 $0x3FFF, v41;
	[tilespmem:$0x28F0] =	vst v44  }
0x58: {  	v46 =	vshrl.u32 v42, $0xE;
	[tilespmem:$0x27D0] =	vst v45  }
0x59: {  	v47 =	vand.u32 $0x3FFF, v42;
	[tilespmem:$0x2900] =	vst v46  }
0x5a: {  	s16 =	simm.s32 $0x27C0;
	s18 =	simm.s32 $0x59A0;
	[tilespmem:$0x27E0] =	vst v47  }
0x5b: {  	[tilespmem:s18], [sflag:$0x3] =	stream.indirect.gather [hbm4b:s1+s11], $0x80, s16, s11, $0xb8;
	[tilespmem:$0x1F5A0] =	vst v63  }
0x5c: {  	v48 =	vld [tilespmem:$0x90];
	_ =	sdelay $0x1  }
0x5d: {  	v49 =	vld [tilespmem:$0xA0];
	_ =	sdelay $0x1  }
0x5e: {  	v50 =	vld [tilespmem:$0xB0]  }
0x5f: {  	v51 =	vshrl.u32 v48, $0xE  }
0x60: {  	v0 =	vand.u32 $0x3FFF, v48;
	[tilespmem:$0x2910] =	vst v51  }
0x61: {  	v52 =	vshrl.u32 v49, $0xE;
	[tilespmem:$0x27F0] =	vst v0  }
0x62: {  	v53 =	vand.u32 $0x3FFF, v49;
	[tilespmem:$0x2920] =	vst v52  }
0x63: {  	v54 =	vshrl.u32 v50, $0xE;
	[tilespmem:$0x2800] =	vst v53  }
0x64: {  	v55 =	vand.u32 $0x3FFF, v50;
	[tilespmem:$0x2930] =	vst v54  }
0x65: {  	s24 =	simm.s32 $0x27F0;
	[tilespmem:$0x2810] =	vst v55  }
0x66: {  	[tilespmem:s19], [sflag:$0x4] =	stream.indirect.gather [hbm4b:s1+s11], $0x80, s24, s11, $0xb8;
	[tilespmem:$0x1F5A0] =	vst v63  }
0x67: {  	v56 =	vld [tilespmem:$0xC0];
	_ =	sdelay $0x1  }
0x68: {  	v57 =	vld [tilespmem:$0xD0];
	_ =	sdelay $0x1  }
0x69: {  	v58 =	vld [tilespmem:$0xE0]  }
0x6a: {  	v59 =	vshrl.u32 v56, $0xE  }
0x6b: {  	v0 =	vand.u32 $0x3FFF, v56;
	[tilespmem:$0x2940] =	vst v59  }
0x6c: {  	v60 =	vshrl.u32 v57, $0xE;
	[tilespmem:$0x2820] =	vst v0  }
0x6d: {  	v61 =	vand.u32 $0x3FFF, v57;
	[tilespmem:$0x2950] =	vst v60  }
0x6e: {  	v62 =	vshrl.u32 v58, $0xE;
	[tilespmem:$0x2830] =	vst v61  }
0x6f: {  	v63 =	vand.u32 $0x3FFF, v58;
	[tilespmem:$0x2960] =	vst v62  }
0x70: {  	s7 =	simm.s32 $0x0;
	[tilespmem:$0x2840] =	vst v63  }
0x71: {  	[tilespmem:s21], [sflag:$0x5] =	stream.indirect.gather [hbm4b:s1+s11], $0x80, s20, s11, $0xb8;
	[tilespmem:$0x1F5A0] =	vst v63  }
.LBB2_2:
0x72: {  	_ =	swait.ge [sflag:s22], $0x1800  }
0x73: {  	p0 =	seq.s32 s7, $0x0;
	[sflag:s22] =	ssyncset.done $0x0  }
0x74: {  	s4 =	simm.s32 @!p0 $0xC;
	[sflag:s22] =	ssyncadd.s32 $0xFFFFE800  }
0x75: {  	[spmem:s3] =	stream.indirect.scatter.add.f32 [tilespmem:s13], [sflag:$0x7], $0x80, s23, s11, $0xb8;
	[tilespmem:$0x1F5A0] =	vst v63  }
0x76: {  	_ =	swait.ge @!p0 [sflag:s4], $0x1800  }
0x77: {  	[sflag:s4] =	ssyncset.done @!p0 $0x0  }
0x78: {  	s8 =	sshra.s32 s7, $0x2;
	[sflag:s4] =	ssyncadd.s32 @!p0 $0xFFFFE800  }
0x79: {  	v0 =	vld [tilespmem:s8+$0xF0];
	_ =	sdelay $0x4  }
0x7a: {  	v1 =	vshrl.u32 v0, $0xE  }
0x7b: {  	v0 =	vand.u32 $0x3FFF, v0;
	[tilespmem:$0x2970] =	vst v1  }
0x7c: {  	[tilespmem:$0x2850] =	vst v0  }
0x7d: {  	v0 =	vld [tilespmem:s8+$0x100];
	_ =	sdelay $0x4  }
0x7e: {  	v62 =	vshrl.u32 v0, $0xE  }
0x7f: {  	v0 =	vand.u32 $0x3FFF, v0;
	[tilespmem:$0x2980] =	vst v62  }
0x80: {  	[tilespmem:$0x2860] =	vst v0  }
0x81: {  	v0 =	vld [tilespmem:s8+$0x110];
	_ =	sdelay $0x4  }
0x82: {  	v63 =	vshrl.u32 v0, $0xE  }
0x83: {  	v0 =	vand.u32 $0x3FFF, v0;
	[tilespmem:$0x2990] =	vst v63  }
0x84: {  	[tilespmem:$0x2870] =	vst v0  }
0x85: {  	[tilespmem:s26], [sflag:$0x6] =	stream.indirect.gather [hbm4b:s1+s11], $0x80, s25, s11, $0xb8;
	[tilespmem:$0x1F5A0] =	vst v63  }
0x86: {  	_ =	swait.ge [sflag:s28], $0x1800  }
0x87: {  	p0 =	seq.s32 s7, $0x9900;
	[sflag:s28] =	ssyncset.done $0x0  }
0x88: {  	s4 =	simm.s32 @p0 $0x3;
	[sflag:s28] =	ssyncadd.s32 $0xFFFFE800  }
0x89: {  	[spmem:s3] =	stream.indirect.scatter.add.f32 [tilespmem:s15], [sflag:$0x8], $0x80, s29, s11, $0xb8;
	[tilespmem:$0x1F5A0] =	vst v63  }
0x8a: {  	_ =	swait.ge @p0 [sflag:s4], $0x1800  }
0x8b: {  	s12 =	simm.s32 @p0 $0x30;
	[sflag:s4] =	ssyncset.done @p0 $0x0  }
0x8c: {  	s24 =	simm.s32 @p0 $0x59A0;
	[sflag:s4] =	ssyncadd.s32 @p0 $0xFFFFE800;
	s4 =	simm.s32 @p0 $0x28E0  }
0x8d: {  	[spmem:s3] =	stream.indirect.scatter.add.f32 @p0 [tilespmem:s24], [sflag:$0x9], $0x80, s4, s12, $0xb8;
	[tilespmem:$0x1F5A0] =	vst v63  }
0x8e: {  	s4 =	simm.s32 @!p0 $0x7  }
0x8f: {  	_ =	swait.ge @!p0 [sflag:s4], $0x1800  }
0x90: {  	[sflag:s4] =	ssyncset.done @!p0 $0x0  }
0x91: {  	s24 =	sshra.s32 @!p0 s7, $0x2;
	[sflag:s4] =	ssyncadd.s32 @!p0 $0xFFFFE800  }
0x92: {  	v0 =	vld @!p0 [tilespmem:s24+$0x120];
	_ =	sdelay $0x4  }
0x93: {  	v1 =	vshrl.u32 @!p0 v0, $0xE  }
0x94: {  	v0 =	vand.u32 @!p0 $0x3FFF, v0;
	[tilespmem:$0x2880] =	vst @!p0 v1  }
0x95: {  	[tilespmem:$0x2760] =	vst @!p0 v0  }
0x96: {  	v0 =	vld @!p0 [tilespmem:s24+$0x130];
	_ =	sdelay $0x4  }
0x97: {  	v1 =	vshrl.u32 @!p0 v0, $0xE  }
0x98: {  	v0 =	vand.u32 @!p0 $0x3FFF, v0;
	[tilespmem:$0x2890] =	vst @!p0 v1  }
0x99: {  	[tilespmem:$0x2770] =	vst @!p0 v0  }
0x9a: {  	v0 =	vld @!p0 [tilespmem:s24+$0x140];
	_ =	sdelay $0x4  }
0x9b: {  	v1 =	vshrl.u32 @!p0 v0, $0xE  }
0x9c: {  	v0 =	vand.u32 @!p0 $0x3FFF, v0;
	[tilespmem:$0x28A0] =	vst @!p0 v1  }
0x9d: {  	s14 =	simm.s32 @!p0 $0x2760;
	s16 =	simm.s32 @!p0 $0x29A0;
	s4 =	simm.s32 @!p0 $0x30;
	[tilespmem:$0x2780] =	vst @!p0 v0  }
0x9e: {  	[tilespmem:s16], [sflag:$0x1] =	stream.indirect.gather @!p0 [hbm4b:s1+s4], $0x80, s14, s4, $0xb8;
	[tilespmem:$0x1F5A0] =	vst v63  }
0x9f: {  	s14 =	simm.s32 @!p0 $0x3  }
0xa0: {  	_ =	swait.ge @!p0 [sflag:s14], $0x1800  }
0xa1: {  	[sflag:s14] =	ssyncset.done @!p0 $0x0  }
0xa2: {  	s16 =	simm.s32 @!p0 $0x59A0;
	[sflag:s14] =	ssyncadd.s32 @!p0 $0xFFFFE800;
	s14 =	simm.s32 @!p0 $0x28E0  }
0xa3: {  	[spmem:s3] =	stream.indirect.scatter.add.f32 @!p0 [tilespmem:s16], [sflag:$0x9], $0x80, s14, s4, $0xb8;
	[tilespmem:$0x1F5A0] =	vst v63  }
0xa4: {  	s14 =	simm.s32 @!p0 $0x8  }
0xa5: {  	_ =	swait.ge @!p0 [sflag:s14], $0x1800  }
0xa6: {  	[sflag:s14] =	ssyncset.done @!p0 $0x0  }
0xa7: {  	[sflag:s14] =	ssyncadd.s32 @!p0 $0xFFFFE800  }
0xa8: {  	v0 =	vld @!p0 [tilespmem:s24+$0x150];
	_ =	sdelay $0x4  }
0xa9: {  	v1 =	vshrl.u32 @!p0 v0, $0xE  }
0xaa: {  	v0 =	vand.u32 @!p0 $0x3FFF, v0;
	[tilespmem:$0x28B0] =	vst @!p0 v1  }
0xab: {  	[tilespmem:$0x2790] =	vst @!p0 v0  }
0xac: {  	v0 =	vld @!p0 [tilespmem:s24+$0x160];
	_ =	sdelay $0x4  }
0xad: {  	v1 =	vshrl.u32 @!p0 v0, $0xE  }
0xae: {  	v0 =	vand.u32 @!p0 $0x3FFF, v0;
	[tilespmem:$0x28C0] =	vst @!p0 v1  }
0xaf: {  	[tilespmem:$0x27A0] =	vst @!p0 v0  }
0xb0: {  	v0 =	vld @!p0 [tilespmem:s24+$0x170];
	_ =	sdelay $0x4  }
0xb1: {  	v1 =	vshrl.u32 @!p0 v0, $0xE  }
0xb2: {  	v0 =	vand.u32 @!p0 $0x3FFF, v0;
	[tilespmem:$0x28D0] =	vst @!p0 v1  }
0xb3: {  	s18 =	simm.s32 @!p0 $0x41A0;
	s14 =	simm.s32 @!p0 $0x2790;
	[tilespmem:$0x27B0] =	vst @!p0 v0  }
0xb4: {  	[tilespmem:s18], [sflag:$0x2] =	stream.indirect.gather @!p0 [hbm4b:s1+s4], $0x80, s14, s4, $0xb8;
	[tilespmem:$0x1F5A0] =	vst v63  }
0xb5: {  	_ =	swait.ge [sflag:s30], $0x1800  }
0xb6: {  	[sflag:s30] =	ssyncset.done $0x0  }
0xb7: {  	s14 =	simm.s32 @p0 $0x5;
	[sflag:s30] =	ssyncadd.s32 $0xFFFFE800  }
0xb8: {  	[spmem:s3] =	stream.indirect.scatter.add.f32 [tilespmem:s19], [sflag:$0xA], $0x80, s31, s11, $0xb8;
	[tilespmem:$0x1F5A0] =	vst v63  }
0xb9: {  	_ =	swait.ge @p0 [sflag:s14], $0x1800  }
0xba: {  	[sflag:s14] =	ssyncset.done @p0 $0x0  }
0xbb: {  	s18 =	simm.s32 @p0 $0x89A0;
	[sflag:s14] =	ssyncadd.s32 @p0 $0xFFFFE800;
	s14 =	simm.s32 @p0 $0x2940  }
0xbc: {  	[spmem:s3] =	stream.indirect.scatter.add.f32 @p0 [tilespmem:s18], [sflag:$0xB], $0x80, s14, s12, $0xb8;
	[tilespmem:$0x1F5A0] =	vst v63  }
0xbd: {  	s12 =	simm.s32 @!p0 $0x9  }
0xbe: {  	_ =	swait.ge @!p0 [sflag:s12], $0x1800  }
0xbf: {  	[sflag:s12] =	ssyncset.done @!p0 $0x0  }
0xc0: {  	[sflag:s12] =	ssyncadd.s32 @!p0 $0xFFFFE800  }
0xc1: {  	v0 =	vld @!p0 [tilespmem:s24+$0x180];
	_ =	sdelay $0x4  }
0xc2: {  	v1 =	vshrl.u32 @!p0 v0, $0xE  }
0xc3: {  	v0 =	vand.u32 @!p0 $0x3FFF, v0;
	[tilespmem:$0x28E0] =	vst @!p0 v1  }
0xc4: {  	[tilespmem:$0x27C0] =	vst @!p0 v0  }
0xc5: {  	v0 =	vld @!p0 [tilespmem:s24+$0x190];
	_ =	sdelay $0x4  }
0xc6: {  	v1 =	vshrl.u32 @!p0 v0, $0xE  }
0xc7: {  	v0 =	vand.u32 @!p0 $0x3FFF, v0;
	[tilespmem:$0x28F0] =	vst @!p0 v1  }
0xc8: {  	[tilespmem:$0x27D0] =	vst @!p0 v0  }
0xc9: {  	v0 =	vld @!p0 [tilespmem:s24+$0x1A0];
	_ =	sdelay $0x4  }
0xca: {  	v1 =	vshrl.u32 @!p0 v0, $0xE  }
0xcb: {  	v0 =	vand.u32 @!p0 $0x3FFF, v0;
	[tilespmem:$0x2900] =	vst @!p0 v1  }
0xcc: {  	s12 =	simm.s32 @!p0 $0x27C0;
	[tilespmem:$0x27E0] =	vst @!p0 v0  }
0xcd: {  	[tilespmem:s16], [sflag:$0x3] =	stream.indirect.gather @!p0 [hbm4b:s1+s4], $0x80, s12, s4, $0xb8;
	[tilespmem:$0x1F5A0] =	vst v63  }
0xce: {  	s12 =	simm.s32 @!p0 $0x5  }
0xcf: {  	_ =	swait.ge @!p0 [sflag:s12], $0x1800  }
0xd0: {  	[sflag:s12] =	ssyncset.done @!p0 $0x0  }
0xd1: {  	s14 =	simm.s32 @!p0 $0x89A0;
	[sflag:s12] =	ssyncadd.s32 @!p0 $0xFFFFE800;
	s12 =	simm.s32 @!p0 $0x2940  }
0xd2: {  	[spmem:s3] =	stream.indirect.scatter.add.f32 @!p0 [tilespmem:s14], [sflag:$0xB], $0x80, s12, s4, $0xb8;
	[tilespmem:$0x1F5A0] =	vst v63  }
0xd3: {  	s12 =	simm.s32 @!p0 $0xA  }
0xd4: {  	_ =	swait.ge @!p0 [sflag:s12], $0x1800  }
0xd5: {  	[sflag:s12] =	ssyncset.done @!p0 $0x0  }
0xd6: {  	[sflag:s12] =	ssyncadd.s32 @!p0 $0xFFFFE800  }
0xd7: {  	v0 =	vld @!p0 [tilespmem:s24+$0x1B0];
	_ =	sdelay $0x4  }
0xd8: {  	v1 =	vshrl.u32 @!p0 v0, $0xE  }
0xd9: {  	v0 =	vand.u32 @!p0 $0x3FFF, v0;
	[tilespmem:$0x2910] =	vst @!p0 v1  }
0xda: {  	[tilespmem:$0x27F0] =	vst @!p0 v0  }
0xdb: {  	v0 =	vld @!p0 [tilespmem:s24+$0x1C0];
	_ =	sdelay $0x4  }
0xdc: {  	v1 =	vshrl.u32 @!p0 v0, $0xE  }
0xdd: {  	v0 =	vand.u32 @!p0 $0x3FFF, v0;
	[tilespmem:$0x2920] =	vst @!p0 v1  }
0xde: {  	[tilespmem:$0x2800] =	vst @!p0 v0  }
0xdf: {  	v0 =	vld @!p0 [tilespmem:s24+$0x1D0];
	_ =	sdelay $0x4  }
0xe0: {  	v1 =	vshrl.u32 @!p0 v0, $0xE  }
0xe1: {  	v0 =	vand.u32 @!p0 $0x3FFF, v0;
	[tilespmem:$0x2930] =	vst @!p0 v1  }
0xe2: {  	s14 =	simm.s32 @!p0 $0x71A0;
	s12 =	simm.s32 @!p0 $0x27F0;
	[tilespmem:$0x2810] =	vst @!p0 v0  }
0xe3: {  	[tilespmem:s14], [sflag:$0x4] =	stream.indirect.gather @!p0 [hbm4b:s1+s4], $0x80, s12, s4, $0xb8;
	[tilespmem:$0x1F5A0] =	vst v63  }
.Ltmp2:
0xe4: {  	_ = 	snop;
	(pc) =	sbr.rel @p0 .LBB2_4-.Ltmp2, $4  }
0xe5: {  	_ =	swait.ge [sflag:s2], $0x1800  }
0xe6: {  	[sflag:s2] =	ssyncset.done $0x0  }
0xe7: {  	[sflag:s2] =	ssyncadd.s32 $0xFFFFE800  }
0xe8: {  	[spmem:s3] =	stream.indirect.scatter.add.f32 [tilespmem:s26], [sflag:$0xC], $0x80, s0, s11, $0xb8;
	[tilespmem:$0x1F5A0] =	vst v63  }
0xe9: {  	_ =	swait.ge [sflag:s17], $0x1800  }
0xea: {  	[sflag:s17] =	ssyncset.done $0x0  }
0xeb: {  	[sflag:s17] =	ssyncadd.s32 $0xFFFFE800  }
0xec: {  	v0 =	vld [tilespmem:s8+$0x1E0];
	_ =	sdelay $0x4  }
0xed: {  	v1 =	vshrl.u32 v0, $0xE  }
0xee: {  	v0 =	vand.u32 $0x3FFF, v0;
	[tilespmem:$0x2940] =	vst v1  }
0xef: {  	[tilespmem:$0x2820] =	vst v0  }
0xf0: {  	v0 =	vld [tilespmem:s8+$0x1F0];
	_ =	sdelay $0x4  }
0xf1: {  	v62 =	vshrl.u32 v0, $0xE  }
0xf2: {  	v0 =	vand.u32 $0x3FFF, v0;
	[tilespmem:$0x2950] =	vst v62  }
0xf3: {  	[tilespmem:$0x2830] =	vst v0  }
0xf4: {  	v0 =	vld [tilespmem:s8+$0x200];
	_ =	sdelay $0x3  }
.Ltmp3:
0xf5: {  	_ = 	snop;
	(pc) =	sbr.rel .LBB2_2-.Ltmp3, $4  }
0xf6: {  	v63 =	vshrl.u32 v0, $0xE  }
0xf7: {  	v0 =	vand.u32 $0x3FFF, v0;
	[tilespmem:$0x2960] =	vst v63  }
0xf8: {  	s7 =	sadd.s32 $0x480, s7;
	[tilespmem:$0x2840] =	vst v0  }
0xf9: {  	[tilespmem:s21], [sflag:$0x5] =	stream.indirect.gather [hbm4b:s1+s11], $0x80, s20, s11, $0xb8;
	[tilespmem:$0x1F5A0] =	vst v63  }
.LBB2_5:
0xfa: {  	_ =	sfence.sel $0x180000  }
0xfb: {  	[bflag:$0x0] =	sbarrier.arrive $0xFFFF  }
0xfc: {  	_ =	strace $0x9000004A  }
0xfd: {  	s0 =	stileid.u32;
	[bflag:$0x2] =	sbarrier.arrive $0xFFFF  }
0xfe: {  	p0 =	sne.s32 s0, $0x0;
	s0 =	rddreg [dreg:$0x3]  }
0xff: {  	s0 =	sadd.s32 @!p0 $0x100000, s0  }
0x100: {  	[sflag:s0] =	ssyncadd.tile.s32 @!p0 $0x1;
	_ =	shalt  }
.Lfunc_end2:
_tile_overlayer_lowered:
.L_overlay_start_2:
0x101: {  	(tag) =	ssettag $0x2  }
0x102: {  	s0 =	rddreg [dreg:$0x0];
	s2 =	stileid.u32  }
0x103: {  	s1 =	rddreg [dreg:$0x1];
	p0 =	sne.s32 s2, $0x0  }
0x104: {  	s3 =	rddreg [dreg:$0x2];
	[bflag:$0x3] =	sbarrier.arrive $0xFFFF;
	s2 =	simm.s32 @!p0 $0x1C0D  }
0x105: {  	[timem:s3], [sflag:s2] =	dma.local @!p0 [hbm:s0], s1  }
0x106: {  	s0 =	simm.s32 @!p0 $0xD  }
0x107: {  	_ =	swait.ge @!p0 [sflag:s0], s1  }
0x108: {  	s1 =	ssub.s32 @!p0 $0x0, s1;
	[sflag:s0] =	ssyncset.done @!p0 $0x0  }
0x109: {  	[sflag:s0] =	ssyncadd.s32 @!p0 s1  }
0x10a: {  	[bflag:$0x3] =	sbarrier.arrive $0xFFFF  }
0x10b: {  	_ =	shalt  }

// kernel: kernel.8.cloned.1.call-start
scs
__scs_entry_jumppad:
0x0: {  	(pc) =	sbr.rel $0x88, $3  }
0x1: {  	(tag) =	ssettag $0x0;
	lr =	simm.s32 $0x1  }
0x2: {  	[smem:$0x3F9B] =	sst lr;
	_ =	strace $0xD0000000  }
0x3: {  	_ = 	snop  }
0x4: {  	_ = 	snop  }
0x5: {  	_ = 	snop  }
0x6: {  	_ = 	snop  }
0x7: {  	_ = 	snop  }
__scs_overlays_trampoline_lowered:
0x8: {  	[smem:$0x3FAA] =	sst s0  }
0x9: {  	[smem:$0x3FAB] =	sst s1  }
0xa: {  	[smem:$0x3FAC] =	sst s2  }
0xb: {  	[smem:$0x3FAD] =	sst s3  }
0xc: {  	[smem:$0x3FAE] =	sst s4  }
0xd: {  	[smem:$0x3FAF] =	sst s5  }
0xe: {  	[smem:$0x3FB0] =	sst s6  }
0xf: {  	[smem:$0x3FB1] =	sst s7  }
0x10: {  	[smem:$0x3FB2] =	sst s8  }
0x11: {  	[smem:$0x3FB3] =	sst s9;
	s0 =	simm.s32 @!p0 $0x0  }
0x12: {  	s1 =	sld [smem:$0x3F99];
	s0 =	simm.s32 @p0 $0x1  }
0x13: {  	[smem:$0x3FB4] =	sst s0;
	s0 =	simm.s32 @!p1 $0x0  }
0x14: {  	s2 =	sld [smem:$0x3F98];
	s0 =	simm.s32 @p1 $0x1  }
0x15: {  	[smem:$0x3FB5] =	sst s0;
	s0 =	simm.s32 @!p2 $0x0  }
0x16: {  	s3 =	sld [smem:$0x3FDB];
	s0 =	simm.s32 @p2 $0x1  }
0x17: {  	s4 =	simm.s32 $0x1BF5;
	[smem:$0x3FB7] =	sst s0  }
0x18: {  	s0 =	sld [smem:$0x3F9A];
	_ =	swait.ge [sflag:s4], $0x0  }
0x19: {  	s7 =	sld [smem:$0x3F9B]  }
0x1a: {  	s8 =	sadd.s32 $0xFFFFE003, lr  }
0x1b: {  	s9 =	sadd.s32 $0xFFFFFEF7, lr;
	s5 =	simm.s32 $0xFFFFFFFF;
	p2 =	slt.u32 s8, $0xFFFFF086  }
0x1c: {  	p1 =	slt.u32 s9, $0xF7A;
	s5 =	simm.s32 @!p2 $0x0  }
0x1d: {  	s5 =	simm.s32 @p1 $0x1;
	p0 =	seq.s32 s7, s2  }
0x1e: {  	s7 =	smul.u32 @!p0 $0xF7A, s2;
	p2 =	seq.s32 @!p0 s5, $0x0  }
0x1f: {  	s9 =	smul.u32 $0xF7A, s1;
	s8 =	simm.s32 @!p0 $0x1BF5;
	p2 =	por !p2, p0  }
0x20: {  	[sflag:s8] =	ssyncset.s32 @!p0 $0xFFFFF086;
	s6 =	sadd.s32 @!p0 s3, s7;
	s7 =	simm.s32 @!p0 $0x108  }
0x21: {  	s3 =	sadd.s32 s3, s9;
	s6 =	sadd.s32 @!p0 $0x88, s6;
	s7 =	simm.s32 @p2 $0x1082  }
0x22: {  	[simem:s7], [sflag:s8] =	dma.local @!p0 [hbm:s6], $0xF7A  }
0x23: {  	s9 =	sor.u32 $0xD0000000, s2;
	s6 =	simm.s32 $0x108;
	_ =	swait.ge @!p0 [sflag:s8], $0x0  }
0x24: {  	s3 =	sadd.s32 $0x88, s3;
	s6 =	simm.s32 @!p1 $0x1082;
	[sflag:s4] =	ssyncset.s32 $0xFFFFF086  }
0x25: {  	[simem:s6], [sflag:s4] =	dma.local [hbm:s3], $0xF7A  }
0x26: {  	[smem:$0x3F9B] =	sst s1;
	(tag) =	ssettag s2;
	_ =	strace s9  }
0x27: {  	s1 =	sld [smem:$0x3FAB]  }
0x28: {  	s2 =	sld [smem:$0x3FAC]  }
0x29: {  	s4 =	sld [smem:$0x3FAE]  }
0x2a: {  	p0 =	seq.s32 s5, $0x0;
	s5 =	sld [smem:$0x3FAF]  }
0x2b: {  	s6 =	sld [smem:$0x3FB0]  }
0x2c: {  	s7 =	sld [smem:$0x3FB1]  }
0x2d: {  	s3 =	simm.s32 $0x108;
	s8 =	sld [smem:$0x3FB2]  }
0x2e: {  	s3 =	simm.s32 @!p0 $0x1082;
	s9 =	sld [smem:$0x3FB3]  }
0x2f: {  	lr =	sadd.s32 s0, s3;
	s0 =	sld [smem:$0x3FAA]  }
0x30: {  	s3 =	sld [smem:$0x3FAD]  }
0x31: {  	[smem:$0x3FB6] =	sst s10  }
0x32: {  	s10 =	sld [smem:$0x3FB4];
	_ =	sdelay $0x3  }
0x33: {  	p0 =	seq.s32 s10, $0x1;
	s10 =	sld [smem:$0x3FB6];
	_ =	sdelay $0x3  }
0x34: {  	[smem:$0x3FB6] =	sst s10  }
0x35: {  	s10 =	sld [smem:$0x3FB5];
	_ =	sdelay $0x3  }
0x36: {  	p1 =	seq.s32 s10, $0x1;
	s10 =	sld [smem:$0x3FB6];
	_ =	sdelay $0x3  }
0x37: {  	[smem:$0x3FB6] =	sst s10  }
0x38: {  	s10 =	sld [smem:$0x3FB7]  }
0x39: {  	_ = 	snop;
	(pc) =	sbr.ind lr, $3  }
0x3a: {  	_ = 	snop  }
0x3b: {  	_ = 	snop  }
0x3c: {  	p2 =	seq.s32 s10, $0x1;
	s10 =	sld [smem:$0x3FB6]  }
0x3d: {  	_ =	shalt  }
0x3e: {  	_ =	shalt  }
0x3f: {  	_ =	shalt  }
0x40: {  	_ =	shalt  }
0x41: {  	_ =	shalt  }
0x42: {  	_ =	shalt  }
0x43: {  	_ =	shalt  }
0x44: {  	_ =	shalt  }
0x45: {  	_ =	shalt  }
0x46: {  	_ =	shalt  }
0x47: {  	_ =	shalt  }
0x48: {  	_ =	shalt  }
0x49: {  	_ =	shalt  }
0x4a: {  	_ =	shalt  }
0x4b: {  	_ =	shalt  }
0x4c: {  	_ =	shalt  }
0x4d: {  	_ =	shalt  }
0x4e: {  	_ =	shalt  }
0x4f: {  	_ =	shalt  }
0x50: {  	_ =	shalt  }
0x51: {  	_ =	shalt  }
0x52: {  	_ =	shalt  }
0x53: {  	_ =	shalt  }
0x54: {  	_ =	shalt  }
0x55: {  	_ =	shalt  }
0x56: {  	_ =	shalt  }
0x57: {  	_ =	shalt  }
0x58: {  	_ =	shalt  }
0x59: {  	_ =	shalt  }
0x5a: {  	_ =	shalt  }
0x5b: {  	_ =	shalt  }
0x5c: {  	_ =	shalt  }
0x5d: {  	_ =	shalt  }
0x5e: {  	_ =	shalt  }
0x5f: {  	_ =	shalt  }
0x60: {  	_ =	shalt  }
0x61: {  	_ =	shalt  }
0x62: {  	_ =	shalt  }
0x63: {  	_ =	shalt  }
0x64: {  	_ =	shalt  }
0x65: {  	_ =	shalt  }
0x66: {  	_ =	shalt  }
0x67: {  	_ =	shalt  }
0x68: {  	_ =	shalt  }
0x69: {  	_ =	shalt  }
0x6a: {  	_ =	shalt  }
0x6b: {  	_ =	shalt  }
0x6c: {  	_ =	shalt  }
0x6d: {  	_ =	shalt  }
0x6e: {  	_ =	shalt  }
0x6f: {  	_ =	shalt  }
0x70: {  	_ =	shalt  }
0x71: {  	_ =	shalt  }
0x72: {  	_ =	shalt  }
0x73: {  	_ =	shalt  }
0x74: {  	_ =	shalt  }
0x75: {  	_ =	shalt  }
0x76: {  	_ =	shalt  }
0x77: {  	_ =	shalt  }
0x78: {  	_ =	shalt  }
0x79: {  	_ =	shalt  }
0x7a: {  	_ =	shalt  }
0x7b: {  	_ =	shalt  }
0x7c: {  	_ =	shalt  }
0x7d: {  	_ =	shalt  }
0x7e: {  	_ =	shalt  }
0x7f: {  	_ =	shalt  }
0x80: {  	_ =	shalt  }
0x81: {  	_ =	shalt  }
0x82: {  	_ =	shalt  }
0x83: {  	_ =	shalt  }
0x84: {  	_ =	shalt  }
0x85: {  	_ =	shalt  }
0x86: {  	_ =	shalt  }
0x87: {  	_ =	shalt  }
.Lfunc_end0:
.L_simem_size_0:
called_computation_lowered:
.L_overlay_start_0:
0x88: {  	s2 =	sld [smem:$0x3FD9]  }
0x89: {  	s3 =	sld [smem:$0x3FFE];
	_ =	sdelay $0x1  }
0x8a: {  	s1 =	srdreg.scid  }
0x8b: {  	s0 =	sand.u32 $0x1, s1  }
0x8c: {  	s17 =	sshll.u32 s0, $0xA;
	s2 =	sadd.s32 s3, s2  }
0x8d: {  	s2 =	sadd.s32 s2, s17  }
0x8e: {  	[smem:$0x3FC2] =	sst s2  }
0x8f: {  	_ = 	snop  }
0x90: {  	s2 =	sld [smem:$0x3FC9]  }
0x91: {  	s18 =	sld [smem:$0x3FD0];
	(tm) =	ssettm $0x1  }
0x92: {  	s4 =	sld [smem:$0x3FFB];
	_ =	sdelay $0x3  }
0x93: {  	_ =	strace s4  }
0x94: {  	s4 =	sld [smem:$0x3FFC];
	_ =	sdelay $0x3  }
0x95: {  	_ =	strace s4  }
0x96: {  	s4 =	sld [smem:$0x3FFD];
	_ =	sdelay $0x3  }
0x97: {  	_ =	strace s4  }
0x98: {  	_ =	strace $0x8FFFFFFF  }
0x99: {  	s19 =	sld [smem:$0x3FDB];
	_ =	sdelay $0x1  }
0x9a: {  	s5 =	simm.s32 $_scs_section_size  }
0x9b: {  	s6 =	simm.s32 $_size__tile_overlayer_lowered;
	s7 =	simm.s32 $_tile_overlayer_lowered  }
0x9c: {  	s22 =	simm.s32 $0x1BFF;
	s21 =	sshll.u32 s7, $0x1;
	s4 =	sadd.s32 s5, s19  }
0x9d: {  	s8 =	simm.s32 $0x0;
	s20 =	sshll.u32 s6, $0x1;
	s6 =	sadd.s32 s21, s4  }
0x9e: {  	[timem:s8], [sflag:s22] =	dma.local [hbm:s6], s20  }
0x9f: {  	_ =	swait.ge [sflag:s22], s20  }
0xa0: {  	s5 =	ssub.s32 $0x0, s20;
	[sflag:s22] =	ssyncset.done $0x0  }
0xa1: {  	[sflag:s22] =	ssyncadd.s32 s5;
	_ =	sdelay $0x1  }
0xa2: {  	s23 =	simm.s32 $0x1B8B  }
0xa3: {  	_ =	swait.ge [sflag:s23], $0x1  }
0xa4: {  	[sflag:s23] =	ssyncset.done $0x0  }
0xa5: {  	s25 =	simm.s32 $0x1B8E;
	s24 =	sld [smem:$0x3FFE];
	[sflag:s23] =	ssyncadd.s32 $0xFFFFFFFF  }
0xa6: {  	s26 =	simm.s32 $execute0_lowered;
	[smem:$0x3FD2] =	sst s25  }
0xa7: {  	s6 =	sshll.u32 s26, $0x1;
	_ =	strace $0x80000046;
	[dreg:$0x1] =	wrdreg $0xFFFFFFFF  }
0xa8: {  	s28 =	simm.s32 $_size_execute0_lowered;
	s4 =	sadd.s32 s4, s6;
	[dreg:$0x0] =	wrdreg $0x0  }
0xa9: {  	s6 =	sshll.u32 s28, $0x1;
	[dreg:$0x2] =	wrdreg s4  }
0xaa: {  	[dreg:$0x3] =	wrdreg s6  }
0xab: {  	[dreg:$0x4] =	wrdreg $0xC0  }
0xac: {  	_ =	task [dreg:s8], $0x5FFFF  }
0xad: {  	[dreg:$0x1] =	wrdreg $0xFFFFFFFF  }
0xae: {  	[dreg:$0x0] =	wrdreg $0x60  }
0xaf: {  	[dreg:$0x2] =	wrdreg s2  }
0xb0: {  	[dreg:$0x3] =	wrdreg s24  }
0xb1: {  	[dreg:$0x4] =	wrdreg s18  }
0xb2: {  	[dreg:$0x5] =	wrdreg $0xB9A00  }
0xb3: {  	[dreg:$0x6] =	wrdreg $0x1F5A00  }
0xb4: {  	[dreg:$0x7] =	wrdreg $0x9  }
0xb5: {  	_ =	task.clear_ibuf [dreg:s8], $0x8FFFF;
	_ =	strace $0x90000046  }
0xb6: {  	s29 =	simm.s32 $0x9;
	_ =	strace $0x80000048  }
0xb7: {  	_ =	swait.ge [sflag:s29], $0x1  }
0xb8: {  	[sflag:s29] =	ssyncadd.s32 $0xFFFFFFFF  }
0xb9: {  	_ =	strace $0x90000048  }
0xba: {  	_ =	sfence  }
0xbb: {  	s30 =	sld [smem:$0x0];
	_ =	sdelay $0x2  }
0xbc: {  	s31 =	sshll.u32 s1, $0xD;
	s1 =	sshrl.u32 s1, $0x2  }
0xbd: {  	s3 =	sand.u32 $0x4000, s31;
	s1 =	sadd.s32 s1, s30  }
0xbe: {  	s0 =	sor.u32 s3, s0;
	s1 =	sshll.u32 s1, $0x11  }
0xbf: {  	s0 =	sor.u32 s1, s0  }
0xc0: {  	s0 =	sadd.s32 $0x8F2B, s0  }
0xc1: {  	[sflag:s0] =	ssyncadd.remote.s32 $0x1  }
0xc2: {  	_ =	sfence.sel $0xFFFF  }
0xc3: {  	[dreg:$0x0] =	wrdreg $0xFFFFFFFF;
	(pc) =	sbr.abs _section_cstart, $3  }
0xc4: {  	[dreg:$0x1] =	wrdreg $0xFFFFFFFF  }
0xc5: {  	_ =	task.clear_ibuf [dreg:s8], $0x2FFFF;
	_ =	strace $0x9FFFFFFF  }
0xc6: {  	(tm) =	ssettm $0x7FFFFFFF  }
0xc7: {  	_ =	shalt  }
tec
execute0_lowered:
.L_overlay_start_1:
0x0: {  	(tag) =	ssettag $0x1  }
0x1: {  	s0 =	rddreg [dreg:$0x0]  }
0x2: {  	s1 =	rddreg [dreg:$0x1]  }
0x3: {  	s2 =	srdreg.scid;
	s4 =	rddreg [dreg:$0x2]  }
0x4: {  	s6 =	stileid.u32;
	s3 =	rddreg [dreg:$0x4];
	s8 =	simm.s32 $0x0  }
0x5: {  	s14 =	simm.s32 $0x30;
	s16 =	simm.s32 $0x29A0;
	s18 =	simm.s32 $0x41A0  }
0x6: {  	s28 =	simm.s32 $0x2880;
	s29 =	simm.s32 $0x1F818;
	s30 =	simm.s32 $0x2850  }
0x7: {  	s31 =	simm.s32 $0xA1A0;
	s15 =	simm.s32 $0x4;
	s17 =	simm.s32 $0x2910  }
0x8: {  	s19 =	simm.s32 $0x6;
	s5 =	sand.u32 $0x1, s2;
	s2 =	rddreg [dreg:$0x3]  }
0x9: {  	s20 =	simm.s32 $0x2970;
	[smem:$0x7FF] =	sst s8;
	s21 =	smul.u32 $0x13C00, s6  }
0xa: {  	s13 =	sadd.s32 $0x33200, s1;
	s25 =	sshll.u32 s6, $0x6;
	p0 =	sne.s32 s6, $0x0  }
0xb: {  	s7 =	sshll.u32 s5, $0x4;
	_ =	strace $0x80000047;
	s10 =	smul.u32 $0x27800, s5  }
0xc: {  	s11 =	ssub.s32 $0x2, s5;
	[dreg:$0x6] =	wrdreg s13;
	s5 =	smul.u32 $0x4F0, s5  }
0xd: {  	s7 =	sor.u32 s6, s7;
	s9 =	sshrl.u32 s21, $0x3;
	s22 =	sshrl.u32 s11, $0x1  }
0xe: {  	s8 =	sadd.s32 s21, s2;
	s7 =	smul.u32 $0x4EC, s7;
	s12 =	sadd.s32 s9, s1  }
0xf: {  	s23 =	ssub.s32 s11, s22;
	s11 =	sor.u32 $0x1C0D, s25;
	s4 =	sadd.s32 s4, s5  }
0x10: {  	s22 =	simm.s32 $0x71A0;
	s25 =	simm.s32 $0x89A0;
	s24 =	sadd.s32 $0xBA00, s12  }
0x11: {  	[dreg:$0xa] =	wrdreg s4;
	s26 =	smax.u32 s23, $0x1;
	s23 =	simm.s32 $0x2820  }
0x12: {  	s4 =	simm.s32 $0x28B0;
	s12 =	simm.s32 $0x0;
	[dreg:$0x8] =	wrdreg s11  }
0x13: {  	s7 =	sadd.s32 s7, s1;
	s1 =	sadd.s32 s10, s1;
	[dreg:$0x7] =	wrdreg s24  }
.Ltmp0:
0x14: {  	[dreg:$0xb] =	wrdreg s26;
	s10 =	sshrl.u32 @!p0 s3, $0x3;
	(pc) =	sbr.rel .LBB2_1-.Ltmp0, $4  }
0x15: {  	s7 =	sadd.s32 $0x1C00, s7;
	s1 =	sadd.s32 $0x33800, s1;
	[dreg:$0xd] =	wrdreg s10  }
0x16: {  	s26 =	simm.s32 $0x1;
	[dreg:$0x9] =	wrdreg s7;
	s1 =	sadd.s32 s9, s1  }
0x17: {  	s7 =	sshrl.u32 s8, $0x3;
	s8 =	simm.s32 $0xD;
	[dreg:$0xe] =	wrdreg s1  }
0x18: {  	v0 =	vimm.f32 $1.000000000e+00;
	s9 =	simm.s32 $0xB;
	s1 =	simm.s32 $0x2;
	[dreg:$0xc] =	wrdreg s7  }
.LBB2_4:
0x19: {  	s5 =	simm.s32 $0x7  }
0x1a: {  	_ =	swait.ge [sflag:s5], $0x1800  }
0x1b: {  	[sflag:s5] =	ssyncset.done $0x0  }
0x1c: {  	[sflag:s5] =	ssyncadd.s32 $0xFFFFE800  }
0x1d: {  	_ =	swait.ge [sflag:s5], $0x30  }
0x1e: {  	[sflag:s5] =	ssyncset.done $0x0  }
0x1f: {  	s11 =	simm.s32 $0x8;
	[sflag:s5] =	ssyncadd.s32 $0xFFFFFFD0  }
0x20: {  	_ =	swait.ge [sflag:s11], $0x1800  }
0x21: {  	[sflag:s11] =	ssyncset.done $0x0  }
0x22: {  	[sflag:s11] =	ssyncadd.s32 $0xFFFFE800  }
0x23: {  	_ =	swait.ge [sflag:s11], $0x30  }
0x24: {  	[sflag:s11] =	ssyncset.done $0x0  }
0x25: {  	s12 =	simm.s32 $0x9;
	[sflag:s11] =	ssyncadd.s32 $0xFFFFFFD0  }
0x26: {  	_ =	swait.ge [sflag:s12], $0x1800  }
0x27: {  	[sflag:s12] =	ssyncset.done $0x0  }
0x28: {  	[sflag:s12] =	ssyncadd.s32 $0xFFFFE800  }
0x29: {  	_ =	swait.ge [sflag:s12], $0x30  }
0x2a: {  	[sflag:s12] =	ssyncset.done $0x0  }
0x2b: {  	s13 =	simm.s32 $0xA;
	[sflag:s12] =	ssyncadd.s32 $0xFFFFFFD0  }
0x2c: {  	_ =	swait.ge [sflag:s13], $0x1800  }
0x2d: {  	[sflag:s13] =	ssyncset.done $0x0  }
0x2e: {  	[sflag:s13] =	ssyncadd.s32 $0xFFFFE800  }
0x2f: {  	_ =	swait.ge [sflag:s13], $0x30  }
0x30: {  	[sflag:s13] =	ssyncset.done $0x0  }
0x31: {  	[sflag:s13] =	ssyncadd.s32 $0xFFFFFFD0  }
0x32: {  	_ =	swait.ge [sflag:s9], $0x1800  }
0x33: {  	[sflag:s9] =	ssyncset.done $0x0  }
0x34: {  	[sflag:s9] =	ssyncadd.s32 $0xFFFFE800  }
0x35: {  	_ =	swait.ge [sflag:s9], $0x30  }
0x36: {  	[sflag:s9] =	ssyncset.done $0x0  }
0x37: {  	s21 =	simm.s32 $0xC;
	[sflag:s9] =	ssyncadd.s32 $0xFFFFFFD0  }
0x38: {  	_ =	swait.ge [sflag:s21], $0x1800  }
0x39: {  	[sflag:s21] =	ssyncset.done $0x0  }
0x3a: {  	[sflag:s21] =	ssyncadd.s32 $0xFFFFE800  }
0x3b: {  	_ =	swait.ge [sflag:s21], $0x30  }
0x3c: {  	[sflag:s21] =	ssyncset.done $0x0  }
0x3d: {  	[sflag:s21] =	ssyncadd.s32 $0xFFFFFFD0  }
0x3e: {  	[bflag:$0x0] =	sbarrier.arrive $0xFFFF  }
0x3f: {  	s11 =	rddreg [dreg:$0x8]  }
0x40: {  	s7 =	rddreg [dreg:$0xc]  }
0x41: {  	s8 =	simm.s32 $0xD;
	s24 =	rddreg [dreg:$0xe]  }
0x42: {  	[hbm:s24], [sflag:s11] =	dma.local [spmem:s7], $0x2780  }
0x43: {  	_ =	swait.ge [sflag:s8], $0x2780  }
0x44: {  	[sflag:s8] =	ssyncset.done $0x0;
	s5 =	rddreg [dreg:$0xa]  }
0x45: {  	s10 =	rddreg [dreg:$0xd];
	[sflag:s8] =	ssyncadd.s32 $0xFFFFD880  }
0x46: {  	[hbm:s5], [sflag:s11] =	dma.local @!p0 [spmem:s10], $0x4F0  }
0x47: {  	s5 =	simm.s32 @!p0 $0xD  }
0x48: {  	_ =	swait.ge @!p0 [sflag:s5], $0x4F0  }
0x49: {  	s12 =	rddreg [dreg:$0xf]  }
0x4a: {  	s6 =	rddreg [dreg:$0xb];
	s12 =	sadd.s32 $0x1, s12  }
0x4b: {  	p1 =	sne.s32 s12, s6  }
.Ltmp1:
0x4c: {  	_ = 	snop;
	(pc) =	sbr.rel @!p1 .LBB2_5-.Ltmp1, $3  }
0x4d: {  	_ =	sdelay $0x1  }
0x4e: {  	[sflag:s5] =	ssyncset.done @!p0 $0x0  }
0x4f: {  	[sflag:s5] =	ssyncadd.s32 @!p0 $0xFFFFFB10  }
.LBB2_1:
0x50: {  	[dreg:$0xf] =	wrdreg s12  }
0x51: {  	s5 =	rddreg [dreg:$0x7]  }
0x52: {  	[spmem:s7], [sflag:s11] =	dma.local [hbm:s5], $0x2780  }
0x53: {  	_ =	swait.ge [sflag:s8], $0x2780  }
0x54: {  	[sflag:s8] =	ssyncset.done $0x0  }
0x55: {  	s7 =	simm.s32 $0x0;
	s6 =	rddreg [dreg:$0x9];
	[sflag:s8] =	ssyncadd.s32 $0xFFFFD880  }
0x56: {  	[tilespmem:s7], [sflag:$0xD] =	stream.linear.gather [hbm4b:s6+s7], $0x2760, $0x38;
	[tilespmem:$0x1F848] =	vst v63  }
0x57: {  	_ =	swait.ge [sflag:s8], $0x2760  }
0x58: {  	[sflag:s8] =	ssyncset.done $0x0  }
0x59: {  	s5 =	rddreg [dreg:$0x6];
	[sflag:s8] =	ssyncadd.s32 $0xFFFFD8A0  }
0x5a: {  	[spmem:s10], [sflag:s11] =	dma.local @!p0 [hbm:s5], $0x4F0  }
0x5b: {  	s5 =	simm.s32 @!p0 $0xD  }
0x5c: {  	_ =	swait.ge @!p0 [sflag:s5], $0x4F0  }
0x5d: {  	[sflag:s5] =	ssyncset.done @!p0 $0x0  }
0x5e: {  	[sflag:s5] =	ssyncadd.s32 @!p0 $0xFFFFFB10  }
0x5f: {  	[tilespmem:$0x1F818] =	vst v0  }
0x60: {  	[tilespmem:$0x1F828] =	vst v0  }
0x61: {  	[tilespmem:$0x1F838] =	vst v0  }
0x62: {  	[bflag:$0x0] =	sbarrier.arrive $0xFFFF  }
0x63: {  	v1 =	vld [tilespmem:$0x0];
	_ =	sdelay $0x1  }
0x64: {  	v2 =	vld [tilespmem:$0x10];
	_ =	sdelay $0x1  }
0x65: {  	v3 =	vld [tilespmem:$0x20]  }
0x66: {  	v4 =	vshrl.u32 v1, $0xE  }
0x67: {  	v1 =	vand.u32 $0x3FFF, v1;
	[tilespmem:$0x2880] =	vst v4  }
0x68: {  	[tilespmem:$0x2760] =	vst v1;
	v1 =	vshrl.u32 v2, $0xE  }
0x69: {  	[tilespmem:$0x2890] =	vst v1;
	v1 =	vand.u32 $0x3FFF, v2  }
0x6a: {  	[tilespmem:$0x2770] =	vst v1;
	v1 =	vshrl.u32 v3, $0xE  }
0x6b: {  	[tilespmem:$0x28A0] =	vst v1;
	v1 =	vand.u32 $0x3FFF, v3  }
0x6c: {  	s11 =	simm.s32 $0x2760;
	[tilespmem:$0x2780] =	vst v1  }
0x6d: {  	[tilespmem:s16], [sflag:$0x1] =	stream.indirect.gather [hbm4b:s0+s14], $0x80, s11, s14, $0xb8;
	[tilespmem:$0x1F848] =	vst v63  }
0x6e: {  	v1 =	vld [tilespmem:$0x30];
	_ =	sdelay $0x1  }
0x6f: {  	v2 =	vld [tilespmem:$0x40];
	_ =	sdelay $0x1  }
0x70: {  	v3 =	vld [tilespmem:$0x50]  }
0x71: {  	v60 =	vshrl.u32 v1, $0xE  }
0x72: {  	v1 =	vand.u32 $0x3FFF, v1;
	[tilespmem:$0x28B0] =	vst v60  }
0x73: {  	[tilespmem:$0x2790] =	vst v1;
	v1 =	vshrl.u32 v2, $0xE  }
0x74: {  	[tilespmem:$0x28C0] =	vst v1;
	v1 =	vand.u32 $0x3FFF, v2  }
0x75: {  	[tilespmem:$0x27A0] =	vst v1;
	v1 =	vshrl.u32 v3, $0xE  }
0x76: {  	[tilespmem:$0x28D0] =	vst v1;
	v1 =	vand.u32 $0x3FFF, v3  }
0x77: {  	s12 =	simm.s32 $0x2790;
	[tilespmem:$0x27B0] =	vst v1  }
0x78: {  	[tilespmem:s18], [sflag:$0x2] =	stream.indirect.gather [hbm4b:s0+s14], $0x80, s12, s14, $0xb8;
	[tilespmem:$0x1F848] =	vst v63  }
0x79: {  	v1 =	vld [tilespmem:$0x60];
	_ =	sdelay $0x1  }
0x7a: {  	v2 =	vld [tilespmem:$0x70];
	_ =	sdelay $0x1  }
0x7b: {  	v3 =	vld [tilespmem:$0x80]  }
0x7c: {  	v61 =	vshrl.u32 v1, $0xE  }
0x7d: {  	v1 =	vand.u32 $0x3FFF, v1;
	[tilespmem:$0x28E0] =	vst v61  }
0x7e: {  	[tilespmem:$0x27C0] =	vst v1;
	v1 =	vshrl.u32 v2, $0xE  }
0x7f: {  	[tilespmem:$0x28F0] =	vst v1;
	v1 =	vand.u32 $0x3FFF, v2  }
0x80: {  	[tilespmem:$0x27D0] =	vst v1;
	v1 =	vshrl.u32 v3, $0xE  }
0x81: {  	[tilespmem:$0x2900] =	vst v1;
	v1 =	vand.u32 $0x3FFF, v3  }
0x82: {  	s13 =	simm.s32 $0x27C0;
	s21 =	simm.s32 $0x59A0;
	[tilespmem:$0x27E0] =	vst v1  }
0x83: {  	[tilespmem:s21], [sflag:$0x3] =	stream.indirect.gather [hbm4b:s0+s14], $0x80, s13, s14, $0xb8;
	[tilespmem:$0x1F848] =	vst v63  }
0x84: {  	v1 =	vld [tilespmem:$0x90];
	_ =	sdelay $0x1  }
0x85: {  	v2 =	vld [tilespmem:$0xA0];
	_ =	sdelay $0x1  }
0x86: {  	v3 =	vld [tilespmem:$0xB0]  }
0x87: {  	v62 =	vshrl.u32 v1, $0xE  }
0x88: {  	v1 =	vand.u32 $0x3FFF, v1;
	[tilespmem:$0x2910] =	vst v62  }
0x89: {  	[tilespmem:$0x27F0] =	vst v1;
	v1 =	vshrl.u32 v2, $0xE  }
0x8a: {  	[tilespmem:$0x2920] =	vst v1;
	v1 =	vand.u32 $0x3FFF, v2  }
0x8b: {  	[tilespmem:$0x2800] =	vst v1;
	v1 =	vshrl.u32 v3, $0xE  }
0x8c: {  	[tilespmem:$0x2930] =	vst v1;
	v1 =	vand.u32 $0x3FFF, v3  }
0x8d: {  	s24 =	simm.s32 $0x27F0;
	[tilespmem:$0x2810] =	vst v1  }
0x8e: {  	[tilespmem:s22], [sflag:$0x4] =	stream.indirect.gather [hbm4b:s0+s14], $0x80, s24, s14, $0xb8;
	[tilespmem:$0x1F848] =	vst v63  }
0x8f: {  	v1 =	vld [tilespmem:$0xC0];
	_ =	sdelay $0x1  }
0x90: {  	v2 =	vld [tilespmem:$0xD0];
	_ =	sdelay $0x1  }
0x91: {  	v3 =	vld [tilespmem:$0xE0]  }
0x92: {  	v63 =	vshrl.u32 v1, $0xE  }
0x93: {  	v1 =	vand.u32 $0x3FFF, v1;
	[tilespmem:$0x2940] =	vst v63  }
0x94: {  	[tilespmem:$0x2820] =	vst v1;
	v1 =	vshrl.u32 v2, $0xE  }
0x95: {  	[tilespmem:$0x2950] =	vst v1;
	v1 =	vand.u32 $0x3FFF, v2  }
0x96: {  	[tilespmem:$0x2830] =	vst v1;
	v1 =	vshrl.u32 v3, $0xE  }
0x97: {  	[tilespmem:$0x2960] =	vst v1;
	v1 =	vand.u32 $0x3FFF, v3  }
0x98: {  	s11 =	simm.s32 $0x0;
	[tilespmem:$0x2840] =	vst v1  }
0x99: {  	[tilespmem:s25], [sflag:$0x5] =	stream.indirect.gather [hbm4b:s0+s14], $0x80, s23, s14, $0xb8;
	[tilespmem:$0x1F848] =	vst v63  }
.LBB2_2:
0x9a: {  	_ =	swait.ge [sflag:s26], $0x1800  }
0x9b: {  	[sflag:s26] =	ssyncset.done $0x0  }
0x9c: {  	p1 =	seq.s32 s11, $0x0;
	[sflag:s26] =	ssyncadd.s32 $0xFFFFE800  }
0x9d: {  	[spmem:s2] =	stream.indirect.scatter.add.f32 [tilespmem:s16], [sflag:$0x7], $0x80, s28, s14, $0xb8;
	[tilespmem:$0x1F848] =	vst v63  }
0x9e: {  	s5 =	simm.s32 @!p1 $0xC  }
0x9f: {  	[spmem:s3] =	stream.indirect.scatter.add.f32 [tilespmem:s29], [sflag:$0x7], $0x1, s28, s14, $0xb8;
	[tilespmem:$0x1F848] =	vst v63  }
0xa0: {  	_ =	swait.ge @!p1 [sflag:s5], $0x1800  }
0xa1: {  	[sflag:s5] =	ssyncset.done @!p1 $0x0  }
0xa2: {  	[sflag:s5] =	ssyncadd.s32 @!p1 $0xFFFFE800  }
0xa3: {  	_ =	swait.ge @!p1 [sflag:s5], $0x30  }
0xa4: {  	[sflag:s5] =	ssyncset.done @!p1 $0x0  }
0xa5: {  	s13 =	sshra.s32 s11, $0x2;
	[sflag:s5] =	ssyncadd.s32 @!p1 $0xFFFFFFD0  }
0xa6: {  	v1 =	vld [tilespmem:s13+$0xF0];
	_ =	sdelay $0x4  }
0xa7: {  	v2 =	vshrl.u32 v1, $0xE  }
0xa8: {  	v1 =	vand.u32 $0x3FFF, v1;
	[tilespmem:$0x2970] =	vst v2  }
0xa9: {  	[tilespmem:$0x2850] =	vst v1  }
0xaa: {  	v1 =	vld [tilespmem:s13+$0x100];
	_ =	sdelay $0x4  }
0xab: {  	v2 =	vshrl.u32 v1, $0xE  }
0xac: {  	v1 =	vand.u32 $0x3FFF, v1;
	[tilespmem:$0x2980] =	vst v2  }
0xad: {  	[tilespmem:$0x2860] =	vst v1  }
0xae: {  	v1 =	vld [tilespmem:s13+$0x110];
	_ =	sdelay $0x4  }
0xaf: {  	v2 =	vshrl.u32 v1, $0xE  }
0xb0: {  	v1 =	vand.u32 $0x3FFF, v1;
	[tilespmem:$0x2990] =	vst v2  }
0xb1: {  	[tilespmem:$0x2870] =	vst v1  }
0xb2: {  	[tilespmem:s31], [sflag:$0x6] =	stream.indirect.gather [hbm4b:s0+s14], $0x80, s30, s14, $0xb8;
	[tilespmem:$0x1F848] =	vst v63  }
0xb3: {  	_ =	swait.ge [sflag:s1], $0x1800  }
0xb4: {  	[sflag:s1] =	ssyncset.done $0x0  }
0xb5: {  	p1 =	seq.s32 s11, $0x9900;
	[sflag:s1] =	ssyncadd.s32 $0xFFFFE800  }
0xb6: {  	[spmem:s2] =	stream.indirect.scatter.add.f32 [tilespmem:s18], [sflag:$0x8], $0x80, s4, s14, $0xb8;
	[tilespmem:$0x1F848] =	vst v63  }
0xb7: {  	s5 =	simm.s32 @p1 $0x3  }
0xb8: {  	[spmem:s3] =	stream.indirect.scatter.add.f32 [tilespmem:s29], [sflag:$0x8], $0x1, s4, s14, $0xb8;
	[tilespmem:$0x1F848] =	vst v63  }
0xb9: {  	_ =	swait.ge @p1 [sflag:s5], $0x1800  }
0xba: {  	s6 =	simm.s32 @p1 $0x30;
	[sflag:s5] =	ssyncset.done @p1 $0x0  }
0xbb: {  	s7 =	simm.s32 @p1 $0x59A0;
	[sflag:s5] =	ssyncadd.s32 @p1 $0xFFFFE800;
	s5 =	simm.s32 @p1 $0x28E0  }
0xbc: {  	[spmem:s2] =	stream.indirect.scatter.add.f32 @p1 [tilespmem:s7], [sflag:$0x9], $0x80, s5, s6, $0xb8;
	[tilespmem:$0x1F848] =	vst v63  }
0xbd: {  	s8 =	simm.s32 @p1 $0x1F818  }
0xbe: {  	[spmem:s3] =	stream.indirect.scatter.add.f32 @p1 [tilespmem:s8], [sflag:$0x9], $0x1, s5, s6, $0xb8;
	[tilespmem:$0x1F848] =	vst v63  }
0xbf: {  	s5 =	simm.s32 @!p1 $0x7  }
0xc0: {  	_ =	swait.ge @!p1 [sflag:s5], $0x1800  }
0xc1: {  	[sflag:s5] =	ssyncset.done @!p1 $0x0  }
0xc2: {  	[sflag:s5] =	ssyncadd.s32 @!p1 $0xFFFFE800  }
0xc3: {  	_ =	swait.ge @!p1 [sflag:s5], $0x30  }
0xc4: {  	[sflag:s5] =	ssyncset.done @!p1 $0x0  }
0xc5: {  	s21 =	sshra.s32 @!p1 s11, $0x2;
	[sflag:s5] =	ssyncadd.s32 @!p1 $0xFFFFFFD0  }
0xc6: {  	v1 =	vld @!p1 [tilespmem:s21+$0x120];
	_ =	sdelay $0x4  }
0xc7: {  	v2 =	vshrl.u32 @!p1 v1, $0xE  }
0xc8: {  	v1 =	vand.u32 @!p1 $0x3FFF, v1;
	[tilespmem:$0x2880] =	vst @!p1 v2  }
0xc9: {  	[tilespmem:$0x2760] =	vst @!p1 v1  }
0xca: {  	v1 =	vld @!p1 [tilespmem:s21+$0x130];
	_ =	sdelay $0x4  }
0xcb: {  	v2 =	vshrl.u32 @!p1 v1, $0xE  }
0xcc: {  	v1 =	vand.u32 @!p1 $0x3FFF, v1;
	[tilespmem:$0x2890] =	vst @!p1 v2  }
0xcd: {  	[tilespmem:$0x2770] =	vst @!p1 v1  }
0xce: {  	v1 =	vld @!p1 [tilespmem:s21+$0x140];
	_ =	sdelay $0x4  }
0xcf: {  	v2 =	vshrl.u32 @!p1 v1, $0xE  }
0xd0: {  	v1 =	vand.u32 @!p1 $0x3FFF, v1;
	[tilespmem:$0x28A0] =	vst @!p1 v2  }
0xd1: {  	s10 =	simm.s32 @!p1 $0x29A0;
	s7 =	simm.s32 @!p1 $0x2760;
	s5 =	simm.s32 @!p1 $0x30;
	[tilespmem:$0x2780] =	vst @!p1 v1  }
0xd2: {  	[tilespmem:s10], [sflag:$0x1] =	stream.indirect.gather @!p1 [hbm4b:s0+s5], $0x80, s7, s5, $0xb8;
	[tilespmem:$0x1F848] =	vst v63  }
0xd3: {  	s7 =	simm.s32 @!p1 $0x3  }
0xd4: {  	_ =	swait.ge @!p1 [sflag:s7], $0x1800  }
0xd5: {  	[sflag:s7] =	ssyncset.done @!p1 $0x0  }
0xd6: {  	s12 =	simm.s32 @!p1 $0x28E0;
	[sflag:s7] =	ssyncadd.s32 @!p1 $0xFFFFE800;
	s7 =	simm.s32 @!p1 $0x59A0  }
0xd7: {  	[spmem:s2] =	stream.indirect.scatter.add.f32 @!p1 [tilespmem:s7], [sflag:$0x9], $0x80, s12, s5, $0xb8;
	[tilespmem:$0x1F848] =	vst v63  }
0xd8: {  	s10 =	simm.s32 @!p1 $0x1F818  }
0xd9: {  	[spmem:s3] =	stream.indirect.scatter.add.f32 @!p1 [tilespmem:s10], [sflag:$0x9], $0x1, s12, s5, $0xb8;
	[tilespmem:$0x1F848] =	vst v63  }
0xda: {  	s12 =	simm.s32 @!p1 $0x8  }
0xdb: {  	_ =	swait.ge @!p1 [sflag:s12], $0x1800  }
0xdc: {  	[sflag:s12] =	ssyncset.done @!p1 $0x0  }
0xdd: {  	[sflag:s12] =	ssyncadd.s32 @!p1 $0xFFFFE800  }
0xde: {  	_ =	swait.ge @!p1 [sflag:s12], $0x30  }
0xdf: {  	[sflag:s12] =	ssyncset.done @!p1 $0x0  }
0xe0: {  	[sflag:s12] =	ssyncadd.s32 @!p1 $0xFFFFFFD0  }
0xe1: {  	v1 =	vld @!p1 [tilespmem:s21+$0x150];
	_ =	sdelay $0x4  }
0xe2: {  	v2 =	vshrl.u32 @!p1 v1, $0xE  }
0xe3: {  	v1 =	vand.u32 @!p1 $0x3FFF, v1;
	[tilespmem:$0x28B0] =	vst @!p1 v2  }
0xe4: {  	[tilespmem:$0x2790] =	vst @!p1 v1  }
0xe5: {  	v1 =	vld @!p1 [tilespmem:s21+$0x160];
	_ =	sdelay $0x4  }
0xe6: {  	v2 =	vshrl.u32 @!p1 v1, $0xE  }
0xe7: {  	v1 =	vand.u32 @!p1 $0x3FFF, v1;
	[tilespmem:$0x28C0] =	vst @!p1 v2  }
0xe8: {  	[tilespmem:$0x27A0] =	vst @!p1 v1  }
0xe9: {  	v1 =	vld @!p1 [tilespmem:s21+$0x170];
	_ =	sdelay $0x4  }
0xea: {  	v2 =	vshrl.u32 @!p1 v1, $0xE  }
0xeb: {  	v1 =	vand.u32 @!p1 $0x3FFF, v1;
	[tilespmem:$0x28D0] =	vst @!p1 v2  }
0xec: {  	s24 =	simm.s32 @!p1 $0x41A0;
	s12 =	simm.s32 @!p1 $0x2790;
	[tilespmem:$0x27B0] =	vst @!p1 v1  }
0xed: {  	[tilespmem:s24], [sflag:$0x2] =	stream.indirect.gather @!p1 [hbm4b:s0+s5], $0x80, s12, s5, $0xb8;
	[tilespmem:$0x1F848] =	vst v63  }
0xee: {  	_ =	swait.ge [sflag:s15], $0x1800  }
0xef: {  	[sflag:s15] =	ssyncset.done $0x0  }
0xf0: {  	[sflag:s15] =	ssyncadd.s32 $0xFFFFE800  }
0xf1: {  	[spmem:s2] =	stream.indirect.scatter.add.f32 [tilespmem:s22], [sflag:$0xA], $0x80, s17, s14, $0xb8;
	[tilespmem:$0x1F848] =	vst v63  }
0xf2: {  	s12 =	simm.s32 @p1 $0x5  }
0xf3: {  	[spmem:s3] =	stream.indirect.scatter.add.f32 [tilespmem:s29], [sflag:$0xA], $0x1, s17, s14, $0xb8;
	[tilespmem:$0x1F848] =	vst v63  }
0xf4: {  	_ =	swait.ge @p1 [sflag:s12], $0x1800  }
0xf5: {  	[sflag:s12] =	ssyncset.done @p1 $0x0  }
0xf6: {  	s24 =	simm.s32 @p1 $0x89A0;
	[sflag:s12] =	ssyncadd.s32 @p1 $0xFFFFE800;
	s12 =	simm.s32 @p1 $0x2940  }
0xf7: {  	[spmem:s2] =	stream.indirect.scatter.add.f32 @p1 [tilespmem:s24], [sflag:$0xB], $0x80, s12, s6, $0xb8;
	[tilespmem:$0x1F848] =	vst v63  }
0xf8: {  	_ = 	snop  }
0xf9: {  	[spmem:s3] =	stream.indirect.scatter.add.f32 @p1 [tilespmem:s8], [sflag:$0xB], $0x1, s12, s6, $0xb8;
	[tilespmem:$0x1F848] =	vst v63  }
0xfa: {  	s6 =	simm.s32 @!p1 $0x9  }
0xfb: {  	_ =	swait.ge @!p1 [sflag:s6], $0x1800  }
0xfc: {  	[sflag:s6] =	ssyncset.done @!p1 $0x0  }
0xfd: {  	[sflag:s6] =	ssyncadd.s32 @!p1 $0xFFFFE800  }
0xfe: {  	_ =	swait.ge @!p1 [sflag:s6], $0x30  }
0xff: {  	[sflag:s6] =	ssyncset.done @!p1 $0x0  }
0x100: {  	[sflag:s6] =	ssyncadd.s32 @!p1 $0xFFFFFFD0  }
0x101: {  	v1 =	vld @!p1 [tilespmem:s21+$0x180];
	_ =	sdelay $0x4  }
0x102: {  	v2 =	vshrl.u32 @!p1 v1, $0xE  }
0x103: {  	v1 =	vand.u32 @!p1 $0x3FFF, v1;
	[tilespmem:$0x28E0] =	vst @!p1 v2  }
0x104: {  	[tilespmem:$0x27C0] =	vst @!p1 v1  }
0x105: {  	v1 =	vld @!p1 [tilespmem:s21+$0x190];
	_ =	sdelay $0x4  }
0x106: {  	v2 =	vshrl.u32 @!p1 v1, $0xE  }
0x107: {  	v1 =	vand.u32 @!p1 $0x3FFF, v1;
	[tilespmem:$0x28F0] =	vst @!p1 v2  }
0x108: {  	[tilespmem:$0x27D0] =	vst @!p1 v1  }
0x109: {  	v1 =	vld @!p1 [tilespmem:s21+$0x1A0];
	_ =	sdelay $0x4  }
0x10a: {  	v2 =	vshrl.u32 @!p1 v1, $0xE  }
0x10b: {  	v1 =	vand.u32 @!p1 $0x3FFF, v1;
	[tilespmem:$0x2900] =	vst @!p1 v2  }
0x10c: {  	s6 =	simm.s32 @!p1 $0x27C0;
	[tilespmem:$0x27E0] =	vst @!p1 v1  }
0x10d: {  	[tilespmem:s7], [sflag:$0x3] =	stream.indirect.gather @!p1 [hbm4b:s0+s5], $0x80, s6, s5, $0xb8;
	[tilespmem:$0x1F848] =	vst v63  }
0x10e: {  	s6 =	simm.s32 @!p1 $0x5  }
0x10f: {  	_ =	swait.ge @!p1 [sflag:s6], $0x1800  }
0x110: {  	[sflag:s6] =	ssyncset.done @!p1 $0x0  }
0x111: {  	s7 =	simm.s32 @!p1 $0x89A0;
	[sflag:s6] =	ssyncadd.s32 @!p1 $0xFFFFE800;
	s6 =	simm.s32 @!p1 $0x2940  }
0x112: {  	[spmem:s2] =	stream.indirect.scatter.add.f32 @!p1 [tilespmem:s7], [sflag:$0xB], $0x80, s6, s5, $0xb8;
	[tilespmem:$0x1F848] =	vst v63  }
0x113: {  	_ = 	snop  }
0x114: {  	[spmem:s3] =	stream.indirect.scatter.add.f32 @!p1 [tilespmem:s10], [sflag:$0xB], $0x1, s6, s5, $0xb8;
	[tilespmem:$0x1F848] =	vst v63  }
0x115: {  	s6 =	simm.s32 @!p1 $0xA  }
0x116: {  	_ =	swait.ge @!p1 [sflag:s6], $0x1800  }
0x117: {  	[sflag:s6] =	ssyncset.done @!p1 $0x0  }
0x118: {  	[sflag:s6] =	ssyncadd.s32 @!p1 $0xFFFFE800  }
0x119: {  	_ =	swait.ge @!p1 [sflag:s6], $0x30  }
0x11a: {  	[sflag:s6] =	ssyncset.done @!p1 $0x0  }
0x11b: {  	[sflag:s6] =	ssyncadd.s32 @!p1 $0xFFFFFFD0  }
0x11c: {  	v1 =	vld @!p1 [tilespmem:s21+$0x1B0];
	_ =	sdelay $0x4  }
0x11d: {  	v2 =	vshrl.u32 @!p1 v1, $0xE  }
0x11e: {  	v1 =	vand.u32 @!p1 $0x3FFF, v1;
	[tilespmem:$0x2910] =	vst @!p1 v2  }
0x11f: {  	[tilespmem:$0x27F0] =	vst @!p1 v1  }
0x120: {  	v1 =	vld @!p1 [tilespmem:s21+$0x1C0];
	_ =	sdelay $0x4  }
0x121: {  	v2 =	vshrl.u32 @!p1 v1, $0xE  }
0x122: {  	v1 =	vand.u32 @!p1 $0x3FFF, v1;
	[tilespmem:$0x2920] =	vst @!p1 v2  }
0x123: {  	[tilespmem:$0x2800] =	vst @!p1 v1  }
0x124: {  	v1 =	vld @!p1 [tilespmem:s21+$0x1D0];
	_ =	sdelay $0x4  }
0x125: {  	v2 =	vshrl.u32 @!p1 v1, $0xE  }
0x126: {  	v1 =	vand.u32 @!p1 $0x3FFF, v1;
	[tilespmem:$0x2930] =	vst @!p1 v2  }
0x127: {  	s7 =	simm.s32 @!p1 $0x71A0;
	s6 =	simm.s32 @!p1 $0x27F0;
	[tilespmem:$0x2810] =	vst @!p1 v1  }
0x128: {  	[tilespmem:s7], [sflag:$0x4] =	stream.indirect.gather @!p1 [hbm4b:s0+s5], $0x80, s6, s5, $0xb8;
	[tilespmem:$0x1F848] =	vst v63  }
0x129: {  	_ =	swait.ge [sflag:s19], $0x1800  }
.Ltmp2:
0x12a: {  	[sflag:s19] =	ssyncset.done $0x0;
	(pc) =	sbr.rel @p1 .LBB2_4-.Ltmp2, $4  }
0x12b: {  	[sflag:s19] =	ssyncadd.s32 $0xFFFFE800  }
0x12c: {  	[spmem:s2] =	stream.indirect.scatter.add.f32 [tilespmem:s31], [sflag:$0xC], $0x80, s20, s14, $0xb8;
	[tilespmem:$0x1F848] =	vst v63  }
0x12d: {  	_ = 	snop  }
0x12e: {  	[spmem:s3] =	stream.indirect.scatter.add.f32 [tilespmem:s29], [sflag:$0xC], $0x1, s20, s14, $0xb8;
	[tilespmem:$0x1F848] =	vst v63  }
0x12f: {  	_ =	swait.ge [sflag:s9], $0x1800  }
0x130: {  	[sflag:s9] =	ssyncset.done $0x0  }
0x131: {  	[sflag:s9] =	ssyncadd.s32 $0xFFFFE800  }
0x132: {  	_ =	swait.ge [sflag:s9], $0x30  }
0x133: {  	[sflag:s9] =	ssyncset.done $0x0  }
0x134: {  	[sflag:s9] =	ssyncadd.s32 $0xFFFFFFD0  }
0x135: {  	v1 =	vld [tilespmem:s13+$0x1E0];
	_ =	sdelay $0x4  }
0x136: {  	v2 =	vshrl.u32 v1, $0xE  }
0x137: {  	v1 =	vand.u32 $0x3FFF, v1;
	[tilespmem:$0x2940] =	vst v2  }
0x138: {  	[tilespmem:$0x2820] =	vst v1  }
0x139: {  	v1 =	vld [tilespmem:s13+$0x1F0];
	_ =	sdelay $0x4  }
0x13a: {  	v2 =	vshrl.u32 v1, $0xE  }
0x13b: {  	v1 =	vand.u32 $0x3FFF, v1;
	[tilespmem:$0x2950] =	vst v2  }
0x13c: {  	[tilespmem:$0x2830] =	vst v1  }
0x13d: {  	v1 =	vld [tilespmem:s13+$0x200];
	_ =	sdelay $0x3  }
.Ltmp3:
0x13e: {  	_ = 	snop;
	(pc) =	sbr.rel .LBB2_2-.Ltmp3, $4  }
0x13f: {  	v2 =	vshrl.u32 v1, $0xE  }
0x140: {  	v1 =	vand.u32 $0x3FFF, v1;
	[tilespmem:$0x2960] =	vst v2  }
0x141: {  	s11 =	sadd.s32 $0x480, s11;
	[tilespmem:$0x2840] =	vst v1  }
0x142: {  	[tilespmem:s25], [sflag:$0x5] =	stream.indirect.gather [hbm4b:s0+s14], $0x80, s23, s14, $0xb8;
	[tilespmem:$0x1F848] =	vst v63  }
.LBB2_5:
0x143: {  	_ =	sfence.sel $0x180000  }
0x144: {  	[bflag:$0x0] =	sbarrier.arrive $0xFFFF  }
0x145: {  	_ =	strace $0x90000047  }
0x146: {  	[bflag:$0x2] =	sbarrier.arrive $0xFFFF  }
0x147: {  	s0 =	rddreg [dreg:$0x5]  }
0x148: {  	s0 =	sadd.s32 @!p0 $0x100000, s0  }
0x149: {  	[sflag:s0] =	ssyncadd.tile.s32 @!p0 $0x1;
	_ =	shalt  }
.Lfunc_end2:
_tile_overlayer_lowered:
.L_overlay_start_2:
0x14a: {  	(tag) =	ssettag $0x2  }
0x14b: {  	s0 =	rddreg [dreg:$0x0];
	s2 =	stileid.u32  }
0x14c: {  	s1 =	rddreg [dreg:$0x1];
	p0 =	sne.s32 s2, $0x0  }
0x14d: {  	s3 =	rddreg [dreg:$0x2];
	[bflag:$0x3] =	sbarrier.arrive $0xFFFF;
	s2 =	simm.s32 @!p0 $0x1C0D  }
0x14e: {  	[timem:s3], [sflag:s2] =	dma.local @!p0 [hbm:s0], s1  }
0x14f: {  	s0 =	simm.s32 @!p0 $0xD  }
0x150: {  	_ =	swait.ge @!p0 [sflag:s0], s1  }
0x151: {  	s1 =	ssub.s32 @!p0 $0x0, s1;
	[sflag:s0] =	ssyncset.done @!p0 $0x0  }
0x152: {  	[sflag:s0] =	ssyncadd.s32 @!p0 s1  }
0x153: {  	[bflag:$0x3] =	sbarrier.arrive $0xFFFF  }
0x154: {  	_ =	shalt  }

</sc_bundles>
